<compile_context>
chip_gen: v7x
topology: tpu7x:2x2x1
jax: 0.10.2.dev20260603
libtpu: 0.0.44.dev20260713+nightly
codegen_flags: <defaults>
</compile_context>

<pallas_src>
import functools

import jax
import jax.numpy as jnp
from jax import lax
from jax.experimental import pallas as pl
from jax.experimental.pallas import tpu as pltpu
from jax.experimental.pallas import tpu_sc as plsc

_F = 26
_STRIDE = 38461
_B = 16384
_D = 16
_V = _F * _STRIDE + 1
_VP = 1000064
_Q = _VP // 8
_NC, _NS, _L = 2, 16, 16
_NW = _NC * _NS
_BPW = _B // _NW
_BT = _BPW // 128

_MESH = dict(
    mesh=plsc.VectorSubcoreMesh(core_axis_name="c", subcore_axis_name="s"),
    compiler_params=pltpu.CompilerParams(
        use_tc_tiling_on_sc=True, needs_layout_passes=False
    ),
)

_FULL_CT = _VP // 128 - 1
_TAIL = _V - _FULL_CT * 128
_GPW = 61


@functools.partial(
    pl.kernel,
    out_type=jax.ShapeDtypeStruct((_Q, 128), jnp.float32),
    scratch_types=[
        pltpu.VMEM((2, _D, 512), jnp.float32),
        pltpu.VMEM((2, 64, 128), jnp.float32),
        pltpu.SemaphoreType.DMA,
        pltpu.SemaphoreType.DMA,
    ],
    **_MESH,
)
def _table_convert(tbt_h, tail_h, out_h, vbuf, trows, lsem, ssem):
    wid = lax.axis_index("s") * _NC + lax.axis_index("c")
    base = wid * _GPW

    def load(i, slot):
        c0 = (base + i) * 512
        d0 = pltpu.async_copy(
            tbt_h.at[pl.ds(0, 8), pl.ds(c0, 512)], vbuf.at[slot, pl.ds(0, 8)], lsem)
        d1 = pltpu.async_copy(
            tbt_h.at[pl.ds(8, 8), pl.ds(c0, 512)], vbuf.at[slot, pl.ds(8, 8)], lsem)
        return (d0, d1)

    def transpose(slot):
        rows0 = lax.shift_right_logical(lax.iota(jnp.int32, _L), 3)
        lane0 = lax.rem(lax.iota(jnp.int32, _L), 8) * _D

        @pl.loop(0, 32)
        def _(g):
            rows_i = 2 * g + rows0
            for d in range(_D):
                vec = vbuf[slot, d, pl.ds(g * _L, _L)]
                plsc.store_scatter(trows.at[slot], [rows_i, lane0 + d], vec)

    def store(i, slot):
        return pltpu.async_copy(
            trows.at[slot], out_h.at[pl.ds((base + i) * 64, 64)], ssem)

    @pl.loop(0, _GPW - 1, step=2)
    def _(i):
        l0 = load(i, 0)
        l1 = load(i + 1, 1)
        for d in l0:
            d.wait()
        transpose(0)
        s0 = store(i, 0)
        for d in l1:
            d.wait()
        transpose(1)
        s1 = store(i + 1, 1)
        s0.wait()
        s1.wait()

    for d in load(_GPW - 1, 0):
        d.wait()
    transpose(0)
    pltpu.sync_copy(trows.at[0], out_h.at[pl.ds((base + _GPW - 1) * 64, 64)])

    @pl.when(wid == _NW - 1)
    def _():
        c0 = 1952 * 512
        pltpu.sync_copy(tbt_h.at[pl.ds(0, 8), pl.ds(c0, 512)], vbuf.at[0, pl.ds(0, 8)])
        pltpu.sync_copy(tbt_h.at[pl.ds(8, 8), pl.ds(c0, 512)], vbuf.at[0, pl.ds(8, 8)])
        transpose(0)
        pltpu.sync_copy(trows.at[0], out_h.at[pl.ds(1952 * 64, 64)])
        pltpu.sync_copy(tail_h, trows.at[0, pl.ds(0, 16)])
        pltpu.sync_copy(trows.at[0, pl.ds(0, 16)], out_h.at[pl.ds(_FULL_CT * 16, 16)])


@functools.partial(
    pl.kernel,
    out_type=jax.ShapeDtypeStruct((_F, _D, _B), jnp.float32),
    scratch_types=[
        pltpu.VMEM((_F, _BPW), jnp.int32),
        pltpu.VMEM((2, 128), jnp.int32),
        pltpu.VMEM((2, 128), jnp.int32),
        pltpu.VMEM((128, 128), jnp.float32),
        pltpu.VMEM((128, 128), jnp.float32),
        pltpu.VMEM((_D, _BPW), jnp.float32),
        pltpu.SemaphoreType.DMA,
    ],
    **_MESH,
)
def _lookup(xt_h, tbl_h, out_h, xv, idxb, idxq, blk0, blk1, tbuf, gsem):
    wid = lax.axis_index("s") * _NC + lax.axis_index("c")
    b0 = wid * _BPW

    pltpu.sync_copy(xt_h.at[pl.ds(0, 8), pl.ds(b0, _BPW)], xv.at[pl.ds(0, 8)])
    pltpu.sync_copy(xt_h.at[pl.ds(8, 8), pl.ds(b0, _BPW)], xv.at[pl.ds(8, 8)])
    pltpu.sync_copy(xt_h.at[pl.ds(16, 8), pl.ds(b0, _BPW)], xv.at[pl.ds(16, 8)])
    pltpu.sync_copy(xt_h.at[pl.ds(24, 2), pl.ds(b0, _BPW)], xv.at[pl.ds(24, 2)])

    blks = (blk0, blk1)

    def build_and_issue(f, bt, slot):
        for j in range(128 // _L):
            s = pl.ds(bt * 128 + j * _L, _L)
            idx = xv[f, s] + f * _STRIDE
            idxb[slot, pl.ds(j * _L, _L)] = idx
            idxq[slot, pl.ds(j * _L, _L)] = lax.shift_right_logical(idx, 3)
        return pltpu.async_copy(tbl_h.at[idxq.at[slot]], blks[slot], gsem)

    def extract(bt, slot, desc):
        desc.wait()

        @pl.loop(0, 128 // _L)
        def _(t):
            bl_vec = t * _L + lax.iota(jnp.int32, _L)
            col0 = lax.rem(idxb[slot, pl.ds(t * _L, _L)], 8) * _D
            for d in range(_D):
                vec = plsc.load_gather(blks[slot], [bl_vec, col0 + d])
                tbuf[d, pl.ds(bt * 128 + t * _L, _L)] = vec

    @pl.loop(0, _F)
    def _(f):
        descs = [None, None]
        descs[0] = build_and_issue(f, 0, 0)
        for bt in range(_BT):
            if bt + 1 < _BT:
                descs[(bt + 1) % 2] = build_and_issue(f, bt + 1, (bt + 1) % 2)
            extract(bt, bt % 2, descs[bt % 2])
        pltpu.sync_copy(tbuf, out_h.at[f, :, pl.ds(b0, _BPW)])


def kernel(x, weights_embed):
    tailp = jnp.pad(weights_embed[_FULL_CT * 128:], ((0, 128 - _TAIL), (0, 0)))
    tail = tailp.reshape(_D, 128)
    tbl = _table_convert(weights_embed.T, tail)
    out3 = _lookup(x.T, tbl)
    return jnp.transpose(out3, (2, 0, 1))

# --- scband reference (transcript-rebuilt; emitter-appended) ---
"""Pipeline reference for scband-embedding-layer-27573690040704 (READ-ONLY COPY).

The authoritative reference and input builder live on the scoring server;
editing this copy changes nothing except your own understanding.
"""

import jax, jax.numpy as jnp
import numpy as np

NUM_FEATURES = [38461] * 26
EMBED_DIM = 16
BATCH = 16384


def _xavier_uniform(key, shape):
    fan_in, fan_out = shape[0], shape[1]
    limit = float(np.sqrt(6.0 / (fan_in + fan_out)))
    return jax.random.uniform(key, shape, dtype=jnp.float32, minval=-limit, maxval=limit)


def setup_inputs(seed: int = 0) -> dict:
    key = jax.random.key(seed)
    k1, k2 = jax.random.split(key)
    x = jax.random.randint(k1, (BATCH, len(NUM_FEATURES)), 0, NUM_FEATURES[0]).astype(jnp.int32)
    table = _xavier_uniform(k2, (sum(NUM_FEATURES) + 1, EMBED_DIM))
    return {"x": x, "weights_embed": table}


def reference(x, weights_embed):
    # feature_loc_offsets = (0, *cumsum(num_features)[:-1])
    offsets = jnp.asarray(
        np.concatenate(([0], np.cumsum(np.array(NUM_FEATURES))[:-1])), dtype=x.dtype
    )
    idx = x + offsets  # [B, F]
    return jnp.take(weights_embed, idx, axis=0)  # [B, F, D]

if __name__ == "__main__":
    import jax
    _d = setup_inputs()
    print(jax.jit(kernel)(*tuple(_d.values())))

</pallas_src>

<mosaic_0001>
#map = affine_map<(d0, d1) -> (0, 0)>
module attributes {stable_mosaic.version = 14 : i64} {
  func.func @_table_convert(%arg0: i32, %arg1: i32, %arg2: memref<16x999987xf32, #tpu.memory_space<hbm>>, %arg3: memref<16x128xf32, #tpu.memory_space<hbm>>, %arg4: memref<125008x128xf32, #tpu.memory_space<hbm>>, %arg5: memref<2x16x512xf32, #tpu.memory_space<vmem>>, %arg6: memref<2x64x128xf32, #tpu.memory_space<vmem>>, %arg7: memref<!tpu.dma_semaphore, #tpu.memory_space<semaphore_mem>>, %arg8: memref<!tpu.dma_semaphore, #tpu.memory_space<semaphore_mem>>) attributes {dimension_semantics = [#tpu.dimension_semantics<core_parallel>, #tpu.dimension_semantics<subcore_parallel>], iteration_bounds = array<i64: 2, 16>, scalar_prefetch = 0 : i64, scratch_operands = 4 : i64, tpu.core_type = #tpu.core_type<sc_vector_subcore>, window_params = [{transform_indices = #map}, {transform_indices = #map}, {transform_indices = #map}]} {
    %mul3A = arith.constant 2 : i32
    %mul3A_0 = arith.muli %arg1, %mul3A : i32
    %add3A = arith.addi %mul3A_0, %arg0 : i32
    %mul3A_1 = arith.constant 61 : i32
    %mul3A_2 = arith.muli %add3A, %mul3A_1 : i32
    %scan3A = arith.constant 0 : i32
    %scan3A_3 = arith.constant 30 : i32
    %scan3A_4 = arith.addi %scan3A, %scan3A_3 : i32
    %scan3A_5 = arith.constant 1 : i32
    scf.for %scan3A_81 = %scan3A to %scan3A_4 step %scan3A_5  : i32 {
      %mul3A_82 = arith.constant 2 : i32
      %mul3A_83 = arith.muli %scan3A_81, %mul3A_82 : i32
      %add3A_84 = arith.constant 0 : i32
      %add3A_85 = arith.addi %add3A_84, %mul3A_83 : i32
      %add3A_86 = arith.addi %mul3A_2, %add3A_85 : i32
      %mul3A_87 = arith.constant 512 : i32
      %mul3A_88 = arith.muli %add3A_86, %mul3A_87 : i32
      %dma_start3A_89 = arith.constant 0 : i32
      %dma_start3A_90 = arith.constant 0 : i32
      %dma_start3A_91 = arith.constant 0 : i32
      %dma_start3A_92 = tpu.memref_slice %arg5[%dma_start3A_89, %dma_start3A_90, %dma_start3A_91] : memref<2x16x512xf32, #tpu.memory_space<vmem>> -> memref<1x8x512xf32, #tpu.memory_space<vmem>>
      %dma_start3A_93 = tpu.memref_squeeze %dma_start3A_92 : memref<1x8x512xf32, #tpu.memory_space<vmem>> -> memref<8x512xf32, #tpu.memory_space<vmem>>
      %dma_start3A_94 = arith.constant 0 : i32
      %dma_start3A_95 = tpu.memref_slice %arg2[%dma_start3A_94, %mul3A_88] : memref<16x999987xf32, #tpu.memory_space<hbm>> -> memref<8x512xf32, #tpu.memory_space<hbm>>
      %dma_start3A_96 = arith.constant 0 : i32
      %dma_start3A_97 = arith.constant 0 : i32
      %dma_start3A_98 = tpu.memref_slice %arg5[%dma_start3A_89, %dma_start3A_96, %dma_start3A_97] : memref<2x16x512xf32, #tpu.memory_space<vmem>> -> memref<1x8x512xf32, #tpu.memory_space<vmem>>
      %dma_start3A_99 = tpu.memref_squeeze %dma_start3A_98 : memref<1x8x512xf32, #tpu.memory_space<vmem>> -> memref<8x512xf32, #tpu.memory_space<vmem>>
      %dma_start3A_100 = arith.constant 0 : i32
      %dma_start3A_101 = tpu.memref_slice %arg2[%dma_start3A_100, %mul3A_88] : memref<16x999987xf32, #tpu.memory_space<hbm>> -> memref<8x512xf32, #tpu.memory_space<hbm>>
      tpu.enqueue_dma source(%dma_start3A_101 : memref<8x512xf32, #tpu.memory_space<hbm>>) target(%dma_start3A_99 : memref<8x512xf32, #tpu.memory_space<vmem>>) target_semaphore(%arg7 : memref<!tpu.dma_semaphore, #tpu.memory_space<semaphore_mem>>)
      %dma_start3A_102 = arith.constant 0 : i32
      %dma_start3A_103 = arith.constant 8 : i32
      %dma_start3A_104 = arith.constant 0 : i32
      %dma_start3A_105 = tpu.memref_slice %arg5[%dma_start3A_102, %dma_start3A_103, %dma_start3A_104] : memref<2x16x512xf32, #tpu.memory_space<vmem>> -> memref<1x8x512xf32, #tpu.memory_space<vmem>>
      %dma_start3A_106 = tpu.memref_squeeze %dma_start3A_105 : memref<1x8x512xf32, #tpu.memory_space<vmem>> -> memref<8x512xf32, #tpu.memory_space<vmem>>
      %dma_start3A_107 = arith.constant 8 : i32
      %dma_start3A_108 = tpu.memref_slice %arg2[%dma_start3A_107, %mul3A_88] : memref<16x999987xf32, #tpu.memory_space<hbm>> -> memref<8x512xf32, #tpu.memory_space<hbm>>
      %dma_start3A_109 = arith.constant 8 : i32
      %dma_start3A_110 = arith.constant 0 : i32
      %dma_start3A_111 = tpu.memref_slice %arg5[%dma_start3A_102, %dma_start3A_109, %dma_start3A_110] : memref<2x16x512xf32, #tpu.memory_space<vmem>> -> memref<1x8x512xf32, #tpu.memory_space<vmem>>
      %dma_start3A_112 = tpu.memref_squeeze %dma_start3A_111 : memref<1x8x512xf32, #tpu.memory_space<vmem>> -> memref<8x512xf32, #tpu.memory_space<vmem>>
      %dma_start3A_113 = arith.constant 8 : i32
      %dma_start3A_114 = tpu.memref_slice %arg2[%dma_start3A_113, %mul3A_88] : memref<16x999987xf32, #tpu.memory_space<hbm>> -> memref<8x512xf32, #tpu.memory_space<hbm>>
      tpu.enqueue_dma source(%dma_start3A_114 : memref<8x512xf32, #tpu.memory_space<hbm>>) target(%dma_start3A_112 : memref<8x512xf32, #tpu.memory_space<vmem>>) target_semaphore(%arg7 : memref<!tpu.dma_semaphore, #tpu.memory_space<semaphore_mem>>)
      %add3A_115 = arith.constant 1 : i32
      %add3A_116 = arith.addi %add3A_85, %add3A_115 : i32
      %add3A_117 = arith.addi %mul3A_2, %add3A_116 : i32
      %mul3A_118 = arith.constant 512 : i32
      %mul3A_119 = arith.muli %add3A_117, %mul3A_118 : i32
      %dma_start3A_120 = arith.constant 1 : i32
      %dma_start3A_121 = arith.constant 0 : i32
      %dma_start3A_122 = arith.constant 0 : i32
      %dma_start3A_123 = tpu.memref_slice %arg5[%dma_start3A_120, %dma_start3A_121, %dma_start3A_122] : memref<2x16x512xf32, #tpu.memory_space<vmem>> -> memref<1x8x512xf32, #tpu.memory_space<vmem>>
      %dma_start3A_124 = tpu.memref_squeeze %dma_start3A_123 : memref<1x8x512xf32, #tpu.memory_space<vmem>> -> memref<8x512xf32, #tpu.memory_space<vmem>>
      %dma_start3A_125 = arith.constant 0 : i32
      %dma_start3A_126 = tpu.memref_slice %arg2[%dma_start3A_125, %mul3A_119] : memref<16x999987xf32, #tpu.memory_space<hbm>> -> memref<8x512xf32, #tpu.memory_space<hbm>>
      %dma_start3A_127 = arith.constant 0 : i32
      %dma_start3A_128 = arith.constant 0 : i32
      %dma_start3A_129 = tpu.memref_slice %arg5[%dma_start3A_120, %dma_start3A_127, %dma_start3A_128] : memref<2x16x512xf32, #tpu.memory_space<vmem>> -> memref<1x8x512xf32, #tpu.memory_space<vmem>>
      %dma_start3A_130 = tpu.memref_squeeze %dma_start3A_129 : memref<1x8x512xf32, #tpu.memory_space<vmem>> -> memref<8x512xf32, #tpu.memory_space<vmem>>
      %dma_start3A_131 = arith.constant 0 : i32
      %dma_start3A_132 = tpu.memref_slice %arg2[%dma_start3A_131, %mul3A_119] : memref<16x999987xf32, #tpu.memory_space<hbm>> -> memref<8x512xf32, #tpu.memory_space<hbm>>
      tpu.enqueue_dma source(%dma_start3A_132 : memref<8x512xf32, #tpu.memory_space<hbm>>) target(%dma_start3A_130 : memref<8x512xf32, #tpu.memory_space<vmem>>) target_semaphore(%arg7 : memref<!tpu.dma_semaphore, #tpu.memory_space<semaphore_mem>>)
      %dma_start3A_133 = arith.constant 1 : i32
      %dma_start3A_134 = arith.constant 8 : i32
      %dma_start3A_135 = arith.constant 0 : i32
      %dma_start3A_136 = tpu.memref_slice %arg5[%dma_start3A_133, %dma_start3A_134, %dma_start3A_135] : memref<2x16x512xf32, #tpu.memory_space<vmem>> -> memref<1x8x512xf32, #tpu.memory_space<vmem>>
      %dma_start3A_137 = tpu.memref_squeeze %dma_start3A_136 : memref<1x8x512xf32, #tpu.memory_space<vmem>> -> memref<8x512xf32, #tpu.memory_space<vmem>>
      %dma_start3A_138 = arith.constant 8 : i32
      %dma_start3A_139 = tpu.memref_slice %arg2[%dma_start3A_138, %mul3A_119] : memref<16x999987xf32, #tpu.memory_space<hbm>> -> memref<8x512xf32, #tpu.memory_space<hbm>>
      %dma_start3A_140 = arith.constant 8 : i32
      %dma_start3A_141 = arith.constant 0 : i32
      %dma_start3A_142 = tpu.memref_slice %arg5[%dma_start3A_133, %dma_start3A_140, %dma_start3A_141] : memref<2x16x512xf32, #tpu.memory_space<vmem>> -> memref<1x8x512xf32, #tpu.memory_space<vmem>>
      %dma_start3A_143 = tpu.memref_squeeze %dma_start3A_142 : memref<1x8x512xf32, #tpu.memory_space<vmem>> -> memref<8x512xf32, #tpu.memory_space<vmem>>
      %dma_start3A_144 = arith.constant 8 : i32
      %dma_start3A_145 = tpu.memref_slice %arg2[%dma_start3A_144, %mul3A_119] : memref<16x999987xf32, #tpu.memory_space<hbm>> -> memref<8x512xf32, #tpu.memory_space<hbm>>
      tpu.enqueue_dma source(%dma_start3A_145 : memref<8x512xf32, #tpu.memory_space<hbm>>) target(%dma_start3A_143 : memref<8x512xf32, #tpu.memory_space<vmem>>) target_semaphore(%arg7 : memref<!tpu.dma_semaphore, #tpu.memory_space<semaphore_mem>>)
      %dma_wait3A_146 = arith.constant 0 : i32
      %dma_wait3A_147 = arith.constant 0 : i32
      %dma_wait3A_148 = arith.constant 0 : i32
      %dma_wait3A_149 = tpu.memref_slice %arg5[%dma_wait3A_146, %dma_wait3A_147, %dma_wait3A_148] : memref<2x16x512xf32, #tpu.memory_space<vmem>> -> memref<1x8x512xf32, #tpu.memory_space<vmem>>
      %dma_wait3A_150 = tpu.memref_squeeze %dma_wait3A_149 : memref<1x8x512xf32, #tpu.memory_space<vmem>> -> memref<8x512xf32, #tpu.memory_space<vmem>>
      %dma_wait3A_151 = arith.constant 0 : i32
      %dma_wait3A_152 = tpu.memref_slice %arg2[%dma_wait3A_151, %mul3A_88] : memref<16x999987xf32, #tpu.memory_space<hbm>> -> memref<8x512xf32, #tpu.memory_space<hbm>>
      %dma_wait3A_153 = arith.constant 0 : i32
      %dma_wait3A_154 = arith.constant 0 : i32
      %dma_wait3A_155 = tpu.memref_slice %arg5[%dma_wait3A_146, %dma_wait3A_153, %dma_wait3A_154] : memref<2x16x512xf32, #tpu.memory_space<vmem>> -> memref<1x8x512xf32, #tpu.memory_space<vmem>>
      %dma_wait3A_156 = tpu.memref_squeeze %dma_wait3A_155 : memref<1x8x512xf32, #tpu.memory_space<vmem>> -> memref<8x512xf32, #tpu.memory_space<vmem>>
      %dma_wait3A_157 = arith.constant 0 : i32
      %dma_wait3A_158 = tpu.memref_slice %arg2[%dma_wait3A_157, %mul3A_88] : memref<16x999987xf32, #tpu.memory_space<hbm>> -> memref<8x512xf32, #tpu.memory_space<hbm>>
      tpu.wait_dma2 semaphore(%arg7 : memref<!tpu.dma_semaphore, #tpu.memory_space<semaphore_mem>>) src(%dma_wait3A_158 : memref<8x512xf32, #tpu.memory_space<hbm>>) dst(%dma_wait3A_156 : memref<8x512xf32, #tpu.memory_space<vmem>>)
      %dma_wait3A_159 = arith.constant 0 : i32
      %dma_wait3A_160 = arith.constant 8 : i32
      %dma_wait3A_161 = arith.constant 0 : i32
      %dma_wait3A_162 = tpu.memref_slice %arg5[%dma_wait3A_159, %dma_wait3A_160, %dma_wait3A_161] : memref<2x16x512xf32, #tpu.memory_space<vmem>> -> memref<1x8x512xf32, #tpu.memory_space<vmem>>
      %dma_wait3A_163 = tpu.memref_squeeze %dma_wait3A_162 : memref<1x8x512xf32, #tpu.memory_space<vmem>> -> memref<8x512xf32, #tpu.memory_space<vmem>>
      %dma_wait3A_164 = arith.constant 8 : i32
      %dma_wait3A_165 = tpu.memref_slice %arg2[%dma_wait3A_164, %mul3A_88] : memref<16x999987xf32, #tpu.memory_space<hbm>> -> memref<8x512xf32, #tpu.memory_space<hbm>>
      %dma_wait3A_166 = arith.constant 8 : i32
      %dma_wait3A_167 = arith.constant 0 : i32
      %dma_wait3A_168 = tpu.memref_slice %arg5[%dma_wait3A_159, %dma_wait3A_166, %dma_wait3A_167] : memref<2x16x512xf32, #tpu.memory_space<vmem>> -> memref<1x8x512xf32, #tpu.memory_space<vmem>>
      %dma_wait3A_169 = tpu.memref_squeeze %dma_wait3A_168 : memref<1x8x512xf32, #tpu.memory_space<vmem>> -> memref<8x512xf32, #tpu.memory_space<vmem>>
      %dma_wait3A_170 = arith.constant 8 : i32
      %dma_wait3A_171 = tpu.memref_slice %arg2[%dma_wait3A_170, %mul3A_88] : memref<16x999987xf32, #tpu.memory_space<hbm>> -> memref<8x512xf32, #tpu.memory_space<hbm>>
      tpu.wait_dma2 semaphore(%arg7 : memref<!tpu.dma_semaphore, #tpu.memory_space<semaphore_mem>>) src(%dma_wait3A_171 : memref<8x512xf32, #tpu.memory_space<hbm>>) dst(%dma_wait3A_169 : memref<8x512xf32, #tpu.memory_space<vmem>>)
      %iota3A_172 = tpu.iota {dimensions = array<i32: 0>} : vector<16xi32>
      %shift_right_logical3A_173 = arith.constant 3 : i32
      %shift_right_logical3A_174 = vector.broadcast %shift_right_logical3A_173 : i32 to vector<16xi32>
      %shift_right_logical3A_175 = arith.shrui %iota3A_172, %shift_right_logical3A_174 : vector<16xi32>
      %iota3A_176 = tpu.iota {dimensions = array<i32: 0>} : vector<16xi32>
      %rem3A_177 = arith.constant 8 : i32
      %rem3A_178 = vector.broadcast %rem3A_177 : i32 to vector<16xi32>
      %rem3A_179 = arith.remsi %iota3A_176, %rem3A_178 : vector<16xi32>
      %mul3A_180 = arith.constant 16 : i32
      %mul3A_181 = vector.broadcast %mul3A_180 : i32 to vector<16xi32>
      %mul3A_182 = arith.muli %rem3A_179, %mul3A_181 : vector<16xi32>
      %scan3A_183 = arith.constant 0 : i32
      %scan3A_184 = arith.constant 32 : i32
      %scan3A_185 = arith.addi %scan3A_183, %scan3A_184 : i32
      %scan3A_186 = arith.constant 1 : i32
      scf.for %scan3A_290 = %scan3A_183 to %scan3A_185 step %scan3A_186  : i32 {
        %mul3A_291 = arith.constant 1 : i32
        %mul3A_292 = arith.muli %scan3A_290, %mul3A_291 : i32
        %add3A_293 = arith.constant 0 : i32
        %add3A_294 = arith.addi %add3A_293, %mul3A_292 : i32
        %mul3A_295 = arith.constant 2 : i32
        %mul3A_296 = arith.muli %mul3A_295, %add3A_294 : i32
        %add3A_297 = vector.broadcast %mul3A_296 : i32 to vector<16xi32>
        %add3A_298 = arith.addi %add3A_297, %shift_right_logical3A_175 : vector<16xi32>
        %mul3A_299 = arith.constant 16 : i32
        %mul3A_300 = arith.muli %add3A_294, %mul3A_299 : i32
        %get3A = arith.constant 0 : i32
        %get3A_301 = arith.constant 0 : i32
        %get3A_302 = arith.index_cast %get3A : i32 to index
        %get3A_303 = arith.index_cast %get3A_301 : i32 to index
        %get3A_304 = arith.index_cast %mul3A_300 : i32 to index
        %get3A_305 = tpu.vector_load %arg5[%get3A_302, %get3A_303, %get3A_304] {strides = array<i32>} : memref<2x16x512xf32, #tpu.memory_space<vmem>>, vector<16xf32>,
        %add3A_306 = arith.constant 0 : i32
        %add3A_307 = vector.broadcast %add3A_306 : i32 to vector<16xi32>
        %add3A_308 = arith.addi %mul3A_182, %add3A_307 : vector<16xi32>
        %scatter3A = arith.constant 0 : i32
        %scatter3A_309 = arith.constant 0 : i32
        %scatter3A_310 = arith.constant 0 : i32
        %scatter3A_311 = tpu.memref_slice %arg6[%scatter3A, %scatter3A_309, %scatter3A_310] : memref<2x64x128xf32, #tpu.memory_space<vmem>> -> memref<1x64x128xf32, #tpu.memory_space<vmem>>
        %scatter3A_312 = tpu.memref_squeeze %scatter3A_311 : memref<1x64x128xf32, #tpu.memory_space<vmem>> -> memref<64x128xf32, #tpu.memory_space<vmem>>
        tpu.vector_store_idx %scatter3A_312[%add3A_298, %add3A_308], %get3A_305 : memref<64x128xf32, #tpu.memory_space<vmem>>[vector<16xi32>, vector<16xi32>], vector<16xf32>,
        %mul3A_313 = arith.constant 16 : i32
        %mul3A_314 = arith.muli %add3A_294, %mul3A_313 : i32
        %get3A_315 = arith.constant 0 : i32
        %get3A_316 = arith.constant 1 : i32
        %get3A_317 = arith.index_cast %get3A_315 : i32 to index
        %get3A_318 = arith.index_cast %get3A_316 : i32 to index
        %get3A_319 = arith.index_cast %mul3A_314 : i32 to index
        %get3A_320 = tpu.vector_load %arg5[%get3A_317, %get3A_318, %get3A_319] {strides = array<i32>} : memref<2x16x512xf32, #tpu.memory_space<vmem>>, vector<16xf32>,
        %add3A_321 = arith.constant 1 : i32
        %add3A_322 = vector.broadcast %add3A_321 : i32 to vector<16xi32>
        %add3A_323 = arith.addi %mul3A_182, %add3A_322 : vector<16xi32>
        %scatter3A_324 = arith.constant 0 : i32
        %scatter3A_325 = arith.constant 0 : i32
        %scatter3A_326 = arith.constant 0 : i32
        %scatter3A_327 = tpu.memref_slice %arg6[%scatter3A_324, %scatter3A_325, %scatter3A_326] : memref<2x64x128xf32, #tpu.memory_space<vmem>> -> memref<1x64x128xf32, #tpu.memory_space<vmem>>
        %scatter3A_328 = tpu.memref_squeeze %scatter3A_327 : memref<1x64x128xf32, #tpu.memory_space<vmem>> -> memref<64x128xf32, #tpu.memory_space<vmem>>
        tpu.vector_store_idx %scatter3A_328[%add3A_298, %add3A_323], %get3A_320 : memref<64x128xf32, #tpu.memory_space<vmem>>[vector<16xi32>, vector<16xi32>], vector<16xf32>,
        %mul3A_329 = arith.constant 16 : i32
        %mul3A_330 = arith.muli %add3A_294, %mul3A_329 : i32
        %get3A_331 = arith.constant 0 : i32
        %get3A_332 = arith.constant 2 : i32
        %get3A_333 = arith.index_cast %get3A_331 : i32 to index
        %get3A_334 = arith.index_cast %get3A_332 : i32 to index
        %get3A_335 = arith.index_cast %mul3A_330 : i32 to index
        %get3A_336 = tpu.vector_load %arg5[%get3A_333, %get3A_334, %get3A_335] {strides = array<i32>} : memref<2x16x512xf32, #tpu.memory_space<vmem>>, vector<16xf32>,
        %add3A_337 = arith.constant 2 : i32
        %add3A_338 = vector.broadcast %add3A_337 : i32 to vector<16xi32>
        %add3A_339 = arith.addi %mul3A_182, %add3A_338 : vector<16xi32>
        %scatter3A_340 = arith.constant 0 : i32
        %scatter3A_341 = arith.constant 0 : i32
        %scatter3A_342 = arith.constant 0 : i32
        %scatter3A_343 = tpu.memref_slice %arg6[%scatter3A_340, %scatter3A_341, %scatter3A_342] : memref<2x64x128xf32, #tpu.memory_space<vmem>> -> memref<1x64x128xf32, #tpu.memory_space<vmem>>
        %scatter3A_344 = tpu.memref_squeeze %scatter3A_343 : memref<1x64x128xf32, #tpu.memory_space<vmem>> -> memref<64x128xf32, #tpu.memory_space<vmem>>
        tpu.vector_store_idx %scatter3A_344[%add3A_298, %add3A_339], %get3A_336 : memref<64x128xf32, #tpu.memory_space<vmem>>[vector<16xi32>, vector<16xi32>], vector<16xf32>,
        %mul3A_345 = arith.constant 16 : i32
        %mul3A_346 = arith.muli %add3A_294, %mul3A_345 : i32
        %get3A_347 = arith.constant 0 : i32
        %get3A_348 = arith.constant 3 : i32
        %get3A_349 = arith.index_cast %get3A_347 : i32 to index
        %get3A_350 = arith.index_cast %get3A_348 : i32 to index
        %get3A_351 = arith.index_cast %mul3A_346 : i32 to index
        %get3A_352 = tpu.vector_load %arg5[%get3A_349, %get3A_350, %get3A_351] {strides = array<i32>} : memref<2x16x512xf32, #tpu.memory_space<vmem>>, vector<16xf32>,
        %add3A_353 = arith.constant 3 : i32
        %add3A_354 = vector.broadcast %add3A_353 : i32 to vector<16xi32>
        %add3A_355 = arith.addi %mul3A_182, %add3A_354 : vector<16xi32>
        %scatter3A_356 = arith.constant 0 : i32
        %scatter3A_357 = arith.constant 0 : i32
        %scatter3A_358 = arith.constant 0 : i32
        %scatter3A_359 = tpu.memref_slice %arg6[%scatter3A_356, %scatter3A_357, %scatter3A_358] : memref<2x64x128xf32, #tpu.memory_space<vmem>> -> memref<1x64x128xf32, #tpu.memory_space<vmem>>
        %scatter3A_360 = tpu.memref_squeeze %scatter3A_359 : memref<1x64x128xf32, #tpu.memory_space<vmem>> -> memref<64x128xf32, #tpu.memory_space<vmem>>
        tpu.vector_store_idx %scatter3A_360[%add3A_298, %add3A_355], %get3A_352 : memref<64x128xf32, #tpu.memory_space<vmem>>[vector<16xi32>, vector<16xi32>], vector<16xf32>,
        %mul3A_361 = arith.constant 16 : i32
        %mul3A_362 = arith.muli %add3A_294, %mul3A_361 : i32
        %get3A_363 = arith.constant 0 : i32
        %get3A_364 = arith.constant 4 : i32
        %get3A_365 = arith.index_cast %get3A_363 : i32 to index
        %get3A_366 = arith.index_cast %get3A_364 : i32 to index
        %get3A_367 = arith.index_cast %mul3A_362 : i32 to index
        %get3A_368 = tpu.vector_load %arg5[%get3A_365, %get3A_366, %get3A_367] {strides = array<i32>} : memref<2x16x512xf32, #tpu.memory_space<vmem>>, vector<16xf32>,
        %add3A_369 = arith.constant 4 : i32
        %add3A_370 = vector.broadcast %add3A_369 : i32 to vector<16xi32>
        %add3A_371 = arith.addi %mul3A_182, %add3A_370 : vector<16xi32>
        %scatter3A_372 = arith.constant 0 : i32
        %scatter3A_373 = arith.constant 0 : i32
        %scatter3A_374 = arith.constant 0 : i32
        %scatter3A_375 = tpu.memref_slice %arg6[%scatter3A_372, %scatter3A_373, %scatter3A_374] : memref<2x64x128xf32, #tpu.memory_space<vmem>> -> memref<1x64x128xf32, #tpu.memory_space<vmem>>
        %scatter3A_376 = tpu.memref_squeeze %scatter3A_375 : memref<1x64x128xf32, #tpu.memory_space<vmem>> -> memref<64x128xf32, #tpu.memory_space<vmem>>
        tpu.vector_store_idx %scatter3A_376[%add3A_298, %add3A_371], %get3A_368 : memref<64x128xf32, #tpu.memory_space<vmem>>[vector<16xi32>, vector<16xi32>], vector<16xf32>,
        %mul3A_377 = arith.constant 16 : i32
        %mul3A_378 = arith.muli %add3A_294, %mul3A_377 : i32
        %get3A_379 = arith.constant 0 : i32
        %get3A_380 = arith.constant 5 : i32
        %get3A_381 = arith.index_cast %get3A_379 : i32 to index
        %get3A_382 = arith.index_cast %get3A_380 : i32 to index
        %get3A_383 = arith.index_cast %mul3A_378 : i32 to index
        %get3A_384 = tpu.vector_load %arg5[%get3A_381, %get3A_382, %get3A_383] {strides = array<i32>} : memref<2x16x512xf32, #tpu.memory_space<vmem>>, vector<16xf32>,
        %add3A_385 = arith.constant 5 : i32
        %add3A_386 = vector.broadcast %add3A_385 : i32 to vector<16xi32>
        %add3A_387 = arith.addi %mul3A_182, %add3A_386 : vector<16xi32>
        %scatter3A_388 = arith.constant 0 : i32
        %scatter3A_389 = arith.constant 0 : i32
        %scatter3A_390 = arith.constant 0 : i32
        %scatter3A_391 = tpu.memref_slice %arg6[%scatter3A_388, %scatter3A_389, %scatter3A_390] : memref<2x64x128xf32, #tpu.memory_space<vmem>> -> memref<1x64x128xf32, #tpu.memory_space<vmem>>
        %scatter3A_392 = tpu.memref_squeeze %scatter3A_391 : memref<1x64x128xf32, #tpu.memory_space<vmem>> -> memref<64x128xf32, #tpu.memory_space<vmem>>
        tpu.vector_store_idx %scatter3A_392[%add3A_298, %add3A_387], %get3A_384 : memref<64x128xf32, #tpu.memory_space<vmem>>[vector<16xi32>, vector<16xi32>], vector<16xf32>,
        %mul3A_393 = arith.constant 16 : i32
        %mul3A_394 = arith.muli %add3A_294, %mul3A_393 : i32
        %get3A_395 = arith.constant 0 : i32
        %get3A_396 = arith.constant 6 : i32
        %get3A_397 = arith.index_cast %get3A_395 : i32 to index
        %get3A_398 = arith.index_cast %get3A_396 : i32 to index
        %get3A_399 = arith.index_cast %mul3A_394 : i32 to index
        %get3A_400 = tpu.vector_load %arg5[%get3A_397, %get3A_398, %get3A_399] {strides = array<i32>} : memref<2x16x512xf32, #tpu.memory_space<vmem>>, vector<16xf32>,
        %add3A_401 = arith.constant 6 : i32
        %add3A_402 = vector.broadcast %add3A_401 : i32 to vector<16xi32>
        %add3A_403 = arith.addi %mul3A_182, %add3A_402 : vector<16xi32>
        %scatter3A_404 = arith.constant 0 : i32
        %scatter3A_405 = arith.constant 0 : i32
        %scatter3A_406 = arith.constant 0 : i32
        %scatter3A_407 = tpu.memref_slice %arg6[%scatter3A_404, %scatter3A_405, %scatter3A_406] : memref<2x64x128xf32, #tpu.memory_space<vmem>> -> memref<1x64x128xf32, #tpu.memory_space<vmem>>
        %scatter3A_408 = tpu.memref_squeeze %scatter3A_407 : memref<1x64x128xf32, #tpu.memory_space<vmem>> -> memref<64x128xf32, #tpu.memory_space<vmem>>
        tpu.vector_store_idx %scatter3A_408[%add3A_298, %add3A_403], %get3A_400 : memref<64x128xf32, #tpu.memory_space<vmem>>[vector<16xi32>, vector<16xi32>], vector<16xf32>,
        %mul3A_409 = arith.constant 16 : i32
        %mul3A_410 = arith.muli %add3A_294, %mul3A_409 : i32
        %get3A_411 = arith.constant 0 : i32
        %get3A_412 = arith.constant 7 : i32
        %get3A_413 = arith.index_cast %get3A_411 : i32 to index
        %get3A_414 = arith.index_cast %get3A_412 : i32 to index
        %get3A_415 = arith.index_cast %mul3A_410 : i32 to index
        %get3A_416 = tpu.vector_load %arg5[%get3A_413, %get3A_414, %get3A_415] {strides = array<i32>} : memref<2x16x512xf32, #tpu.memory_space<vmem>>, vector<16xf32>,
        %add3A_417 = arith.constant 7 : i32
        %add3A_418 = vector.broadcast %add3A_417 : i32 to vector<16xi32>
        %add3A_419 = arith.addi %mul3A_182, %add3A_418 : vector<16xi32>
        %scatter3A_420 = arith.constant 0 : i32
        %scatter3A_421 = arith.constant 0 : i32
        %scatter3A_422 = arith.constant 0 : i32
        %scatter3A_423 = tpu.memref_slice %arg6[%scatter3A_420, %scatter3A_421, %scatter3A_422] : memref<2x64x128xf32, #tpu.memory_space<vmem>> -> memref<1x64x128xf32, #tpu.memory_space<vmem>>
        %scatter3A_424 = tpu.memref_squeeze %scatter3A_423 : memref<1x64x128xf32, #tpu.memory_space<vmem>> -> memref<64x128xf32, #tpu.memory_space<vmem>>
        tpu.vector_store_idx %scatter3A_424[%add3A_298, %add3A_419], %get3A_416 : memref<64x128xf32, #tpu.memory_space<vmem>>[vector<16xi32>, vector<16xi32>], vector<16xf32>,
        %mul3A_425 = arith.constant 16 : i32
        %mul3A_426 = arith.muli %add3A_294, %mul3A_425 : i32
        %get3A_427 = arith.constant 0 : i32
        %get3A_428 = arith.constant 8 : i32
        %get3A_429 = arith.index_cast %get3A_427 : i32 to index
        %get3A_430 = arith.index_cast %get3A_428 : i32 to index
        %get3A_431 = arith.index_cast %mul3A_426 : i32 to index
        %get3A_432 = tpu.vector_load %arg5[%get3A_429, %get3A_430, %get3A_431] {strides = array<i32>} : memref<2x16x512xf32, #tpu.memory_space<vmem>>, vector<16xf32>,
        %add3A_433 = arith.constant 8 : i32
        %add3A_434 = vector.broadcast %add3A_433 : i32 to vector<16xi32>
        %add3A_435 = arith.addi %mul3A_182, %add3A_434 : vector<16xi32>
        %scatter3A_436 = arith.constant 0 : i32
        %scatter3A_437 = arith.constant 0 : i32
        %scatter3A_438 = arith.constant 0 : i32
        %scatter3A_439 = tpu.memref_slice %arg6[%scatter3A_436, %scatter3A_437, %scatter3A_438] : memref<2x64x128xf32, #tpu.memory_space<vmem>> -> memref<1x64x128xf32, #tpu.memory_space<vmem>>
        %scatter3A_440 = tpu.memref_squeeze %scatter3A_439 : memref<1x64x128xf32, #tpu.memory_space<vmem>> -> memref<64x128xf32, #tpu.memory_space<vmem>>
        tpu.vector_store_idx %scatter3A_440[%add3A_298, %add3A_435], %get3A_432 : memref<64x128xf32, #tpu.memory_space<vmem>>[vector<16xi32>, vector<16xi32>], vector<16xf32>,
        %mul3A_441 = arith.constant 16 : i32
        %mul3A_442 = arith.muli %add3A_294, %mul3A_441 : i32
        %get3A_443 = arith.constant 0 : i32
        %get3A_444 = arith.constant 9 : i32
        %get3A_445 = arith.index_cast %get3A_443 : i32 to index
        %get3A_446 = arith.index_cast %get3A_444 : i32 to index
        %get3A_447 = arith.index_cast %mul3A_442 : i32 to index
        %get3A_448 = tpu.vector_load %arg5[%get3A_445, %get3A_446, %get3A_447] {strides = array<i32>} : memref<2x16x512xf32, #tpu.memory_space<vmem>>, vector<16xf32>,
        %add3A_449 = arith.constant 9 : i32
        %add3A_450 = vector.broadcast %add3A_449 : i32 to vector<16xi32>
        %add3A_451 = arith.addi %mul3A_182, %add3A_450 : vector<16xi32>
        %scatter3A_452 = arith.constant 0 : i32
        %scatter3A_453 = arith.constant 0 : i32
        %scatter3A_454 = arith.constant 0 : i32
        %scatter3A_455 = tpu.memref_slice %arg6[%scatter3A_452, %scatter3A_453, %scatter3A_454] : memref<2x64x128xf32, #tpu.memory_space<vmem>> -> memref<1x64x128xf32, #tpu.memory_space<vmem>>
        %scatter3A_456 = tpu.memref_squeeze %scatter3A_455 : memref<1x64x128xf32, #tpu.memory_space<vmem>> -> memref<64x128xf32, #tpu.memory_space<vmem>>
        tpu.vector_store_idx %scatter3A_456[%add3A_298, %add3A_451], %get3A_448 : memref<64x128xf32, #tpu.memory_space<vmem>>[vector<16xi32>, vector<16xi32>], vector<16xf32>,
        %mul3A_457 = arith.constant 16 : i32
        %mul3A_458 = arith.muli %add3A_294, %mul3A_457 : i32
        %get3A_459 = arith.constant 0 : i32
        %get3A_460 = arith.constant 10 : i32
        %get3A_461 = arith.index_cast %get3A_459 : i32 to index
        %get3A_462 = arith.index_cast %get3A_460 : i32 to index
        %get3A_463 = arith.index_cast %mul3A_458 : i32 to index
        %get3A_464 = tpu.vector_load %arg5[%get3A_461, %get3A_462, %get3A_463] {strides = array<i32>} : memref<2x16x512xf32, #tpu.memory_space<vmem>>, vector<16xf32>,
        %add3A_465 = arith.constant 10 : i32
        %add3A_466 = vector.broadcast %add3A_465 : i32 to vector<16xi32>
        %add3A_467 = arith.addi %mul3A_182, %add3A_466 : vector<16xi32>
        %scatter3A_468 = arith.constant 0 : i32
        %scatter3A_469 = arith.constant 0 : i32
        %scatter3A_470 = arith.constant 0 : i32
        %scatter3A_471 = tpu.memref_slice %arg6[%scatter3A_468, %scatter3A_469, %scatter3A_470] : memref<2x64x128xf32, #tpu.memory_space<vmem>> -> memref<1x64x128xf32, #tpu.memory_space<vmem>>
        %scatter3A_472 = tpu.memref_squeeze %scatter3A_471 : memref<1x64x128xf32, #tpu.memory_space<vmem>> -> memref<64x128xf32, #tpu.memory_space<vmem>>
        tpu.vector_store_idx %scatter3A_472[%add3A_298, %add3A_467], %get3A_464 : memref<64x128xf32, #tpu.memory_space<vmem>>[vector<16xi32>, vector<16xi32>], vector<16xf32>,
        %mul3A_473 = arith.constant 16 : i32
        %mul3A_474 = arith.muli %add3A_294, %mul3A_473 : i32
        %get3A_475 = arith.constant 0 : i32
        %get3A_476 = arith.constant 11 : i32
        %get3A_477 = arith.index_cast %get3A_475 : i32 to index
        %get3A_478 = arith.index_cast %get3A_476 : i32 to index
        %get3A_479 = arith.index_cast %mul3A_474 : i32 to index
        %get3A_480 = tpu.vector_load %arg5[%get3A_477, %get3A_478, %get3A_479] {strides = array<i32>} : memref<2x16x512xf32, #tpu.memory_space<vmem>>, vector<16xf32>,
        %add3A_481 = arith.constant 11 : i32
        %add3A_482 = vector.broadcast %add3A_481 : i32 to vector<16xi32>
        %add3A_483 = arith.addi %mul3A_182, %add3A_482 : vector<16xi32>
        %scatter3A_484 = arith.constant 0 : i32
        %scatter3A_485 = arith.constant 0 : i32
        %scatter3A_486 = arith.constant 0 : i32
        %scatter3A_487 = tpu.memref_slice %arg6[%scatter3A_484, %scatter3A_485, %scatter3A_486] : memref<2x64x128xf32, #tpu.memory_space<vmem>> -> memref<1x64x128xf32, #tpu.memory_space<vmem>>
        %scatter3A_488 = tpu.memref_squeeze %scatter3A_487 : memref<1x64x128xf32, #tpu.memory_space<vmem>> -> memref<64x128xf32, #tpu.memory_space<vmem>>
        tpu.vector_store_idx %scatter3A_488[%add3A_298, %add3A_483], %get3A_480 : memref<64x128xf32, #tpu.memory_space<vmem>>[vector<16xi32>, vector<16xi32>], vector<16xf32>,
        %mul3A_489 = arith.constant 16 : i32
        %mul3A_490 = arith.muli %add3A_294, %mul3A_489 : i32
        %get3A_491 = arith.constant 0 : i32
        %get3A_492 = arith.constant 12 : i32
        %get3A_493 = arith.index_cast %get3A_491 : i32 to index
        %get3A_494 = arith.index_cast %get3A_492 : i32 to index
        %get3A_495 = arith.index_cast %mul3A_490 : i32 to index
        %get3A_496 = tpu.vector_load %arg5[%get3A_493, %get3A_494, %get3A_495] {strides = array<i32>} : memref<2x16x512xf32, #tpu.memory_space<vmem>>, vector<16xf32>,
        %add3A_497 = arith.constant 12 : i32
        %add3A_498 = vector.broadcast %add3A_497 : i32 to vector<16xi32>
        %add3A_499 = arith.addi %mul3A_182, %add3A_498 : vector<16xi32>
        %scatter3A_500 = arith.constant 0 : i32
        %scatter3A_501 = arith.constant 0 : i32
        %scatter3A_502 = arith.constant 0 : i32
        %scatter3A_503 = tpu.memref_slice %arg6[%scatter3A_500, %scatter3A_501, %scatter3A_502] : memref<2x64x128xf32, #tpu.memory_space<vmem>> -> memref<1x64x128xf32, #tpu.memory_space<vmem>>
        %scatter3A_504 = tpu.memref_squeeze %scatter3A_503 : memref<1x64x128xf32, #tpu.memory_space<vmem>> -> memref<64x128xf32, #tpu.memory_space<vmem>>
        tpu.vector_store_idx %scatter3A_504[%add3A_298, %add3A_499], %get3A_496 : memref<64x128xf32, #tpu.memory_space<vmem>>[vector<16xi32>, vector<16xi32>], vector<16xf32>,
        %mul3A_505 = arith.constant 16 : i32
        %mul3A_506 = arith.muli %add3A_294, %mul3A_505 : i32
        %get3A_507 = arith.constant 0 : i32
        %get3A_508 = arith.constant 13 : i32
        %get3A_509 = arith.index_cast %get3A_507 : i32 to index
        %get3A_510 = arith.index_cast %get3A_508 : i32 to index
        %get3A_511 = arith.index_cast %mul3A_506 : i32 to index
        %get3A_512 = tpu.vector_load %arg5[%get3A_509, %get3A_510, %get3A_511] {strides = array<i32>} : memref<2x16x512xf32, #tpu.memory_space<vmem>>, vector<16xf32>,
        %add3A_513 = arith.constant 13 : i32
        %add3A_514 = vector.broadcast %add3A_513 : i32 to vector<16xi32>
        %add3A_515 = arith.addi %mul3A_182, %add3A_514 : vector<16xi32>
        %scatter3A_516 = arith.constant 0 : i32
        %scatter3A_517 = arith.constant 0 : i32
        %scatter3A_518 = arith.constant 0 : i32
        %scatter3A_519 = tpu.memref_slice %arg6[%scatter3A_516, %scatter3A_517, %scatter3A_518] : memref<2x64x128xf32, #tpu.memory_space<vmem>> -> memref<1x64x128xf32, #tpu.memory_space<vmem>>
        %scatter3A_520 = tpu.memref_squeeze %scatter3A_519 : memref<1x64x128xf32, #tpu.memory_space<vmem>> -> memref<64x128xf32, #tpu.memory_space<vmem>>
        tpu.vector_store_idx %scatter3A_520[%add3A_298, %add3A_515], %get3A_512 : memref<64x128xf32, #tpu.memory_space<vmem>>[vector<16xi32>, vector<16xi32>], vector<16xf32>,
        %mul3A_521 = arith.constant 16 : i32
        %mul3A_522 = arith.muli %add3A_294, %mul3A_521 : i32
        %get3A_523 = arith.constant 0 : i32
        %get3A_524 = arith.constant 14 : i32
        %get3A_525 = arith.index_cast %get3A_523 : i32 to index
        %get3A_526 = arith.index_cast %get3A_524 : i32 to index
        %get3A_527 = arith.index_cast %mul3A_522 : i32 to index
        %get3A_528 = tpu.vector_load %arg5[%get3A_525, %get3A_526, %get3A_527] {strides = array<i32>} : memref<2x16x512xf32, #tpu.memory_space<vmem>>, vector<16xf32>,
        %add3A_529 = arith.constant 14 : i32
        %add3A_530 = vector.broadcast %add3A_529 : i32 to vector<16xi32>
        %add3A_531 = arith.addi %mul3A_182, %add3A_530 : vector<16xi32>
        %scatter3A_532 = arith.constant 0 : i32
        %scatter3A_533 = arith.constant 0 : i32
        %scatter3A_534 = arith.constant 0 : i32
        %scatter3A_535 = tpu.memref_slice %arg6[%scatter3A_532, %scatter3A_533, %scatter3A_534] : memref<2x64x128xf32, #tpu.memory_space<vmem>> -> memref<1x64x128xf32, #tpu.memory_space<vmem>>
        %scatter3A_536 = tpu.memref_squeeze %scatter3A_535 : memref<1x64x128xf32, #tpu.memory_space<vmem>> -> memref<64x128xf32, #tpu.memory_space<vmem>>
        tpu.vector_store_idx %scatter3A_536[%add3A_298, %add3A_531], %get3A_528 : memref<64x128xf32, #tpu.memory_space<vmem>>[vector<16xi32>, vector<16xi32>], vector<16xf32>,
        %mul3A_537 = arith.constant 16 : i32
        %mul3A_538 = arith.muli %add3A_294, %mul3A_537 : i32
        %get3A_539 = arith.constant 0 : i32
        %get3A_540 = arith.constant 15 : i32
        %get3A_541 = arith.index_cast %get3A_539 : i32 to index
        %get3A_542 = arith.index_cast %get3A_540 : i32 to index
        %get3A_543 = arith.index_cast %mul3A_538 : i32 to index
        %get3A_544 = tpu.vector_load %arg5[%get3A_541, %get3A_542, %get3A_543] {strides = array<i32>} : memref<2x16x512xf32, #tpu.memory_space<vmem>>, vector<16xf32>,
        %add3A_545 = arith.constant 15 : i32
        %add3A_546 = vector.broadcast %add3A_545 : i32 to vector<16xi32>
        %add3A_547 = arith.addi %mul3A_182, %add3A_546 : vector<16xi32>
        %scatter3A_548 = arith.constant 0 : i32
        %scatter3A_549 = arith.constant 0 : i32
        %scatter3A_550 = arith.constant 0 : i32
        %scatter3A_551 = tpu.memref_slice %arg6[%scatter3A_548, %scatter3A_549, %scatter3A_550] : memref<2x64x128xf32, #tpu.memory_space<vmem>> -> memref<1x64x128xf32, #tpu.memory_space<vmem>>
        %scatter3A_552 = tpu.memref_squeeze %scatter3A_551 : memref<1x64x128xf32, #tpu.memory_space<vmem>> -> memref<64x128xf32, #tpu.memory_space<vmem>>
        tpu.vector_store_idx %scatter3A_552[%add3A_298, %add3A_547], %get3A_544 : memref<64x128xf32, #tpu.memory_space<vmem>>[vector<16xi32>, vector<16xi32>], vector<16xf32>,
      }
      %scan3A_187 = arith.constant 32 : i32
      %add3A_188 = arith.addi %mul3A_2, %add3A_85 : i32
      %mul3A_189 = arith.constant 64 : i32
      %mul3A_190 = arith.muli %add3A_188, %mul3A_189 : i32
      %dma_start3A_191 = arith.constant 0 : i32
      %dma_start3A_192 = arith.constant 0 : i32
      %dma_start3A_193 = arith.constant 0 : i32
      %dma_start3A_194 = tpu.memref_slice %arg6[%dma_start3A_191, %dma_start3A_192, %dma_start3A_193] : memref<2x64x128xf32, #tpu.memory_space<vmem>> -> memref<1x64x128xf32, #tpu.memory_space<vmem>>
      %dma_start3A_195 = tpu.memref_squeeze %dma_start3A_194 : memref<1x64x128xf32, #tpu.memory_space<vmem>> -> memref<64x128xf32, #tpu.memory_space<vmem>>
      %dma_start3A_196 = arith.constant 0 : i32
      %dma_start3A_197 = tpu.memref_slice %arg4[%mul3A_190, %dma_start3A_196] : memref<125008x128xf32, #tpu.memory_space<hbm>> -> memref<64x128xf32, #tpu.memory_space<hbm>>
      %dma_start3A_198 = arith.constant 0 : i32
      %dma_start3A_199 = tpu.memref_slice %arg4[%mul3A_190, %dma_start3A_198] : memref<125008x128xf32, #tpu.memory_space<hbm>> -> memref<64x128xf32, #tpu.memory_space<hbm>>
      %dma_start3A_200 = arith.constant 0 : i32
      %dma_start3A_201 = arith.constant 0 : i32
      %dma_start3A_202 = tpu.memref_slice %arg6[%dma_start3A_191, %dma_start3A_200, %dma_start3A_201] : memref<2x64x128xf32, #tpu.memory_space<vmem>> -> memref<1x64x128xf32, #tpu.memory_space<vmem>>
      %dma_start3A_203 = tpu.memref_squeeze %dma_start3A_202 : memref<1x64x128xf32, #tpu.memory_space<vmem>> -> memref<64x128xf32, #tpu.memory_space<vmem>>
      tpu.enqueue_dma source(%dma_start3A_203 : memref<64x128xf32, #tpu.memory_space<vmem>>) target(%dma_start3A_199 : memref<64x128xf32, #tpu.memory_space<hbm>>) target_semaphore(%arg8 : memref<!tpu.dma_semaphore, #tpu.memory_space<semaphore_mem>>)
      %dma_wait3A_204 = arith.constant 1 : i32
      %dma_wait3A_205 = arith.constant 0 : i32
      %dma_wait3A_206 = arith.constant 0 : i32
      %dma_wait3A_207 = tpu.memref_slice %arg5[%dma_wait3A_204, %dma_wait3A_205, %dma_wait3A_206] : memref<2x16x512xf32, #tpu.memory_space<vmem>> -> memref<1x8x512xf32, #tpu.memory_space<vmem>>
      %dma_wait3A_208 = tpu.memref_squeeze %dma_wait3A_207 : memref<1x8x512xf32, #tpu.memory_space<vmem>> -> memref<8x512xf32, #tpu.memory_space<vmem>>
      %dma_wait3A_209 = arith.constant 0 : i32
      %dma_wait3A_210 = tpu.memref_slice %arg2[%dma_wait3A_209, %mul3A_119] : memref<16x999987xf32, #tpu.memory_space<hbm>> -> memref<8x512xf32, #tpu.memory_space<hbm>>
      %dma_wait3A_211 = arith.constant 0 : i32
      %dma_wait3A_212 = arith.constant 0 : i32
      %dma_wait3A_213 = tpu.memref_slice %arg5[%dma_wait3A_204, %dma_wait3A_211, %dma_wait3A_212] : memref<2x16x512xf32, #tpu.memory_space<vmem>> -> memref<1x8x512xf32, #tpu.memory_space<vmem>>
      %dma_wait3A_214 = tpu.memref_squeeze %dma_wait3A_213 : memref<1x8x512xf32, #tpu.memory_space<vmem>> -> memref<8x512xf32, #tpu.memory_space<vmem>>
      %dma_wait3A_215 = arith.constant 0 : i32
      %dma_wait3A_216 = tpu.memref_slice %arg2[%dma_wait3A_215, %mul3A_119] : memref<16x999987xf32, #tpu.memory_space<hbm>> -> memref<8x512xf32, #tpu.memory_space<hbm>>
      tpu.wait_dma2 semaphore(%arg7 : memref<!tpu.dma_semaphore, #tpu.memory_space<semaphore_mem>>) src(%dma_wait3A_216 : memref<8x512xf32, #tpu.memory_space<hbm>>) dst(%dma_wait3A_214 : memref<8x512xf32, #tpu.memory_space<vmem>>)
      %dma_wait3A_217 = arith.constant 1 : i32
      %dma_wait3A_218 = arith.constant 8 : i32
      %dma_wait3A_219 = arith.constant 0 : i32
      %dma_wait3A_220 = tpu.memref_slice %arg5[%dma_wait3A_217, %dma_wait3A_218, %dma_wait3A_219] : memref<2x16x512xf32, #tpu.memory_space<vmem>> -> memref<1x8x512xf32, #tpu.memory_space<vmem>>
      %dma_wait3A_221 = tpu.memref_squeeze %dma_wait3A_220 : memref<1x8x512xf32, #tpu.memory_space<vmem>> -> memref<8x512xf32, #tpu.memory_space<vmem>>
      %dma_wait3A_222 = arith.constant 8 : i32
      %dma_wait3A_223 = tpu.memref_slice %arg2[%dma_wait3A_222, %mul3A_119] : memref<16x999987xf32, #tpu.memory_space<hbm>> -> memref<8x512xf32, #tpu.memory_space<hbm>>
      %dma_wait3A_224 = arith.constant 8 : i32
      %dma_wait3A_225 = arith.constant 0 : i32
      %dma_wait3A_226 = tpu.memref_slice %arg5[%dma_wait3A_217, %dma_wait3A_224, %dma_wait3A_225] : memref<2x16x512xf32, #tpu.memory_space<vmem>> -> memref<1x8x512xf32, #tpu.memory_space<vmem>>
      %dma_wait3A_227 = tpu.memref_squeeze %dma_wait3A_226 : memref<1x8x512xf32, #tpu.memory_space<vmem>> -> memref<8x512xf32, #tpu.memory_space<vmem>>
      %dma_wait3A_228 = arith.constant 8 : i32
      %dma_wait3A_229 = tpu.memref_slice %arg2[%dma_wait3A_228, %mul3A_119] : memref<16x999987xf32, #tpu.memory_space<hbm>> -> memref<8x512xf32, #tpu.memory_space<hbm>>
      tpu.wait_dma2 semaphore(%arg7 : memref<!tpu.dma_semaphore, #tpu.memory_space<semaphore_mem>>) src(%dma_wait3A_229 : memref<8x512xf32, #tpu.memory_space<hbm>>) dst(%dma_wait3A_227 : memref<8x512xf32, #tpu.memory_space<vmem>>)
      %iota3A_230 = tpu.iota {dimensions = array<i32: 0>} : vector<16xi32>
      %shift_right_logical3A_231 = arith.constant 3 : i32
      %shift_right_logical3A_232 = vector.broadcast %shift_right_logical3A_231 : i32 to vector<16xi32>
      %shift_right_logical3A_233 = arith.shrui %iota3A_230, %shift_right_logical3A_232 : vector<16xi32>
      %iota3A_234 = tpu.iota {dimensions = array<i32: 0>} : vector<16xi32>
      %rem3A_235 = arith.constant 8 : i32
      %rem3A_236 = vector.broadcast %rem3A_235 : i32 to vector<16xi32>
      %rem3A_237 = arith.remsi %iota3A_234, %rem3A_236 : vector<16xi32>
      %mul3A_238 = arith.constant 16 : i32
      %mul3A_239 = vector.broadcast %mul3A_238 : i32 to vector<16xi32>
      %mul3A_240 = arith.muli %rem3A_237, %mul3A_239 : vector<16xi32>
      %scan3A_241 = arith.constant 0 : i32
      %scan3A_242 = arith.constant 32 : i32
      %scan3A_243 = arith.addi %scan3A_241, %scan3A_242 : i32
      %scan3A_244 = arith.constant 1 : i32
      scf.for %scan3A_290 = %scan3A_241 to %scan3A_243 step %scan3A_244  : i32 {
        %mul3A_291 = arith.constant 1 : i32
        %mul3A_292 = arith.muli %scan3A_290, %mul3A_291 : i32
        %add3A_293 = arith.constant 0 : i32
        %add3A_294 = arith.addi %add3A_293, %mul3A_292 : i32
        %mul3A_295 = arith.constant 2 : i32
        %mul3A_296 = arith.muli %mul3A_295, %add3A_294 : i32
        %add3A_297 = vector.broadcast %mul3A_296 : i32 to vector<16xi32>
        %add3A_298 = arith.addi %add3A_297, %shift_right_logical3A_233 : vector<16xi32>
        %mul3A_299 = arith.constant 16 : i32
        %mul3A_300 = arith.muli %add3A_294, %mul3A_299 : i32
        %get3A = arith.constant 1 : i32
        %get3A_301 = arith.constant 0 : i32
        %get3A_302 = arith.index_cast %get3A : i32 to index
        %get3A_303 = arith.index_cast %get3A_301 : i32 to index
        %get3A_304 = arith.index_cast %mul3A_300 : i32 to index
        %get3A_305 = tpu.vector_load %arg5[%get3A_302, %get3A_303, %get3A_304] {strides = array<i32>} : memref<2x16x512xf32, #tpu.memory_space<vmem>>, vector<16xf32>,
        %add3A_306 = arith.constant 0 : i32
        %add3A_307 = vector.broadcast %add3A_306 : i32 to vector<16xi32>
        %add3A_308 = arith.addi %mul3A_240, %add3A_307 : vector<16xi32>
        %scatter3A = arith.constant 1 : i32
        %scatter3A_309 = arith.constant 0 : i32
        %scatter3A_310 = arith.constant 0 : i32
        %scatter3A_311 = tpu.memref_slice %arg6[%scatter3A, %scatter3A_309, %scatter3A_310] : memref<2x64x128xf32, #tpu.memory_space<vmem>> -> memref<1x64x128xf32, #tpu.memory_space<vmem>>
        %scatter3A_312 = tpu.memref_squeeze %scatter3A_311 : memref<1x64x128xf32, #tpu.memory_space<vmem>> -> memref<64x128xf32, #tpu.memory_space<vmem>>
        tpu.vector_store_idx %scatter3A_312[%add3A_298, %add3A_308], %get3A_305 : memref<64x128xf32, #tpu.memory_space<vmem>>[vector<16xi32>, vector<16xi32>], vector<16xf32>,
        %mul3A_313 = arith.constant 16 : i32
        %mul3A_314 = arith.muli %add3A_294, %mul3A_313 : i32
        %get3A_315 = arith.constant 1 : i32
        %get3A_316 = arith.constant 1 : i32
        %get3A_317 = arith.index_cast %get3A_315 : i32 to index
        %get3A_318 = arith.index_cast %get3A_316 : i32 to index
        %get3A_319 = arith.index_cast %mul3A_314 : i32 to index
        %get3A_320 = tpu.vector_load %arg5[%get3A_317, %get3A_318, %get3A_319] {strides = array<i32>} : memref<2x16x512xf32, #tpu.memory_space<vmem>>, vector<16xf32>,
        %add3A_321 = arith.constant 1 : i32
        %add3A_322 = vector.broadcast %add3A_321 : i32 to vector<16xi32>
        %add3A_323 = arith.addi %mul3A_240, %add3A_322 : vector<16xi32>
        %scatter3A_324 = arith.constant 1 : i32
        %scatter3A_325 = arith.constant 0 : i32
        %scatter3A_326 = arith.constant 0 : i32
        %scatter3A_327 = tpu.memref_slice %arg6[%scatter3A_324, %scatter3A_325, %scatter3A_326] : memref<2x64x128xf32, #tpu.memory_space<vmem>> -> memref<1x64x128xf32, #tpu.memory_space<vmem>>
        %scatter3A_328 = tpu.memref_squeeze %scatter3A_327 : memref<1x64x128xf32, #tpu.memory_space<vmem>> -> memref<64x128xf32, #tpu.memory_space<vmem>>
        tpu.vector_store_idx %scatter3A_328[%add3A_298, %add3A_323], %get3A_320 : memref<64x128xf32, #tpu.memory_space<vmem>>[vector<16xi32>, vector<16xi32>], vector<16xf32>,
        %mul3A_329 = arith.constant 16 : i32
        %mul3A_330 = arith.muli %add3A_294, %mul3A_329 : i32
        %get3A_331 = arith.constant 1 : i32
        %get3A_332 = arith.constant 2 : i32
        %get3A_333 = arith.index_cast %get3A_331 : i32 to index
        %get3A_334 = arith.index_cast %get3A_332 : i32 to index
        %get3A_335 = arith.index_cast %mul3A_330 : i32 to index
        %get3A_336 = tpu.vector_load %arg5[%get3A_333, %get3A_334, %get3A_335] {strides = array<i32>} : memref<2x16x512xf32, #tpu.memory_space<vmem>>, vector<16xf32>,
        %add3A_337 = arith.constant 2 : i32
        %add3A_338 = vector.broadcast %add3A_337 : i32 to vector<16xi32>
        %add3A_339 = arith.addi %mul3A_240, %add3A_338 : vector<16xi32>
        %scatter3A_340 = arith.constant 1 : i32
        %scatter3A_341 = arith.constant 0 : i32
        %scatter3A_342 = arith.constant 0 : i32
        %scatter3A_343 = tpu.memref_slice %arg6[%scatter3A_340, %scatter3A_341, %scatter3A_342] : memref<2x64x128xf32, #tpu.memory_space<vmem>> -> memref<1x64x128xf32, #tpu.memory_space<vmem>>
        %scatter3A_344 = tpu.memref_squeeze %scatter3A_343 : memref<1x64x128xf32, #tpu.memory_space<vmem>> -> memref<64x128xf32, #tpu.memory_space<vmem>>
        tpu.vector_store_idx %scatter3A_344[%add3A_298, %add3A_339], %get3A_336 : memref<64x128xf32, #tpu.memory_space<vmem>>[vector<16xi32>, vector<16xi32>], vector<16xf32>,
        %mul3A_345 = arith.constant 16 : i32
        %mul3A_346 = arith.muli %add3A_294, %mul3A_345 : i32
        %get3A_347 = arith.constant 1 : i32
        %get3A_348 = arith.constant 3 : i32
        %get3A_349 = arith.index_cast %get3A_347 : i32 to index
        %get3A_350 = arith.index_cast %get3A_348 : i32 to index
        %get3A_351 = arith.index_cast %mul3A_346 : i32 to index
        %get3A_352 = tpu.vector_load %arg5[%get3A_349, %get3A_350, %get3A_351] {strides = array<i32>} : memref<2x16x512xf32, #tpu.memory_space<vmem>>, vector<16xf32>,
        %add3A_353 = arith.constant 3 : i32
        %add3A_354 = vector.broadcast %add3A_353 : i32 to vector<16xi32>
        %add3A_355 = arith.addi %mul3A_240, %add3A_354 : vector<16xi32>
        %scatter3A_356 = arith.constant 1 : i32
        %scatter3A_357 = arith.constant 0 : i32
        %scatter3A_358 = arith.constant 0 : i32
        %scatter3A_359 = tpu.memref_slice %arg6[%scatter3A_356, %scatter3A_357, %scatter3A_358] : memref<2x64x128xf32, #tpu.memory_space<vmem>> -> memref<1x64x128xf32, #tpu.memory_space<vmem>>
        %scatter3A_360 = tpu.memref_squeeze %scatter3A_359 : memref<1x64x128xf32, #tpu.memory_space<vmem>> -> memref<64x128xf32, #tpu.memory_space<vmem>>
        tpu.vector_store_idx %scatter3A_360[%add3A_298, %add3A_355], %get3A_352 : memref<64x128xf32, #tpu.memory_space<vmem>>[vector<16xi32>, vector<16xi32>], vector<16xf32>,
        %mul3A_361 = arith.constant 16 : i32
        %mul3A_362 = arith.muli %add3A_294, %mul3A_361 : i32
        %get3A_363 = arith.constant 1 : i32
        %get3A_364 = arith.constant 4 : i32
        %get3A_365 = arith.index_cast %get3A_363 : i32 to index
        %get3A_366 = arith.index_cast %get3A_364 : i32 to index
        %get3A_367 = arith.index_cast %mul3A_362 : i32 to index
        %get3A_368 = tpu.vector_load %arg5[%get3A_365, %get3A_366, %get3A_367] {strides = array<i32>} : memref<2x16x512xf32, #tpu.memory_space<vmem>>, vector<16xf32>,
        %add3A_369 = arith.constant 4 : i32
        %add3A_370 = vector.broadcast %add3A_369 : i32 to vector<16xi32>
        %add3A_371 = arith.addi %mul3A_240, %add3A_370 : vector<16xi32>
        %scatter3A_372 = arith.constant 1 : i32
        %scatter3A_373 = arith.constant 0 : i32
        %scatter3A_374 = arith.constant 0 : i32
        %scatter3A_375 = tpu.memref_slice %arg6[%scatter3A_372, %scatter3A_373, %scatter3A_374] : memref<2x64x128xf32, #tpu.memory_space<vmem>> -> memref<1x64x128xf32, #tpu.memory_space<vmem>>
        %scatter3A_376 = tpu.memref_squeeze %scatter3A_375 : memref<1x64x128xf32, #tpu.memory_space<vmem>> -> memref<64x128xf32, #tpu.memory_space<vmem>>
        tpu.vector_store_idx %scatter3A_376[%add3A_298, %add3A_371], %get3A_368 : memref<64x128xf32, #tpu.memory_space<vmem>>[vector<16xi32>, vector<16xi32>], vector<16xf32>,
        %mul3A_377 = arith.constant 16 : i32
        %mul3A_378 = arith.muli %add3A_294, %mul3A_377 : i32
        %get3A_379 = arith.constant 1 : i32
        %get3A_380 = arith.constant 5 : i32
        %get3A_381 = arith.index_cast %get3A_379 : i32 to index
        %get3A_382 = arith.index_cast %get3A_380 : i32 to index
        %get3A_383 = arith.index_cast %mul3A_378 : i32 to index
        %get3A_384 = tpu.vector_load %arg5[%get3A_381, %get3A_382, %get3A_383] {strides = array<i32>} : memref<2x16x512xf32, #tpu.memory_space<vmem>>, vector<16xf32>,
        %add3A_385 = arith.constant 5 : i32
        %add3A_386 = vector.broadcast %add3A_385 : i32 to vector<16xi32>
        %add3A_387 = arith.addi %mul3A_240, %add3A_386 : vector<16xi32>
        %scatter3A_388 = arith.constant 1 : i32
        %scatter3A_389 = arith.constant 0 : i32
        %scatter3A_390 = arith.constant 0 : i32
        %scatter3A_391 = tpu.memref_slice %arg6[%scatter3A_388, %scatter3A_389, %scatter3A_390] : memref<2x64x128xf32, #tpu.memory_space<vmem>> -> memref<1x64x128xf32, #tpu.memory_space<vmem>>
        %scatter3A_392 = tpu.memref_squeeze %scatter3A_391 : memref<1x64x128xf32, #tpu.memory_space<vmem>> -> memref<64x128xf32, #tpu.memory_space<vmem>>
        tpu.vector_store_idx %scatter3A_392[%add3A_298, %add3A_387], %get3A_384 : memref<64x128xf32, #tpu.memory_space<vmem>>[vector<16xi32>, vector<16xi32>], vector<16xf32>,
        %mul3A_393 = arith.constant 16 : i32
        %mul3A_394 = arith.muli %add3A_294, %mul3A_393 : i32
        %get3A_395 = arith.constant 1 : i32
        %get3A_396 = arith.constant 6 : i32
        %get3A_397 = arith.index_cast %get3A_395 : i32 to index
        %get3A_398 = arith.index_cast %get3A_396 : i32 to index
        %get3A_399 = arith.index_cast %mul3A_394 : i32 to index
        %get3A_400 = tpu.vector_load %arg5[%get3A_397, %get3A_398, %get3A_399] {strides = array<i32>} : memref<2x16x512xf32, #tpu.memory_space<vmem>>, vector<16xf32>,
        %add3A_401 = arith.constant 6 : i32
        %add3A_402 = vector.broadcast %add3A_401 : i32 to vector<16xi32>
        %add3A_403 = arith.addi %mul3A_240, %add3A_402 : vector<16xi32>
        %scatter3A_404 = arith.constant 1 : i32
        %scatter3A_405 = arith.constant 0 : i32
        %scatter3A_406 = arith.constant 0 : i32
        %scatter3A_407 = tpu.memref_slice %arg6[%scatter3A_404, %scatter3A_405, %scatter3A_406] : memref<2x64x128xf32, #tpu.memory_space<vmem>> -> memref<1x64x128xf32, #tpu.memory_space<vmem>>
        %scatter3A_408 = tpu.memref_squeeze %scatter3A_407 : memref<1x64x128xf32, #tpu.memory_space<vmem>> -> memref<64x128xf32, #tpu.memory_space<vmem>>
        tpu.vector_store_idx %scatter3A_408[%add3A_298, %add3A_403], %get3A_400 : memref<64x128xf32, #tpu.memory_space<vmem>>[vector<16xi32>, vector<16xi32>], vector<16xf32>,
        %mul3A_409 = arith.constant 16 : i32
        %mul3A_410 = arith.muli %add3A_294, %mul3A_409 : i32
        %get3A_411 = arith.constant 1 : i32
        %get3A_412 = arith.constant 7 : i32
        %get3A_413 = arith.index_cast %get3A_411 : i32 to index
        %get3A_414 = arith.index_cast %get3A_412 : i32 to index
        %get3A_415 = arith.index_cast %mul3A_410 : i32 to index
        %get3A_416 = tpu.vector_load %arg5[%get3A_413, %get3A_414, %get3A_415] {strides = array<i32>} : memref<2x16x512xf32, #tpu.memory_space<vmem>>, vector<16xf32>,
        %add3A_417 = arith.constant 7 : i32
        %add3A_418 = vector.broadcast %add3A_417 : i32 to vector<16xi32>
        %add3A_419 = arith.addi %mul3A_240, %add3A_418 : vector<16xi32>
        %scatter3A_420 = arith.constant 1 : i32
        %scatter3A_421 = arith.constant 0 : i32
        %scatter3A_422 = arith.constant 0 : i32
        %scatter3A_423 = tpu.memref_slice %arg6[%scatter3A_420, %scatter3A_421, %scatter3A_422] : memref<2x64x128xf32, #tpu.memory_space<vmem>> -> memref<1x64x128xf32, #tpu.memory_space<vmem>>
        %scatter3A_424 = tpu.memref_squeeze %scatter3A_423 : memref<1x64x128xf32, #tpu.memory_space<vmem>> -> memref<64x128xf32, #tpu.memory_space<vmem>>
        tpu.vector_store_idx %scatter3A_424[%add3A_298, %add3A_419], %get3A_416 : memref<64x128xf32, #tpu.memory_space<vmem>>[vector<16xi32>, vector<16xi32>], vector<16xf32>,
        %mul3A_425 = arith.constant 16 : i32
        %mul3A_426 = arith.muli %add3A_294, %mul3A_425 : i32
        %get3A_427 = arith.constant 1 : i32
        %get3A_428 = arith.constant 8 : i32
        %get3A_429 = arith.index_cast %get3A_427 : i32 to index
        %get3A_430 = arith.index_cast %get3A_428 : i32 to index
        %get3A_431 = arith.index_cast %mul3A_426 : i32 to index
        %get3A_432 = tpu.vector_load %arg5[%get3A_429, %get3A_430, %get3A_431] {strides = array<i32>} : memref<2x16x512xf32, #tpu.memory_space<vmem>>, vector<16xf32>,
        %add3A_433 = arith.constant 8 : i32
        %add3A_434 = vector.broadcast %add3A_433 : i32 to vector<16xi32>
        %add3A_435 = arith.addi %mul3A_240, %add3A_434 : vector<16xi32>
        %scatter3A_436 = arith.constant 1 : i32
        %scatter3A_437 = arith.constant 0 : i32
        %scatter3A_438 = arith.constant 0 : i32
        %scatter3A_439 = tpu.memref_slice %arg6[%scatter3A_436, %scatter3A_437, %scatter3A_438] : memref<2x64x128xf32, #tpu.memory_space<vmem>> -> memref<1x64x128xf32, #tpu.memory_space<vmem>>
        %scatter3A_440 = tpu.memref_squeeze %scatter3A_439 : memref<1x64x128xf32, #tpu.memory_space<vmem>> -> memref<64x128xf32, #tpu.memory_space<vmem>>
        tpu.vector_store_idx %scatter3A_440[%add3A_298, %add3A_435], %get3A_432 : memref<64x128xf32, #tpu.memory_space<vmem>>[vector<16xi32>, vector<16xi32>], vector<16xf32>,
        %mul3A_441 = arith.constant 16 : i32
        %mul3A_442 = arith.muli %add3A_294, %mul3A_441 : i32
        %get3A_443 = arith.constant 1 : i32
        %get3A_444 = arith.constant 9 : i32
        %get3A_445 = arith.index_cast %get3A_443 : i32 to index
        %get3A_446 = arith.index_cast %get3A_444 : i32 to index
        %get3A_447 = arith.index_cast %mul3A_442 : i32 to index
        %get3A_448 = tpu.vector_load %arg5[%get3A_445, %get3A_446, %get3A_447] {strides = array<i32>} : memref<2x16x512xf32, #tpu.memory_space<vmem>>, vector<16xf32>,
        %add3A_449 = arith.constant 9 : i32
        %add3A_450 = vector.broadcast %add3A_449 : i32 to vector<16xi32>
        %add3A_451 = arith.addi %mul3A_240, %add3A_450 : vector<16xi32>
        %scatter3A_452 = arith.constant 1 : i32
        %scatter3A_453 = arith.constant 0 : i32
        %scatter3A_454 = arith.constant 0 : i32
        %scatter3A_455 = tpu.memref_slice %arg6[%scatter3A_452, %scatter3A_453, %scatter3A_454] : memref<2x64x128xf32, #tpu.memory_space<vmem>> -> memref<1x64x128xf32, #tpu.memory_space<vmem>>
        %scatter3A_456 = tpu.memref_squeeze %scatter3A_455 : memref<1x64x128xf32, #tpu.memory_space<vmem>> -> memref<64x128xf32, #tpu.memory_space<vmem>>
        tpu.vector_store_idx %scatter3A_456[%add3A_298, %add3A_451], %get3A_448 : memref<64x128xf32, #tpu.memory_space<vmem>>[vector<16xi32>, vector<16xi32>], vector<16xf32>,
        %mul3A_457 = arith.constant 16 : i32
        %mul3A_458 = arith.muli %add3A_294, %mul3A_457 : i32
        %get3A_459 = arith.constant 1 : i32
        %get3A_460 = arith.constant 10 : i32
        %get3A_461 = arith.index_cast %get3A_459 : i32 to index
        %get3A_462 = arith.index_cast %get3A_460 : i32 to index
        %get3A_463 = arith.index_cast %mul3A_458 : i32 to index
        %get3A_464 = tpu.vector_load %arg5[%get3A_461, %get3A_462, %get3A_463] {strides = array<i32>} : memref<2x16x512xf32, #tpu.memory_space<vmem>>, vector<16xf32>,
        %add3A_465 = arith.constant 10 : i32
        %add3A_466 = vector.broadcast %add3A_465 : i32 to vector<16xi32>
        %add3A_467 = arith.addi %mul3A_240, %add3A_466 : vector<16xi32>
        %scatter3A_468 = arith.constant 1 : i32
        %scatter3A_469 = arith.constant 0 : i32
        %scatter3A_470 = arith.constant 0 : i32
        %scatter3A_471 = tpu.memref_slice %arg6[%scatter3A_468, %scatter3A_469, %scatter3A_470] : memref<2x64x128xf32, #tpu.memory_space<vmem>> -> memref<1x64x128xf32, #tpu.memory_space<vmem>>
        %scatter3A_472 = tpu.memref_squeeze %scatter3A_471 : memref<1x64x128xf32, #tpu.memory_space<vmem>> -> memref<64x128xf32, #tpu.memory_space<vmem>>
        tpu.vector_store_idx %scatter3A_472[%add3A_298, %add3A_467], %get3A_464 : memref<64x128xf32, #tpu.memory_space<vmem>>[vector<16xi32>, vector<16xi32>], vector<16xf32>,
        %mul3A_473 = arith.constant 16 : i32
        %mul3A_474 = arith.muli %add3A_294, %mul3A_473 : i32
        %get3A_475 = arith.constant 1 : i32
        %get3A_476 = arith.constant 11 : i32
        %get3A_477 = arith.index_cast %get3A_475 : i32 to index
        %get3A_478 = arith.index_cast %get3A_476 : i32 to index
        %get3A_479 = arith.index_cast %mul3A_474 : i32 to index
        %get3A_480 = tpu.vector_load %arg5[%get3A_477, %get3A_478, %get3A_479] {strides = array<i32>} : memref<2x16x512xf32, #tpu.memory_space<vmem>>, vector<16xf32>,
        %add3A_481 = arith.constant 11 : i32
        %add3A_482 = vector.broadcast %add3A_481 : i32 to vector<16xi32>
        %add3A_483 = arith.addi %mul3A_240, %add3A_482 : vector<16xi32>
        %scatter3A_484 = arith.constant 1 : i32
        %scatter3A_485 = arith.constant 0 : i32
        %scatter3A_486 = arith.constant 0 : i32
        %scatter3A_487 = tpu.memref_slice %arg6[%scatter3A_484, %scatter3A_485, %scatter3A_486] : memref<2x64x128xf32, #tpu.memory_space<vmem>> -> memref<1x64x128xf32, #tpu.memory_space<vmem>>
        %scatter3A_488 = tpu.memref_squeeze %scatter3A_487 : memref<1x64x128xf32, #tpu.memory_space<vmem>> -> memref<64x128xf32, #tpu.memory_space<vmem>>
        tpu.vector_store_idx %scatter3A_488[%add3A_298, %add3A_483], %get3A_480 : memref<64x128xf32, #tpu.memory_space<vmem>>[vector<16xi32>, vector<16xi32>], vector<16xf32>,
        %mul3A_489 = arith.constant 16 : i32
        %mul3A_490 = arith.muli %add3A_294, %mul3A_489 : i32
        %get3A_491 = arith.constant 1 : i32
        %get3A_492 = arith.constant 12 : i32
        %get3A_493 = arith.index_cast %get3A_491 : i32 to index
        %get3A_494 = arith.index_cast %get3A_492 : i32 to index
        %get3A_495 = arith.index_cast %mul3A_490 : i32 to index
        %get3A_496 = tpu.vector_load %arg5[%get3A_493, %get3A_494, %get3A_495] {strides = array<i32>} : memref<2x16x512xf32, #tpu.memory_space<vmem>>, vector<16xf32>,
        %add3A_497 = arith.constant 12 : i32
        %add3A_498 = vector.broadcast %add3A_497 : i32 to vector<16xi32>
        %add3A_499 = arith.addi %mul3A_240, %add3A_498 : vector<16xi32>
        %scatter3A_500 = arith.constant 1 : i32
        %scatter3A_501 = arith.constant 0 : i32
        %scatter3A_502 = arith.constant 0 : i32
        %scatter3A_503 = tpu.memref_slice %arg6[%scatter3A_500, %scatter3A_501, %scatter3A_502] : memref<2x64x128xf32, #tpu.memory_space<vmem>> -> memref<1x64x128xf32, #tpu.memory_space<vmem>>
        %scatter3A_504 = tpu.memref_squeeze %scatter3A_503 : memref<1x64x128xf32, #tpu.memory_space<vmem>> -> memref<64x128xf32, #tpu.memory_space<vmem>>
        tpu.vector_store_idx %scatter3A_504[%add3A_298, %add3A_499], %get3A_496 : memref<64x128xf32, #tpu.memory_space<vmem>>[vector<16xi32>, vector<16xi32>], vector<16xf32>,
        %mul3A_505 = arith.constant 16 : i32
        %mul3A_506 = arith.muli %add3A_294, %mul3A_505 : i32
        %get3A_507 = arith.constant 1 : i32
        %get3A_508 = arith.constant 13 : i32
        %get3A_509 = arith.index_cast %get3A_507 : i32 to index
        %get3A_510 = arith.index_cast %get3A_508 : i32 to index
        %get3A_511 = arith.index_cast %mul3A_506 : i32 to index
        %get3A_512 = tpu.vector_load %arg5[%get3A_509, %get3A_510, %get3A_511] {strides = array<i32>} : memref<2x16x512xf32, #tpu.memory_space<vmem>>, vector<16xf32>,
        %add3A_513 = arith.constant 13 : i32
        %add3A_514 = vector.broadcast %add3A_513 : i32 to vector<16xi32>
        %add3A_515 = arith.addi %mul3A_240, %add3A_514 : vector<16xi32>
        %scatter3A_516 = arith.constant 1 : i32
        %scatter3A_517 = arith.constant 0 : i32
        %scatter3A_518 = arith.constant 0 : i32
        %scatter3A_519 = tpu.memref_slice %arg6[%scatter3A_516, %scatter3A_517, %scatter3A_518] : memref<2x64x128xf32, #tpu.memory_space<vmem>> -> memref<1x64x128xf32, #tpu.memory_space<vmem>>
        %scatter3A_520 = tpu.memref_squeeze %scatter3A_519 : memref<1x64x128xf32, #tpu.memory_space<vmem>> -> memref<64x128xf32, #tpu.memory_space<vmem>>
        tpu.vector_store_idx %scatter3A_520[%add3A_298, %add3A_515], %get3A_512 : memref<64x128xf32, #tpu.memory_space<vmem>>[vector<16xi32>, vector<16xi32>], vector<16xf32>,
        %mul3A_521 = arith.constant 16 : i32
        %mul3A_522 = arith.muli %add3A_294, %mul3A_521 : i32
        %get3A_523 = arith.constant 1 : i32
        %get3A_524 = arith.constant 14 : i32
        %get3A_525 = arith.index_cast %get3A_523 : i32 to index
        %get3A_526 = arith.index_cast %get3A_524 : i32 to index
        %get3A_527 = arith.index_cast %mul3A_522 : i32 to index
        %get3A_528 = tpu.vector_load %arg5[%get3A_525, %get3A_526, %get3A_527] {strides = array<i32>} : memref<2x16x512xf32, #tpu.memory_space<vmem>>, vector<16xf32>,
        %add3A_529 = arith.constant 14 : i32
        %add3A_530 = vector.broadcast %add3A_529 : i32 to vector<16xi32>
        %add3A_531 = arith.addi %mul3A_240, %add3A_530 : vector<16xi32>
        %scatter3A_532 = arith.constant 1 : i32
        %scatter3A_533 = arith.constant 0 : i32
        %scatter3A_534 = arith.constant 0 : i32
        %scatter3A_535 = tpu.memref_slice %arg6[%scatter3A_532, %scatter3A_533, %scatter3A_534] : memref<2x64x128xf32, #tpu.memory_space<vmem>> -> memref<1x64x128xf32, #tpu.memory_space<vmem>>
        %scatter3A_536 = tpu.memref_squeeze %scatter3A_535 : memref<1x64x128xf32, #tpu.memory_space<vmem>> -> memref<64x128xf32, #tpu.memory_space<vmem>>
        tpu.vector_store_idx %scatter3A_536[%add3A_298, %add3A_531], %get3A_528 : memref<64x128xf32, #tpu.memory_space<vmem>>[vector<16xi32>, vector<16xi32>], vector<16xf32>,
        %mul3A_537 = arith.constant 16 : i32
        %mul3A_538 = arith.muli %add3A_294, %mul3A_537 : i32
        %get3A_539 = arith.constant 1 : i32
        %get3A_540 = arith.constant 15 : i32
        %get3A_541 = arith.index_cast %get3A_539 : i32 to index
        %get3A_542 = arith.index_cast %get3A_540 : i32 to index
        %get3A_543 = arith.index_cast %mul3A_538 : i32 to index
        %get3A_544 = tpu.vector_load %arg5[%get3A_541, %get3A_542, %get3A_543] {strides = array<i32>} : memref<2x16x512xf32, #tpu.memory_space<vmem>>, vector<16xf32>,
        %add3A_545 = arith.constant 15 : i32
        %add3A_546 = vector.broadcast %add3A_545 : i32 to vector<16xi32>
        %add3A_547 = arith.addi %mul3A_240, %add3A_546 : vector<16xi32>
        %scatter3A_548 = arith.constant 1 : i32
        %scatter3A_549 = arith.constant 0 : i32
        %scatter3A_550 = arith.constant 0 : i32
        %scatter3A_551 = tpu.memref_slice %arg6[%scatter3A_548, %scatter3A_549, %scatter3A_550] : memref<2x64x128xf32, #tpu.memory_space<vmem>> -> memref<1x64x128xf32, #tpu.memory_space<vmem>>
        %scatter3A_552 = tpu.memref_squeeze %scatter3A_551 : memref<1x64x128xf32, #tpu.memory_space<vmem>> -> memref<64x128xf32, #tpu.memory_space<vmem>>
        tpu.vector_store_idx %scatter3A_552[%add3A_298, %add3A_547], %get3A_544 : memref<64x128xf32, #tpu.memory_space<vmem>>[vector<16xi32>, vector<16xi32>], vector<16xf32>,
      }
      %scan3A_245 = arith.constant 32 : i32
      %add3A_246 = arith.constant 1 : i32
      %add3A_247 = arith.addi %add3A_85, %add3A_246 : i32
      %add3A_248 = arith.addi %mul3A_2, %add3A_247 : i32
      %mul3A_249 = arith.constant 64 : i32
      %mul3A_250 = arith.muli %add3A_248, %mul3A_249 : i32
      %dma_start3A_251 = arith.constant 1 : i32
      %dma_start3A_252 = arith.constant 0 : i32
      %dma_start3A_253 = arith.constant 0 : i32
      %dma_start3A_254 = tpu.memref_slice %arg6[%dma_start3A_251, %dma_start3A_252, %dma_start3A_253] : memref<2x64x128xf32, #tpu.memory_space<vmem>> -> memref<1x64x128xf32, #tpu.memory_space<vmem>>
      %dma_start3A_255 = tpu.memref_squeeze %dma_start3A_254 : memref<1x64x128xf32, #tpu.memory_space<vmem>> -> memref<64x128xf32, #tpu.memory_space<vmem>>
      %dma_start3A_256 = arith.constant 0 : i32
      %dma_start3A_257 = tpu.memref_slice %arg4[%mul3A_250, %dma_start3A_256] : memref<125008x128xf32, #tpu.memory_space<hbm>> -> memref<64x128xf32, #tpu.memory_space<hbm>>
      %dma_start3A_258 = arith.constant 0 : i32
      %dma_start3A_259 = tpu.memref_slice %arg4[%mul3A_250, %dma_start3A_258] : memref<125008x128xf32, #tpu.memory_space<hbm>> -> memref<64x128xf32, #tpu.memory_space<hbm>>
      %dma_start3A_260 = arith.constant 0 : i32
      %dma_start3A_261 = arith.constant 0 : i32
      %dma_start3A_262 = tpu.memref_slice %arg6[%dma_start3A_251, %dma_start3A_260, %dma_start3A_261] : memref<2x64x128xf32, #tpu.memory_space<vmem>> -> memref<1x64x128xf32, #tpu.memory_space<vmem>>
      %dma_start3A_263 = tpu.memref_squeeze %dma_start3A_262 : memref<1x64x128xf32, #tpu.memory_space<vmem>> -> memref<64x128xf32, #tpu.memory_space<vmem>>
      tpu.enqueue_dma source(%dma_start3A_263 : memref<64x128xf32, #tpu.memory_space<vmem>>) target(%dma_start3A_259 : memref<64x128xf32, #tpu.memory_space<hbm>>) target_semaphore(%arg8 : memref<!tpu.dma_semaphore, #tpu.memory_space<semaphore_mem>>)
      %dma_wait3A_264 = arith.constant 0 : i32
      %dma_wait3A_265 = arith.constant 0 : i32
      %dma_wait3A_266 = arith.constant 0 : i32
      %dma_wait3A_267 = tpu.memref_slice %arg6[%dma_wait3A_264, %dma_wait3A_265, %dma_wait3A_266] : memref<2x64x128xf32, #tpu.memory_space<vmem>> -> memref<1x64x128xf32, #tpu.memory_space<vmem>>
      %dma_wait3A_268 = tpu.memref_squeeze %dma_wait3A_267 : memref<1x64x128xf32, #tpu.memory_space<vmem>> -> memref<64x128xf32, #tpu.memory_space<vmem>>
      %dma_wait3A_269 = arith.constant 0 : i32
      %dma_wait3A_270 = tpu.memref_slice %arg4[%mul3A_190, %dma_wait3A_269] : memref<125008x128xf32, #tpu.memory_space<hbm>> -> memref<64x128xf32, #tpu.memory_space<hbm>>
      %dma_wait3A_271 = arith.constant 0 : i32
      %dma_wait3A_272 = tpu.memref_slice %arg4[%mul3A_190, %dma_wait3A_271] : memref<125008x128xf32, #tpu.memory_space<hbm>> -> memref<64x128xf32, #tpu.memory_space<hbm>>
      %dma_wait3A_273 = arith.constant 0 : i32
      %dma_wait3A_274 = arith.constant 0 : i32
      %dma_wait3A_275 = tpu.memref_slice %arg6[%dma_wait3A_264, %dma_wait3A_273, %dma_wait3A_274] : memref<2x64x128xf32, #tpu.memory_space<vmem>> -> memref<1x64x128xf32, #tpu.memory_space<vmem>>
      %dma_wait3A_276 = tpu.memref_squeeze %dma_wait3A_275 : memref<1x64x128xf32, #tpu.memory_space<vmem>> -> memref<64x128xf32, #tpu.memory_space<vmem>>
      tpu.wait_dma2 semaphore(%arg8 : memref<!tpu.dma_semaphore, #tpu.memory_space<semaphore_mem>>) src(%dma_wait3A_276 : memref<64x128xf32, #tpu.memory_space<vmem>>) dst(%dma_wait3A_272 : memref<64x128xf32, #tpu.memory_space<hbm>>)
      %dma_wait3A_277 = arith.constant 1 : i32
      %dma_wait3A_278 = arith.constant 0 : i32
      %dma_wait3A_279 = arith.constant 0 : i32
      %dma_wait3A_280 = tpu.memref_slice %arg6[%dma_wait3A_277, %dma_wait3A_278, %dma_wait3A_279] : memref<2x64x128xf32, #tpu.memory_space<vmem>> -> memref<1x64x128xf32, #tpu.memory_space<vmem>>
      %dma_wait3A_281 = tpu.memref_squeeze %dma_wait3A_280 : memref<1x64x128xf32, #tpu.memory_space<vmem>> -> memref<64x128xf32, #tpu.memory_space<vmem>>
      %dma_wait3A_282 = arith.constant 0 : i32
      %dma_wait3A_283 = tpu.memref_slice %arg4[%mul3A_250, %dma_wait3A_282] : memref<125008x128xf32, #tpu.memory_space<hbm>> -> memref<64x128xf32, #tpu.memory_space<hbm>>
      %dma_wait3A_284 = arith.constant 0 : i32
      %dma_wait3A_285 = tpu.memref_slice %arg4[%mul3A_250, %dma_wait3A_284] : memref<125008x128xf32, #tpu.memory_space<hbm>> -> memref<64x128xf32, #tpu.memory_space<hbm>>
      %dma_wait3A_286 = arith.constant 0 : i32
      %dma_wait3A_287 = arith.constant 0 : i32
      %dma_wait3A_288 = tpu.memref_slice %arg6[%dma_wait3A_277, %dma_wait3A_286, %dma_wait3A_287] : memref<2x64x128xf32, #tpu.memory_space<vmem>> -> memref<1x64x128xf32, #tpu.memory_space<vmem>>
      %dma_wait3A_289 = tpu.memref_squeeze %dma_wait3A_288 : memref<1x64x128xf32, #tpu.memory_space<vmem>> -> memref<64x128xf32, #tpu.memory_space<vmem>>
      tpu.wait_dma2 semaphore(%arg8 : memref<!tpu.dma_semaphore, #tpu.memory_space<semaphore_mem>>) src(%dma_wait3A_289 : memref<64x128xf32, #tpu.memory_space<vmem>>) dst(%dma_wait3A_285 : memref<64x128xf32, #tpu.memory_space<hbm>>)
    }
    %scan3A_6 = arith.constant 30 : i32
    %add3A_7 = arith.constant 60 : i32
    %add3A_8 = arith.addi %mul3A_2, %add3A_7 : i32
    %mul3A_9 = arith.constant 512 : i32
    %mul3A_10 = arith.muli %add3A_8, %mul3A_9 : i32
    %dma_start3A = arith.constant 0 : i32
    %dma_start3A_11 = arith.constant 0 : i32
    %dma_start3A_12 = arith.constant 0 : i32
    %dma_start3A_13 = tpu.memref_slice %arg5[%dma_start3A, %dma_start3A_11, %dma_start3A_12] : memref<2x16x512xf32, #tpu.memory_space<vmem>> -> memref<1x8x512xf32, #tpu.memory_space<vmem>>
    %dma_start3A_14 = tpu.memref_squeeze %dma_start3A_13 : memref<1x8x512xf32, #tpu.memory_space<vmem>> -> memref<8x512xf32, #tpu.memory_space<vmem>>
    %dma_start3A_15 = arith.constant 0 : i32
    %dma_start3A_16 = tpu.memref_slice %arg2[%dma_start3A_15, %mul3A_10] : memref<16x999987xf32, #tpu.memory_space<hbm>> -> memref<8x512xf32, #tpu.memory_space<hbm>>
    %dma_start3A_17 = arith.constant 0 : i32
    %dma_start3A_18 = arith.constant 0 : i32
    %dma_start3A_19 = tpu.memref_slice %arg5[%dma_start3A, %dma_start3A_17, %dma_start3A_18] : memref<2x16x512xf32, #tpu.memory_space<vmem>> -> memref<1x8x512xf32, #tpu.memory_space<vmem>>
    %dma_start3A_20 = tpu.memref_squeeze %dma_start3A_19 : memref<1x8x512xf32, #tpu.memory_space<vmem>> -> memref<8x512xf32, #tpu.memory_space<vmem>>
    %dma_start3A_21 = arith.constant 0 : i32
    %dma_start3A_22 = tpu.memref_slice %arg2[%dma_start3A_21, %mul3A_10] : memref<16x999987xf32, #tpu.memory_space<hbm>> -> memref<8x512xf32, #tpu.memory_space<hbm>>
    tpu.enqueue_dma source(%dma_start3A_22 : memref<8x512xf32, #tpu.memory_space<hbm>>) target(%dma_start3A_20 : memref<8x512xf32, #tpu.memory_space<vmem>>) target_semaphore(%arg7 : memref<!tpu.dma_semaphore, #tpu.memory_space<semaphore_mem>>)
    %dma_start3A_23 = arith.constant 0 : i32
    %dma_start3A_24 = arith.constant 8 : i32
    %dma_start3A_25 = arith.constant 0 : i32
    %dma_start3A_26 = tpu.memref_slice %arg5[%dma_start3A_23, %dma_start3A_24, %dma_start3A_25] : memref<2x16x512xf32, #tpu.memory_space<vmem>> -> memref<1x8x512xf32, #tpu.memory_space<vmem>>
    %dma_start3A_27 = tpu.memref_squeeze %dma_start3A_26 : memref<1x8x512xf32, #tpu.memory_space<vmem>> -> memref<8x512xf32, #tpu.memory_space<vmem>>
    %dma_start3A_28 = arith.constant 8 : i32
    %dma_start3A_29 = tpu.memref_slice %arg2[%dma_start3A_28, %mul3A_10] : memref<16x999987xf32, #tpu.memory_space<hbm>> -> memref<8x512xf32, #tpu.memory_space<hbm>>
    %dma_start3A_30 = arith.constant 8 : i32
    %dma_start3A_31 = arith.constant 0 : i32
    %dma_start3A_32 = tpu.memref_slice %arg5[%dma_start3A_23, %dma_start3A_30, %dma_start3A_31] : memref<2x16x512xf32, #tpu.memory_space<vmem>> -> memref<1x8x512xf32, #tpu.memory_space<vmem>>
    %dma_start3A_33 = tpu.memref_squeeze %dma_start3A_32 : memref<1x8x512xf32, #tpu.memory_space<vmem>> -> memref<8x512xf32, #tpu.memory_space<vmem>>
    %dma_start3A_34 = arith.constant 8 : i32
    %dma_start3A_35 = tpu.memref_slice %arg2[%dma_start3A_34, %mul3A_10] : memref<16x999987xf32, #tpu.memory_space<hbm>> -> memref<8x512xf32, #tpu.memory_space<hbm>>
    tpu.enqueue_dma source(%dma_start3A_35 : memref<8x512xf32, #tpu.memory_space<hbm>>) target(%dma_start3A_33 : memref<8x512xf32, #tpu.memory_space<vmem>>) target_semaphore(%arg7 : memref<!tpu.dma_semaphore, #tpu.memory_space<semaphore_mem>>)
    %dma_wait3A = arith.constant 0 : i32
    %dma_wait3A_36 = arith.constant 0 : i32
    %dma_wait3A_37 = arith.constant 0 : i32
    %dma_wait3A_38 = tpu.memref_slice %arg5[%dma_wait3A, %dma_wait3A_36, %dma_wait3A_37] : memref<2x16x512xf32, #tpu.memory_space<vmem>> -> memref<1x8x512xf32, #tpu.memory_space<vmem>>
    %dma_wait3A_39 = tpu.memref_squeeze %dma_wait3A_38 : memref<1x8x512xf32, #tpu.memory_space<vmem>> -> memref<8x512xf32, #tpu.memory_space<vmem>>
    %dma_wait3A_40 = arith.constant 0 : i32
    %dma_wait3A_41 = tpu.memref_slice %arg2[%dma_wait3A_40, %mul3A_10] : memref<16x999987xf32, #tpu.memory_space<hbm>> -> memref<8x512xf32, #tpu.memory_space<hbm>>
    %dma_wait3A_42 = arith.constant 0 : i32
    %dma_wait3A_43 = arith.constant 0 : i32
    %dma_wait3A_44 = tpu.memref_slice %arg5[%dma_wait3A, %dma_wait3A_42, %dma_wait3A_43] : memref<2x16x512xf32, #tpu.memory_space<vmem>> -> memref<1x8x512xf32, #tpu.memory_space<vmem>>
    %dma_wait3A_45 = tpu.memref_squeeze %dma_wait3A_44 : memref<1x8x512xf32, #tpu.memory_space<vmem>> -> memref<8x512xf32, #tpu.memory_space<vmem>>
    %dma_wait3A_46 = arith.constant 0 : i32
    %dma_wait3A_47 = tpu.memref_slice %arg2[%dma_wait3A_46, %mul3A_10] : memref<16x999987xf32, #tpu.memory_space<hbm>> -> memref<8x512xf32, #tpu.memory_space<hbm>>
    tpu.wait_dma2 semaphore(%arg7 : memref<!tpu.dma_semaphore, #tpu.memory_space<semaphore_mem>>) src(%dma_wait3A_47 : memref<8x512xf32, #tpu.memory_space<hbm>>) dst(%dma_wait3A_45 : memref<8x512xf32, #tpu.memory_space<vmem>>)
    %dma_wait3A_48 = arith.constant 0 : i32
    %dma_wait3A_49 = arith.constant 8 : i32
    %dma_wait3A_50 = arith.constant 0 : i32
    %dma_wait3A_51 = tpu.memref_slice %arg5[%dma_wait3A_48, %dma_wait3A_49, %dma_wait3A_50] : memref<2x16x512xf32, #tpu.memory_space<vmem>> -> memref<1x8x512xf32, #tpu.memory_space<vmem>>
    %dma_wait3A_52 = tpu.memref_squeeze %dma_wait3A_51 : memref<1x8x512xf32, #tpu.memory_space<vmem>> -> memref<8x512xf32, #tpu.memory_space<vmem>>
    %dma_wait3A_53 = arith.constant 8 : i32
    %dma_wait3A_54 = tpu.memref_slice %arg2[%dma_wait3A_53, %mul3A_10] : memref<16x999987xf32, #tpu.memory_space<hbm>> -> memref<8x512xf32, #tpu.memory_space<hbm>>
    %dma_wait3A_55 = arith.constant 8 : i32
    %dma_wait3A_56 = arith.constant 0 : i32
    %dma_wait3A_57 = tpu.memref_slice %arg5[%dma_wait3A_48, %dma_wait3A_55, %dma_wait3A_56] : memref<2x16x512xf32, #tpu.memory_space<vmem>> -> memref<1x8x512xf32, #tpu.memory_space<vmem>>
    %dma_wait3A_58 = tpu.memref_squeeze %dma_wait3A_57 : memref<1x8x512xf32, #tpu.memory_space<vmem>> -> memref<8x512xf32, #tpu.memory_space<vmem>>
    %dma_wait3A_59 = arith.constant 8 : i32
    %dma_wait3A_60 = tpu.memref_slice %arg2[%dma_wait3A_59, %mul3A_10] : memref<16x999987xf32, #tpu.memory_space<hbm>> -> memref<8x512xf32, #tpu.memory_space<hbm>>
    tpu.wait_dma2 semaphore(%arg7 : memref<!tpu.dma_semaphore, #tpu.memory_space<semaphore_mem>>) src(%dma_wait3A_60 : memref<8x512xf32, #tpu.memory_space<hbm>>) dst(%dma_wait3A_58 : memref<8x512xf32, #tpu.memory_space<vmem>>)
    %iota3A = tpu.iota {dimensions = array<i32: 0>} : vector<16xi32>
    %shift_right_logical3A = arith.constant 3 : i32
    %shift_right_logical3A_61 = vector.broadcast %shift_right_logical3A : i32 to vector<16xi32>
    %shift_right_logical3A_62 = arith.shrui %iota3A, %shift_right_logical3A_61 : vector<16xi32>
    %iota3A_63 = tpu.iota {dimensions = array<i32: 0>} : vector<16xi32>
    %rem3A = arith.constant 8 : i32
    %rem3A_64 = vector.broadcast %rem3A : i32 to vector<16xi32>
    %rem3A_65 = arith.remsi %iota3A_63, %rem3A_64 : vector<16xi32>
    %mul3A_66 = arith.constant 16 : i32
    %mul3A_67 = vector.broadcast %mul3A_66 : i32 to vector<16xi32>
    %mul3A_68 = arith.muli %rem3A_65, %mul3A_67 : vector<16xi32>
    %scan3A_69 = arith.constant 0 : i32
    %scan3A_70 = arith.constant 32 : i32
    %scan3A_71 = arith.addi %scan3A_69, %scan3A_70 : i32
    %scan3A_72 = arith.constant 1 : i32
    scf.for %scan3A_81 = %scan3A_69 to %scan3A_71 step %scan3A_72  : i32 {
      %mul3A_82 = arith.constant 1 : i32
      %mul3A_83 = arith.muli %scan3A_81, %mul3A_82 : i32
      %add3A_84 = arith.constant 0 : i32
      %add3A_85 = arith.addi %add3A_84, %mul3A_83 : i32
      %mul3A_86 = arith.constant 2 : i32
      %mul3A_87 = arith.muli %mul3A_86, %add3A_85 : i32
      %add3A_88 = vector.broadcast %mul3A_87 : i32 to vector<16xi32>
      %add3A_89 = arith.addi %add3A_88, %shift_right_logical3A_62 : vector<16xi32>
      %mul3A_90 = arith.constant 16 : i32
      %mul3A_91 = arith.muli %add3A_85, %mul3A_90 : i32
      %get3A = arith.constant 0 : i32
      %get3A_92 = arith.constant 0 : i32
      %get3A_93 = arith.index_cast %get3A : i32 to index
      %get3A_94 = arith.index_cast %get3A_92 : i32 to index
      %get3A_95 = arith.index_cast %mul3A_91 : i32 to index
      %get3A_96 = tpu.vector_load %arg5[%get3A_93, %get3A_94, %get3A_95] {strides = array<i32>} : memref<2x16x512xf32, #tpu.memory_space<vmem>>, vector<16xf32>,
      %add3A_97 = arith.constant 0 : i32
      %add3A_98 = vector.broadcast %add3A_97 : i32 to vector<16xi32>
      %add3A_99 = arith.addi %mul3A_68, %add3A_98 : vector<16xi32>
      %scatter3A = arith.constant 0 : i32
      %scatter3A_100 = arith.constant 0 : i32
      %scatter3A_101 = arith.constant 0 : i32
      %scatter3A_102 = tpu.memref_slice %arg6[%scatter3A, %scatter3A_100, %scatter3A_101] : memref<2x64x128xf32, #tpu.memory_space<vmem>> -> memref<1x64x128xf32, #tpu.memory_space<vmem>>
      %scatter3A_103 = tpu.memref_squeeze %scatter3A_102 : memref<1x64x128xf32, #tpu.memory_space<vmem>> -> memref<64x128xf32, #tpu.memory_space<vmem>>
      tpu.vector_store_idx %scatter3A_103[%add3A_89, %add3A_99], %get3A_96 : memref<64x128xf32, #tpu.memory_space<vmem>>[vector<16xi32>, vector<16xi32>], vector<16xf32>,
      %mul3A_104 = arith.constant 16 : i32
      %mul3A_105 = arith.muli %add3A_85, %mul3A_104 : i32
      %get3A_106 = arith.constant 0 : i32
      %get3A_107 = arith.constant 1 : i32
      %get3A_108 = arith.index_cast %get3A_106 : i32 to index
      %get3A_109 = arith.index_cast %get3A_107 : i32 to index
      %get3A_110 = arith.index_cast %mul3A_105 : i32 to index
      %get3A_111 = tpu.vector_load %arg5[%get3A_108, %get3A_109, %get3A_110] {strides = array<i32>} : memref<2x16x512xf32, #tpu.memory_space<vmem>>, vector<16xf32>,
      %add3A_112 = arith.constant 1 : i32
      %add3A_113 = vector.broadcast %add3A_112 : i32 to vector<16xi32>
      %add3A_114 = arith.addi %mul3A_68, %add3A_113 : vector<16xi32>
      %scatter3A_115 = arith.constant 0 : i32
      %scatter3A_116 = arith.constant 0 : i32
      %scatter3A_117 = arith.constant 0 : i32
      %scatter3A_118 = tpu.memref_slice %arg6[%scatter3A_115, %scatter3A_116, %scatter3A_117] : memref<2x64x128xf32, #tpu.memory_space<vmem>> -> memref<1x64x128xf32, #tpu.memory_space<vmem>>
      %scatter3A_119 = tpu.memref_squeeze %scatter3A_118 : memref<1x64x128xf32, #tpu.memory_space<vmem>> -> memref<64x128xf32, #tpu.memory_space<vmem>>
      tpu.vector_store_idx %scatter3A_119[%add3A_89, %add3A_114], %get3A_111 : memref<64x128xf32, #tpu.memory_space<vmem>>[vector<16xi32>, vector<16xi32>], vector<16xf32>,
      %mul3A_120 = arith.constant 16 : i32
      %mul3A_121 = arith.muli %add3A_85, %mul3A_120 : i32
      %get3A_122 = arith.constant 0 : i32
      %get3A_123 = arith.constant 2 : i32
      %get3A_124 = arith.index_cast %get3A_122 : i32 to index
      %get3A_125 = arith.index_cast %get3A_123 : i32 to index
      %get3A_126 = arith.index_cast %mul3A_121 : i32 to index
      %get3A_127 = tpu.vector_load %arg5[%get3A_124, %get3A_125, %get3A_126] {strides = array<i32>} : memref<2x16x512xf32, #tpu.memory_space<vmem>>, vector<16xf32>,
      %add3A_128 = arith.constant 2 : i32
      %add3A_129 = vector.broadcast %add3A_128 : i32 to vector<16xi32>
      %add3A_130 = arith.addi %mul3A_68, %add3A_129 : vector<16xi32>
      %scatter3A_131 = arith.constant 0 : i32
      %scatter3A_132 = arith.constant 0 : i32
      %scatter3A_133 = arith.constant 0 : i32
      %scatter3A_134 = tpu.memref_slice %arg6[%scatter3A_131, %scatter3A_132, %scatter3A_133] : memref<2x64x128xf32, #tpu.memory_space<vmem>> -> memref<1x64x128xf32, #tpu.memory_space<vmem>>
      %scatter3A_135 = tpu.memref_squeeze %scatter3A_134 : memref<1x64x128xf32, #tpu.memory_space<vmem>> -> memref<64x128xf32, #tpu.memory_space<vmem>>
      tpu.vector_store_idx %scatter3A_135[%add3A_89, %add3A_130], %get3A_127 : memref<64x128xf32, #tpu.memory_space<vmem>>[vector<16xi32>, vector<16xi32>], vector<16xf32>,
      %mul3A_136 = arith.constant 16 : i32
      %mul3A_137 = arith.muli %add3A_85, %mul3A_136 : i32
      %get3A_138 = arith.constant 0 : i32
      %get3A_139 = arith.constant 3 : i32
      %get3A_140 = arith.index_cast %get3A_138 : i32 to index
      %get3A_141 = arith.index_cast %get3A_139 : i32 to index
      %get3A_142 = arith.index_cast %mul3A_137 : i32 to index
      %get3A_143 = tpu.vector_load %arg5[%get3A_140, %get3A_141, %get3A_142] {strides = array<i32>} : memref<2x16x512xf32, #tpu.memory_space<vmem>>, vector<16xf32>,
      %add3A_144 = arith.constant 3 : i32
      %add3A_145 = vector.broadcast %add3A_144 : i32 to vector<16xi32>
      %add3A_146 = arith.addi %mul3A_68, %add3A_145 : vector<16xi32>
      %scatter3A_147 = arith.constant 0 : i32
      %scatter3A_148 = arith.constant 0 : i32
      %scatter3A_149 = arith.constant 0 : i32
      %scatter3A_150 = tpu.memref_slice %arg6[%scatter3A_147, %scatter3A_148, %scatter3A_149] : memref<2x64x128xf32, #tpu.memory_space<vmem>> -> memref<1x64x128xf32, #tpu.memory_space<vmem>>
      %scatter3A_151 = tpu.memref_squeeze %scatter3A_150 : memref<1x64x128xf32, #tpu.memory_space<vmem>> -> memref<64x128xf32, #tpu.memory_space<vmem>>
      tpu.vector_store_idx %scatter3A_151[%add3A_89, %add3A_146], %get3A_143 : memref<64x128xf32, #tpu.memory_space<vmem>>[vector<16xi32>, vector<16xi32>], vector<16xf32>,
      %mul3A_152 = arith.constant 16 : i32
      %mul3A_153 = arith.muli %add3A_85, %mul3A_152 : i32
      %get3A_154 = arith.constant 0 : i32
      %get3A_155 = arith.constant 4 : i32
      %get3A_156 = arith.index_cast %get3A_154 : i32 to index
      %get3A_157 = arith.index_cast %get3A_155 : i32 to index
      %get3A_158 = arith.index_cast %mul3A_153 : i32 to index
      %get3A_159 = tpu.vector_load %arg5[%get3A_156, %get3A_157, %get3A_158] {strides = array<i32>} : memref<2x16x512xf32, #tpu.memory_space<vmem>>, vector<16xf32>,
      %add3A_160 = arith.constant 4 : i32
      %add3A_161 = vector.broadcast %add3A_160 : i32 to vector<16xi32>
      %add3A_162 = arith.addi %mul3A_68, %add3A_161 : vector<16xi32>
      %scatter3A_163 = arith.constant 0 : i32
      %scatter3A_164 = arith.constant 0 : i32
      %scatter3A_165 = arith.constant 0 : i32
      %scatter3A_166 = tpu.memref_slice %arg6[%scatter3A_163, %scatter3A_164, %scatter3A_165] : memref<2x64x128xf32, #tpu.memory_space<vmem>> -> memref<1x64x128xf32, #tpu.memory_space<vmem>>
      %scatter3A_167 = tpu.memref_squeeze %scatter3A_166 : memref<1x64x128xf32, #tpu.memory_space<vmem>> -> memref<64x128xf32, #tpu.memory_space<vmem>>
      tpu.vector_store_idx %scatter3A_167[%add3A_89, %add3A_162], %get3A_159 : memref<64x128xf32, #tpu.memory_space<vmem>>[vector<16xi32>, vector<16xi32>], vector<16xf32>,
      %mul3A_168 = arith.constant 16 : i32
      %mul3A_169 = arith.muli %add3A_85, %mul3A_168 : i32
      %get3A_170 = arith.constant 0 : i32
      %get3A_171 = arith.constant 5 : i32
      %get3A_172 = arith.index_cast %get3A_170 : i32 to index
      %get3A_173 = arith.index_cast %get3A_171 : i32 to index
      %get3A_174 = arith.index_cast %mul3A_169 : i32 to index
      %get3A_175 = tpu.vector_load %arg5[%get3A_172, %get3A_173, %get3A_174] {strides = array<i32>} : memref<2x16x512xf32, #tpu.memory_space<vmem>>, vector<16xf32>,
      %add3A_176 = arith.constant 5 : i32
      %add3A_177 = vector.broadcast %add3A_176 : i32 to vector<16xi32>
      %add3A_178 = arith.addi %mul3A_68, %add3A_177 : vector<16xi32>
      %scatter3A_179 = arith.constant 0 : i32
      %scatter3A_180 = arith.constant 0 : i32
      %scatter3A_181 = arith.constant 0 : i32
      %scatter3A_182 = tpu.memref_slice %arg6[%scatter3A_179, %scatter3A_180, %scatter3A_181] : memref<2x64x128xf32, #tpu.memory_space<vmem>> -> memref<1x64x128xf32, #tpu.memory_space<vmem>>
      %scatter3A_183 = tpu.memref_squeeze %scatter3A_182 : memref<1x64x128xf32, #tpu.memory_space<vmem>> -> memref<64x128xf32, #tpu.memory_space<vmem>>
      tpu.vector_store_idx %scatter3A_183[%add3A_89, %add3A_178], %get3A_175 : memref<64x128xf32, #tpu.memory_space<vmem>>[vector<16xi32>, vector<16xi32>], vector<16xf32>,
      %mul3A_184 = arith.constant 16 : i32
      %mul3A_185 = arith.muli %add3A_85, %mul3A_184 : i32
      %get3A_186 = arith.constant 0 : i32
      %get3A_187 = arith.constant 6 : i32
      %get3A_188 = arith.index_cast %get3A_186 : i32 to index
      %get3A_189 = arith.index_cast %get3A_187 : i32 to index
      %get3A_190 = arith.index_cast %mul3A_185 : i32 to index
      %get3A_191 = tpu.vector_load %arg5[%get3A_188, %get3A_189, %get3A_190] {strides = array<i32>} : memref<2x16x512xf32, #tpu.memory_space<vmem>>, vector<16xf32>,
      %add3A_192 = arith.constant 6 : i32
      %add3A_193 = vector.broadcast %add3A_192 : i32 to vector<16xi32>
      %add3A_194 = arith.addi %mul3A_68, %add3A_193 : vector<16xi32>
      %scatter3A_195 = arith.constant 0 : i32
      %scatter3A_196 = arith.constant 0 : i32
      %scatter3A_197 = arith.constant 0 : i32
      %scatter3A_198 = tpu.memref_slice %arg6[%scatter3A_195, %scatter3A_196, %scatter3A_197] : memref<2x64x128xf32, #tpu.memory_space<vmem>> -> memref<1x64x128xf32, #tpu.memory_space<vmem>>
      %scatter3A_199 = tpu.memref_squeeze %scatter3A_198 : memref<1x64x128xf32, #tpu.memory_space<vmem>> -> memref<64x128xf32, #tpu.memory_space<vmem>>
      tpu.vector_store_idx %scatter3A_199[%add3A_89, %add3A_194], %get3A_191 : memref<64x128xf32, #tpu.memory_space<vmem>>[vector<16xi32>, vector<16xi32>], vector<16xf32>,
      %mul3A_200 = arith.constant 16 : i32
      %mul3A_201 = arith.muli %add3A_85, %mul3A_200 : i32
      %get3A_202 = arith.constant 0 : i32
      %get3A_203 = arith.constant 7 : i32
      %get3A_204 = arith.index_cast %get3A_202 : i32 to index
      %get3A_205 = arith.index_cast %get3A_203 : i32 to index
      %get3A_206 = arith.index_cast %mul3A_201 : i32 to index
      %get3A_207 = tpu.vector_load %arg5[%get3A_204, %get3A_205, %get3A_206] {strides = array<i32>} : memref<2x16x512xf32, #tpu.memory_space<vmem>>, vector<16xf32>,
      %add3A_208 = arith.constant 7 : i32
      %add3A_209 = vector.broadcast %add3A_208 : i32 to vector<16xi32>
      %add3A_210 = arith.addi %mul3A_68, %add3A_209 : vector<16xi32>
      %scatter3A_211 = arith.constant 0 : i32
      %scatter3A_212 = arith.constant 0 : i32
      %scatter3A_213 = arith.constant 0 : i32
      %scatter3A_214 = tpu.memref_slice %arg6[%scatter3A_211, %scatter3A_212, %scatter3A_213] : memref<2x64x128xf32, #tpu.memory_space<vmem>> -> memref<1x64x128xf32, #tpu.memory_space<vmem>>
      %scatter3A_215 = tpu.memref_squeeze %scatter3A_214 : memref<1x64x128xf32, #tpu.memory_space<vmem>> -> memref<64x128xf32, #tpu.memory_space<vmem>>
      tpu.vector_store_idx %scatter3A_215[%add3A_89, %add3A_210], %get3A_207 : memref<64x128xf32, #tpu.memory_space<vmem>>[vector<16xi32>, vector<16xi32>], vector<16xf32>,
      %mul3A_216 = arith.constant 16 : i32
      %mul3A_217 = arith.muli %add3A_85, %mul3A_216 : i32
      %get3A_218 = arith.constant 0 : i32
      %get3A_219 = arith.constant 8 : i32
      %get3A_220 = arith.index_cast %get3A_218 : i32 to index
      %get3A_221 = arith.index_cast %get3A_219 : i32 to index
      %get3A_222 = arith.index_cast %mul3A_217 : i32 to index
      %get3A_223 = tpu.vector_load %arg5[%get3A_220, %get3A_221, %get3A_222] {strides = array<i32>} : memref<2x16x512xf32, #tpu.memory_space<vmem>>, vector<16xf32>,
      %add3A_224 = arith.constant 8 : i32
      %add3A_225 = vector.broadcast %add3A_224 : i32 to vector<16xi32>
      %add3A_226 = arith.addi %mul3A_68, %add3A_225 : vector<16xi32>
      %scatter3A_227 = arith.constant 0 : i32
      %scatter3A_228 = arith.constant 0 : i32
      %scatter3A_229 = arith.constant 0 : i32
      %scatter3A_230 = tpu.memref_slice %arg6[%scatter3A_227, %scatter3A_228, %scatter3A_229] : memref<2x64x128xf32, #tpu.memory_space<vmem>> -> memref<1x64x128xf32, #tpu.memory_space<vmem>>
      %scatter3A_231 = tpu.memref_squeeze %scatter3A_230 : memref<1x64x128xf32, #tpu.memory_space<vmem>> -> memref<64x128xf32, #tpu.memory_space<vmem>>
      tpu.vector_store_idx %scatter3A_231[%add3A_89, %add3A_226], %get3A_223 : memref<64x128xf32, #tpu.memory_space<vmem>>[vector<16xi32>, vector<16xi32>], vector<16xf32>,
      %mul3A_232 = arith.constant 16 : i32
      %mul3A_233 = arith.muli %add3A_85, %mul3A_232 : i32
      %get3A_234 = arith.constant 0 : i32
      %get3A_235 = arith.constant 9 : i32
      %get3A_236 = arith.index_cast %get3A_234 : i32 to index
      %get3A_237 = arith.index_cast %get3A_235 : i32 to index
      %get3A_238 = arith.index_cast %mul3A_233 : i32 to index
      %get3A_239 = tpu.vector_load %arg5[%get3A_236, %get3A_237, %get3A_238] {strides = array<i32>} : memref<2x16x512xf32, #tpu.memory_space<vmem>>, vector<16xf32>,
      %add3A_240 = arith.constant 9 : i32
      %add3A_241 = vector.broadcast %add3A_240 : i32 to vector<16xi32>
      %add3A_242 = arith.addi %mul3A_68, %add3A_241 : vector<16xi32>
      %scatter3A_243 = arith.constant 0 : i32
      %scatter3A_244 = arith.constant 0 : i32
      %scatter3A_245 = arith.constant 0 : i32
      %scatter3A_246 = tpu.memref_slice %arg6[%scatter3A_243, %scatter3A_244, %scatter3A_245] : memref<2x64x128xf32, #tpu.memory_space<vmem>> -> memref<1x64x128xf32, #tpu.memory_space<vmem>>
      %scatter3A_247 = tpu.memref_squeeze %scatter3A_246 : memref<1x64x128xf32, #tpu.memory_space<vmem>> -> memref<64x128xf32, #tpu.memory_space<vmem>>
      tpu.vector_store_idx %scatter3A_247[%add3A_89, %add3A_242], %get3A_239 : memref<64x128xf32, #tpu.memory_space<vmem>>[vector<16xi32>, vector<16xi32>], vector<16xf32>,
      %mul3A_248 = arith.constant 16 : i32
      %mul3A_249 = arith.muli %add3A_85, %mul3A_248 : i32
      %get3A_250 = arith.constant 0 : i32
      %get3A_251 = arith.constant 10 : i32
      %get3A_252 = arith.index_cast %get3A_250 : i32 to index
      %get3A_253 = arith.index_cast %get3A_251 : i32 to index
      %get3A_254 = arith.index_cast %mul3A_249 : i32 to index
      %get3A_255 = tpu.vector_load %arg5[%get3A_252, %get3A_253, %get3A_254] {strides = array<i32>} : memref<2x16x512xf32, #tpu.memory_space<vmem>>, vector<16xf32>,
      %add3A_256 = arith.constant 10 : i32
      %add3A_257 = vector.broadcast %add3A_256 : i32 to vector<16xi32>
      %add3A_258 = arith.addi %mul3A_68, %add3A_257 : vector<16xi32>
      %scatter3A_259 = arith.constant 0 : i32
      %scatter3A_260 = arith.constant 0 : i32
      %scatter3A_261 = arith.constant 0 : i32
      %scatter3A_262 = tpu.memref_slice %arg6[%scatter3A_259, %scatter3A_260, %scatter3A_261] : memref<2x64x128xf32, #tpu.memory_space<vmem>> -> memref<1x64x128xf32, #tpu.memory_space<vmem>>
      %scatter3A_263 = tpu.memref_squeeze %scatter3A_262 : memref<1x64x128xf32, #tpu.memory_space<vmem>> -> memref<64x128xf32, #tpu.memory_space<vmem>>
      tpu.vector_store_idx %scatter3A_263[%add3A_89, %add3A_258], %get3A_255 : memref<64x128xf32, #tpu.memory_space<vmem>>[vector<16xi32>, vector<16xi32>], vector<16xf32>,
      %mul3A_264 = arith.constant 16 : i32
      %mul3A_265 = arith.muli %add3A_85, %mul3A_264 : i32
      %get3A_266 = arith.constant 0 : i32
      %get3A_267 = arith.constant 11 : i32
      %get3A_268 = arith.index_cast %get3A_266 : i32 to index
      %get3A_269 = arith.index_cast %get3A_267 : i32 to index
      %get3A_270 = arith.index_cast %mul3A_265 : i32 to index
      %get3A_271 = tpu.vector_load %arg5[%get3A_268, %get3A_269, %get3A_270] {strides = array<i32>} : memref<2x16x512xf32, #tpu.memory_space<vmem>>, vector<16xf32>,
      %add3A_272 = arith.constant 11 : i32
      %add3A_273 = vector.broadcast %add3A_272 : i32 to vector<16xi32>
      %add3A_274 = arith.addi %mul3A_68, %add3A_273 : vector<16xi32>
      %scatter3A_275 = arith.constant 0 : i32
      %scatter3A_276 = arith.constant 0 : i32
      %scatter3A_277 = arith.constant 0 : i32
      %scatter3A_278 = tpu.memref_slice %arg6[%scatter3A_275, %scatter3A_276, %scatter3A_277] : memref<2x64x128xf32, #tpu.memory_space<vmem>> -> memref<1x64x128xf32, #tpu.memory_space<vmem>>
      %scatter3A_279 = tpu.memref_squeeze %scatter3A_278 : memref<1x64x128xf32, #tpu.memory_space<vmem>> -> memref<64x128xf32, #tpu.memory_space<vmem>>
      tpu.vector_store_idx %scatter3A_279[%add3A_89, %add3A_274], %get3A_271 : memref<64x128xf32, #tpu.memory_space<vmem>>[vector<16xi32>, vector<16xi32>], vector<16xf32>,
      %mul3A_280 = arith.constant 16 : i32
      %mul3A_281 = arith.muli %add3A_85, %mul3A_280 : i32
      %get3A_282 = arith.constant 0 : i32
      %get3A_283 = arith.constant 12 : i32
      %get3A_284 = arith.index_cast %get3A_282 : i32 to index
      %get3A_285 = arith.index_cast %get3A_283 : i32 to index
      %get3A_286 = arith.index_cast %mul3A_281 : i32 to index
      %get3A_287 = tpu.vector_load %arg5[%get3A_284, %get3A_285, %get3A_286] {strides = array<i32>} : memref<2x16x512xf32, #tpu.memory_space<vmem>>, vector<16xf32>,
      %add3A_288 = arith.constant 12 : i32
      %add3A_289 = vector.broadcast %add3A_288 : i32 to vector<16xi32>
      %add3A_290 = arith.addi %mul3A_68, %add3A_289 : vector<16xi32>
      %scatter3A_291 = arith.constant 0 : i32
      %scatter3A_292 = arith.constant 0 : i32
      %scatter3A_293 = arith.constant 0 : i32
      %scatter3A_294 = tpu.memref_slice %arg6[%scatter3A_291, %scatter3A_292, %scatter3A_293] : memref<2x64x128xf32, #tpu.memory_space<vmem>> -> memref<1x64x128xf32, #tpu.memory_space<vmem>>
      %scatter3A_295 = tpu.memref_squeeze %scatter3A_294 : memref<1x64x128xf32, #tpu.memory_space<vmem>> -> memref<64x128xf32, #tpu.memory_space<vmem>>
      tpu.vector_store_idx %scatter3A_295[%add3A_89, %add3A_290], %get3A_287 : memref<64x128xf32, #tpu.memory_space<vmem>>[vector<16xi32>, vector<16xi32>], vector<16xf32>,
      %mul3A_296 = arith.constant 16 : i32
      %mul3A_297 = arith.muli %add3A_85, %mul3A_296 : i32
      %get3A_298 = arith.constant 0 : i32
      %get3A_299 = arith.constant 13 : i32
      %get3A_300 = arith.index_cast %get3A_298 : i32 to index
      %get3A_301 = arith.index_cast %get3A_299 : i32 to index
      %get3A_302 = arith.index_cast %mul3A_297 : i32 to index
      %get3A_303 = tpu.vector_load %arg5[%get3A_300, %get3A_301, %get3A_302] {strides = array<i32>} : memref<2x16x512xf32, #tpu.memory_space<vmem>>, vector<16xf32>,
      %add3A_304 = arith.constant 13 : i32
      %add3A_305 = vector.broadcast %add3A_304 : i32 to vector<16xi32>
      %add3A_306 = arith.addi %mul3A_68, %add3A_305 : vector<16xi32>
      %scatter3A_307 = arith.constant 0 : i32
      %scatter3A_308 = arith.constant 0 : i32
      %scatter3A_309 = arith.constant 0 : i32
      %scatter3A_310 = tpu.memref_slice %arg6[%scatter3A_307, %scatter3A_308, %scatter3A_309] : memref<2x64x128xf32, #tpu.memory_space<vmem>> -> memref<1x64x128xf32, #tpu.memory_space<vmem>>
      %scatter3A_311 = tpu.memref_squeeze %scatter3A_310 : memref<1x64x128xf32, #tpu.memory_space<vmem>> -> memref<64x128xf32, #tpu.memory_space<vmem>>
      tpu.vector_store_idx %scatter3A_311[%add3A_89, %add3A_306], %get3A_303 : memref<64x128xf32, #tpu.memory_space<vmem>>[vector<16xi32>, vector<16xi32>], vector<16xf32>,
      %mul3A_312 = arith.constant 16 : i32
      %mul3A_313 = arith.muli %add3A_85, %mul3A_312 : i32
      %get3A_314 = arith.constant 0 : i32
      %get3A_315 = arith.constant 14 : i32
      %get3A_316 = arith.index_cast %get3A_314 : i32 to index
      %get3A_317 = arith.index_cast %get3A_315 : i32 to index
      %get3A_318 = arith.index_cast %mul3A_313 : i32 to index
      %get3A_319 = tpu.vector_load %arg5[%get3A_316, %get3A_317, %get3A_318] {strides = array<i32>} : memref<2x16x512xf32, #tpu.memory_space<vmem>>, vector<16xf32>,
      %add3A_320 = arith.constant 14 : i32
      %add3A_321 = vector.broadcast %add3A_320 : i32 to vector<16xi32>
      %add3A_322 = arith.addi %mul3A_68, %add3A_321 : vector<16xi32>
      %scatter3A_323 = arith.constant 0 : i32
      %scatter3A_324 = arith.constant 0 : i32
      %scatter3A_325 = arith.constant 0 : i32
      %scatter3A_326 = tpu.memref_slice %arg6[%scatter3A_323, %scatter3A_324, %scatter3A_325] : memref<2x64x128xf32, #tpu.memory_space<vmem>> -> memref<1x64x128xf32, #tpu.memory_space<vmem>>
      %scatter3A_327 = tpu.memref_squeeze %scatter3A_326 : memref<1x64x128xf32, #tpu.memory_space<vmem>> -> memref<64x128xf32, #tpu.memory_space<vmem>>
      tpu.vector_store_idx %scatter3A_327[%add3A_89, %add3A_322], %get3A_319 : memref<64x128xf32, #tpu.memory_space<vmem>>[vector<16xi32>, vector<16xi32>], vector<16xf32>,
      %mul3A_328 = arith.constant 16 : i32
      %mul3A_329 = arith.muli %add3A_85, %mul3A_328 : i32
      %get3A_330 = arith.constant 0 : i32
      %get3A_331 = arith.constant 15 : i32
      %get3A_332 = arith.index_cast %get3A_330 : i32 to index
      %get3A_333 = arith.index_cast %get3A_331 : i32 to index
      %get3A_334 = arith.index_cast %mul3A_329 : i32 to index
      %get3A_335 = tpu.vector_load %arg5[%get3A_332, %get3A_333, %get3A_334] {strides = array<i32>} : memref<2x16x512xf32, #tpu.memory_space<vmem>>, vector<16xf32>,
      %add3A_336 = arith.constant 15 : i32
      %add3A_337 = vector.broadcast %add3A_336 : i32 to vector<16xi32>
      %add3A_338 = arith.addi %mul3A_68, %add3A_337 : vector<16xi32>
      %scatter3A_339 = arith.constant 0 : i32
      %scatter3A_340 = arith.constant 0 : i32
      %scatter3A_341 = arith.constant 0 : i32
      %scatter3A_342 = tpu.memref_slice %arg6[%scatter3A_339, %scatter3A_340, %scatter3A_341] : memref<2x64x128xf32, #tpu.memory_space<vmem>> -> memref<1x64x128xf32, #tpu.memory_space<vmem>>
      %scatter3A_343 = tpu.memref_squeeze %scatter3A_342 : memref<1x64x128xf32, #tpu.memory_space<vmem>> -> memref<64x128xf32, #tpu.memory_space<vmem>>
      tpu.vector_store_idx %scatter3A_343[%add3A_89, %add3A_338], %get3A_335 : memref<64x128xf32, #tpu.memory_space<vmem>>[vector<16xi32>, vector<16xi32>], vector<16xf32>,
    }
    %scan3A_73 = arith.constant 32 : i32
    %add3A_74 = arith.constant 61 : i32
    %add3A_75 = arith.addi %mul3A_2, %add3A_74 : i32
    %sub3A = arith.constant 1 : i32
    %sub3A_76 = arith.subi %add3A_75, %sub3A : i32
    %mul3A_77 = arith.constant 64 : i32
    %mul3A_78 = arith.muli %sub3A_76, %mul3A_77 : i32
    %run_scoped3A = arith.constant 0 : i32
    "tpu.region"() ({
      %run_scoped3A_81 = tpu.sem_alloc : memref<!tpu.dma_semaphore, #tpu.memory_space<semaphore_mem>>
      %dma_start3A_82 = arith.constant 0 : i32
      %dma_start3A_83 = arith.constant 0 : i32
      %dma_start3A_84 = tpu.memref_slice %arg6[%run_scoped3A, %dma_start3A_82, %dma_start3A_83] : memref<2x64x128xf32, #tpu.memory_space<vmem>> -> memref<1x64x128xf32, #tpu.memory_space<vmem>>
      %dma_start3A_85 = tpu.memref_squeeze %dma_start3A_84 : memref<1x64x128xf32, #tpu.memory_space<vmem>> -> memref<64x128xf32, #tpu.memory_space<vmem>>
      %dma_start3A_86 = arith.constant 0 : i32
      %dma_start3A_87 = tpu.memref_slice %arg4[%mul3A_78, %dma_start3A_86] : memref<125008x128xf32, #tpu.memory_space<hbm>> -> memref<64x128xf32, #tpu.memory_space<hbm>>
      %dma_start3A_88 = arith.constant 0 : i32
      %dma_start3A_89 = tpu.memref_slice %arg4[%mul3A_78, %dma_start3A_88] : memref<125008x128xf32, #tpu.memory_space<hbm>> -> memref<64x128xf32, #tpu.memory_space<hbm>>
      %dma_start3A_90 = arith.constant 0 : i32
      %dma_start3A_91 = arith.constant 0 : i32
      %dma_start3A_92 = tpu.memref_slice %arg6[%run_scoped3A, %dma_start3A_90, %dma_start3A_91] : memref<2x64x128xf32, #tpu.memory_space<vmem>> -> memref<1x64x128xf32, #tpu.memory_space<vmem>>
      %dma_start3A_93 = tpu.memref_squeeze %dma_start3A_92 : memref<1x64x128xf32, #tpu.memory_space<vmem>> -> memref<64x128xf32, #tpu.memory_space<vmem>>
      tpu.enqueue_dma source(%dma_start3A_93 : memref<64x128xf32, #tpu.memory_space<vmem>>) target(%dma_start3A_89 : memref<64x128xf32, #tpu.memory_space<hbm>>) target_semaphore(%run_scoped3A_81 : memref<!tpu.dma_semaphore, #tpu.memory_space<semaphore_mem>>)
      %dma_wait3A_94 = arith.constant 0 : i32
      %dma_wait3A_95 = arith.constant 0 : i32
      %dma_wait3A_96 = tpu.memref_slice %arg6[%run_scoped3A, %dma_wait3A_94, %dma_wait3A_95] : memref<2x64x128xf32, #tpu.memory_space<vmem>> -> memref<1x64x128xf32, #tpu.memory_space<vmem>>
      %dma_wait3A_97 = tpu.memref_squeeze %dma_wait3A_96 : memref<1x64x128xf32, #tpu.memory_space<vmem>> -> memref<64x128xf32, #tpu.memory_space<vmem>>
      %dma_wait3A_98 = arith.constant 0 : i32
      %dma_wait3A_99 = tpu.memref_slice %arg4[%mul3A_78, %dma_wait3A_98] : memref<125008x128xf32, #tpu.memory_space<hbm>> -> memref<64x128xf32, #tpu.memory_space<hbm>>
      %dma_wait3A_100 = arith.constant 0 : i32
      %dma_wait3A_101 = tpu.memref_slice %arg4[%mul3A_78, %dma_wait3A_100] : memref<125008x128xf32, #tpu.memory_space<hbm>> -> memref<64x128xf32, #tpu.memory_space<hbm>>
      %dma_wait3A_102 = arith.constant 0 : i32
      %dma_wait3A_103 = arith.constant 0 : i32
      %dma_wait3A_104 = tpu.memref_slice %arg6[%run_scoped3A, %dma_wait3A_102, %dma_wait3A_103] : memref<2x64x128xf32, #tpu.memory_space<vmem>> -> memref<1x64x128xf32, #tpu.memory_space<vmem>>
      %dma_wait3A_105 = tpu.memref_squeeze %dma_wait3A_104 : memref<1x64x128xf32, #tpu.memory_space<vmem>> -> memref<64x128xf32, #tpu.memory_space<vmem>>
      tpu.wait_dma2 semaphore(%run_scoped3A_81 : memref<!tpu.dma_semaphore, #tpu.memory_space<semaphore_mem>>) src(%dma_wait3A_105 : memref<64x128xf32, #tpu.memory_space<vmem>>) dst(%dma_wait3A_101 : memref<64x128xf32, #tpu.memory_space<hbm>>)
      tpu.yield
    }) : () -> ()
    %eq3A = arith.constant 31 : i32
    %eq3A_79 = arith.cmpi eq, %add3A, %eq3A : i32
    %convert_element_type3A = arith.extui %eq3A_79 : i1 to i32
    %cond3A = arith.constant 0 : i32
    %cond3A_80 = arith.cmpi ne, %convert_element_type3A, %cond3A : i32
    scf.if %cond3A_80 {
      %run_scoped3A_81 = arith.constant 0 : i32
      "tpu.region"() ({
        %run_scoped3A_102 = tpu.sem_alloc : memref<!tpu.dma_semaphore, #tpu.memory_space<semaphore_mem>>
        %dma_start3A_103 = arith.constant 0 : i32
        %dma_start3A_104 = arith.constant 0 : i32
        %dma_start3A_105 = tpu.memref_slice %arg5[%run_scoped3A_81, %dma_start3A_103, %dma_start3A_104] : memref<2x16x512xf32, #tpu.memory_space<vmem>> -> memref<1x8x512xf32, #tpu.memory_space<vmem>>
        %dma_start3A_106 = tpu.memref_squeeze %dma_start3A_105 : memref<1x8x512xf32, #tpu.memory_space<vmem>> -> memref<8x512xf32, #tpu.memory_space<vmem>>
        %dma_start3A_107 = arith.constant 0 : i32
        %dma_start3A_108 = arith.constant 999424 : i32
        %dma_start3A_109 = tpu.memref_slice %arg2[%dma_start3A_107, %dma_start3A_108] : memref<16x999987xf32, #tpu.memory_space<hbm>> -> memref<8x512xf32, #tpu.memory_space<hbm>>
        %dma_start3A_110 = arith.constant 0 : i32
        %dma_start3A_111 = arith.constant 0 : i32
        %dma_start3A_112 = tpu.memref_slice %arg5[%run_scoped3A_81, %dma_start3A_110, %dma_start3A_111] : memref<2x16x512xf32, #tpu.memory_space<vmem>> -> memref<1x8x512xf32, #tpu.memory_space<vmem>>
        %dma_start3A_113 = tpu.memref_squeeze %dma_start3A_112 : memref<1x8x512xf32, #tpu.memory_space<vmem>> -> memref<8x512xf32, #tpu.memory_space<vmem>>
        %dma_start3A_114 = arith.constant 0 : i32
        %dma_start3A_115 = arith.constant 999424 : i32
        %dma_start3A_116 = tpu.memref_slice %arg2[%dma_start3A_114, %dma_start3A_115] : memref<16x999987xf32, #tpu.memory_space<hbm>> -> memref<8x512xf32, #tpu.memory_space<hbm>>
        tpu.enqueue_dma source(%dma_start3A_116 : memref<8x512xf32, #tpu.memory_space<hbm>>) target(%dma_start3A_113 : memref<8x512xf32, #tpu.memory_space<vmem>>) target_semaphore(%run_scoped3A_102 : memref<!tpu.dma_semaphore, #tpu.memory_space<semaphore_mem>>)
        %dma_wait3A_117 = arith.constant 0 : i32
        %dma_wait3A_118 = arith.constant 0 : i32
        %dma_wait3A_119 = tpu.memref_slice %arg5[%run_scoped3A_81, %dma_wait3A_117, %dma_wait3A_118] : memref<2x16x512xf32, #tpu.memory_space<vmem>> -> memref<1x8x512xf32, #tpu.memory_space<vmem>>
        %dma_wait3A_120 = tpu.memref_squeeze %dma_wait3A_119 : memref<1x8x512xf32, #tpu.memory_space<vmem>> -> memref<8x512xf32, #tpu.memory_space<vmem>>
        %dma_wait3A_121 = arith.constant 0 : i32
        %dma_wait3A_122 = arith.constant 999424 : i32
        %dma_wait3A_123 = tpu.memref_slice %arg2[%dma_wait3A_121, %dma_wait3A_122] : memref<16x999987xf32, #tpu.memory_space<hbm>> -> memref<8x512xf32, #tpu.memory_space<hbm>>
        %dma_wait3A_124 = arith.constant 0 : i32
        %dma_wait3A_125 = arith.constant 0 : i32
        %dma_wait3A_126 = tpu.memref_slice %arg5[%run_scoped3A_81, %dma_wait3A_124, %dma_wait3A_125] : memref<2x16x512xf32, #tpu.memory_space<vmem>> -> memref<1x8x512xf32, #tpu.memory_space<vmem>>
        %dma_wait3A_127 = tpu.memref_squeeze %dma_wait3A_126 : memref<1x8x512xf32, #tpu.memory_space<vmem>> -> memref<8x512xf32, #tpu.memory_space<vmem>>
        %dma_wait3A_128 = arith.constant 0 : i32
        %dma_wait3A_129 = arith.constant 999424 : i32
        %dma_wait3A_130 = tpu.memref_slice %arg2[%dma_wait3A_128, %dma_wait3A_129] : memref<16x999987xf32, #tpu.memory_space<hbm>> -> memref<8x512xf32, #tpu.memory_space<hbm>>
        tpu.wait_dma2 semaphore(%run_scoped3A_102 : memref<!tpu.dma_semaphore, #tpu.memory_space<semaphore_mem>>) src(%dma_wait3A_130 : memref<8x512xf32, #tpu.memory_space<hbm>>) dst(%dma_wait3A_127 : memref<8x512xf32, #tpu.memory_space<vmem>>)
        tpu.yield
      }) : () -> ()
      %run_scoped3A_82 = arith.constant 0 : i32
      "tpu.region"() ({
        %run_scoped3A_102 = tpu.sem_alloc : memref<!tpu.dma_semaphore, #tpu.memory_space<semaphore_mem>>
        %dma_start3A_103 = arith.constant 8 : i32
        %dma_start3A_104 = arith.constant 0 : i32
        %dma_start3A_105 = tpu.memref_slice %arg5[%run_scoped3A_82, %dma_start3A_103, %dma_start3A_104] : memref<2x16x512xf32, #tpu.memory_space<vmem>> -> memref<1x8x512xf32, #tpu.memory_space<vmem>>
        %dma_start3A_106 = tpu.memref_squeeze %dma_start3A_105 : memref<1x8x512xf32, #tpu.memory_space<vmem>> -> memref<8x512xf32, #tpu.memory_space<vmem>>
        %dma_start3A_107 = arith.constant 8 : i32
        %dma_start3A_108 = arith.constant 999424 : i32
        %dma_start3A_109 = tpu.memref_slice %arg2[%dma_start3A_107, %dma_start3A_108] : memref<16x999987xf32, #tpu.memory_space<hbm>> -> memref<8x512xf32, #tpu.memory_space<hbm>>
        %dma_start3A_110 = arith.constant 8 : i32
        %dma_start3A_111 = arith.constant 0 : i32
        %dma_start3A_112 = tpu.memref_slice %arg5[%run_scoped3A_82, %dma_start3A_110, %dma_start3A_111] : memref<2x16x512xf32, #tpu.memory_space<vmem>> -> memref<1x8x512xf32, #tpu.memory_space<vmem>>
        %dma_start3A_113 = tpu.memref_squeeze %dma_start3A_112 : memref<1x8x512xf32, #tpu.memory_space<vmem>> -> memref<8x512xf32, #tpu.memory_space<vmem>>
        %dma_start3A_114 = arith.constant 8 : i32
        %dma_start3A_115 = arith.constant 999424 : i32
        %dma_start3A_116 = tpu.memref_slice %arg2[%dma_start3A_114, %dma_start3A_115] : memref<16x999987xf32, #tpu.memory_space<hbm>> -> memref<8x512xf32, #tpu.memory_space<hbm>>
        tpu.enqueue_dma source(%dma_start3A_116 : memref<8x512xf32, #tpu.memory_space<hbm>>) target(%dma_start3A_113 : memref<8x512xf32, #tpu.memory_space<vmem>>) target_semaphore(%run_scoped3A_102 : memref<!tpu.dma_semaphore, #tpu.memory_space<semaphore_mem>>)
        %dma_wait3A_117 = arith.constant 8 : i32
        %dma_wait3A_118 = arith.constant 0 : i32
        %dma_wait3A_119 = tpu.memref_slice %arg5[%run_scoped3A_82, %dma_wait3A_117, %dma_wait3A_118] : memref<2x16x512xf32, #tpu.memory_space<vmem>> -> memref<1x8x512xf32, #tpu.memory_space<vmem>>
        %dma_wait3A_120 = tpu.memref_squeeze %dma_wait3A_119 : memref<1x8x512xf32, #tpu.memory_space<vmem>> -> memref<8x512xf32, #tpu.memory_space<vmem>>
        %dma_wait3A_121 = arith.constant 8 : i32
        %dma_wait3A_122 = arith.constant 999424 : i32
        %dma_wait3A_123 = tpu.memref_slice %arg2[%dma_wait3A_121, %dma_wait3A_122] : memref<16x999987xf32, #tpu.memory_space<hbm>> -> memref<8x512xf32, #tpu.memory_space<hbm>>
        %dma_wait3A_124 = arith.constant 8 : i32
        %dma_wait3A_125 = arith.constant 0 : i32
        %dma_wait3A_126 = tpu.memref_slice %arg5[%run_scoped3A_82, %dma_wait3A_124, %dma_wait3A_125] : memref<2x16x512xf32, #tpu.memory_space<vmem>> -> memref<1x8x512xf32, #tpu.memory_space<vmem>>
        %dma_wait3A_127 = tpu.memref_squeeze %dma_wait3A_126 : memref<1x8x512xf32, #tpu.memory_space<vmem>> -> memref<8x512xf32, #tpu.memory_space<vmem>>
        %dma_wait3A_128 = arith.constant 8 : i32
        %dma_wait3A_129 = arith.constant 999424 : i32
        %dma_wait3A_130 = tpu.memref_slice %arg2[%dma_wait3A_128, %dma_wait3A_129] : memref<16x999987xf32, #tpu.memory_space<hbm>> -> memref<8x512xf32, #tpu.memory_space<hbm>>
        tpu.wait_dma2 semaphore(%run_scoped3A_102 : memref<!tpu.dma_semaphore, #tpu.memory_space<semaphore_mem>>) src(%dma_wait3A_130 : memref<8x512xf32, #tpu.memory_space<hbm>>) dst(%dma_wait3A_127 : memref<8x512xf32, #tpu.memory_space<vmem>>)
        tpu.yield
      }) : () -> ()
      %iota3A_83 = tpu.iota {dimensions = array<i32: 0>} : vector<16xi32>
      %shift_right_logical3A_84 = arith.constant 3 : i32
      %shift_right_logical3A_85 = vector.broadcast %shift_right_logical3A_84 : i32 to vector<16xi32>
      %shift_right_logical3A_86 = arith.shrui %iota3A_83, %shift_right_logical3A_85 : vector<16xi32>
      %iota3A_87 = tpu.iota {dimensions = array<i32: 0>} : vector<16xi32>
      %rem3A_88 = arith.constant 8 : i32
      %rem3A_89 = vector.broadcast %rem3A_88 : i32 to vector<16xi32>
      %rem3A_90 = arith.remsi %iota3A_87, %rem3A_89 : vector<16xi32>
      %mul3A_91 = arith.constant 16 : i32
      %mul3A_92 = vector.broadcast %mul3A_91 : i32 to vector<16xi32>
      %mul3A_93 = arith.muli %rem3A_90, %mul3A_92 : vector<16xi32>
      %scan3A_94 = arith.constant 0 : i32
      %scan3A_95 = arith.constant 32 : i32
      %scan3A_96 = arith.addi %scan3A_94, %scan3A_95 : i32
      %scan3A_97 = arith.constant 1 : i32
      scf.for %scan3A_102 = %scan3A_94 to %scan3A_96 step %scan3A_97  : i32 {
        %mul3A_103 = arith.constant 1 : i32
        %mul3A_104 = arith.muli %scan3A_102, %mul3A_103 : i32
        %add3A_105 = arith.constant 0 : i32
        %add3A_106 = arith.addi %add3A_105, %mul3A_104 : i32
        %mul3A_107 = arith.constant 2 : i32
        %mul3A_108 = arith.muli %mul3A_107, %add3A_106 : i32
        %add3A_109 = vector.broadcast %mul3A_108 : i32 to vector<16xi32>
        %add3A_110 = arith.addi %add3A_109, %shift_right_logical3A_86 : vector<16xi32>
        %mul3A_111 = arith.constant 16 : i32
        %mul3A_112 = arith.muli %add3A_106, %mul3A_111 : i32
        %get3A = arith.constant 0 : i32
        %get3A_113 = arith.constant 0 : i32
        %get3A_114 = arith.index_cast %get3A : i32 to index
        %get3A_115 = arith.index_cast %get3A_113 : i32 to index
        %get3A_116 = arith.index_cast %mul3A_112 : i32 to index
        %get3A_117 = tpu.vector_load %arg5[%get3A_114, %get3A_115, %get3A_116] {strides = array<i32>} : memref<2x16x512xf32, #tpu.memory_space<vmem>>, vector<16xf32>,
        %add3A_118 = arith.constant 0 : i32
        %add3A_119 = vector.broadcast %add3A_118 : i32 to vector<16xi32>
        %add3A_120 = arith.addi %mul3A_93, %add3A_119 : vector<16xi32>
        %scatter3A = arith.constant 0 : i32
        %scatter3A_121 = arith.constant 0 : i32
        %scatter3A_122 = arith.constant 0 : i32
        %scatter3A_123 = tpu.memref_slice %arg6[%scatter3A, %scatter3A_121, %scatter3A_122] : memref<2x64x128xf32, #tpu.memory_space<vmem>> -> memref<1x64x128xf32, #tpu.memory_space<vmem>>
        %scatter3A_124 = tpu.memref_squeeze %scatter3A_123 : memref<1x64x128xf32, #tpu.memory_space<vmem>> -> memref<64x128xf32, #tpu.memory_space<vmem>>
        tpu.vector_store_idx %scatter3A_124[%add3A_110, %add3A_120], %get3A_117 : memref<64x128xf32, #tpu.memory_space<vmem>>[vector<16xi32>, vector<16xi32>], vector<16xf32>,
        %mul3A_125 = arith.constant 16 : i32
        %mul3A_126 = arith.muli %add3A_106, %mul3A_125 : i32
        %get3A_127 = arith.constant 0 : i32
        %get3A_128 = arith.constant 1 : i32
        %get3A_129 = arith.index_cast %get3A_127 : i32 to index
        %get3A_130 = arith.index_cast %get3A_128 : i32 to index
        %get3A_131 = arith.index_cast %mul3A_126 : i32 to index
        %get3A_132 = tpu.vector_load %arg5[%get3A_129, %get3A_130, %get3A_131] {strides = array<i32>} : memref<2x16x512xf32, #tpu.memory_space<vmem>>, vector<16xf32>,
        %add3A_133 = arith.constant 1 : i32
        %add3A_134 = vector.broadcast %add3A_133 : i32 to vector<16xi32>
        %add3A_135 = arith.addi %mul3A_93, %add3A_134 : vector<16xi32>
        %scatter3A_136 = arith.constant 0 : i32
        %scatter3A_137 = arith.constant 0 : i32
        %scatter3A_138 = arith.constant 0 : i32
        %scatter3A_139 = tpu.memref_slice %arg6[%scatter3A_136, %scatter3A_137, %scatter3A_138] : memref<2x64x128xf32, #tpu.memory_space<vmem>> -> memref<1x64x128xf32, #tpu.memory_space<vmem>>
        %scatter3A_140 = tpu.memref_squeeze %scatter3A_139 : memref<1x64x128xf32, #tpu.memory_space<vmem>> -> memref<64x128xf32, #tpu.memory_space<vmem>>
        tpu.vector_store_idx %scatter3A_140[%add3A_110, %add3A_135], %get3A_132 : memref<64x128xf32, #tpu.memory_space<vmem>>[vector<16xi32>, vector<16xi32>], vector<16xf32>,
        %mul3A_141 = arith.constant 16 : i32
        %mul3A_142 = arith.muli %add3A_106, %mul3A_141 : i32
        %get3A_143 = arith.constant 0 : i32
        %get3A_144 = arith.constant 2 : i32
        %get3A_145 = arith.index_cast %get3A_143 : i32 to index
        %get3A_146 = arith.index_cast %get3A_144 : i32 to index
        %get3A_147 = arith.index_cast %mul3A_142 : i32 to index
        %get3A_148 = tpu.vector_load %arg5[%get3A_145, %get3A_146, %get3A_147] {strides = array<i32>} : memref<2x16x512xf32, #tpu.memory_space<vmem>>, vector<16xf32>,
        %add3A_149 = arith.constant 2 : i32
        %add3A_150 = vector.broadcast %add3A_149 : i32 to vector<16xi32>
        %add3A_151 = arith.addi %mul3A_93, %add3A_150 : vector<16xi32>
        %scatter3A_152 = arith.constant 0 : i32
        %scatter3A_153 = arith.constant 0 : i32
        %scatter3A_154 = arith.constant 0 : i32
        %scatter3A_155 = tpu.memref_slice %arg6[%scatter3A_152, %scatter3A_153, %scatter3A_154] : memref<2x64x128xf32, #tpu.memory_space<vmem>> -> memref<1x64x128xf32, #tpu.memory_space<vmem>>
        %scatter3A_156 = tpu.memref_squeeze %scatter3A_155 : memref<1x64x128xf32, #tpu.memory_space<vmem>> -> memref<64x128xf32, #tpu.memory_space<vmem>>
        tpu.vector_store_idx %scatter3A_156[%add3A_110, %add3A_151], %get3A_148 : memref<64x128xf32, #tpu.memory_space<vmem>>[vector<16xi32>, vector<16xi32>], vector<16xf32>,
        %mul3A_157 = arith.constant 16 : i32
        %mul3A_158 = arith.muli %add3A_106, %mul3A_157 : i32
        %get3A_159 = arith.constant 0 : i32
        %get3A_160 = arith.constant 3 : i32
        %get3A_161 = arith.index_cast %get3A_159 : i32 to index
        %get3A_162 = arith.index_cast %get3A_160 : i32 to index
        %get3A_163 = arith.index_cast %mul3A_158 : i32 to index
        %get3A_164 = tpu.vector_load %arg5[%get3A_161, %get3A_162, %get3A_163] {strides = array<i32>} : memref<2x16x512xf32, #tpu.memory_space<vmem>>, vector<16xf32>,
        %add3A_165 = arith.constant 3 : i32
        %add3A_166 = vector.broadcast %add3A_165 : i32 to vector<16xi32>
        %add3A_167 = arith.addi %mul3A_93, %add3A_166 : vector<16xi32>
        %scatter3A_168 = arith.constant 0 : i32
        %scatter3A_169 = arith.constant 0 : i32
        %scatter3A_170 = arith.constant 0 : i32
        %scatter3A_171 = tpu.memref_slice %arg6[%scatter3A_168, %scatter3A_169, %scatter3A_170] : memref<2x64x128xf32, #tpu.memory_space<vmem>> -> memref<1x64x128xf32, #tpu.memory_space<vmem>>
        %scatter3A_172 = tpu.memref_squeeze %scatter3A_171 : memref<1x64x128xf32, #tpu.memory_space<vmem>> -> memref<64x128xf32, #tpu.memory_space<vmem>>
        tpu.vector_store_idx %scatter3A_172[%add3A_110, %add3A_167], %get3A_164 : memref<64x128xf32, #tpu.memory_space<vmem>>[vector<16xi32>, vector<16xi32>], vector<16xf32>,
        %mul3A_173 = arith.constant 16 : i32
        %mul3A_174 = arith.muli %add3A_106, %mul3A_173 : i32
        %get3A_175 = arith.constant 0 : i32
        %get3A_176 = arith.constant 4 : i32
        %get3A_177 = arith.index_cast %get3A_175 : i32 to index
        %get3A_178 = arith.index_cast %get3A_176 : i32 to index
        %get3A_179 = arith.index_cast %mul3A_174 : i32 to index
        %get3A_180 = tpu.vector_load %arg5[%get3A_177, %get3A_178, %get3A_179] {strides = array<i32>} : memref<2x16x512xf32, #tpu.memory_space<vmem>>, vector<16xf32>,
        %add3A_181 = arith.constant 4 : i32
        %add3A_182 = vector.broadcast %add3A_181 : i32 to vector<16xi32>
        %add3A_183 = arith.addi %mul3A_93, %add3A_182 : vector<16xi32>
        %scatter3A_184 = arith.constant 0 : i32
        %scatter3A_185 = arith.constant 0 : i32
        %scatter3A_186 = arith.constant 0 : i32
        %scatter3A_187 = tpu.memref_slice %arg6[%scatter3A_184, %scatter3A_185, %scatter3A_186] : memref<2x64x128xf32, #tpu.memory_space<vmem>> -> memref<1x64x128xf32, #tpu.memory_space<vmem>>
        %scatter3A_188 = tpu.memref_squeeze %scatter3A_187 : memref<1x64x128xf32, #tpu.memory_space<vmem>> -> memref<64x128xf32, #tpu.memory_space<vmem>>
        tpu.vector_store_idx %scatter3A_188[%add3A_110, %add3A_183], %get3A_180 : memref<64x128xf32, #tpu.memory_space<vmem>>[vector<16xi32>, vector<16xi32>], vector<16xf32>,
        %mul3A_189 = arith.constant 16 : i32
        %mul3A_190 = arith.muli %add3A_106, %mul3A_189 : i32
        %get3A_191 = arith.constant 0 : i32
        %get3A_192 = arith.constant 5 : i32
        %get3A_193 = arith.index_cast %get3A_191 : i32 to index
        %get3A_194 = arith.index_cast %get3A_192 : i32 to index
        %get3A_195 = arith.index_cast %mul3A_190 : i32 to index
        %get3A_196 = tpu.vector_load %arg5[%get3A_193, %get3A_194, %get3A_195] {strides = array<i32>} : memref<2x16x512xf32, #tpu.memory_space<vmem>>, vector<16xf32>,
        %add3A_197 = arith.constant 5 : i32
        %add3A_198 = vector.broadcast %add3A_197 : i32 to vector<16xi32>
        %add3A_199 = arith.addi %mul3A_93, %add3A_198 : vector<16xi32>
        %scatter3A_200 = arith.constant 0 : i32
        %scatter3A_201 = arith.constant 0 : i32
        %scatter3A_202 = arith.constant 0 : i32
        %scatter3A_203 = tpu.memref_slice %arg6[%scatter3A_200, %scatter3A_201, %scatter3A_202] : memref<2x64x128xf32, #tpu.memory_space<vmem>> -> memref<1x64x128xf32, #tpu.memory_space<vmem>>
        %scatter3A_204 = tpu.memref_squeeze %scatter3A_203 : memref<1x64x128xf32, #tpu.memory_space<vmem>> -> memref<64x128xf32, #tpu.memory_space<vmem>>
        tpu.vector_store_idx %scatter3A_204[%add3A_110, %add3A_199], %get3A_196 : memref<64x128xf32, #tpu.memory_space<vmem>>[vector<16xi32>, vector<16xi32>], vector<16xf32>,
        %mul3A_205 = arith.constant 16 : i32
        %mul3A_206 = arith.muli %add3A_106, %mul3A_205 : i32
        %get3A_207 = arith.constant 0 : i32
        %get3A_208 = arith.constant 6 : i32
        %get3A_209 = arith.index_cast %get3A_207 : i32 to index
        %get3A_210 = arith.index_cast %get3A_208 : i32 to index
        %get3A_211 = arith.index_cast %mul3A_206 : i32 to index
        %get3A_212 = tpu.vector_load %arg5[%get3A_209, %get3A_210, %get3A_211] {strides = array<i32>} : memref<2x16x512xf32, #tpu.memory_space<vmem>>, vector<16xf32>,
        %add3A_213 = arith.constant 6 : i32
        %add3A_214 = vector.broadcast %add3A_213 : i32 to vector<16xi32>
        %add3A_215 = arith.addi %mul3A_93, %add3A_214 : vector<16xi32>
        %scatter3A_216 = arith.constant 0 : i32
        %scatter3A_217 = arith.constant 0 : i32
        %scatter3A_218 = arith.constant 0 : i32
        %scatter3A_219 = tpu.memref_slice %arg6[%scatter3A_216, %scatter3A_217, %scatter3A_218] : memref<2x64x128xf32, #tpu.memory_space<vmem>> -> memref<1x64x128xf32, #tpu.memory_space<vmem>>
        %scatter3A_220 = tpu.memref_squeeze %scatter3A_219 : memref<1x64x128xf32, #tpu.memory_space<vmem>> -> memref<64x128xf32, #tpu.memory_space<vmem>>
        tpu.vector_store_idx %scatter3A_220[%add3A_110, %add3A_215], %get3A_212 : memref<64x128xf32, #tpu.memory_space<vmem>>[vector<16xi32>, vector<16xi32>], vector<16xf32>,
        %mul3A_221 = arith.constant 16 : i32
        %mul3A_222 = arith.muli %add3A_106, %mul3A_221 : i32
        %get3A_223 = arith.constant 0 : i32
        %get3A_224 = arith.constant 7 : i32
        %get3A_225 = arith.index_cast %get3A_223 : i32 to index
        %get3A_226 = arith.index_cast %get3A_224 : i32 to index
        %get3A_227 = arith.index_cast %mul3A_222 : i32 to index
        %get3A_228 = tpu.vector_load %arg5[%get3A_225, %get3A_226, %get3A_227] {strides = array<i32>} : memref<2x16x512xf32, #tpu.memory_space<vmem>>, vector<16xf32>,
        %add3A_229 = arith.constant 7 : i32
        %add3A_230 = vector.broadcast %add3A_229 : i32 to vector<16xi32>
        %add3A_231 = arith.addi %mul3A_93, %add3A_230 : vector<16xi32>
        %scatter3A_232 = arith.constant 0 : i32
        %scatter3A_233 = arith.constant 0 : i32
        %scatter3A_234 = arith.constant 0 : i32
        %scatter3A_235 = tpu.memref_slice %arg6[%scatter3A_232, %scatter3A_233, %scatter3A_234] : memref<2x64x128xf32, #tpu.memory_space<vmem>> -> memref<1x64x128xf32, #tpu.memory_space<vmem>>
        %scatter3A_236 = tpu.memref_squeeze %scatter3A_235 : memref<1x64x128xf32, #tpu.memory_space<vmem>> -> memref<64x128xf32, #tpu.memory_space<vmem>>
        tpu.vector_store_idx %scatter3A_236[%add3A_110, %add3A_231], %get3A_228 : memref<64x128xf32, #tpu.memory_space<vmem>>[vector<16xi32>, vector<16xi32>], vector<16xf32>,
        %mul3A_237 = arith.constant 16 : i32
        %mul3A_238 = arith.muli %add3A_106, %mul3A_237 : i32
        %get3A_239 = arith.constant 0 : i32
        %get3A_240 = arith.constant 8 : i32
        %get3A_241 = arith.index_cast %get3A_239 : i32 to index
        %get3A_242 = arith.index_cast %get3A_240 : i32 to index
        %get3A_243 = arith.index_cast %mul3A_238 : i32 to index
        %get3A_244 = tpu.vector_load %arg5[%get3A_241, %get3A_242, %get3A_243] {strides = array<i32>} : memref<2x16x512xf32, #tpu.memory_space<vmem>>, vector<16xf32>,
        %add3A_245 = arith.constant 8 : i32
        %add3A_246 = vector.broadcast %add3A_245 : i32 to vector<16xi32>
        %add3A_247 = arith.addi %mul3A_93, %add3A_246 : vector<16xi32>
        %scatter3A_248 = arith.constant 0 : i32
        %scatter3A_249 = arith.constant 0 : i32
        %scatter3A_250 = arith.constant 0 : i32
        %scatter3A_251 = tpu.memref_slice %arg6[%scatter3A_248, %scatter3A_249, %scatter3A_250] : memref<2x64x128xf32, #tpu.memory_space<vmem>> -> memref<1x64x128xf32, #tpu.memory_space<vmem>>
        %scatter3A_252 = tpu.memref_squeeze %scatter3A_251 : memref<1x64x128xf32, #tpu.memory_space<vmem>> -> memref<64x128xf32, #tpu.memory_space<vmem>>
        tpu.vector_store_idx %scatter3A_252[%add3A_110, %add3A_247], %get3A_244 : memref<64x128xf32, #tpu.memory_space<vmem>>[vector<16xi32>, vector<16xi32>], vector<16xf32>,
        %mul3A_253 = arith.constant 16 : i32
        %mul3A_254 = arith.muli %add3A_106, %mul3A_253 : i32
        %get3A_255 = arith.constant 0 : i32
        %get3A_256 = arith.constant 9 : i32
        %get3A_257 = arith.index_cast %get3A_255 : i32 to index
        %get3A_258 = arith.index_cast %get3A_256 : i32 to index
        %get3A_259 = arith.index_cast %mul3A_254 : i32 to index
        %get3A_260 = tpu.vector_load %arg5[%get3A_257, %get3A_258, %get3A_259] {strides = array<i32>} : memref<2x16x512xf32, #tpu.memory_space<vmem>>, vector<16xf32>,
        %add3A_261 = arith.constant 9 : i32
        %add3A_262 = vector.broadcast %add3A_261 : i32 to vector<16xi32>
        %add3A_263 = arith.addi %mul3A_93, %add3A_262 : vector<16xi32>
        %scatter3A_264 = arith.constant 0 : i32
        %scatter3A_265 = arith.constant 0 : i32
        %scatter3A_266 = arith.constant 0 : i32
        %scatter3A_267 = tpu.memref_slice %arg6[%scatter3A_264, %scatter3A_265, %scatter3A_266] : memref<2x64x128xf32, #tpu.memory_space<vmem>> -> memref<1x64x128xf32, #tpu.memory_space<vmem>>
        %scatter3A_268 = tpu.memref_squeeze %scatter3A_267 : memref<1x64x128xf32, #tpu.memory_space<vmem>> -> memref<64x128xf32, #tpu.memory_space<vmem>>
        tpu.vector_store_idx %scatter3A_268[%add3A_110, %add3A_263], %get3A_260 : memref<64x128xf32, #tpu.memory_space<vmem>>[vector<16xi32>, vector<16xi32>], vector<16xf32>,
        %mul3A_269 = arith.constant 16 : i32
        %mul3A_270 = arith.muli %add3A_106, %mul3A_269 : i32
        %get3A_271 = arith.constant 0 : i32
        %get3A_272 = arith.constant 10 : i32
        %get3A_273 = arith.index_cast %get3A_271 : i32 to index
        %get3A_274 = arith.index_cast %get3A_272 : i32 to index
        %get3A_275 = arith.index_cast %mul3A_270 : i32 to index
        %get3A_276 = tpu.vector_load %arg5[%get3A_273, %get3A_274, %get3A_275] {strides = array<i32>} : memref<2x16x512xf32, #tpu.memory_space<vmem>>, vector<16xf32>,
        %add3A_277 = arith.constant 10 : i32
        %add3A_278 = vector.broadcast %add3A_277 : i32 to vector<16xi32>
        %add3A_279 = arith.addi %mul3A_93, %add3A_278 : vector<16xi32>
        %scatter3A_280 = arith.constant 0 : i32
        %scatter3A_281 = arith.constant 0 : i32
        %scatter3A_282 = arith.constant 0 : i32
        %scatter3A_283 = tpu.memref_slice %arg6[%scatter3A_280, %scatter3A_281, %scatter3A_282] : memref<2x64x128xf32, #tpu.memory_space<vmem>> -> memref<1x64x128xf32, #tpu.memory_space<vmem>>
        %scatter3A_284 = tpu.memref_squeeze %scatter3A_283 : memref<1x64x128xf32, #tpu.memory_space<vmem>> -> memref<64x128xf32, #tpu.memory_space<vmem>>
        tpu.vector_store_idx %scatter3A_284[%add3A_110, %add3A_279], %get3A_276 : memref<64x128xf32, #tpu.memory_space<vmem>>[vector<16xi32>, vector<16xi32>], vector<16xf32>,
        %mul3A_285 = arith.constant 16 : i32
        %mul3A_286 = arith.muli %add3A_106, %mul3A_285 : i32
        %get3A_287 = arith.constant 0 : i32
        %get3A_288 = arith.constant 11 : i32
        %get3A_289 = arith.index_cast %get3A_287 : i32 to index
        %get3A_290 = arith.index_cast %get3A_288 : i32 to index
        %get3A_291 = arith.index_cast %mul3A_286 : i32 to index
        %get3A_292 = tpu.vector_load %arg5[%get3A_289, %get3A_290, %get3A_291] {strides = array<i32>} : memref<2x16x512xf32, #tpu.memory_space<vmem>>, vector<16xf32>,
        %add3A_293 = arith.constant 11 : i32
        %add3A_294 = vector.broadcast %add3A_293 : i32 to vector<16xi32>
        %add3A_295 = arith.addi %mul3A_93, %add3A_294 : vector<16xi32>
        %scatter3A_296 = arith.constant 0 : i32
        %scatter3A_297 = arith.constant 0 : i32
        %scatter3A_298 = arith.constant 0 : i32
        %scatter3A_299 = tpu.memref_slice %arg6[%scatter3A_296, %scatter3A_297, %scatter3A_298] : memref<2x64x128xf32, #tpu.memory_space<vmem>> -> memref<1x64x128xf32, #tpu.memory_space<vmem>>
        %scatter3A_300 = tpu.memref_squeeze %scatter3A_299 : memref<1x64x128xf32, #tpu.memory_space<vmem>> -> memref<64x128xf32, #tpu.memory_space<vmem>>
        tpu.vector_store_idx %scatter3A_300[%add3A_110, %add3A_295], %get3A_292 : memref<64x128xf32, #tpu.memory_space<vmem>>[vector<16xi32>, vector<16xi32>], vector<16xf32>,
        %mul3A_301 = arith.constant 16 : i32
        %mul3A_302 = arith.muli %add3A_106, %mul3A_301 : i32
        %get3A_303 = arith.constant 0 : i32
        %get3A_304 = arith.constant 12 : i32
        %get3A_305 = arith.index_cast %get3A_303 : i32 to index
        %get3A_306 = arith.index_cast %get3A_304 : i32 to index
        %get3A_307 = arith.index_cast %mul3A_302 : i32 to index
        %get3A_308 = tpu.vector_load %arg5[%get3A_305, %get3A_306, %get3A_307] {strides = array<i32>} : memref<2x16x512xf32, #tpu.memory_space<vmem>>, vector<16xf32>,
        %add3A_309 = arith.constant 12 : i32
        %add3A_310 = vector.broadcast %add3A_309 : i32 to vector<16xi32>
        %add3A_311 = arith.addi %mul3A_93, %add3A_310 : vector<16xi32>
        %scatter3A_312 = arith.constant 0 : i32
        %scatter3A_313 = arith.constant 0 : i32
        %scatter3A_314 = arith.constant 0 : i32
        %scatter3A_315 = tpu.memref_slice %arg6[%scatter3A_312, %scatter3A_313, %scatter3A_314] : memref<2x64x128xf32, #tpu.memory_space<vmem>> -> memref<1x64x128xf32, #tpu.memory_space<vmem>>
        %scatter3A_316 = tpu.memref_squeeze %scatter3A_315 : memref<1x64x128xf32, #tpu.memory_space<vmem>> -> memref<64x128xf32, #tpu.memory_space<vmem>>
        tpu.vector_store_idx %scatter3A_316[%add3A_110, %add3A_311], %get3A_308 : memref<64x128xf32, #tpu.memory_space<vmem>>[vector<16xi32>, vector<16xi32>], vector<16xf32>,
        %mul3A_317 = arith.constant 16 : i32
        %mul3A_318 = arith.muli %add3A_106, %mul3A_317 : i32
        %get3A_319 = arith.constant 0 : i32
        %get3A_320 = arith.constant 13 : i32
        %get3A_321 = arith.index_cast %get3A_319 : i32 to index
        %get3A_322 = arith.index_cast %get3A_320 : i32 to index
        %get3A_323 = arith.index_cast %mul3A_318 : i32 to index
        %get3A_324 = tpu.vector_load %arg5[%get3A_321, %get3A_322, %get3A_323] {strides = array<i32>} : memref<2x16x512xf32, #tpu.memory_space<vmem>>, vector<16xf32>,
        %add3A_325 = arith.constant 13 : i32
        %add3A_326 = vector.broadcast %add3A_325 : i32 to vector<16xi32>
        %add3A_327 = arith.addi %mul3A_93, %add3A_326 : vector<16xi32>
        %scatter3A_328 = arith.constant 0 : i32
        %scatter3A_329 = arith.constant 0 : i32
        %scatter3A_330 = arith.constant 0 : i32
        %scatter3A_331 = tpu.memref_slice %arg6[%scatter3A_328, %scatter3A_329, %scatter3A_330] : memref<2x64x128xf32, #tpu.memory_space<vmem>> -> memref<1x64x128xf32, #tpu.memory_space<vmem>>
        %scatter3A_332 = tpu.memref_squeeze %scatter3A_331 : memref<1x64x128xf32, #tpu.memory_space<vmem>> -> memref<64x128xf32, #tpu.memory_space<vmem>>
        tpu.vector_store_idx %scatter3A_332[%add3A_110, %add3A_327], %get3A_324 : memref<64x128xf32, #tpu.memory_space<vmem>>[vector<16xi32>, vector<16xi32>], vector<16xf32>,
        %mul3A_333 = arith.constant 16 : i32
        %mul3A_334 = arith.muli %add3A_106, %mul3A_333 : i32
        %get3A_335 = arith.constant 0 : i32
        %get3A_336 = arith.constant 14 : i32
        %get3A_337 = arith.index_cast %get3A_335 : i32 to index
        %get3A_338 = arith.index_cast %get3A_336 : i32 to index
        %get3A_339 = arith.index_cast %mul3A_334 : i32 to index
        %get3A_340 = tpu.vector_load %arg5[%get3A_337, %get3A_338, %get3A_339] {strides = array<i32>} : memref<2x16x512xf32, #tpu.memory_space<vmem>>, vector<16xf32>,
        %add3A_341 = arith.constant 14 : i32
        %add3A_342 = vector.broadcast %add3A_341 : i32 to vector<16xi32>
        %add3A_343 = arith.addi %mul3A_93, %add3A_342 : vector<16xi32>
        %scatter3A_344 = arith.constant 0 : i32
        %scatter3A_345 = arith.constant 0 : i32
        %scatter3A_346 = arith.constant 0 : i32
        %scatter3A_347 = tpu.memref_slice %arg6[%scatter3A_344, %scatter3A_345, %scatter3A_346] : memref<2x64x128xf32, #tpu.memory_space<vmem>> -> memref<1x64x128xf32, #tpu.memory_space<vmem>>
        %scatter3A_348 = tpu.memref_squeeze %scatter3A_347 : memref<1x64x128xf32, #tpu.memory_space<vmem>> -> memref<64x128xf32, #tpu.memory_space<vmem>>
        tpu.vector_store_idx %scatter3A_348[%add3A_110, %add3A_343], %get3A_340 : memref<64x128xf32, #tpu.memory_space<vmem>>[vector<16xi32>, vector<16xi32>], vector<16xf32>,
        %mul3A_349 = arith.constant 16 : i32
        %mul3A_350 = arith.muli %add3A_106, %mul3A_349 : i32
        %get3A_351 = arith.constant 0 : i32
        %get3A_352 = arith.constant 15 : i32
        %get3A_353 = arith.index_cast %get3A_351 : i32 to index
        %get3A_354 = arith.index_cast %get3A_352 : i32 to index
        %get3A_355 = arith.index_cast %mul3A_350 : i32 to index
        %get3A_356 = tpu.vector_load %arg5[%get3A_353, %get3A_354, %get3A_355] {strides = array<i32>} : memref<2x16x512xf32, #tpu.memory_space<vmem>>, vector<16xf32>,
        %add3A_357 = arith.constant 15 : i32
        %add3A_358 = vector.broadcast %add3A_357 : i32 to vector<16xi32>
        %add3A_359 = arith.addi %mul3A_93, %add3A_358 : vector<16xi32>
        %scatter3A_360 = arith.constant 0 : i32
        %scatter3A_361 = arith.constant 0 : i32
        %scatter3A_362 = arith.constant 0 : i32
        %scatter3A_363 = tpu.memref_slice %arg6[%scatter3A_360, %scatter3A_361, %scatter3A_362] : memref<2x64x128xf32, #tpu.memory_space<vmem>> -> memref<1x64x128xf32, #tpu.memory_space<vmem>>
        %scatter3A_364 = tpu.memref_squeeze %scatter3A_363 : memref<1x64x128xf32, #tpu.memory_space<vmem>> -> memref<64x128xf32, #tpu.memory_space<vmem>>
        tpu.vector_store_idx %scatter3A_364[%add3A_110, %add3A_359], %get3A_356 : memref<64x128xf32, #tpu.memory_space<vmem>>[vector<16xi32>, vector<16xi32>], vector<16xf32>,
      }
      %scan3A_98 = arith.constant 32 : i32
      %run_scoped3A_99 = arith.constant 0 : i32
      "tpu.region"() ({
        %run_scoped3A_102 = tpu.sem_alloc : memref<!tpu.dma_semaphore, #tpu.memory_space<semaphore_mem>>
        %dma_start3A_103 = arith.constant 0 : i32
        %dma_start3A_104 = arith.constant 0 : i32
        %dma_start3A_105 = tpu.memref_slice %arg6[%run_scoped3A_99, %dma_start3A_103, %dma_start3A_104] : memref<2x64x128xf32, #tpu.memory_space<vmem>> -> memref<1x64x128xf32, #tpu.memory_space<vmem>>
        %dma_start3A_106 = tpu.memref_squeeze %dma_start3A_105 : memref<1x64x128xf32, #tpu.memory_space<vmem>> -> memref<64x128xf32, #tpu.memory_space<vmem>>
        %dma_start3A_107 = arith.constant 124928 : i32
        %dma_start3A_108 = arith.constant 0 : i32
        %dma_start3A_109 = tpu.memref_slice %arg4[%dma_start3A_107, %dma_start3A_108] : memref<125008x128xf32, #tpu.memory_space<hbm>> -> memref<64x128xf32, #tpu.memory_space<hbm>>
        %dma_start3A_110 = arith.constant 124928 : i32
        %dma_start3A_111 = arith.constant 0 : i32
        %dma_start3A_112 = tpu.memref_slice %arg4[%dma_start3A_110, %dma_start3A_111] : memref<125008x128xf32, #tpu.memory_space<hbm>> -> memref<64x128xf32, #tpu.memory_space<hbm>>
        %dma_start3A_113 = arith.constant 0 : i32
        %dma_start3A_114 = arith.constant 0 : i32
        %dma_start3A_115 = tpu.memref_slice %arg6[%run_scoped3A_99, %dma_start3A_113, %dma_start3A_114] : memref<2x64x128xf32, #tpu.memory_space<vmem>> -> memref<1x64x128xf32, #tpu.memory_space<vmem>>
        %dma_start3A_116 = tpu.memref_squeeze %dma_start3A_115 : memref<1x64x128xf32, #tpu.memory_space<vmem>> -> memref<64x128xf32, #tpu.memory_space<vmem>>
        tpu.enqueue_dma source(%dma_start3A_116 : memref<64x128xf32, #tpu.memory_space<vmem>>) target(%dma_start3A_112 : memref<64x128xf32, #tpu.memory_space<hbm>>) target_semaphore(%run_scoped3A_102 : memref<!tpu.dma_semaphore, #tpu.memory_space<semaphore_mem>>)
        %dma_wait3A_117 = arith.constant 0 : i32
        %dma_wait3A_118 = arith.constant 0 : i32
        %dma_wait3A_119 = tpu.memref_slice %arg6[%run_scoped3A_99, %dma_wait3A_117, %dma_wait3A_118] : memref<2x64x128xf32, #tpu.memory_space<vmem>> -> memref<1x64x128xf32, #tpu.memory_space<vmem>>
        %dma_wait3A_120 = tpu.memref_squeeze %dma_wait3A_119 : memref<1x64x128xf32, #tpu.memory_space<vmem>> -> memref<64x128xf32, #tpu.memory_space<vmem>>
        %dma_wait3A_121 = arith.constant 124928 : i32
        %dma_wait3A_122 = arith.constant 0 : i32
        %dma_wait3A_123 = tpu.memref_slice %arg4[%dma_wait3A_121, %dma_wait3A_122] : memref<125008x128xf32, #tpu.memory_space<hbm>> -> memref<64x128xf32, #tpu.memory_space<hbm>>
        %dma_wait3A_124 = arith.constant 124928 : i32
        %dma_wait3A_125 = arith.constant 0 : i32
        %dma_wait3A_126 = tpu.memref_slice %arg4[%dma_wait3A_124, %dma_wait3A_125] : memref<125008x128xf32, #tpu.memory_space<hbm>> -> memref<64x128xf32, #tpu.memory_space<hbm>>
        %dma_wait3A_127 = arith.constant 0 : i32
        %dma_wait3A_128 = arith.constant 0 : i32
        %dma_wait3A_129 = tpu.memref_slice %arg6[%run_scoped3A_99, %dma_wait3A_127, %dma_wait3A_128] : memref<2x64x128xf32, #tpu.memory_space<vmem>> -> memref<1x64x128xf32, #tpu.memory_space<vmem>>
        %dma_wait3A_130 = tpu.memref_squeeze %dma_wait3A_129 : memref<1x64x128xf32, #tpu.memory_space<vmem>> -> memref<64x128xf32, #tpu.memory_space<vmem>>
        tpu.wait_dma2 semaphore(%run_scoped3A_102 : memref<!tpu.dma_semaphore, #tpu.memory_space<semaphore_mem>>) src(%dma_wait3A_130 : memref<64x128xf32, #tpu.memory_space<vmem>>) dst(%dma_wait3A_126 : memref<64x128xf32, #tpu.memory_space<hbm>>)
        tpu.yield
      }) : () -> ()
      %run_scoped3A_100 = arith.constant 0 : i32
      "tpu.region"() ({
        %run_scoped3A_102 = tpu.sem_alloc : memref<!tpu.dma_semaphore, #tpu.memory_space<semaphore_mem>>
        %dma_start3A_103 = arith.constant 0 : i32
        %dma_start3A_104 = arith.constant 0 : i32
        %dma_start3A_105 = tpu.memref_slice %arg6[%run_scoped3A_100, %dma_start3A_103, %dma_start3A_104] : memref<2x64x128xf32, #tpu.memory_space<vmem>> -> memref<1x16x128xf32, #tpu.memory_space<vmem>>
        %dma_start3A_106 = tpu.memref_squeeze %dma_start3A_105 : memref<1x16x128xf32, #tpu.memory_space<vmem>> -> memref<16x128xf32, #tpu.memory_space<vmem>>
        %dma_start3A_107 = arith.constant 0 : i32
        %dma_start3A_108 = arith.constant 0 : i32
        %dma_start3A_109 = tpu.memref_slice %arg6[%run_scoped3A_100, %dma_start3A_107, %dma_start3A_108] : memref<2x64x128xf32, #tpu.memory_space<vmem>> -> memref<1x16x128xf32, #tpu.memory_space<vmem>>
        %dma_start3A_110 = tpu.memref_squeeze %dma_start3A_109 : memref<1x16x128xf32, #tpu.memory_space<vmem>> -> memref<16x128xf32, #tpu.memory_space<vmem>>
        tpu.enqueue_dma source(%arg3 : memref<16x128xf32, #tpu.memory_space<hbm>>) target(%dma_start3A_110 : memref<16x128xf32, #tpu.memory_space<vmem>>) target_semaphore(%run_scoped3A_102 : memref<!tpu.dma_semaphore, #tpu.memory_space<semaphore_mem>>)
        %dma_wait3A_111 = arith.constant 0 : i32
        %dma_wait3A_112 = arith.constant 0 : i32
        %dma_wait3A_113 = tpu.memref_slice %arg6[%run_scoped3A_100, %dma_wait3A_111, %dma_wait3A_112] : memref<2x64x128xf32, #tpu.memory_space<vmem>> -> memref<1x16x128xf32, #tpu.memory_space<vmem>>
        %dma_wait3A_114 = tpu.memref_squeeze %dma_wait3A_113 : memref<1x16x128xf32, #tpu.memory_space<vmem>> -> memref<16x128xf32, #tpu.memory_space<vmem>>
        %dma_wait3A_115 = arith.constant 0 : i32
        %dma_wait3A_116 = arith.constant 0 : i32
        %dma_wait3A_117 = tpu.memref_slice %arg6[%run_scoped3A_100, %dma_wait3A_115, %dma_wait3A_116] : memref<2x64x128xf32, #tpu.memory_space<vmem>> -> memref<1x16x128xf32, #tpu.memory_space<vmem>>
        %dma_wait3A_118 = tpu.memref_squeeze %dma_wait3A_117 : memref<1x16x128xf32, #tpu.memory_space<vmem>> -> memref<16x128xf32, #tpu.memory_space<vmem>>
        tpu.wait_dma2 semaphore(%run_scoped3A_102 : memref<!tpu.dma_semaphore, #tpu.memory_space<semaphore_mem>>) src(%arg3 : memref<16x128xf32, #tpu.memory_space<hbm>>) dst(%dma_wait3A_118 : memref<16x128xf32, #tpu.memory_space<vmem>>)
        tpu.yield
      }) : () -> ()
      %run_scoped3A_101 = arith.constant 0 : i32
      "tpu.region"() ({
        %run_scoped3A_102 = tpu.sem_alloc : memref<!tpu.dma_semaphore, #tpu.memory_space<semaphore_mem>>
        %dma_start3A_103 = arith.constant 0 : i32
        %dma_start3A_104 = arith.constant 0 : i32
        %dma_start3A_105 = tpu.memref_slice %arg6[%run_scoped3A_101, %dma_start3A_103, %dma_start3A_104] : memref<2x64x128xf32, #tpu.memory_space<vmem>> -> memref<1x16x128xf32, #tpu.memory_space<vmem>>
        %dma_start3A_106 = tpu.memref_squeeze %dma_start3A_105 : memref<1x16x128xf32, #tpu.memory_space<vmem>> -> memref<16x128xf32, #tpu.memory_space<vmem>>
        %dma_start3A_107 = arith.constant 124992 : i32
        %dma_start3A_108 = arith.constant 0 : i32
        %dma_start3A_109 = tpu.memref_slice %arg4[%dma_start3A_107, %dma_start3A_108] : memref<125008x128xf32, #tpu.memory_space<hbm>> -> memref<16x128xf32, #tpu.memory_space<hbm>>
        %dma_start3A_110 = arith.constant 124992 : i32
        %dma_start3A_111 = arith.constant 0 : i32
        %dma_start3A_112 = tpu.memref_slice %arg4[%dma_start3A_110, %dma_start3A_111] : memref<125008x128xf32, #tpu.memory_space<hbm>> -> memref<16x128xf32, #tpu.memory_space<hbm>>
        %dma_start3A_113 = arith.constant 0 : i32
        %dma_start3A_114 = arith.constant 0 : i32
        %dma_start3A_115 = tpu.memref_slice %arg6[%run_scoped3A_101, %dma_start3A_113, %dma_start3A_114] : memref<2x64x128xf32, #tpu.memory_space<vmem>> -> memref<1x16x128xf32, #tpu.memory_space<vmem>>
        %dma_start3A_116 = tpu.memref_squeeze %dma_start3A_115 : memref<1x16x128xf32, #tpu.memory_space<vmem>> -> memref<16x128xf32, #tpu.memory_space<vmem>>
        tpu.enqueue_dma source(%dma_start3A_116 : memref<16x128xf32, #tpu.memory_space<vmem>>) target(%dma_start3A_112 : memref<16x128xf32, #tpu.memory_space<hbm>>) target_semaphore(%run_scoped3A_102 : memref<!tpu.dma_semaphore, #tpu.memory_space<semaphore_mem>>)
        %dma_wait3A_117 = arith.constant 0 : i32
        %dma_wait3A_118 = arith.constant 0 : i32
        %dma_wait3A_119 = tpu.memref_slice %arg6[%run_scoped3A_101, %dma_wait3A_117, %dma_wait3A_118] : memref<2x64x128xf32, #tpu.memory_space<vmem>> -> memref<1x16x128xf32, #tpu.memory_space<vmem>>
        %dma_wait3A_120 = tpu.memref_squeeze %dma_wait3A_119 : memref<1x16x128xf32, #tpu.memory_space<vmem>> -> memref<16x128xf32, #tpu.memory_space<vmem>>
        %dma_wait3A_121 = arith.constant 124992 : i32
        %dma_wait3A_122 = arith.constant 0 : i32
        %dma_wait3A_123 = tpu.memref_slice %arg4[%dma_wait3A_121, %dma_wait3A_122] : memref<125008x128xf32, #tpu.memory_space<hbm>> -> memref<16x128xf32, #tpu.memory_space<hbm>>
        %dma_wait3A_124 = arith.constant 124992 : i32
        %dma_wait3A_125 = arith.constant 0 : i32
        %dma_wait3A_126 = tpu.memref_slice %arg4[%dma_wait3A_124, %dma_wait3A_125] : memref<125008x128xf32, #tpu.memory_space<hbm>> -> memref<16x128xf32, #tpu.memory_space<hbm>>
        %dma_wait3A_127 = arith.constant 0 : i32
        %dma_wait3A_128 = arith.constant 0 : i32
        %dma_wait3A_129 = tpu.memref_slice %arg6[%run_scoped3A_101, %dma_wait3A_127, %dma_wait3A_128] : memref<2x64x128xf32, #tpu.memory_space<vmem>> -> memref<1x16x128xf32, #tpu.memory_space<vmem>>
        %dma_wait3A_130 = tpu.memref_squeeze %dma_wait3A_129 : memref<1x16x128xf32, #tpu.memory_space<vmem>> -> memref<16x128xf32, #tpu.memory_space<vmem>>
        tpu.wait_dma2 semaphore(%run_scoped3A_102 : memref<!tpu.dma_semaphore, #tpu.memory_space<semaphore_mem>>) src(%dma_wait3A_130 : memref<16x128xf32, #tpu.memory_space<vmem>>) dst(%dma_wait3A_126 : memref<16x128xf32, #tpu.memory_space<hbm>>)
        tpu.yield
      }) : () -> ()
    } else {
    }
    return
  }
}

#map = affine_map<(d0, d1) -> (0, 0)>
#map1 = affine_map<(d0, d1) -> (0, 0, 0)>
module attributes {stable_mosaic.version = 14 : i64} {
  func.func @_lookup(%arg0: i32, %arg1: i32, %arg2: memref<26x16384xi32, #tpu.memory_space<hbm>>, %arg3: memref<125008x128xf32, #tpu.memory_space<hbm>>, %arg4: memref<26x16x16384xf32, #tpu.memory_space<hbm>>, %arg5: memref<26x512xi32, #tpu.memory_space<vmem>>, %arg6: memref<2x128xi32, #tpu.memory_space<vmem>>, %arg7: memref<2x128xi32, #tpu.memory_space<vmem>>, %arg8: memref<128x128xf32, #tpu.memory_space<vmem>>, %arg9: memref<128x128xf32, #tpu.memory_space<vmem>>, %arg10: memref<16x512xf32, #tpu.memory_space<vmem>>, %arg11: memref<!tpu.dma_semaphore, #tpu.memory_space<semaphore_mem>>) attributes {dimension_semantics = [#tpu.dimension_semantics<core_parallel>, #tpu.dimension_semantics<subcore_parallel>], iteration_bounds = array<i64: 2, 16>, scalar_prefetch = 0 : i64, scratch_operands = 7 : i64, tpu.core_type = #tpu.core_type<sc_vector_subcore>, window_params = [{transform_indices = #map}, {transform_indices = #map}, {transform_indices = #map1}]} {
    %mul3A = arith.constant 2 : i32
    %mul3A_0 = arith.muli %arg1, %mul3A : i32
    %add3A = arith.addi %mul3A_0, %arg0 : i32
    %mul3A_1 = arith.constant 512 : i32
    %mul3A_2 = arith.muli %add3A, %mul3A_1 : i32
    "tpu.region"() ({
      %run_scoped3A = tpu.sem_alloc : memref<!tpu.dma_semaphore, #tpu.memory_space<semaphore_mem>>
      %dma_start3A = arith.constant 0 : i32
      %dma_start3A_7 = arith.constant 0 : i32
      %dma_start3A_8 = tpu.memref_slice %arg5[%dma_start3A, %dma_start3A_7] : memref<26x512xi32, #tpu.memory_space<vmem>> -> memref<8x512xi32, #tpu.memory_space<vmem>>
      %dma_start3A_9 = arith.constant 0 : i32
      %dma_start3A_10 = tpu.memref_slice %arg2[%dma_start3A_9, %mul3A_2] : memref<26x16384xi32, #tpu.memory_space<hbm>> -> memref<8x512xi32, #tpu.memory_space<hbm>>
      %dma_start3A_11 = arith.constant 0 : i32
      %dma_start3A_12 = arith.constant 0 : i32
      %dma_start3A_13 = tpu.memref_slice %arg5[%dma_start3A_11, %dma_start3A_12] : memref<26x512xi32, #tpu.memory_space<vmem>> -> memref<8x512xi32, #tpu.memory_space<vmem>>
      %dma_start3A_14 = arith.constant 0 : i32
      %dma_start3A_15 = tpu.memref_slice %arg2[%dma_start3A_14, %mul3A_2] : memref<26x16384xi32, #tpu.memory_space<hbm>> -> memref<8x512xi32, #tpu.memory_space<hbm>>
      tpu.enqueue_dma source(%dma_start3A_15 : memref<8x512xi32, #tpu.memory_space<hbm>>) target(%dma_start3A_13 : memref<8x512xi32, #tpu.memory_space<vmem>>) target_semaphore(%run_scoped3A : memref<!tpu.dma_semaphore, #tpu.memory_space<semaphore_mem>>)
      %dma_wait3A = arith.constant 0 : i32
      %dma_wait3A_16 = arith.constant 0 : i32
      %dma_wait3A_17 = tpu.memref_slice %arg5[%dma_wait3A, %dma_wait3A_16] : memref<26x512xi32, #tpu.memory_space<vmem>> -> memref<8x512xi32, #tpu.memory_space<vmem>>
      %dma_wait3A_18 = arith.constant 0 : i32
      %dma_wait3A_19 = tpu.memref_slice %arg2[%dma_wait3A_18, %mul3A_2] : memref<26x16384xi32, #tpu.memory_space<hbm>> -> memref<8x512xi32, #tpu.memory_space<hbm>>
      %dma_wait3A_20 = arith.constant 0 : i32
      %dma_wait3A_21 = arith.constant 0 : i32
      %dma_wait3A_22 = tpu.memref_slice %arg5[%dma_wait3A_20, %dma_wait3A_21] : memref<26x512xi32, #tpu.memory_space<vmem>> -> memref<8x512xi32, #tpu.memory_space<vmem>>
      %dma_wait3A_23 = arith.constant 0 : i32
      %dma_wait3A_24 = tpu.memref_slice %arg2[%dma_wait3A_23, %mul3A_2] : memref<26x16384xi32, #tpu.memory_space<hbm>> -> memref<8x512xi32, #tpu.memory_space<hbm>>
      tpu.wait_dma2 semaphore(%run_scoped3A : memref<!tpu.dma_semaphore, #tpu.memory_space<semaphore_mem>>) src(%dma_wait3A_24 : memref<8x512xi32, #tpu.memory_space<hbm>>) dst(%dma_wait3A_22 : memref<8x512xi32, #tpu.memory_space<vmem>>)
      tpu.yield
    }) : () -> ()
    "tpu.region"() ({
      %run_scoped3A = tpu.sem_alloc : memref<!tpu.dma_semaphore, #tpu.memory_space<semaphore_mem>>
      %dma_start3A = arith.constant 8 : i32
      %dma_start3A_7 = arith.constant 0 : i32
      %dma_start3A_8 = tpu.memref_slice %arg5[%dma_start3A, %dma_start3A_7] : memref<26x512xi32, #tpu.memory_space<vmem>> -> memref<8x512xi32, #tpu.memory_space<vmem>>
      %dma_start3A_9 = arith.constant 8 : i32
      %dma_start3A_10 = tpu.memref_slice %arg2[%dma_start3A_9, %mul3A_2] : memref<26x16384xi32, #tpu.memory_space<hbm>> -> memref<8x512xi32, #tpu.memory_space<hbm>>
      %dma_start3A_11 = arith.constant 8 : i32
      %dma_start3A_12 = arith.constant 0 : i32
      %dma_start3A_13 = tpu.memref_slice %arg5[%dma_start3A_11, %dma_start3A_12] : memref<26x512xi32, #tpu.memory_space<vmem>> -> memref<8x512xi32, #tpu.memory_space<vmem>>
      %dma_start3A_14 = arith.constant 8 : i32
      %dma_start3A_15 = tpu.memref_slice %arg2[%dma_start3A_14, %mul3A_2] : memref<26x16384xi32, #tpu.memory_space<hbm>> -> memref<8x512xi32, #tpu.memory_space<hbm>>
      tpu.enqueue_dma source(%dma_start3A_15 : memref<8x512xi32, #tpu.memory_space<hbm>>) target(%dma_start3A_13 : memref<8x512xi32, #tpu.memory_space<vmem>>) target_semaphore(%run_scoped3A : memref<!tpu.dma_semaphore, #tpu.memory_space<semaphore_mem>>)
      %dma_wait3A = arith.constant 8 : i32
      %dma_wait3A_16 = arith.constant 0 : i32
      %dma_wait3A_17 = tpu.memref_slice %arg5[%dma_wait3A, %dma_wait3A_16] : memref<26x512xi32, #tpu.memory_space<vmem>> -> memref<8x512xi32, #tpu.memory_space<vmem>>
      %dma_wait3A_18 = arith.constant 8 : i32
      %dma_wait3A_19 = tpu.memref_slice %arg2[%dma_wait3A_18, %mul3A_2] : memref<26x16384xi32, #tpu.memory_space<hbm>> -> memref<8x512xi32, #tpu.memory_space<hbm>>
      %dma_wait3A_20 = arith.constant 8 : i32
      %dma_wait3A_21 = arith.constant 0 : i32
      %dma_wait3A_22 = tpu.memref_slice %arg5[%dma_wait3A_20, %dma_wait3A_21] : memref<26x512xi32, #tpu.memory_space<vmem>> -> memref<8x512xi32, #tpu.memory_space<vmem>>
      %dma_wait3A_23 = arith.constant 8 : i32
      %dma_wait3A_24 = tpu.memref_slice %arg2[%dma_wait3A_23, %mul3A_2] : memref<26x16384xi32, #tpu.memory_space<hbm>> -> memref<8x512xi32, #tpu.memory_space<hbm>>
      tpu.wait_dma2 semaphore(%run_scoped3A : memref<!tpu.dma_semaphore, #tpu.memory_space<semaphore_mem>>) src(%dma_wait3A_24 : memref<8x512xi32, #tpu.memory_space<hbm>>) dst(%dma_wait3A_22 : memref<8x512xi32, #tpu.memory_space<vmem>>)
      tpu.yield
    }) : () -> ()
    "tpu.region"() ({
      %run_scoped3A = tpu.sem_alloc : memref<!tpu.dma_semaphore, #tpu.memory_space<semaphore_mem>>
      %dma_start3A = arith.constant 16 : i32
      %dma_start3A_7 = arith.constant 0 : i32
      %dma_start3A_8 = tpu.memref_slice %arg5[%dma_start3A, %dma_start3A_7] : memref<26x512xi32, #tpu.memory_space<vmem>> -> memref<8x512xi32, #tpu.memory_space<vmem>>
      %dma_start3A_9 = arith.constant 16 : i32
      %dma_start3A_10 = tpu.memref_slice %arg2[%dma_start3A_9, %mul3A_2] : memref<26x16384xi32, #tpu.memory_space<hbm>> -> memref<8x512xi32, #tpu.memory_space<hbm>>
      %dma_start3A_11 = arith.constant 16 : i32
      %dma_start3A_12 = arith.constant 0 : i32
      %dma_start3A_13 = tpu.memref_slice %arg5[%dma_start3A_11, %dma_start3A_12] : memref<26x512xi32, #tpu.memory_space<vmem>> -> memref<8x512xi32, #tpu.memory_space<vmem>>
      %dma_start3A_14 = arith.constant 16 : i32
      %dma_start3A_15 = tpu.memref_slice %arg2[%dma_start3A_14, %mul3A_2] : memref<26x16384xi32, #tpu.memory_space<hbm>> -> memref<8x512xi32, #tpu.memory_space<hbm>>
      tpu.enqueue_dma source(%dma_start3A_15 : memref<8x512xi32, #tpu.memory_space<hbm>>) target(%dma_start3A_13 : memref<8x512xi32, #tpu.memory_space<vmem>>) target_semaphore(%run_scoped3A : memref<!tpu.dma_semaphore, #tpu.memory_space<semaphore_mem>>)
      %dma_wait3A = arith.constant 16 : i32
      %dma_wait3A_16 = arith.constant 0 : i32
      %dma_wait3A_17 = tpu.memref_slice %arg5[%dma_wait3A, %dma_wait3A_16] : memref<26x512xi32, #tpu.memory_space<vmem>> -> memref<8x512xi32, #tpu.memory_space<vmem>>
      %dma_wait3A_18 = arith.constant 16 : i32
      %dma_wait3A_19 = tpu.memref_slice %arg2[%dma_wait3A_18, %mul3A_2] : memref<26x16384xi32, #tpu.memory_space<hbm>> -> memref<8x512xi32, #tpu.memory_space<hbm>>
      %dma_wait3A_20 = arith.constant 16 : i32
      %dma_wait3A_21 = arith.constant 0 : i32
      %dma_wait3A_22 = tpu.memref_slice %arg5[%dma_wait3A_20, %dma_wait3A_21] : memref<26x512xi32, #tpu.memory_space<vmem>> -> memref<8x512xi32, #tpu.memory_space<vmem>>
      %dma_wait3A_23 = arith.constant 16 : i32
      %dma_wait3A_24 = tpu.memref_slice %arg2[%dma_wait3A_23, %mul3A_2] : memref<26x16384xi32, #tpu.memory_space<hbm>> -> memref<8x512xi32, #tpu.memory_space<hbm>>
      tpu.wait_dma2 semaphore(%run_scoped3A : memref<!tpu.dma_semaphore, #tpu.memory_space<semaphore_mem>>) src(%dma_wait3A_24 : memref<8x512xi32, #tpu.memory_space<hbm>>) dst(%dma_wait3A_22 : memref<8x512xi32, #tpu.memory_space<vmem>>)
      tpu.yield
    }) : () -> ()
    "tpu.region"() ({
      %run_scoped3A = tpu.sem_alloc : memref<!tpu.dma_semaphore, #tpu.memory_space<semaphore_mem>>
      %dma_start3A = arith.constant 24 : i32
      %dma_start3A_7 = arith.constant 0 : i32
      %dma_start3A_8 = tpu.memref_slice %arg5[%dma_start3A, %dma_start3A_7] : memref<26x512xi32, #tpu.memory_space<vmem>> -> memref<2x512xi32, #tpu.memory_space<vmem>>
      %dma_start3A_9 = arith.constant 24 : i32
      %dma_start3A_10 = tpu.memref_slice %arg2[%dma_start3A_9, %mul3A_2] : memref<26x16384xi32, #tpu.memory_space<hbm>> -> memref<2x512xi32, #tpu.memory_space<hbm>>
      %dma_start3A_11 = arith.constant 24 : i32
      %dma_start3A_12 = arith.constant 0 : i32
      %dma_start3A_13 = tpu.memref_slice %arg5[%dma_start3A_11, %dma_start3A_12] : memref<26x512xi32, #tpu.memory_space<vmem>> -> memref<2x512xi32, #tpu.memory_space<vmem>>
      %dma_start3A_14 = arith.constant 24 : i32
      %dma_start3A_15 = tpu.memref_slice %arg2[%dma_start3A_14, %mul3A_2] : memref<26x16384xi32, #tpu.memory_space<hbm>> -> memref<2x512xi32, #tpu.memory_space<hbm>>
      tpu.enqueue_dma source(%dma_start3A_15 : memref<2x512xi32, #tpu.memory_space<hbm>>) target(%dma_start3A_13 : memref<2x512xi32, #tpu.memory_space<vmem>>) target_semaphore(%run_scoped3A : memref<!tpu.dma_semaphore, #tpu.memory_space<semaphore_mem>>)
      %dma_wait3A = arith.constant 24 : i32
      %dma_wait3A_16 = arith.constant 0 : i32
      %dma_wait3A_17 = tpu.memref_slice %arg5[%dma_wait3A, %dma_wait3A_16] : memref<26x512xi32, #tpu.memory_space<vmem>> -> memref<2x512xi32, #tpu.memory_space<vmem>>
      %dma_wait3A_18 = arith.constant 24 : i32
      %dma_wait3A_19 = tpu.memref_slice %arg2[%dma_wait3A_18, %mul3A_2] : memref<26x16384xi32, #tpu.memory_space<hbm>> -> memref<2x512xi32, #tpu.memory_space<hbm>>
      %dma_wait3A_20 = arith.constant 24 : i32
      %dma_wait3A_21 = arith.constant 0 : i32
      %dma_wait3A_22 = tpu.memref_slice %arg5[%dma_wait3A_20, %dma_wait3A_21] : memref<26x512xi32, #tpu.memory_space<vmem>> -> memref<2x512xi32, #tpu.memory_space<vmem>>
      %dma_wait3A_23 = arith.constant 24 : i32
      %dma_wait3A_24 = tpu.memref_slice %arg2[%dma_wait3A_23, %mul3A_2] : memref<26x16384xi32, #tpu.memory_space<hbm>> -> memref<2x512xi32, #tpu.memory_space<hbm>>
      tpu.wait_dma2 semaphore(%run_scoped3A : memref<!tpu.dma_semaphore, #tpu.memory_space<semaphore_mem>>) src(%dma_wait3A_24 : memref<2x512xi32, #tpu.memory_space<hbm>>) dst(%dma_wait3A_22 : memref<2x512xi32, #tpu.memory_space<vmem>>)
      tpu.yield
    }) : () -> ()
    %scan3A = arith.constant 0 : i32
    %scan3A_3 = arith.constant 26 : i32
    %scan3A_4 = arith.addi %scan3A, %scan3A_3 : i32
    %scan3A_5 = arith.constant 1 : i32
    scf.for %scan3A_7 = %scan3A to %scan3A_4 step %scan3A_5  : i32 {
      %mul3A_8 = arith.constant 1 : i32
      %mul3A_9 = arith.muli %scan3A_7, %mul3A_8 : i32
      %add3A_10 = arith.constant 0 : i32
      %add3A_11 = arith.addi %add3A_10, %mul3A_9 : i32
      %get3A = arith.index_cast %add3A_11 : i32 to index
      %get3A_12 = arith.constant 0 : index
      %get3A_13 = tpu.vector_load %arg5[%get3A, %get3A_12] {strides = array<i32>} : memref<26x512xi32, #tpu.memory_space<vmem>>, vector<16xi32>,
      %mul3A_14 = arith.constant 38461 : i32
      %mul3A_15 = arith.muli %add3A_11, %mul3A_14 : i32
      %add3A_16 = vector.broadcast %mul3A_15 : i32 to vector<16xi32>
      %add3A_17 = arith.addi %get3A_13, %add3A_16 : vector<16xi32>
      %swap3A = arith.constant 0 : i32
      %swap3A_18 = arith.index_cast %swap3A : i32 to index
      %swap3A_19 = arith.constant 0 : index
      %swap3A_20 = tpu.vector_load %arg6[%swap3A_18, %swap3A_19] {strides = array<i32>} : memref<2x128xi32, #tpu.memory_space<vmem>>, vector<16xi32>,
      tpu.vector_store %arg6[%swap3A_18, %swap3A_19], %add3A_17 {strides = array<i32>} : memref<2x128xi32, #tpu.memory_space<vmem>>, vector<16xi32>,
      %shift_right_logical3A = arith.constant 3 : i32
      %shift_right_logical3A_21 = vector.broadcast %shift_right_logical3A : i32 to vector<16xi32>
      %shift_right_logical3A_22 = arith.shrui %add3A_17, %shift_right_logical3A_21 : vector<16xi32>
      %swap3A_23 = arith.constant 0 : i32
      %swap3A_24 = arith.index_cast %swap3A_23 : i32 to index
      %swap3A_25 = arith.constant 0 : index
      %swap3A_26 = tpu.vector_load %arg7[%swap3A_24, %swap3A_25] {strides = array<i32>} : memref<2x128xi32, #tpu.memory_space<vmem>>, vector<16xi32>,
      tpu.vector_store %arg7[%swap3A_24, %swap3A_25], %shift_right_logical3A_22 {strides = array<i32>} : memref<2x128xi32, #tpu.memory_space<vmem>>, vector<16xi32>,
      %get3A_27 = arith.index_cast %add3A_11 : i32 to index
      %get3A_28 = arith.constant 16 : index
      %get3A_29 = tpu.vector_load %arg5[%get3A_27, %get3A_28] {strides = array<i32>} : memref<26x512xi32, #tpu.memory_space<vmem>>, vector<16xi32>,
      %mul3A_30 = arith.constant 38461 : i32
      %mul3A_31 = arith.muli %add3A_11, %mul3A_30 : i32
      %add3A_32 = vector.broadcast %mul3A_31 : i32 to vector<16xi32>
      %add3A_33 = arith.addi %get3A_29, %add3A_32 : vector<16xi32>
      %swap3A_34 = arith.constant 0 : i32
      %swap3A_35 = arith.index_cast %swap3A_34 : i32 to index
      %swap3A_36 = arith.constant 16 : index
      %swap3A_37 = tpu.vector_load %arg6[%swap3A_35, %swap3A_36] {strides = array<i32>} : memref<2x128xi32, #tpu.memory_space<vmem>>, vector<16xi32>,
      tpu.vector_store %arg6[%swap3A_35, %swap3A_36], %add3A_33 {strides = array<i32>} : memref<2x128xi32, #tpu.memory_space<vmem>>, vector<16xi32>,
      %shift_right_logical3A_38 = arith.constant 3 : i32
      %shift_right_logical3A_39 = vector.broadcast %shift_right_logical3A_38 : i32 to vector<16xi32>
      %shift_right_logical3A_40 = arith.shrui %add3A_33, %shift_right_logical3A_39 : vector<16xi32>
      %swap3A_41 = arith.constant 0 : i32
      %swap3A_42 = arith.index_cast %swap3A_41 : i32 to index
      %swap3A_43 = arith.constant 16 : index
      %swap3A_44 = tpu.vector_load %arg7[%swap3A_42, %swap3A_43] {strides = array<i32>} : memref<2x128xi32, #tpu.memory_space<vmem>>, vector<16xi32>,
      tpu.vector_store %arg7[%swap3A_42, %swap3A_43], %shift_right_logical3A_40 {strides = array<i32>} : memref<2x128xi32, #tpu.memory_space<vmem>>, vector<16xi32>,
      %get3A_45 = arith.index_cast %add3A_11 : i32 to index
      %get3A_46 = arith.constant 32 : index
      %get3A_47 = tpu.vector_load %arg5[%get3A_45, %get3A_46] {strides = array<i32>} : memref<26x512xi32, #tpu.memory_space<vmem>>, vector<16xi32>,
      %mul3A_48 = arith.constant 38461 : i32
      %mul3A_49 = arith.muli %add3A_11, %mul3A_48 : i32
      %add3A_50 = vector.broadcast %mul3A_49 : i32 to vector<16xi32>
      %add3A_51 = arith.addi %get3A_47, %add3A_50 : vector<16xi32>
      %swap3A_52 = arith.constant 0 : i32
      %swap3A_53 = arith.index_cast %swap3A_52 : i32 to index
      %swap3A_54 = arith.constant 32 : index
      %swap3A_55 = tpu.vector_load %arg6[%swap3A_53, %swap3A_54] {strides = array<i32>} : memref<2x128xi32, #tpu.memory_space<vmem>>, vector<16xi32>,
      tpu.vector_store %arg6[%swap3A_53, %swap3A_54], %add3A_51 {strides = array<i32>} : memref<2x128xi32, #tpu.memory_space<vmem>>, vector<16xi32>,
      %shift_right_logical3A_56 = arith.constant 3 : i32
      %shift_right_logical3A_57 = vector.broadcast %shift_right_logical3A_56 : i32 to vector<16xi32>
      %shift_right_logical3A_58 = arith.shrui %add3A_51, %shift_right_logical3A_57 : vector<16xi32>
      %swap3A_59 = arith.constant 0 : i32
      %swap3A_60 = arith.index_cast %swap3A_59 : i32 to index
      %swap3A_61 = arith.constant 32 : index
      %swap3A_62 = tpu.vector_load %arg7[%swap3A_60, %swap3A_61] {strides = array<i32>} : memref<2x128xi32, #tpu.memory_space<vmem>>, vector<16xi32>,
      tpu.vector_store %arg7[%swap3A_60, %swap3A_61], %shift_right_logical3A_58 {strides = array<i32>} : memref<2x128xi32, #tpu.memory_space<vmem>>, vector<16xi32>,
      %get3A_63 = arith.index_cast %add3A_11 : i32 to index
      %get3A_64 = arith.constant 48 : index
      %get3A_65 = tpu.vector_load %arg5[%get3A_63, %get3A_64] {strides = array<i32>} : memref<26x512xi32, #tpu.memory_space<vmem>>, vector<16xi32>,
      %mul3A_66 = arith.constant 38461 : i32
      %mul3A_67 = arith.muli %add3A_11, %mul3A_66 : i32
      %add3A_68 = vector.broadcast %mul3A_67 : i32 to vector<16xi32>
      %add3A_69 = arith.addi %get3A_65, %add3A_68 : vector<16xi32>
      %swap3A_70 = arith.constant 0 : i32
      %swap3A_71 = arith.index_cast %swap3A_70 : i32 to index
      %swap3A_72 = arith.constant 48 : index
      %swap3A_73 = tpu.vector_load %arg6[%swap3A_71, %swap3A_72] {strides = array<i32>} : memref<2x128xi32, #tpu.memory_space<vmem>>, vector<16xi32>,
      tpu.vector_store %arg6[%swap3A_71, %swap3A_72], %add3A_69 {strides = array<i32>} : memref<2x128xi32, #tpu.memory_space<vmem>>, vector<16xi32>,
      %shift_right_logical3A_74 = arith.constant 3 : i32
      %shift_right_logical3A_75 = vector.broadcast %shift_right_logical3A_74 : i32 to vector<16xi32>
      %shift_right_logical3A_76 = arith.shrui %add3A_69, %shift_right_logical3A_75 : vector<16xi32>
      %swap3A_77 = arith.constant 0 : i32
      %swap3A_78 = arith.index_cast %swap3A_77 : i32 to index
      %swap3A_79 = arith.constant 48 : index
      %swap3A_80 = tpu.vector_load %arg7[%swap3A_78, %swap3A_79] {strides = array<i32>} : memref<2x128xi32, #tpu.memory_space<vmem>>, vector<16xi32>,
      tpu.vector_store %arg7[%swap3A_78, %swap3A_79], %shift_right_logical3A_76 {strides = array<i32>} : memref<2x128xi32, #tpu.memory_space<vmem>>, vector<16xi32>,
      %get3A_81 = arith.index_cast %add3A_11 : i32 to index
      %get3A_82 = arith.constant 64 : index
      %get3A_83 = tpu.vector_load %arg5[%get3A_81, %get3A_82] {strides = array<i32>} : memref<26x512xi32, #tpu.memory_space<vmem>>, vector<16xi32>,
      %mul3A_84 = arith.constant 38461 : i32
      %mul3A_85 = arith.muli %add3A_11, %mul3A_84 : i32
      %add3A_86 = vector.broadcast %mul3A_85 : i32 to vector<16xi32>
      %add3A_87 = arith.addi %get3A_83, %add3A_86 : vector<16xi32>
      %swap3A_88 = arith.constant 0 : i32
      %swap3A_89 = arith.index_cast %swap3A_88 : i32 to index
      %swap3A_90 = arith.constant 64 : index
      %swap3A_91 = tpu.vector_load %arg6[%swap3A_89, %swap3A_90] {strides = array<i32>} : memref<2x128xi32, #tpu.memory_space<vmem>>, vector<16xi32>,
      tpu.vector_store %arg6[%swap3A_89, %swap3A_90], %add3A_87 {strides = array<i32>} : memref<2x128xi32, #tpu.memory_space<vmem>>, vector<16xi32>,
      %shift_right_logical3A_92 = arith.constant 3 : i32
      %shift_right_logical3A_93 = vector.broadcast %shift_right_logical3A_92 : i32 to vector<16xi32>
      %shift_right_logical3A_94 = arith.shrui %add3A_87, %shift_right_logical3A_93 : vector<16xi32>
      %swap3A_95 = arith.constant 0 : i32
      %swap3A_96 = arith.index_cast %swap3A_95 : i32 to index
      %swap3A_97 = arith.constant 64 : index
      %swap3A_98 = tpu.vector_load %arg7[%swap3A_96, %swap3A_97] {strides = array<i32>} : memref<2x128xi32, #tpu.memory_space<vmem>>, vector<16xi32>,
      tpu.vector_store %arg7[%swap3A_96, %swap3A_97], %shift_right_logical3A_94 {strides = array<i32>} : memref<2x128xi32, #tpu.memory_space<vmem>>, vector<16xi32>,
      %get3A_99 = arith.index_cast %add3A_11 : i32 to index
      %get3A_100 = arith.constant 80 : index
      %get3A_101 = tpu.vector_load %arg5[%get3A_99, %get3A_100] {strides = array<i32>} : memref<26x512xi32, #tpu.memory_space<vmem>>, vector<16xi32>,
      %mul3A_102 = arith.constant 38461 : i32
      %mul3A_103 = arith.muli %add3A_11, %mul3A_102 : i32
      %add3A_104 = vector.broadcast %mul3A_103 : i32 to vector<16xi32>
      %add3A_105 = arith.addi %get3A_101, %add3A_104 : vector<16xi32>
      %swap3A_106 = arith.constant 0 : i32
      %swap3A_107 = arith.index_cast %swap3A_106 : i32 to index
      %swap3A_108 = arith.constant 80 : index
      %swap3A_109 = tpu.vector_load %arg6[%swap3A_107, %swap3A_108] {strides = array<i32>} : memref<2x128xi32, #tpu.memory_space<vmem>>, vector<16xi32>,
      tpu.vector_store %arg6[%swap3A_107, %swap3A_108], %add3A_105 {strides = array<i32>} : memref<2x128xi32, #tpu.memory_space<vmem>>, vector<16xi32>,
      %shift_right_logical3A_110 = arith.constant 3 : i32
      %shift_right_logical3A_111 = vector.broadcast %shift_right_logical3A_110 : i32 to vector<16xi32>
      %shift_right_logical3A_112 = arith.shrui %add3A_105, %shift_right_logical3A_111 : vector<16xi32>
      %swap3A_113 = arith.constant 0 : i32
      %swap3A_114 = arith.index_cast %swap3A_113 : i32 to index
      %swap3A_115 = arith.constant 80 : index
      %swap3A_116 = tpu.vector_load %arg7[%swap3A_114, %swap3A_115] {strides = array<i32>} : memref<2x128xi32, #tpu.memory_space<vmem>>, vector<16xi32>,
      tpu.vector_store %arg7[%swap3A_114, %swap3A_115], %shift_right_logical3A_112 {strides = array<i32>} : memref<2x128xi32, #tpu.memory_space<vmem>>, vector<16xi32>,
      %get3A_117 = arith.index_cast %add3A_11 : i32 to index
      %get3A_118 = arith.constant 96 : index
      %get3A_119 = tpu.vector_load %arg5[%get3A_117, %get3A_118] {strides = array<i32>} : memref<26x512xi32, #tpu.memory_space<vmem>>, vector<16xi32>,
      %mul3A_120 = arith.constant 38461 : i32
      %mul3A_121 = arith.muli %add3A_11, %mul3A_120 : i32
      %add3A_122 = vector.broadcast %mul3A_121 : i32 to vector<16xi32>
      %add3A_123 = arith.addi %get3A_119, %add3A_122 : vector<16xi32>
      %swap3A_124 = arith.constant 0 : i32
      %swap3A_125 = arith.index_cast %swap3A_124 : i32 to index
      %swap3A_126 = arith.constant 96 : index
      %swap3A_127 = tpu.vector_load %arg6[%swap3A_125, %swap3A_126] {strides = array<i32>} : memref<2x128xi32, #tpu.memory_space<vmem>>, vector<16xi32>,
      tpu.vector_store %arg6[%swap3A_125, %swap3A_126], %add3A_123 {strides = array<i32>} : memref<2x128xi32, #tpu.memory_space<vmem>>, vector<16xi32>,
      %shift_right_logical3A_128 = arith.constant 3 : i32
      %shift_right_logical3A_129 = vector.broadcast %shift_right_logical3A_128 : i32 to vector<16xi32>
      %shift_right_logical3A_130 = arith.shrui %add3A_123, %shift_right_logical3A_129 : vector<16xi32>
      %swap3A_131 = arith.constant 0 : i32
      %swap3A_132 = arith.index_cast %swap3A_131 : i32 to index
      %swap3A_133 = arith.constant 96 : index
      %swap3A_134 = tpu.vector_load %arg7[%swap3A_132, %swap3A_133] {strides = array<i32>} : memref<2x128xi32, #tpu.memory_space<vmem>>, vector<16xi32>,
      tpu.vector_store %arg7[%swap3A_132, %swap3A_133], %shift_right_logical3A_130 {strides = array<i32>} : memref<2x128xi32, #tpu.memory_space<vmem>>, vector<16xi32>,
      %get3A_135 = arith.index_cast %add3A_11 : i32 to index
      %get3A_136 = arith.constant 112 : index
      %get3A_137 = tpu.vector_load %arg5[%get3A_135, %get3A_136] {strides = array<i32>} : memref<26x512xi32, #tpu.memory_space<vmem>>, vector<16xi32>,
      %mul3A_138 = arith.constant 38461 : i32
      %mul3A_139 = arith.muli %add3A_11, %mul3A_138 : i32
      %add3A_140 = vector.broadcast %mul3A_139 : i32 to vector<16xi32>
      %add3A_141 = arith.addi %get3A_137, %add3A_140 : vector<16xi32>
      %swap3A_142 = arith.constant 0 : i32
      %swap3A_143 = arith.index_cast %swap3A_142 : i32 to index
      %swap3A_144 = arith.constant 112 : index
      %swap3A_145 = tpu.vector_load %arg6[%swap3A_143, %swap3A_144] {strides = array<i32>} : memref<2x128xi32, #tpu.memory_space<vmem>>, vector<16xi32>,
      tpu.vector_store %arg6[%swap3A_143, %swap3A_144], %add3A_141 {strides = array<i32>} : memref<2x128xi32, #tpu.memory_space<vmem>>, vector<16xi32>,
      %shift_right_logical3A_146 = arith.constant 3 : i32
      %shift_right_logical3A_147 = vector.broadcast %shift_right_logical3A_146 : i32 to vector<16xi32>
      %shift_right_logical3A_148 = arith.shrui %add3A_141, %shift_right_logical3A_147 : vector<16xi32>
      %swap3A_149 = arith.constant 0 : i32
      %swap3A_150 = arith.index_cast %swap3A_149 : i32 to index
      %swap3A_151 = arith.constant 112 : index
      %swap3A_152 = tpu.vector_load %arg7[%swap3A_150, %swap3A_151] {strides = array<i32>} : memref<2x128xi32, #tpu.memory_space<vmem>>, vector<16xi32>,
      tpu.vector_store %arg7[%swap3A_150, %swap3A_151], %shift_right_logical3A_148 {strides = array<i32>} : memref<2x128xi32, #tpu.memory_space<vmem>>, vector<16xi32>,
      %dma_start3A = arith.constant 0 : i32
      %dma_start3A_153 = arith.constant 0 : i32
      %dma_start3A_154 = tpu.memref_slice %arg7[%dma_start3A, %dma_start3A_153] : memref<2x128xi32, #tpu.memory_space<vmem>> -> memref<1x128xi32, #tpu.memory_space<vmem>>
      %dma_start3A_155 = tpu.memref_squeeze %dma_start3A_154 : memref<1x128xi32, #tpu.memory_space<vmem>> -> memref<128xi32, #tpu.memory_space<vmem>>
      %dma_start3A_156 = arith.constant 0 : i32
      %dma_start3A_157 = arith.constant 0 : i32
      %dma_start3A_158 = tpu.memref_slice %arg3[%dma_start3A_156, %dma_start3A_157] : memref<125008x128xf32, #tpu.memory_space<hbm>> -> memref<125008x128xf32, #tpu.memory_space<hbm>>
      tpu.enqueue_indirect_dma source(%dma_start3A_158 : memref<125008x128xf32, #tpu.memory_space<hbm>>) target(%arg8 : memref<128x128xf32, #tpu.memory_space<vmem>>) offsets(%dma_start3A_155 : memref<128xi32, #tpu.memory_space<vmem>>) semaphore(%arg11 : memref<!tpu.dma_semaphore, #tpu.memory_space<semaphore_mem>>)
      %get3A_159 = arith.index_cast %add3A_11 : i32 to index
      %get3A_160 = arith.constant 128 : index
      %get3A_161 = tpu.vector_load %arg5[%get3A_159, %get3A_160] {strides = array<i32>} : memref<26x512xi32, #tpu.memory_space<vmem>>, vector<16xi32>,
      %mul3A_162 = arith.constant 38461 : i32
      %mul3A_163 = arith.muli %add3A_11, %mul3A_162 : i32
      %add3A_164 = vector.broadcast %mul3A_163 : i32 to vector<16xi32>
      %add3A_165 = arith.addi %get3A_161, %add3A_164 : vector<16xi32>
      %swap3A_166 = arith.constant 1 : i32
      %swap3A_167 = arith.index_cast %swap3A_166 : i32 to index
      %swap3A_168 = arith.constant 0 : index
      %swap3A_169 = tpu.vector_load %arg6[%swap3A_167, %swap3A_168] {strides = array<i32>} : memref<2x128xi32, #tpu.memory_space<vmem>>, vector<16xi32>,
      tpu.vector_store %arg6[%swap3A_167, %swap3A_168], %add3A_165 {strides = array<i32>} : memref<2x128xi32, #tpu.memory_space<vmem>>, vector<16xi32>,
      %shift_right_logical3A_170 = arith.constant 3 : i32
      %shift_right_logical3A_171 = vector.broadcast %shift_right_logical3A_170 : i32 to vector<16xi32>
      %shift_right_logical3A_172 = arith.shrui %add3A_165, %shift_right_logical3A_171 : vector<16xi32>
      %swap3A_173 = arith.constant 1 : i32
      %swap3A_174 = arith.index_cast %swap3A_173 : i32 to index
      %swap3A_175 = arith.constant 0 : index
      %swap3A_176 = tpu.vector_load %arg7[%swap3A_174, %swap3A_175] {strides = array<i32>} : memref<2x128xi32, #tpu.memory_space<vmem>>, vector<16xi32>,
      tpu.vector_store %arg7[%swap3A_174, %swap3A_175], %shift_right_logical3A_172 {strides = array<i32>} : memref<2x128xi32, #tpu.memory_space<vmem>>, vector<16xi32>,
      %get3A_177 = arith.index_cast %add3A_11 : i32 to index
      %get3A_178 = arith.constant 144 : index
      %get3A_179 = tpu.vector_load %arg5[%get3A_177, %get3A_178] {strides = array<i32>} : memref<26x512xi32, #tpu.memory_space<vmem>>, vector<16xi32>,
      %mul3A_180 = arith.constant 38461 : i32
      %mul3A_181 = arith.muli %add3A_11, %mul3A_180 : i32
      %add3A_182 = vector.broadcast %mul3A_181 : i32 to vector<16xi32>
      %add3A_183 = arith.addi %get3A_179, %add3A_182 : vector<16xi32>
      %swap3A_184 = arith.constant 1 : i32
      %swap3A_185 = arith.index_cast %swap3A_184 : i32 to index
      %swap3A_186 = arith.constant 16 : index
      %swap3A_187 = tpu.vector_load %arg6[%swap3A_185, %swap3A_186] {strides = array<i32>} : memref<2x128xi32, #tpu.memory_space<vmem>>, vector<16xi32>,
      tpu.vector_store %arg6[%swap3A_185, %swap3A_186], %add3A_183 {strides = array<i32>} : memref<2x128xi32, #tpu.memory_space<vmem>>, vector<16xi32>,
      %shift_right_logical3A_188 = arith.constant 3 : i32
      %shift_right_logical3A_189 = vector.broadcast %shift_right_logical3A_188 : i32 to vector<16xi32>
      %shift_right_logical3A_190 = arith.shrui %add3A_183, %shift_right_logical3A_189 : vector<16xi32>
      %swap3A_191 = arith.constant 1 : i32
      %swap3A_192 = arith.index_cast %swap3A_191 : i32 to index
      %swap3A_193 = arith.constant 16 : index
      %swap3A_194 = tpu.vector_load %arg7[%swap3A_192, %swap3A_193] {strides = array<i32>} : memref<2x128xi32, #tpu.memory_space<vmem>>, vector<16xi32>,
      tpu.vector_store %arg7[%swap3A_192, %swap3A_193], %shift_right_logical3A_190 {strides = array<i32>} : memref<2x128xi32, #tpu.memory_space<vmem>>, vector<16xi32>,
      %get3A_195 = arith.index_cast %add3A_11 : i32 to index
      %get3A_196 = arith.constant 160 : index
      %get3A_197 = tpu.vector_load %arg5[%get3A_195, %get3A_196] {strides = array<i32>} : memref<26x512xi32, #tpu.memory_space<vmem>>, vector<16xi32>,
      %mul3A_198 = arith.constant 38461 : i32
      %mul3A_199 = arith.muli %add3A_11, %mul3A_198 : i32
      %add3A_200 = vector.broadcast %mul3A_199 : i32 to vector<16xi32>
      %add3A_201 = arith.addi %get3A_197, %add3A_200 : vector<16xi32>
      %swap3A_202 = arith.constant 1 : i32
      %swap3A_203 = arith.index_cast %swap3A_202 : i32 to index
      %swap3A_204 = arith.constant 32 : index
      %swap3A_205 = tpu.vector_load %arg6[%swap3A_203, %swap3A_204] {strides = array<i32>} : memref<2x128xi32, #tpu.memory_space<vmem>>, vector<16xi32>,
      tpu.vector_store %arg6[%swap3A_203, %swap3A_204], %add3A_201 {strides = array<i32>} : memref<2x128xi32, #tpu.memory_space<vmem>>, vector<16xi32>,
      %shift_right_logical3A_206 = arith.constant 3 : i32
      %shift_right_logical3A_207 = vector.broadcast %shift_right_logical3A_206 : i32 to vector<16xi32>
      %shift_right_logical3A_208 = arith.shrui %add3A_201, %shift_right_logical3A_207 : vector<16xi32>
      %swap3A_209 = arith.constant 1 : i32
      %swap3A_210 = arith.index_cast %swap3A_209 : i32 to index
      %swap3A_211 = arith.constant 32 : index
      %swap3A_212 = tpu.vector_load %arg7[%swap3A_210, %swap3A_211] {strides = array<i32>} : memref<2x128xi32, #tpu.memory_space<vmem>>, vector<16xi32>,
      tpu.vector_store %arg7[%swap3A_210, %swap3A_211], %shift_right_logical3A_208 {strides = array<i32>} : memref<2x128xi32, #tpu.memory_space<vmem>>, vector<16xi32>,
      %get3A_213 = arith.index_cast %add3A_11 : i32 to index
      %get3A_214 = arith.constant 176 : index
      %get3A_215 = tpu.vector_load %arg5[%get3A_213, %get3A_214] {strides = array<i32>} : memref<26x512xi32, #tpu.memory_space<vmem>>, vector<16xi32>,
      %mul3A_216 = arith.constant 38461 : i32
      %mul3A_217 = arith.muli %add3A_11, %mul3A_216 : i32
      %add3A_218 = vector.broadcast %mul3A_217 : i32 to vector<16xi32>
      %add3A_219 = arith.addi %get3A_215, %add3A_218 : vector<16xi32>
      %swap3A_220 = arith.constant 1 : i32
      %swap3A_221 = arith.index_cast %swap3A_220 : i32 to index
      %swap3A_222 = arith.constant 48 : index
      %swap3A_223 = tpu.vector_load %arg6[%swap3A_221, %swap3A_222] {strides = array<i32>} : memref<2x128xi32, #tpu.memory_space<vmem>>, vector<16xi32>,
      tpu.vector_store %arg6[%swap3A_221, %swap3A_222], %add3A_219 {strides = array<i32>} : memref<2x128xi32, #tpu.memory_space<vmem>>, vector<16xi32>,
      %shift_right_logical3A_224 = arith.constant 3 : i32
      %shift_right_logical3A_225 = vector.broadcast %shift_right_logical3A_224 : i32 to vector<16xi32>
      %shift_right_logical3A_226 = arith.shrui %add3A_219, %shift_right_logical3A_225 : vector<16xi32>
      %swap3A_227 = arith.constant 1 : i32
      %swap3A_228 = arith.index_cast %swap3A_227 : i32 to index
      %swap3A_229 = arith.constant 48 : index
      %swap3A_230 = tpu.vector_load %arg7[%swap3A_228, %swap3A_229] {strides = array<i32>} : memref<2x128xi32, #tpu.memory_space<vmem>>, vector<16xi32>,
      tpu.vector_store %arg7[%swap3A_228, %swap3A_229], %shift_right_logical3A_226 {strides = array<i32>} : memref<2x128xi32, #tpu.memory_space<vmem>>, vector<16xi32>,
      %get3A_231 = arith.index_cast %add3A_11 : i32 to index
      %get3A_232 = arith.constant 192 : index
      %get3A_233 = tpu.vector_load %arg5[%get3A_231, %get3A_232] {strides = array<i32>} : memref<26x512xi32, #tpu.memory_space<vmem>>, vector<16xi32>,
      %mul3A_234 = arith.constant 38461 : i32
      %mul3A_235 = arith.muli %add3A_11, %mul3A_234 : i32
      %add3A_236 = vector.broadcast %mul3A_235 : i32 to vector<16xi32>
      %add3A_237 = arith.addi %get3A_233, %add3A_236 : vector<16xi32>
      %swap3A_238 = arith.constant 1 : i32
      %swap3A_239 = arith.index_cast %swap3A_238 : i32 to index
      %swap3A_240 = arith.constant 64 : index
      %swap3A_241 = tpu.vector_load %arg6[%swap3A_239, %swap3A_240] {strides = array<i32>} : memref<2x128xi32, #tpu.memory_space<vmem>>, vector<16xi32>,
      tpu.vector_store %arg6[%swap3A_239, %swap3A_240], %add3A_237 {strides = array<i32>} : memref<2x128xi32, #tpu.memory_space<vmem>>, vector<16xi32>,
      %shift_right_logical3A_242 = arith.constant 3 : i32
      %shift_right_logical3A_243 = vector.broadcast %shift_right_logical3A_242 : i32 to vector<16xi32>
      %shift_right_logical3A_244 = arith.shrui %add3A_237, %shift_right_logical3A_243 : vector<16xi32>
      %swap3A_245 = arith.constant 1 : i32
      %swap3A_246 = arith.index_cast %swap3A_245 : i32 to index
      %swap3A_247 = arith.constant 64 : index
      %swap3A_248 = tpu.vector_load %arg7[%swap3A_246, %swap3A_247] {strides = array<i32>} : memref<2x128xi32, #tpu.memory_space<vmem>>, vector<16xi32>,
      tpu.vector_store %arg7[%swap3A_246, %swap3A_247], %shift_right_logical3A_244 {strides = array<i32>} : memref<2x128xi32, #tpu.memory_space<vmem>>, vector<16xi32>,
      %get3A_249 = arith.index_cast %add3A_11 : i32 to index
      %get3A_250 = arith.constant 208 : index
      %get3A_251 = tpu.vector_load %arg5[%get3A_249, %get3A_250] {strides = array<i32>} : memref<26x512xi32, #tpu.memory_space<vmem>>, vector<16xi32>,
      %mul3A_252 = arith.constant 38461 : i32
      %mul3A_253 = arith.muli %add3A_11, %mul3A_252 : i32
      %add3A_254 = vector.broadcast %mul3A_253 : i32 to vector<16xi32>
      %add3A_255 = arith.addi %get3A_251, %add3A_254 : vector<16xi32>
      %swap3A_256 = arith.constant 1 : i32
      %swap3A_257 = arith.index_cast %swap3A_256 : i32 to index
      %swap3A_258 = arith.constant 80 : index
      %swap3A_259 = tpu.vector_load %arg6[%swap3A_257, %swap3A_258] {strides = array<i32>} : memref<2x128xi32, #tpu.memory_space<vmem>>, vector<16xi32>,
      tpu.vector_store %arg6[%swap3A_257, %swap3A_258], %add3A_255 {strides = array<i32>} : memref<2x128xi32, #tpu.memory_space<vmem>>, vector<16xi32>,
      %shift_right_logical3A_260 = arith.constant 3 : i32
      %shift_right_logical3A_261 = vector.broadcast %shift_right_logical3A_260 : i32 to vector<16xi32>
      %shift_right_logical3A_262 = arith.shrui %add3A_255, %shift_right_logical3A_261 : vector<16xi32>
      %swap3A_263 = arith.constant 1 : i32
      %swap3A_264 = arith.index_cast %swap3A_263 : i32 to index
      %swap3A_265 = arith.constant 80 : index
      %swap3A_266 = tpu.vector_load %arg7[%swap3A_264, %swap3A_265] {strides = array<i32>} : memref<2x128xi32, #tpu.memory_space<vmem>>, vector<16xi32>,
      tpu.vector_store %arg7[%swap3A_264, %swap3A_265], %shift_right_logical3A_262 {strides = array<i32>} : memref<2x128xi32, #tpu.memory_space<vmem>>, vector<16xi32>,
      %get3A_267 = arith.index_cast %add3A_11 : i32 to index
      %get3A_268 = arith.constant 224 : index
      %get3A_269 = tpu.vector_load %arg5[%get3A_267, %get3A_268] {strides = array<i32>} : memref<26x512xi32, #tpu.memory_space<vmem>>, vector<16xi32>,
      %mul3A_270 = arith.constant 38461 : i32
      %mul3A_271 = arith.muli %add3A_11, %mul3A_270 : i32
      %add3A_272 = vector.broadcast %mul3A_271 : i32 to vector<16xi32>
      %add3A_273 = arith.addi %get3A_269, %add3A_272 : vector<16xi32>
      %swap3A_274 = arith.constant 1 : i32
      %swap3A_275 = arith.index_cast %swap3A_274 : i32 to index
      %swap3A_276 = arith.constant 96 : index
      %swap3A_277 = tpu.vector_load %arg6[%swap3A_275, %swap3A_276] {strides = array<i32>} : memref<2x128xi32, #tpu.memory_space<vmem>>, vector<16xi32>,
      tpu.vector_store %arg6[%swap3A_275, %swap3A_276], %add3A_273 {strides = array<i32>} : memref<2x128xi32, #tpu.memory_space<vmem>>, vector<16xi32>,
      %shift_right_logical3A_278 = arith.constant 3 : i32
      %shift_right_logical3A_279 = vector.broadcast %shift_right_logical3A_278 : i32 to vector<16xi32>
      %shift_right_logical3A_280 = arith.shrui %add3A_273, %shift_right_logical3A_279 : vector<16xi32>
      %swap3A_281 = arith.constant 1 : i32
      %swap3A_282 = arith.index_cast %swap3A_281 : i32 to index
      %swap3A_283 = arith.constant 96 : index
      %swap3A_284 = tpu.vector_load %arg7[%swap3A_282, %swap3A_283] {strides = array<i32>} : memref<2x128xi32, #tpu.memory_space<vmem>>, vector<16xi32>,
      tpu.vector_store %arg7[%swap3A_282, %swap3A_283], %shift_right_logical3A_280 {strides = array<i32>} : memref<2x128xi32, #tpu.memory_space<vmem>>, vector<16xi32>,
      %get3A_285 = arith.index_cast %add3A_11 : i32 to index
      %get3A_286 = arith.constant 240 : index
      %get3A_287 = tpu.vector_load %arg5[%get3A_285, %get3A_286] {strides = array<i32>} : memref<26x512xi32, #tpu.memory_space<vmem>>, vector<16xi32>,
      %mul3A_288 = arith.constant 38461 : i32
      %mul3A_289 = arith.muli %add3A_11, %mul3A_288 : i32
      %add3A_290 = vector.broadcast %mul3A_289 : i32 to vector<16xi32>
      %add3A_291 = arith.addi %get3A_287, %add3A_290 : vector<16xi32>
      %swap3A_292 = arith.constant 1 : i32
      %swap3A_293 = arith.index_cast %swap3A_292 : i32 to index
      %swap3A_294 = arith.constant 112 : index
      %swap3A_295 = tpu.vector_load %arg6[%swap3A_293, %swap3A_294] {strides = array<i32>} : memref<2x128xi32, #tpu.memory_space<vmem>>, vector<16xi32>,
      tpu.vector_store %arg6[%swap3A_293, %swap3A_294], %add3A_291 {strides = array<i32>} : memref<2x128xi32, #tpu.memory_space<vmem>>, vector<16xi32>,
      %shift_right_logical3A_296 = arith.constant 3 : i32
      %shift_right_logical3A_297 = vector.broadcast %shift_right_logical3A_296 : i32 to vector<16xi32>
      %shift_right_logical3A_298 = arith.shrui %add3A_291, %shift_right_logical3A_297 : vector<16xi32>
      %swap3A_299 = arith.constant 1 : i32
      %swap3A_300 = arith.index_cast %swap3A_299 : i32 to index
      %swap3A_301 = arith.constant 112 : index
      %swap3A_302 = tpu.vector_load %arg7[%swap3A_300, %swap3A_301] {strides = array<i32>} : memref<2x128xi32, #tpu.memory_space<vmem>>, vector<16xi32>,
      tpu.vector_store %arg7[%swap3A_300, %swap3A_301], %shift_right_logical3A_298 {strides = array<i32>} : memref<2x128xi32, #tpu.memory_space<vmem>>, vector<16xi32>,
      %dma_start3A_303 = arith.constant 1 : i32
      %dma_start3A_304 = arith.constant 0 : i32
      %dma_start3A_305 = tpu.memref_slice %arg7[%dma_start3A_303, %dma_start3A_304] : memref<2x128xi32, #tpu.memory_space<vmem>> -> memref<1x128xi32, #tpu.memory_space<vmem>>
      %dma_start3A_306 = tpu.memref_squeeze %dma_start3A_305 : memref<1x128xi32, #tpu.memory_space<vmem>> -> memref<128xi32, #tpu.memory_space<vmem>>
      %dma_start3A_307 = arith.constant 0 : i32
      %dma_start3A_308 = arith.constant 0 : i32
      %dma_start3A_309 = tpu.memref_slice %arg3[%dma_start3A_307, %dma_start3A_308] : memref<125008x128xf32, #tpu.memory_space<hbm>> -> memref<125008x128xf32, #tpu.memory_space<hbm>>
      tpu.enqueue_indirect_dma source(%dma_start3A_309 : memref<125008x128xf32, #tpu.memory_space<hbm>>) target(%arg9 : memref<128x128xf32, #tpu.memory_space<vmem>>) offsets(%dma_start3A_306 : memref<128xi32, #tpu.memory_space<vmem>>) semaphore(%arg11 : memref<!tpu.dma_semaphore, #tpu.memory_space<semaphore_mem>>)
      %dma_wait3A = arith.constant 0 : i32
      %dma_wait3A_310 = arith.constant 0 : i32
      %dma_wait3A_311 = tpu.memref_slice %arg7[%dma_wait3A, %dma_wait3A_310] : memref<2x128xi32, #tpu.memory_space<vmem>> -> memref<1x128xi32, #tpu.memory_space<vmem>>
      %dma_wait3A_312 = tpu.memref_squeeze %dma_wait3A_311 : memref<1x128xi32, #tpu.memory_space<vmem>> -> memref<128xi32, #tpu.memory_space<vmem>>
      %dma_wait3A_313 = arith.constant 0 : i32
      %dma_wait3A_314 = arith.constant 0 : i32
      %dma_wait3A_315 = tpu.memref_slice %arg3[%dma_wait3A_313, %dma_wait3A_314] : memref<125008x128xf32, #tpu.memory_space<hbm>> -> memref<125008x128xf32, #tpu.memory_space<hbm>>
      tpu.wait_indirect_dma semaphore(%arg11 : memref<!tpu.dma_semaphore, #tpu.memory_space<semaphore_mem>>) src(%dma_wait3A_315 : memref<125008x128xf32, #tpu.memory_space<hbm>>) dst(%arg8 : memref<128x128xf32, #tpu.memory_space<vmem>>)
      %scan3A_316 = arith.constant 0 : i32
      %scan3A_317 = arith.constant 8 : i32
      %scan3A_318 = arith.addi %scan3A_316, %scan3A_317 : i32
      %scan3A_319 = arith.constant 1 : i32
      scf.for %scan3A_659 = %scan3A_316 to %scan3A_318 step %scan3A_319  : i32 {
        %mul3A_660 = arith.constant 1 : i32
        %mul3A_661 = arith.muli %scan3A_659, %mul3A_660 : i32
        %add3A_662 = arith.constant 0 : i32
        %add3A_663 = arith.addi %add3A_662, %mul3A_661 : i32
        %mul3A_664 = arith.constant 16 : i32
        %mul3A_665 = arith.muli %add3A_663, %mul3A_664 : i32
        %iota3A = tpu.iota {dimensions = array<i32: 0>} : vector<16xi32>
        %add3A_666 = vector.broadcast %mul3A_665 : i32 to vector<16xi32>
        %add3A_667 = arith.addi %add3A_666, %iota3A : vector<16xi32>
        %mul3A_668 = arith.constant 16 : i32
        %mul3A_669 = arith.muli %add3A_663, %mul3A_668 : i32
        %get3A_670 = arith.constant 0 : i32
        %get3A_671 = arith.index_cast %get3A_670 : i32 to index
        %get3A_672 = arith.index_cast %mul3A_669 : i32 to index
        %get3A_673 = tpu.vector_load %arg6[%get3A_671, %get3A_672] {strides = array<i32>} : memref<2x128xi32, #tpu.memory_space<vmem>>, vector<16xi32>,
        %rem3A = arith.constant 8 : i32
        %rem3A_674 = vector.broadcast %rem3A : i32 to vector<16xi32>
        %rem3A_675 = arith.remsi %get3A_673, %rem3A_674 : vector<16xi32>
        %mul3A_676 = arith.constant 16 : i32
        %mul3A_677 = vector.broadcast %mul3A_676 : i32 to vector<16xi32>
        %mul3A_678 = arith.muli %rem3A_675, %mul3A_677 : vector<16xi32>
        %add3A_679 = arith.constant 0 : i32
        %add3A_680 = vector.broadcast %add3A_679 : i32 to vector<16xi32>
        %add3A_681 = arith.addi %mul3A_678, %add3A_680 : vector<16xi32>
        %gather3A = tpu.vector_load_idx %arg8[%add3A_667, %add3A_681] : memref<128x128xf32, #tpu.memory_space<vmem>>[vector<16xi32>, vector<16xi32>], vector<16xf32>,
        %mul3A_682 = arith.constant 16 : i32
        %mul3A_683 = arith.muli %add3A_663, %mul3A_682 : i32
        %add3A_684 = arith.constant 0 : i32
        %add3A_685 = arith.addi %add3A_684, %mul3A_683 : i32
        %swap3A_686 = arith.constant 0 : i32
        %swap3A_687 = arith.index_cast %swap3A_686 : i32 to index
        %swap3A_688 = arith.index_cast %add3A_685 : i32 to index
        %swap3A_689 = tpu.vector_load %arg10[%swap3A_687, %swap3A_688] {strides = array<i32>} : memref<16x512xf32, #tpu.memory_space<vmem>>, vector<16xf32>,
        tpu.vector_store %arg10[%swap3A_687, %swap3A_688], %gather3A {strides = array<i32>} : memref<16x512xf32, #tpu.memory_space<vmem>>, vector<16xf32>,
        %add3A_690 = arith.constant 1 : i32
        %add3A_691 = vector.broadcast %add3A_690 : i32 to vector<16xi32>
        %add3A_692 = arith.addi %mul3A_678, %add3A_691 : vector<16xi32>
        %gather3A_693 = tpu.vector_load_idx %arg8[%add3A_667, %add3A_692] : memref<128x128xf32, #tpu.memory_space<vmem>>[vector<16xi32>, vector<16xi32>], vector<16xf32>,
        %mul3A_694 = arith.constant 16 : i32
        %mul3A_695 = arith.muli %add3A_663, %mul3A_694 : i32
        %add3A_696 = arith.constant 0 : i32
        %add3A_697 = arith.addi %add3A_696, %mul3A_695 : i32
        %swap3A_698 = arith.constant 1 : i32
        %swap3A_699 = arith.index_cast %swap3A_698 : i32 to index
        %swap3A_700 = arith.index_cast %add3A_697 : i32 to index
        %swap3A_701 = tpu.vector_load %arg10[%swap3A_699, %swap3A_700] {strides = array<i32>} : memref<16x512xf32, #tpu.memory_space<vmem>>, vector<16xf32>,
        tpu.vector_store %arg10[%swap3A_699, %swap3A_700], %gather3A_693 {strides = array<i32>} : memref<16x512xf32, #tpu.memory_space<vmem>>, vector<16xf32>,
        %add3A_702 = arith.constant 2 : i32
        %add3A_703 = vector.broadcast %add3A_702 : i32 to vector<16xi32>
        %add3A_704 = arith.addi %mul3A_678, %add3A_703 : vector<16xi32>
        %gather3A_705 = tpu.vector_load_idx %arg8[%add3A_667, %add3A_704] : memref<128x128xf32, #tpu.memory_space<vmem>>[vector<16xi32>, vector<16xi32>], vector<16xf32>,
        %mul3A_706 = arith.constant 16 : i32
        %mul3A_707 = arith.muli %add3A_663, %mul3A_706 : i32
        %add3A_708 = arith.constant 0 : i32
        %add3A_709 = arith.addi %add3A_708, %mul3A_707 : i32
        %swap3A_710 = arith.constant 2 : i32
        %swap3A_711 = arith.index_cast %swap3A_710 : i32 to index
        %swap3A_712 = arith.index_cast %add3A_709 : i32 to index
        %swap3A_713 = tpu.vector_load %arg10[%swap3A_711, %swap3A_712] {strides = array<i32>} : memref<16x512xf32, #tpu.memory_space<vmem>>, vector<16xf32>,
        tpu.vector_store %arg10[%swap3A_711, %swap3A_712], %gather3A_705 {strides = array<i32>} : memref<16x512xf32, #tpu.memory_space<vmem>>, vector<16xf32>,
        %add3A_714 = arith.constant 3 : i32
        %add3A_715 = vector.broadcast %add3A_714 : i32 to vector<16xi32>
        %add3A_716 = arith.addi %mul3A_678, %add3A_715 : vector<16xi32>
        %gather3A_717 = tpu.vector_load_idx %arg8[%add3A_667, %add3A_716] : memref<128x128xf32, #tpu.memory_space<vmem>>[vector<16xi32>, vector<16xi32>], vector<16xf32>,
        %mul3A_718 = arith.constant 16 : i32
        %mul3A_719 = arith.muli %add3A_663, %mul3A_718 : i32
        %add3A_720 = arith.constant 0 : i32
        %add3A_721 = arith.addi %add3A_720, %mul3A_719 : i32
        %swap3A_722 = arith.constant 3 : i32
        %swap3A_723 = arith.index_cast %swap3A_722 : i32 to index
        %swap3A_724 = arith.index_cast %add3A_721 : i32 to index
        %swap3A_725 = tpu.vector_load %arg10[%swap3A_723, %swap3A_724] {strides = array<i32>} : memref<16x512xf32, #tpu.memory_space<vmem>>, vector<16xf32>,
        tpu.vector_store %arg10[%swap3A_723, %swap3A_724], %gather3A_717 {strides = array<i32>} : memref<16x512xf32, #tpu.memory_space<vmem>>, vector<16xf32>,
        %add3A_726 = arith.constant 4 : i32
        %add3A_727 = vector.broadcast %add3A_726 : i32 to vector<16xi32>
        %add3A_728 = arith.addi %mul3A_678, %add3A_727 : vector<16xi32>
        %gather3A_729 = tpu.vector_load_idx %arg8[%add3A_667, %add3A_728] : memref<128x128xf32, #tpu.memory_space<vmem>>[vector<16xi32>, vector<16xi32>], vector<16xf32>,
        %mul3A_730 = arith.constant 16 : i32
        %mul3A_731 = arith.muli %add3A_663, %mul3A_730 : i32
        %add3A_732 = arith.constant 0 : i32
        %add3A_733 = arith.addi %add3A_732, %mul3A_731 : i32
        %swap3A_734 = arith.constant 4 : i32
        %swap3A_735 = arith.index_cast %swap3A_734 : i32 to index
        %swap3A_736 = arith.index_cast %add3A_733 : i32 to index
        %swap3A_737 = tpu.vector_load %arg10[%swap3A_735, %swap3A_736] {strides = array<i32>} : memref<16x512xf32, #tpu.memory_space<vmem>>, vector<16xf32>,
        tpu.vector_store %arg10[%swap3A_735, %swap3A_736], %gather3A_729 {strides = array<i32>} : memref<16x512xf32, #tpu.memory_space<vmem>>, vector<16xf32>,
        %add3A_738 = arith.constant 5 : i32
        %add3A_739 = vector.broadcast %add3A_738 : i32 to vector<16xi32>
        %add3A_740 = arith.addi %mul3A_678, %add3A_739 : vector<16xi32>
        %gather3A_741 = tpu.vector_load_idx %arg8[%add3A_667, %add3A_740] : memref<128x128xf32, #tpu.memory_space<vmem>>[vector<16xi32>, vector<16xi32>], vector<16xf32>,
        %mul3A_742 = arith.constant 16 : i32
        %mul3A_743 = arith.muli %add3A_663, %mul3A_742 : i32
        %add3A_744 = arith.constant 0 : i32
        %add3A_745 = arith.addi %add3A_744, %mul3A_743 : i32
        %swap3A_746 = arith.constant 5 : i32
        %swap3A_747 = arith.index_cast %swap3A_746 : i32 to index
        %swap3A_748 = arith.index_cast %add3A_745 : i32 to index
        %swap3A_749 = tpu.vector_load %arg10[%swap3A_747, %swap3A_748] {strides = array<i32>} : memref<16x512xf32, #tpu.memory_space<vmem>>, vector<16xf32>,
        tpu.vector_store %arg10[%swap3A_747, %swap3A_748], %gather3A_741 {strides = array<i32>} : memref<16x512xf32, #tpu.memory_space<vmem>>, vector<16xf32>,
        %add3A_750 = arith.constant 6 : i32
        %add3A_751 = vector.broadcast %add3A_750 : i32 to vector<16xi32>
        %add3A_752 = arith.addi %mul3A_678, %add3A_751 : vector<16xi32>
        %gather3A_753 = tpu.vector_load_idx %arg8[%add3A_667, %add3A_752] : memref<128x128xf32, #tpu.memory_space<vmem>>[vector<16xi32>, vector<16xi32>], vector<16xf32>,
        %mul3A_754 = arith.constant 16 : i32
        %mul3A_755 = arith.muli %add3A_663, %mul3A_754 : i32
        %add3A_756 = arith.constant 0 : i32
        %add3A_757 = arith.addi %add3A_756, %mul3A_755 : i32
        %swap3A_758 = arith.constant 6 : i32
        %swap3A_759 = arith.index_cast %swap3A_758 : i32 to index
        %swap3A_760 = arith.index_cast %add3A_757 : i32 to index
        %swap3A_761 = tpu.vector_load %arg10[%swap3A_759, %swap3A_760] {strides = array<i32>} : memref<16x512xf32, #tpu.memory_space<vmem>>, vector<16xf32>,
        tpu.vector_store %arg10[%swap3A_759, %swap3A_760], %gather3A_753 {strides = array<i32>} : memref<16x512xf32, #tpu.memory_space<vmem>>, vector<16xf32>,
        %add3A_762 = arith.constant 7 : i32
        %add3A_763 = vector.broadcast %add3A_762 : i32 to vector<16xi32>
        %add3A_764 = arith.addi %mul3A_678, %add3A_763 : vector<16xi32>
        %gather3A_765 = tpu.vector_load_idx %arg8[%add3A_667, %add3A_764] : memref<128x128xf32, #tpu.memory_space<vmem>>[vector<16xi32>, vector<16xi32>], vector<16xf32>,
        %mul3A_766 = arith.constant 16 : i32
        %mul3A_767 = arith.muli %add3A_663, %mul3A_766 : i32
        %add3A_768 = arith.constant 0 : i32
        %add3A_769 = arith.addi %add3A_768, %mul3A_767 : i32
        %swap3A_770 = arith.constant 7 : i32
        %swap3A_771 = arith.index_cast %swap3A_770 : i32 to index
        %swap3A_772 = arith.index_cast %add3A_769 : i32 to index
        %swap3A_773 = tpu.vector_load %arg10[%swap3A_771, %swap3A_772] {strides = array<i32>} : memref<16x512xf32, #tpu.memory_space<vmem>>, vector<16xf32>,
        tpu.vector_store %arg10[%swap3A_771, %swap3A_772], %gather3A_765 {strides = array<i32>} : memref<16x512xf32, #tpu.memory_space<vmem>>, vector<16xf32>,
        %add3A_774 = arith.constant 8 : i32
        %add3A_775 = vector.broadcast %add3A_774 : i32 to vector<16xi32>
        %add3A_776 = arith.addi %mul3A_678, %add3A_775 : vector<16xi32>
        %gather3A_777 = tpu.vector_load_idx %arg8[%add3A_667, %add3A_776] : memref<128x128xf32, #tpu.memory_space<vmem>>[vector<16xi32>, vector<16xi32>], vector<16xf32>,
        %mul3A_778 = arith.constant 16 : i32
        %mul3A_779 = arith.muli %add3A_663, %mul3A_778 : i32
        %add3A_780 = arith.constant 0 : i32
        %add3A_781 = arith.addi %add3A_780, %mul3A_779 : i32
        %swap3A_782 = arith.constant 8 : i32
        %swap3A_783 = arith.index_cast %swap3A_782 : i32 to index
        %swap3A_784 = arith.index_cast %add3A_781 : i32 to index
        %swap3A_785 = tpu.vector_load %arg10[%swap3A_783, %swap3A_784] {strides = array<i32>} : memref<16x512xf32, #tpu.memory_space<vmem>>, vector<16xf32>,
        tpu.vector_store %arg10[%swap3A_783, %swap3A_784], %gather3A_777 {strides = array<i32>} : memref<16x512xf32, #tpu.memory_space<vmem>>, vector<16xf32>,
        %add3A_786 = arith.constant 9 : i32
        %add3A_787 = vector.broadcast %add3A_786 : i32 to vector<16xi32>
        %add3A_788 = arith.addi %mul3A_678, %add3A_787 : vector<16xi32>
        %gather3A_789 = tpu.vector_load_idx %arg8[%add3A_667, %add3A_788] : memref<128x128xf32, #tpu.memory_space<vmem>>[vector<16xi32>, vector<16xi32>], vector<16xf32>,
        %mul3A_790 = arith.constant 16 : i32
        %mul3A_791 = arith.muli %add3A_663, %mul3A_790 : i32
        %add3A_792 = arith.constant 0 : i32
        %add3A_793 = arith.addi %add3A_792, %mul3A_791 : i32
        %swap3A_794 = arith.constant 9 : i32
        %swap3A_795 = arith.index_cast %swap3A_794 : i32 to index
        %swap3A_796 = arith.index_cast %add3A_793 : i32 to index
        %swap3A_797 = tpu.vector_load %arg10[%swap3A_795, %swap3A_796] {strides = array<i32>} : memref<16x512xf32, #tpu.memory_space<vmem>>, vector<16xf32>,
        tpu.vector_store %arg10[%swap3A_795, %swap3A_796], %gather3A_789 {strides = array<i32>} : memref<16x512xf32, #tpu.memory_space<vmem>>, vector<16xf32>,
        %add3A_798 = arith.constant 10 : i32
        %add3A_799 = vector.broadcast %add3A_798 : i32 to vector<16xi32>
        %add3A_800 = arith.addi %mul3A_678, %add3A_799 : vector<16xi32>
        %gather3A_801 = tpu.vector_load_idx %arg8[%add3A_667, %add3A_800] : memref<128x128xf32, #tpu.memory_space<vmem>>[vector<16xi32>, vector<16xi32>], vector<16xf32>,
        %mul3A_802 = arith.constant 16 : i32
        %mul3A_803 = arith.muli %add3A_663, %mul3A_802 : i32
        %add3A_804 = arith.constant 0 : i32
        %add3A_805 = arith.addi %add3A_804, %mul3A_803 : i32
        %swap3A_806 = arith.constant 10 : i32
        %swap3A_807 = arith.index_cast %swap3A_806 : i32 to index
        %swap3A_808 = arith.index_cast %add3A_805 : i32 to index
        %swap3A_809 = tpu.vector_load %arg10[%swap3A_807, %swap3A_808] {strides = array<i32>} : memref<16x512xf32, #tpu.memory_space<vmem>>, vector<16xf32>,
        tpu.vector_store %arg10[%swap3A_807, %swap3A_808], %gather3A_801 {strides = array<i32>} : memref<16x512xf32, #tpu.memory_space<vmem>>, vector<16xf32>,
        %add3A_810 = arith.constant 11 : i32
        %add3A_811 = vector.broadcast %add3A_810 : i32 to vector<16xi32>
        %add3A_812 = arith.addi %mul3A_678, %add3A_811 : vector<16xi32>
        %gather3A_813 = tpu.vector_load_idx %arg8[%add3A_667, %add3A_812] : memref<128x128xf32, #tpu.memory_space<vmem>>[vector<16xi32>, vector<16xi32>], vector<16xf32>,
        %mul3A_814 = arith.constant 16 : i32
        %mul3A_815 = arith.muli %add3A_663, %mul3A_814 : i32
        %add3A_816 = arith.constant 0 : i32
        %add3A_817 = arith.addi %add3A_816, %mul3A_815 : i32
        %swap3A_818 = arith.constant 11 : i32
        %swap3A_819 = arith.index_cast %swap3A_818 : i32 to index
        %swap3A_820 = arith.index_cast %add3A_817 : i32 to index
        %swap3A_821 = tpu.vector_load %arg10[%swap3A_819, %swap3A_820] {strides = array<i32>} : memref<16x512xf32, #tpu.memory_space<vmem>>, vector<16xf32>,
        tpu.vector_store %arg10[%swap3A_819, %swap3A_820], %gather3A_813 {strides = array<i32>} : memref<16x512xf32, #tpu.memory_space<vmem>>, vector<16xf32>,
        %add3A_822 = arith.constant 12 : i32
        %add3A_823 = vector.broadcast %add3A_822 : i32 to vector<16xi32>
        %add3A_824 = arith.addi %mul3A_678, %add3A_823 : vector<16xi32>
        %gather3A_825 = tpu.vector_load_idx %arg8[%add3A_667, %add3A_824] : memref<128x128xf32, #tpu.memory_space<vmem>>[vector<16xi32>, vector<16xi32>], vector<16xf32>,
        %mul3A_826 = arith.constant 16 : i32
        %mul3A_827 = arith.muli %add3A_663, %mul3A_826 : i32
        %add3A_828 = arith.constant 0 : i32
        %add3A_829 = arith.addi %add3A_828, %mul3A_827 : i32
        %swap3A_830 = arith.constant 12 : i32
        %swap3A_831 = arith.index_cast %swap3A_830 : i32 to index
        %swap3A_832 = arith.index_cast %add3A_829 : i32 to index
        %swap3A_833 = tpu.vector_load %arg10[%swap3A_831, %swap3A_832] {strides = array<i32>} : memref<16x512xf32, #tpu.memory_space<vmem>>, vector<16xf32>,
        tpu.vector_store %arg10[%swap3A_831, %swap3A_832], %gather3A_825 {strides = array<i32>} : memref<16x512xf32, #tpu.memory_space<vmem>>, vector<16xf32>,
        %add3A_834 = arith.constant 13 : i32
        %add3A_835 = vector.broadcast %add3A_834 : i32 to vector<16xi32>
        %add3A_836 = arith.addi %mul3A_678, %add3A_835 : vector<16xi32>
        %gather3A_837 = tpu.vector_load_idx %arg8[%add3A_667, %add3A_836] : memref<128x128xf32, #tpu.memory_space<vmem>>[vector<16xi32>, vector<16xi32>], vector<16xf32>,
        %mul3A_838 = arith.constant 16 : i32
        %mul3A_839 = arith.muli %add3A_663, %mul3A_838 : i32
        %add3A_840 = arith.constant 0 : i32
        %add3A_841 = arith.addi %add3A_840, %mul3A_839 : i32
        %swap3A_842 = arith.constant 13 : i32
        %swap3A_843 = arith.index_cast %swap3A_842 : i32 to index
        %swap3A_844 = arith.index_cast %add3A_841 : i32 to index
        %swap3A_845 = tpu.vector_load %arg10[%swap3A_843, %swap3A_844] {strides = array<i32>} : memref<16x512xf32, #tpu.memory_space<vmem>>, vector<16xf32>,
        tpu.vector_store %arg10[%swap3A_843, %swap3A_844], %gather3A_837 {strides = array<i32>} : memref<16x512xf32, #tpu.memory_space<vmem>>, vector<16xf32>,
        %add3A_846 = arith.constant 14 : i32
        %add3A_847 = vector.broadcast %add3A_846 : i32 to vector<16xi32>
        %add3A_848 = arith.addi %mul3A_678, %add3A_847 : vector<16xi32>
        %gather3A_849 = tpu.vector_load_idx %arg8[%add3A_667, %add3A_848] : memref<128x128xf32, #tpu.memory_space<vmem>>[vector<16xi32>, vector<16xi32>], vector<16xf32>,
        %mul3A_850 = arith.constant 16 : i32
        %mul3A_851 = arith.muli %add3A_663, %mul3A_850 : i32
        %add3A_852 = arith.constant 0 : i32
        %add3A_853 = arith.addi %add3A_852, %mul3A_851 : i32
        %swap3A_854 = arith.constant 14 : i32
        %swap3A_855 = arith.index_cast %swap3A_854 : i32 to index
        %swap3A_856 = arith.index_cast %add3A_853 : i32 to index
        %swap3A_857 = tpu.vector_load %arg10[%swap3A_855, %swap3A_856] {strides = array<i32>} : memref<16x512xf32, #tpu.memory_space<vmem>>, vector<16xf32>,
        tpu.vector_store %arg10[%swap3A_855, %swap3A_856], %gather3A_849 {strides = array<i32>} : memref<16x512xf32, #tpu.memory_space<vmem>>, vector<16xf32>,
        %add3A_858 = arith.constant 15 : i32
        %add3A_859 = vector.broadcast %add3A_858 : i32 to vector<16xi32>
        %add3A_860 = arith.addi %mul3A_678, %add3A_859 : vector<16xi32>
        %gather3A_861 = tpu.vector_load_idx %arg8[%add3A_667, %add3A_860] : memref<128x128xf32, #tpu.memory_space<vmem>>[vector<16xi32>, vector<16xi32>], vector<16xf32>,
        %mul3A_862 = arith.constant 16 : i32
        %mul3A_863 = arith.muli %add3A_663, %mul3A_862 : i32
        %add3A_864 = arith.constant 0 : i32
        %add3A_865 = arith.addi %add3A_864, %mul3A_863 : i32
        %swap3A_866 = arith.constant 15 : i32
        %swap3A_867 = arith.index_cast %swap3A_866 : i32 to index
        %swap3A_868 = arith.index_cast %add3A_865 : i32 to index
        %swap3A_869 = tpu.vector_load %arg10[%swap3A_867, %swap3A_868] {strides = array<i32>} : memref<16x512xf32, #tpu.memory_space<vmem>>, vector<16xf32>,
        tpu.vector_store %arg10[%swap3A_867, %swap3A_868], %gather3A_861 {strides = array<i32>} : memref<16x512xf32, #tpu.memory_space<vmem>>, vector<16xf32>,
      }
      %scan3A_320 = arith.constant 8 : i32
      %get3A_321 = arith.index_cast %add3A_11 : i32 to index
      %get3A_322 = arith.constant 256 : index
      %get3A_323 = tpu.vector_load %arg5[%get3A_321, %get3A_322] {strides = array<i32>} : memref<26x512xi32, #tpu.memory_space<vmem>>, vector<16xi32>,
      %mul3A_324 = arith.constant 38461 : i32
      %mul3A_325 = arith.muli %add3A_11, %mul3A_324 : i32
      %add3A_326 = vector.broadcast %mul3A_325 : i32 to vector<16xi32>
      %add3A_327 = arith.addi %get3A_323, %add3A_326 : vector<16xi32>
      %swap3A_328 = arith.constant 0 : i32
      %swap3A_329 = arith.index_cast %swap3A_328 : i32 to index
      %swap3A_330 = arith.constant 0 : index
      %swap3A_331 = tpu.vector_load %arg6[%swap3A_329, %swap3A_330] {strides = array<i32>} : memref<2x128xi32, #tpu.memory_space<vmem>>, vector<16xi32>,
      tpu.vector_store %arg6[%swap3A_329, %swap3A_330], %add3A_327 {strides = array<i32>} : memref<2x128xi32, #tpu.memory_space<vmem>>, vector<16xi32>,
      %shift_right_logical3A_332 = arith.constant 3 : i32
      %shift_right_logical3A_333 = vector.broadcast %shift_right_logical3A_332 : i32 to vector<16xi32>
      %shift_right_logical3A_334 = arith.shrui %add3A_327, %shift_right_logical3A_333 : vector<16xi32>
      %swap3A_335 = arith.constant 0 : i32
      %swap3A_336 = arith.index_cast %swap3A_335 : i32 to index
      %swap3A_337 = arith.constant 0 : index
      %swap3A_338 = tpu.vector_load %arg7[%swap3A_336, %swap3A_337] {strides = array<i32>} : memref<2x128xi32, #tpu.memory_space<vmem>>, vector<16xi32>,
      tpu.vector_store %arg7[%swap3A_336, %swap3A_337], %shift_right_logical3A_334 {strides = array<i32>} : memref<2x128xi32, #tpu.memory_space<vmem>>, vector<16xi32>,
      %get3A_339 = arith.index_cast %add3A_11 : i32 to index
      %get3A_340 = arith.constant 272 : index
      %get3A_341 = tpu.vector_load %arg5[%get3A_339, %get3A_340] {strides = array<i32>} : memref<26x512xi32, #tpu.memory_space<vmem>>, vector<16xi32>,
      %mul3A_342 = arith.constant 38461 : i32
      %mul3A_343 = arith.muli %add3A_11, %mul3A_342 : i32
      %add3A_344 = vector.broadcast %mul3A_343 : i32 to vector<16xi32>
      %add3A_345 = arith.addi %get3A_341, %add3A_344 : vector<16xi32>
      %swap3A_346 = arith.constant 0 : i32
      %swap3A_347 = arith.index_cast %swap3A_346 : i32 to index
      %swap3A_348 = arith.constant 16 : index
      %swap3A_349 = tpu.vector_load %arg6[%swap3A_347, %swap3A_348] {strides = array<i32>} : memref<2x128xi32, #tpu.memory_space<vmem>>, vector<16xi32>,
      tpu.vector_store %arg6[%swap3A_347, %swap3A_348], %add3A_345 {strides = array<i32>} : memref<2x128xi32, #tpu.memory_space<vmem>>, vector<16xi32>,
      %shift_right_logical3A_350 = arith.constant 3 : i32
      %shift_right_logical3A_351 = vector.broadcast %shift_right_logical3A_350 : i32 to vector<16xi32>
      %shift_right_logical3A_352 = arith.shrui %add3A_345, %shift_right_logical3A_351 : vector<16xi32>
      %swap3A_353 = arith.constant 0 : i32
      %swap3A_354 = arith.index_cast %swap3A_353 : i32 to index
      %swap3A_355 = arith.constant 16 : index
      %swap3A_356 = tpu.vector_load %arg7[%swap3A_354, %swap3A_355] {strides = array<i32>} : memref<2x128xi32, #tpu.memory_space<vmem>>, vector<16xi32>,
      tpu.vector_store %arg7[%swap3A_354, %swap3A_355], %shift_right_logical3A_352 {strides = array<i32>} : memref<2x128xi32, #tpu.memory_space<vmem>>, vector<16xi32>,
      %get3A_357 = arith.index_cast %add3A_11 : i32 to index
      %get3A_358 = arith.constant 288 : index
      %get3A_359 = tpu.vector_load %arg5[%get3A_357, %get3A_358] {strides = array<i32>} : memref<26x512xi32, #tpu.memory_space<vmem>>, vector<16xi32>,
      %mul3A_360 = arith.constant 38461 : i32
      %mul3A_361 = arith.muli %add3A_11, %mul3A_360 : i32
      %add3A_362 = vector.broadcast %mul3A_361 : i32 to vector<16xi32>
      %add3A_363 = arith.addi %get3A_359, %add3A_362 : vector<16xi32>
      %swap3A_364 = arith.constant 0 : i32
      %swap3A_365 = arith.index_cast %swap3A_364 : i32 to index
      %swap3A_366 = arith.constant 32 : index
      %swap3A_367 = tpu.vector_load %arg6[%swap3A_365, %swap3A_366] {strides = array<i32>} : memref<2x128xi32, #tpu.memory_space<vmem>>, vector<16xi32>,
      tpu.vector_store %arg6[%swap3A_365, %swap3A_366], %add3A_363 {strides = array<i32>} : memref<2x128xi32, #tpu.memory_space<vmem>>, vector<16xi32>,
      %shift_right_logical3A_368 = arith.constant 3 : i32
      %shift_right_logical3A_369 = vector.broadcast %shift_right_logical3A_368 : i32 to vector<16xi32>
      %shift_right_logical3A_370 = arith.shrui %add3A_363, %shift_right_logical3A_369 : vector<16xi32>
      %swap3A_371 = arith.constant 0 : i32
      %swap3A_372 = arith.index_cast %swap3A_371 : i32 to index
      %swap3A_373 = arith.constant 32 : index
      %swap3A_374 = tpu.vector_load %arg7[%swap3A_372, %swap3A_373] {strides = array<i32>} : memref<2x128xi32, #tpu.memory_space<vmem>>, vector<16xi32>,
      tpu.vector_store %arg7[%swap3A_372, %swap3A_373], %shift_right_logical3A_370 {strides = array<i32>} : memref<2x128xi32, #tpu.memory_space<vmem>>, vector<16xi32>,
      %get3A_375 = arith.index_cast %add3A_11 : i32 to index
      %get3A_376 = arith.constant 304 : index
      %get3A_377 = tpu.vector_load %arg5[%get3A_375, %get3A_376] {strides = array<i32>} : memref<26x512xi32, #tpu.memory_space<vmem>>, vector<16xi32>,
      %mul3A_378 = arith.constant 38461 : i32
      %mul3A_379 = arith.muli %add3A_11, %mul3A_378 : i32
      %add3A_380 = vector.broadcast %mul3A_379 : i32 to vector<16xi32>
      %add3A_381 = arith.addi %get3A_377, %add3A_380 : vector<16xi32>
      %swap3A_382 = arith.constant 0 : i32
      %swap3A_383 = arith.index_cast %swap3A_382 : i32 to index
      %swap3A_384 = arith.constant 48 : index
      %swap3A_385 = tpu.vector_load %arg6[%swap3A_383, %swap3A_384] {strides = array<i32>} : memref<2x128xi32, #tpu.memory_space<vmem>>, vector<16xi32>,
      tpu.vector_store %arg6[%swap3A_383, %swap3A_384], %add3A_381 {strides = array<i32>} : memref<2x128xi32, #tpu.memory_space<vmem>>, vector<16xi32>,
      %shift_right_logical3A_386 = arith.constant 3 : i32
      %shift_right_logical3A_387 = vector.broadcast %shift_right_logical3A_386 : i32 to vector<16xi32>
      %shift_right_logical3A_388 = arith.shrui %add3A_381, %shift_right_logical3A_387 : vector<16xi32>
      %swap3A_389 = arith.constant 0 : i32
      %swap3A_390 = arith.index_cast %swap3A_389 : i32 to index
      %swap3A_391 = arith.constant 48 : index
      %swap3A_392 = tpu.vector_load %arg7[%swap3A_390, %swap3A_391] {strides = array<i32>} : memref<2x128xi32, #tpu.memory_space<vmem>>, vector<16xi32>,
      tpu.vector_store %arg7[%swap3A_390, %swap3A_391], %shift_right_logical3A_388 {strides = array<i32>} : memref<2x128xi32, #tpu.memory_space<vmem>>, vector<16xi32>,
      %get3A_393 = arith.index_cast %add3A_11 : i32 to index
      %get3A_394 = arith.constant 320 : index
      %get3A_395 = tpu.vector_load %arg5[%get3A_393, %get3A_394] {strides = array<i32>} : memref<26x512xi32, #tpu.memory_space<vmem>>, vector<16xi32>,
      %mul3A_396 = arith.constant 38461 : i32
      %mul3A_397 = arith.muli %add3A_11, %mul3A_396 : i32
      %add3A_398 = vector.broadcast %mul3A_397 : i32 to vector<16xi32>
      %add3A_399 = arith.addi %get3A_395, %add3A_398 : vector<16xi32>
      %swap3A_400 = arith.constant 0 : i32
      %swap3A_401 = arith.index_cast %swap3A_400 : i32 to index
      %swap3A_402 = arith.constant 64 : index
      %swap3A_403 = tpu.vector_load %arg6[%swap3A_401, %swap3A_402] {strides = array<i32>} : memref<2x128xi32, #tpu.memory_space<vmem>>, vector<16xi32>,
      tpu.vector_store %arg6[%swap3A_401, %swap3A_402], %add3A_399 {strides = array<i32>} : memref<2x128xi32, #tpu.memory_space<vmem>>, vector<16xi32>,
      %shift_right_logical3A_404 = arith.constant 3 : i32
      %shift_right_logical3A_405 = vector.broadcast %shift_right_logical3A_404 : i32 to vector<16xi32>
      %shift_right_logical3A_406 = arith.shrui %add3A_399, %shift_right_logical3A_405 : vector<16xi32>
      %swap3A_407 = arith.constant 0 : i32
      %swap3A_408 = arith.index_cast %swap3A_407 : i32 to index
      %swap3A_409 = arith.constant 64 : index
      %swap3A_410 = tpu.vector_load %arg7[%swap3A_408, %swap3A_409] {strides = array<i32>} : memref<2x128xi32, #tpu.memory_space<vmem>>, vector<16xi32>,
      tpu.vector_store %arg7[%swap3A_408, %swap3A_409], %shift_right_logical3A_406 {strides = array<i32>} : memref<2x128xi32, #tpu.memory_space<vmem>>, vector<16xi32>,
      %get3A_411 = arith.index_cast %add3A_11 : i32 to index
      %get3A_412 = arith.constant 336 : index
      %get3A_413 = tpu.vector_load %arg5[%get3A_411, %get3A_412] {strides = array<i32>} : memref<26x512xi32, #tpu.memory_space<vmem>>, vector<16xi32>,
      %mul3A_414 = arith.constant 38461 : i32
      %mul3A_415 = arith.muli %add3A_11, %mul3A_414 : i32
      %add3A_416 = vector.broadcast %mul3A_415 : i32 to vector<16xi32>
      %add3A_417 = arith.addi %get3A_413, %add3A_416 : vector<16xi32>
      %swap3A_418 = arith.constant 0 : i32
      %swap3A_419 = arith.index_cast %swap3A_418 : i32 to index
      %swap3A_420 = arith.constant 80 : index
      %swap3A_421 = tpu.vector_load %arg6[%swap3A_419, %swap3A_420] {strides = array<i32>} : memref<2x128xi32, #tpu.memory_space<vmem>>, vector<16xi32>,
      tpu.vector_store %arg6[%swap3A_419, %swap3A_420], %add3A_417 {strides = array<i32>} : memref<2x128xi32, #tpu.memory_space<vmem>>, vector<16xi32>,
      %shift_right_logical3A_422 = arith.constant 3 : i32
      %shift_right_logical3A_423 = vector.broadcast %shift_right_logical3A_422 : i32 to vector<16xi32>
      %shift_right_logical3A_424 = arith.shrui %add3A_417, %shift_right_logical3A_423 : vector<16xi32>
      %swap3A_425 = arith.constant 0 : i32
      %swap3A_426 = arith.index_cast %swap3A_425 : i32 to index
      %swap3A_427 = arith.constant 80 : index
      %swap3A_428 = tpu.vector_load %arg7[%swap3A_426, %swap3A_427] {strides = array<i32>} : memref<2x128xi32, #tpu.memory_space<vmem>>, vector<16xi32>,
      tpu.vector_store %arg7[%swap3A_426, %swap3A_427], %shift_right_logical3A_424 {strides = array<i32>} : memref<2x128xi32, #tpu.memory_space<vmem>>, vector<16xi32>,
      %get3A_429 = arith.index_cast %add3A_11 : i32 to index
      %get3A_430 = arith.constant 352 : index
      %get3A_431 = tpu.vector_load %arg5[%get3A_429, %get3A_430] {strides = array<i32>} : memref<26x512xi32, #tpu.memory_space<vmem>>, vector<16xi32>,
      %mul3A_432 = arith.constant 38461 : i32
      %mul3A_433 = arith.muli %add3A_11, %mul3A_432 : i32
      %add3A_434 = vector.broadcast %mul3A_433 : i32 to vector<16xi32>
      %add3A_435 = arith.addi %get3A_431, %add3A_434 : vector<16xi32>
      %swap3A_436 = arith.constant 0 : i32
      %swap3A_437 = arith.index_cast %swap3A_436 : i32 to index
      %swap3A_438 = arith.constant 96 : index
      %swap3A_439 = tpu.vector_load %arg6[%swap3A_437, %swap3A_438] {strides = array<i32>} : memref<2x128xi32, #tpu.memory_space<vmem>>, vector<16xi32>,
      tpu.vector_store %arg6[%swap3A_437, %swap3A_438], %add3A_435 {strides = array<i32>} : memref<2x128xi32, #tpu.memory_space<vmem>>, vector<16xi32>,
      %shift_right_logical3A_440 = arith.constant 3 : i32
      %shift_right_logical3A_441 = vector.broadcast %shift_right_logical3A_440 : i32 to vector<16xi32>
      %shift_right_logical3A_442 = arith.shrui %add3A_435, %shift_right_logical3A_441 : vector<16xi32>
      %swap3A_443 = arith.constant 0 : i32
      %swap3A_444 = arith.index_cast %swap3A_443 : i32 to index
      %swap3A_445 = arith.constant 96 : index
      %swap3A_446 = tpu.vector_load %arg7[%swap3A_444, %swap3A_445] {strides = array<i32>} : memref<2x128xi32, #tpu.memory_space<vmem>>, vector<16xi32>,
      tpu.vector_store %arg7[%swap3A_444, %swap3A_445], %shift_right_logical3A_442 {strides = array<i32>} : memref<2x128xi32, #tpu.memory_space<vmem>>, vector<16xi32>,
      %get3A_447 = arith.index_cast %add3A_11 : i32 to index
      %get3A_448 = arith.constant 368 : index
      %get3A_449 = tpu.vector_load %arg5[%get3A_447, %get3A_448] {strides = array<i32>} : memref<26x512xi32, #tpu.memory_space<vmem>>, vector<16xi32>,
      %mul3A_450 = arith.constant 38461 : i32
      %mul3A_451 = arith.muli %add3A_11, %mul3A_450 : i32
      %add3A_452 = vector.broadcast %mul3A_451 : i32 to vector<16xi32>
      %add3A_453 = arith.addi %get3A_449, %add3A_452 : vector<16xi32>
      %swap3A_454 = arith.constant 0 : i32
      %swap3A_455 = arith.index_cast %swap3A_454 : i32 to index
      %swap3A_456 = arith.constant 112 : index
      %swap3A_457 = tpu.vector_load %arg6[%swap3A_455, %swap3A_456] {strides = array<i32>} : memref<2x128xi32, #tpu.memory_space<vmem>>, vector<16xi32>,
      tpu.vector_store %arg6[%swap3A_455, %swap3A_456], %add3A_453 {strides = array<i32>} : memref<2x128xi32, #tpu.memory_space<vmem>>, vector<16xi32>,
      %shift_right_logical3A_458 = arith.constant 3 : i32
      %shift_right_logical3A_459 = vector.broadcast %shift_right_logical3A_458 : i32 to vector<16xi32>
      %shift_right_logical3A_460 = arith.shrui %add3A_453, %shift_right_logical3A_459 : vector<16xi32>
      %swap3A_461 = arith.constant 0 : i32
      %swap3A_462 = arith.index_cast %swap3A_461 : i32 to index
      %swap3A_463 = arith.constant 112 : index
      %swap3A_464 = tpu.vector_load %arg7[%swap3A_462, %swap3A_463] {strides = array<i32>} : memref<2x128xi32, #tpu.memory_space<vmem>>, vector<16xi32>,
      tpu.vector_store %arg7[%swap3A_462, %swap3A_463], %shift_right_logical3A_460 {strides = array<i32>} : memref<2x128xi32, #tpu.memory_space<vmem>>, vector<16xi32>,
      %dma_start3A_465 = arith.constant 0 : i32
      %dma_start3A_466 = arith.constant 0 : i32
      %dma_start3A_467 = tpu.memref_slice %arg7[%dma_start3A_465, %dma_start3A_466] : memref<2x128xi32, #tpu.memory_space<vmem>> -> memref<1x128xi32, #tpu.memory_space<vmem>>
      %dma_start3A_468 = tpu.memref_squeeze %dma_start3A_467 : memref<1x128xi32, #tpu.memory_space<vmem>> -> memref<128xi32, #tpu.memory_space<vmem>>
      %dma_start3A_469 = arith.constant 0 : i32
      %dma_start3A_470 = arith.constant 0 : i32
      %dma_start3A_471 = tpu.memref_slice %arg3[%dma_start3A_469, %dma_start3A_470] : memref<125008x128xf32, #tpu.memory_space<hbm>> -> memref<125008x128xf32, #tpu.memory_space<hbm>>
      tpu.enqueue_indirect_dma source(%dma_start3A_471 : memref<125008x128xf32, #tpu.memory_space<hbm>>) target(%arg8 : memref<128x128xf32, #tpu.memory_space<vmem>>) offsets(%dma_start3A_468 : memref<128xi32, #tpu.memory_space<vmem>>) semaphore(%arg11 : memref<!tpu.dma_semaphore, #tpu.memory_space<semaphore_mem>>)
      %dma_wait3A_472 = arith.constant 1 : i32
      %dma_wait3A_473 = arith.constant 0 : i32
      %dma_wait3A_474 = tpu.memref_slice %arg7[%dma_wait3A_472, %dma_wait3A_473] : memref<2x128xi32, #tpu.memory_space<vmem>> -> memref<1x128xi32, #tpu.memory_space<vmem>>
      %dma_wait3A_475 = tpu.memref_squeeze %dma_wait3A_474 : memref<1x128xi32, #tpu.memory_space<vmem>> -> memref<128xi32, #tpu.memory_space<vmem>>
      %dma_wait3A_476 = arith.constant 0 : i32
      %dma_wait3A_477 = arith.constant 0 : i32
      %dma_wait3A_478 = tpu.memref_slice %arg3[%dma_wait3A_476, %dma_wait3A_477] : memref<125008x128xf32, #tpu.memory_space<hbm>> -> memref<125008x128xf32, #tpu.memory_space<hbm>>
      tpu.wait_indirect_dma semaphore(%arg11 : memref<!tpu.dma_semaphore, #tpu.memory_space<semaphore_mem>>) src(%dma_wait3A_478 : memref<125008x128xf32, #tpu.memory_space<hbm>>) dst(%arg9 : memref<128x128xf32, #tpu.memory_space<vmem>>)
      %scan3A_479 = arith.constant 0 : i32
      %scan3A_480 = arith.constant 8 : i32
      %scan3A_481 = arith.addi %scan3A_479, %scan3A_480 : i32
      %scan3A_482 = arith.constant 1 : i32
      scf.for %scan3A_659 = %scan3A_479 to %scan3A_481 step %scan3A_482  : i32 {
        %mul3A_660 = arith.constant 1 : i32
        %mul3A_661 = arith.muli %scan3A_659, %mul3A_660 : i32
        %add3A_662 = arith.constant 0 : i32
        %add3A_663 = arith.addi %add3A_662, %mul3A_661 : i32
        %mul3A_664 = arith.constant 16 : i32
        %mul3A_665 = arith.muli %add3A_663, %mul3A_664 : i32
        %iota3A = tpu.iota {dimensions = array<i32: 0>} : vector<16xi32>
        %add3A_666 = vector.broadcast %mul3A_665 : i32 to vector<16xi32>
        %add3A_667 = arith.addi %add3A_666, %iota3A : vector<16xi32>
        %mul3A_668 = arith.constant 16 : i32
        %mul3A_669 = arith.muli %add3A_663, %mul3A_668 : i32
        %get3A_670 = arith.constant 1 : i32
        %get3A_671 = arith.index_cast %get3A_670 : i32 to index
        %get3A_672 = arith.index_cast %mul3A_669 : i32 to index
        %get3A_673 = tpu.vector_load %arg6[%get3A_671, %get3A_672] {strides = array<i32>} : memref<2x128xi32, #tpu.memory_space<vmem>>, vector<16xi32>,
        %rem3A = arith.constant 8 : i32
        %rem3A_674 = vector.broadcast %rem3A : i32 to vector<16xi32>
        %rem3A_675 = arith.remsi %get3A_673, %rem3A_674 : vector<16xi32>
        %mul3A_676 = arith.constant 16 : i32
        %mul3A_677 = vector.broadcast %mul3A_676 : i32 to vector<16xi32>
        %mul3A_678 = arith.muli %rem3A_675, %mul3A_677 : vector<16xi32>
        %add3A_679 = arith.constant 0 : i32
        %add3A_680 = vector.broadcast %add3A_679 : i32 to vector<16xi32>
        %add3A_681 = arith.addi %mul3A_678, %add3A_680 : vector<16xi32>
        %gather3A = tpu.vector_load_idx %arg9[%add3A_667, %add3A_681] : memref<128x128xf32, #tpu.memory_space<vmem>>[vector<16xi32>, vector<16xi32>], vector<16xf32>,
        %mul3A_682 = arith.constant 16 : i32
        %mul3A_683 = arith.muli %add3A_663, %mul3A_682 : i32
        %add3A_684 = arith.constant 128 : i32
        %add3A_685 = arith.addi %add3A_684, %mul3A_683 : i32
        %swap3A_686 = arith.constant 0 : i32
        %swap3A_687 = arith.index_cast %swap3A_686 : i32 to index
        %swap3A_688 = arith.index_cast %add3A_685 : i32 to index
        %swap3A_689 = tpu.vector_load %arg10[%swap3A_687, %swap3A_688] {strides = array<i32>} : memref<16x512xf32, #tpu.memory_space<vmem>>, vector<16xf32>,
        tpu.vector_store %arg10[%swap3A_687, %swap3A_688], %gather3A {strides = array<i32>} : memref<16x512xf32, #tpu.memory_space<vmem>>, vector<16xf32>,
        %add3A_690 = arith.constant 1 : i32
        %add3A_691 = vector.broadcast %add3A_690 : i32 to vector<16xi32>
        %add3A_692 = arith.addi %mul3A_678, %add3A_691 : vector<16xi32>
        %gather3A_693 = tpu.vector_load_idx %arg9[%add3A_667, %add3A_692] : memref<128x128xf32, #tpu.memory_space<vmem>>[vector<16xi32>, vector<16xi32>], vector<16xf32>,
        %mul3A_694 = arith.constant 16 : i32
        %mul3A_695 = arith.muli %add3A_663, %mul3A_694 : i32
        %add3A_696 = arith.constant 128 : i32
        %add3A_697 = arith.addi %add3A_696, %mul3A_695 : i32
        %swap3A_698 = arith.constant 1 : i32
        %swap3A_699 = arith.index_cast %swap3A_698 : i32 to index
        %swap3A_700 = arith.index_cast %add3A_697 : i32 to index
        %swap3A_701 = tpu.vector_load %arg10[%swap3A_699, %swap3A_700] {strides = array<i32>} : memref<16x512xf32, #tpu.memory_space<vmem>>, vector<16xf32>,
        tpu.vector_store %arg10[%swap3A_699, %swap3A_700], %gather3A_693 {strides = array<i32>} : memref<16x512xf32, #tpu.memory_space<vmem>>, vector<16xf32>,
        %add3A_702 = arith.constant 2 : i32
        %add3A_703 = vector.broadcast %add3A_702 : i32 to vector<16xi32>
        %add3A_704 = arith.addi %mul3A_678, %add3A_703 : vector<16xi32>
        %gather3A_705 = tpu.vector_load_idx %arg9[%add3A_667, %add3A_704] : memref<128x128xf32, #tpu.memory_space<vmem>>[vector<16xi32>, vector<16xi32>], vector<16xf32>,
        %mul3A_706 = arith.constant 16 : i32
        %mul3A_707 = arith.muli %add3A_663, %mul3A_706 : i32
        %add3A_708 = arith.constant 128 : i32
        %add3A_709 = arith.addi %add3A_708, %mul3A_707 : i32
        %swap3A_710 = arith.constant 2 : i32
        %swap3A_711 = arith.index_cast %swap3A_710 : i32 to index
        %swap3A_712 = arith.index_cast %add3A_709 : i32 to index
        %swap3A_713 = tpu.vector_load %arg10[%swap3A_711, %swap3A_712] {strides = array<i32>} : memref<16x512xf32, #tpu.memory_space<vmem>>, vector<16xf32>,
        tpu.vector_store %arg10[%swap3A_711, %swap3A_712], %gather3A_705 {strides = array<i32>} : memref<16x512xf32, #tpu.memory_space<vmem>>, vector<16xf32>,
        %add3A_714 = arith.constant 3 : i32
        %add3A_715 = vector.broadcast %add3A_714 : i32 to vector<16xi32>
        %add3A_716 = arith.addi %mul3A_678, %add3A_715 : vector<16xi32>
        %gather3A_717 = tpu.vector_load_idx %arg9[%add3A_667, %add3A_716] : memref<128x128xf32, #tpu.memory_space<vmem>>[vector<16xi32>, vector<16xi32>], vector<16xf32>,
        %mul3A_718 = arith.constant 16 : i32
        %mul3A_719 = arith.muli %add3A_663, %mul3A_718 : i32
        %add3A_720 = arith.constant 128 : i32
        %add3A_721 = arith.addi %add3A_720, %mul3A_719 : i32
        %swap3A_722 = arith.constant 3 : i32
        %swap3A_723 = arith.index_cast %swap3A_722 : i32 to index
        %swap3A_724 = arith.index_cast %add3A_721 : i32 to index
        %swap3A_725 = tpu.vector_load %arg10[%swap3A_723, %swap3A_724] {strides = array<i32>} : memref<16x512xf32, #tpu.memory_space<vmem>>, vector<16xf32>,
        tpu.vector_store %arg10[%swap3A_723, %swap3A_724], %gather3A_717 {strides = array<i32>} : memref<16x512xf32, #tpu.memory_space<vmem>>, vector<16xf32>,
        %add3A_726 = arith.constant 4 : i32
        %add3A_727 = vector.broadcast %add3A_726 : i32 to vector<16xi32>
        %add3A_728 = arith.addi %mul3A_678, %add3A_727 : vector<16xi32>
        %gather3A_729 = tpu.vector_load_idx %arg9[%add3A_667, %add3A_728] : memref<128x128xf32, #tpu.memory_space<vmem>>[vector<16xi32>, vector<16xi32>], vector<16xf32>,
        %mul3A_730 = arith.constant 16 : i32
        %mul3A_731 = arith.muli %add3A_663, %mul3A_730 : i32
        %add3A_732 = arith.constant 128 : i32
        %add3A_733 = arith.addi %add3A_732, %mul3A_731 : i32
        %swap3A_734 = arith.constant 4 : i32
        %swap3A_735 = arith.index_cast %swap3A_734 : i32 to index
        %swap3A_736 = arith.index_cast %add3A_733 : i32 to index
        %swap3A_737 = tpu.vector_load %arg10[%swap3A_735, %swap3A_736] {strides = array<i32>} : memref<16x512xf32, #tpu.memory_space<vmem>>, vector<16xf32>,
        tpu.vector_store %arg10[%swap3A_735, %swap3A_736], %gather3A_729 {strides = array<i32>} : memref<16x512xf32, #tpu.memory_space<vmem>>, vector<16xf32>,
        %add3A_738 = arith.constant 5 : i32
        %add3A_739 = vector.broadcast %add3A_738 : i32 to vector<16xi32>
        %add3A_740 = arith.addi %mul3A_678, %add3A_739 : vector<16xi32>
        %gather3A_741 = tpu.vector_load_idx %arg9[%add3A_667, %add3A_740] : memref<128x128xf32, #tpu.memory_space<vmem>>[vector<16xi32>, vector<16xi32>], vector<16xf32>,
        %mul3A_742 = arith.constant 16 : i32
        %mul3A_743 = arith.muli %add3A_663, %mul3A_742 : i32
        %add3A_744 = arith.constant 128 : i32
        %add3A_745 = arith.addi %add3A_744, %mul3A_743 : i32
        %swap3A_746 = arith.constant 5 : i32
        %swap3A_747 = arith.index_cast %swap3A_746 : i32 to index
        %swap3A_748 = arith.index_cast %add3A_745 : i32 to index
        %swap3A_749 = tpu.vector_load %arg10[%swap3A_747, %swap3A_748] {strides = array<i32>} : memref<16x512xf32, #tpu.memory_space<vmem>>, vector<16xf32>,
        tpu.vector_store %arg10[%swap3A_747, %swap3A_748], %gather3A_741 {strides = array<i32>} : memref<16x512xf32, #tpu.memory_space<vmem>>, vector<16xf32>,
        %add3A_750 = arith.constant 6 : i32
        %add3A_751 = vector.broadcast %add3A_750 : i32 to vector<16xi32>
        %add3A_752 = arith.addi %mul3A_678, %add3A_751 : vector<16xi32>
        %gather3A_753 = tpu.vector_load_idx %arg9[%add3A_667, %add3A_752] : memref<128x128xf32, #tpu.memory_space<vmem>>[vector<16xi32>, vector<16xi32>], vector<16xf32>,
        %mul3A_754 = arith.constant 16 : i32
        %mul3A_755 = arith.muli %add3A_663, %mul3A_754 : i32
        %add3A_756 = arith.constant 128 : i32
        %add3A_757 = arith.addi %add3A_756, %mul3A_755 : i32
        %swap3A_758 = arith.constant 6 : i32
        %swap3A_759 = arith.index_cast %swap3A_758 : i32 to index
        %swap3A_760 = arith.index_cast %add3A_757 : i32 to index
        %swap3A_761 = tpu.vector_load %arg10[%swap3A_759, %swap3A_760] {strides = array<i32>} : memref<16x512xf32, #tpu.memory_space<vmem>>, vector<16xf32>,
        tpu.vector_store %arg10[%swap3A_759, %swap3A_760], %gather3A_753 {strides = array<i32>} : memref<16x512xf32, #tpu.memory_space<vmem>>, vector<16xf32>,
        %add3A_762 = arith.constant 7 : i32
        %add3A_763 = vector.broadcast %add3A_762 : i32 to vector<16xi32>
        %add3A_764 = arith.addi %mul3A_678, %add3A_763 : vector<16xi32>
        %gather3A_765 = tpu.vector_load_idx %arg9[%add3A_667, %add3A_764] : memref<128x128xf32, #tpu.memory_space<vmem>>[vector<16xi32>, vector<16xi32>], vector<16xf32>,
        %mul3A_766 = arith.constant 16 : i32
        %mul3A_767 = arith.muli %add3A_663, %mul3A_766 : i32
        %add3A_768 = arith.constant 128 : i32
        %add3A_769 = arith.addi %add3A_768, %mul3A_767 : i32
        %swap3A_770 = arith.constant 7 : i32
        %swap3A_771 = arith.index_cast %swap3A_770 : i32 to index
        %swap3A_772 = arith.index_cast %add3A_769 : i32 to index
        %swap3A_773 = tpu.vector_load %arg10[%swap3A_771, %swap3A_772] {strides = array<i32>} : memref<16x512xf32, #tpu.memory_space<vmem>>, vector<16xf32>,
        tpu.vector_store %arg10[%swap3A_771, %swap3A_772], %gather3A_765 {strides = array<i32>} : memref<16x512xf32, #tpu.memory_space<vmem>>, vector<16xf32>,
        %add3A_774 = arith.constant 8 : i32
        %add3A_775 = vector.broadcast %add3A_774 : i32 to vector<16xi32>
        %add3A_776 = arith.addi %mul3A_678, %add3A_775 : vector<16xi32>
        %gather3A_777 = tpu.vector_load_idx %arg9[%add3A_667, %add3A_776] : memref<128x128xf32, #tpu.memory_space<vmem>>[vector<16xi32>, vector<16xi32>], vector<16xf32>,
        %mul3A_778 = arith.constant 16 : i32
        %mul3A_779 = arith.muli %add3A_663, %mul3A_778 : i32
        %add3A_780 = arith.constant 128 : i32
        %add3A_781 = arith.addi %add3A_780, %mul3A_779 : i32
        %swap3A_782 = arith.constant 8 : i32
        %swap3A_783 = arith.index_cast %swap3A_782 : i32 to index
        %swap3A_784 = arith.index_cast %add3A_781 : i32 to index
        %swap3A_785 = tpu.vector_load %arg10[%swap3A_783, %swap3A_784] {strides = array<i32>} : memref<16x512xf32, #tpu.memory_space<vmem>>, vector<16xf32>,
        tpu.vector_store %arg10[%swap3A_783, %swap3A_784], %gather3A_777 {strides = array<i32>} : memref<16x512xf32, #tpu.memory_space<vmem>>, vector<16xf32>,
        %add3A_786 = arith.constant 9 : i32
        %add3A_787 = vector.broadcast %add3A_786 : i32 to vector<16xi32>
        %add3A_788 = arith.addi %mul3A_678, %add3A_787 : vector<16xi32>
        %gather3A_789 = tpu.vector_load_idx %arg9[%add3A_667, %add3A_788] : memref<128x128xf32, #tpu.memory_space<vmem>>[vector<16xi32>, vector<16xi32>], vector<16xf32>,
        %mul3A_790 = arith.constant 16 : i32
        %mul3A_791 = arith.muli %add3A_663, %mul3A_790 : i32
        %add3A_792 = arith.constant 128 : i32
        %add3A_793 = arith.addi %add3A_792, %mul3A_791 : i32
        %swap3A_794 = arith.constant 9 : i32
        %swap3A_795 = arith.index_cast %swap3A_794 : i32 to index
        %swap3A_796 = arith.index_cast %add3A_793 : i32 to index
        %swap3A_797 = tpu.vector_load %arg10[%swap3A_795, %swap3A_796] {strides = array<i32>} : memref<16x512xf32, #tpu.memory_space<vmem>>, vector<16xf32>,
        tpu.vector_store %arg10[%swap3A_795, %swap3A_796], %gather3A_789 {strides = array<i32>} : memref<16x512xf32, #tpu.memory_space<vmem>>, vector<16xf32>,
        %add3A_798 = arith.constant 10 : i32
        %add3A_799 = vector.broadcast %add3A_798 : i32 to vector<16xi32>
        %add3A_800 = arith.addi %mul3A_678, %add3A_799 : vector<16xi32>
        %gather3A_801 = tpu.vector_load_idx %arg9[%add3A_667, %add3A_800] : memref<128x128xf32, #tpu.memory_space<vmem>>[vector<16xi32>, vector<16xi32>], vector<16xf32>,
        %mul3A_802 = arith.constant 16 : i32
        %mul3A_803 = arith.muli %add3A_663, %mul3A_802 : i32
        %add3A_804 = arith.constant 128 : i32
        %add3A_805 = arith.addi %add3A_804, %mul3A_803 : i32
        %swap3A_806 = arith.constant 10 : i32
        %swap3A_807 = arith.index_cast %swap3A_806 : i32 to index
        %swap3A_808 = arith.index_cast %add3A_805 : i32 to index
        %swap3A_809 = tpu.vector_load %arg10[%swap3A_807, %swap3A_808] {strides = array<i32>} : memref<16x512xf32, #tpu.memory_space<vmem>>, vector<16xf32>,
        tpu.vector_store %arg10[%swap3A_807, %swap3A_808], %gather3A_801 {strides = array<i32>} : memref<16x512xf32, #tpu.memory_space<vmem>>, vector<16xf32>,
        %add3A_810 = arith.constant 11 : i32
        %add3A_811 = vector.broadcast %add3A_810 : i32 to vector<16xi32>
        %add3A_812 = arith.addi %mul3A_678, %add3A_811 : vector<16xi32>
        %gather3A_813 = tpu.vector_load_idx %arg9[%add3A_667, %add3A_812] : memref<128x128xf32, #tpu.memory_space<vmem>>[vector<16xi32>, vector<16xi32>], vector<16xf32>,
        %mul3A_814 = arith.constant 16 : i32
        %mul3A_815 = arith.muli %add3A_663, %mul3A_814 : i32
        %add3A_816 = arith.constant 128 : i32
        %add3A_817 = arith.addi %add3A_816, %mul3A_815 : i32
        %swap3A_818 = arith.constant 11 : i32
        %swap3A_819 = arith.index_cast %swap3A_818 : i32 to index
        %swap3A_820 = arith.index_cast %add3A_817 : i32 to index
        %swap3A_821 = tpu.vector_load %arg10[%swap3A_819, %swap3A_820] {strides = array<i32>} : memref<16x512xf32, #tpu.memory_space<vmem>>, vector<16xf32>,
        tpu.vector_store %arg10[%swap3A_819, %swap3A_820], %gather3A_813 {strides = array<i32>} : memref<16x512xf32, #tpu.memory_space<vmem>>, vector<16xf32>,
        %add3A_822 = arith.constant 12 : i32
        %add3A_823 = vector.broadcast %add3A_822 : i32 to vector<16xi32>
        %add3A_824 = arith.addi %mul3A_678, %add3A_823 : vector<16xi32>
        %gather3A_825 = tpu.vector_load_idx %arg9[%add3A_667, %add3A_824] : memref<128x128xf32, #tpu.memory_space<vmem>>[vector<16xi32>, vector<16xi32>], vector<16xf32>,
        %mul3A_826 = arith.constant 16 : i32
        %mul3A_827 = arith.muli %add3A_663, %mul3A_826 : i32
        %add3A_828 = arith.constant 128 : i32
        %add3A_829 = arith.addi %add3A_828, %mul3A_827 : i32
        %swap3A_830 = arith.constant 12 : i32
        %swap3A_831 = arith.index_cast %swap3A_830 : i32 to index
        %swap3A_832 = arith.index_cast %add3A_829 : i32 to index
        %swap3A_833 = tpu.vector_load %arg10[%swap3A_831, %swap3A_832] {strides = array<i32>} : memref<16x512xf32, #tpu.memory_space<vmem>>, vector<16xf32>,
        tpu.vector_store %arg10[%swap3A_831, %swap3A_832], %gather3A_825 {strides = array<i32>} : memref<16x512xf32, #tpu.memory_space<vmem>>, vector<16xf32>,
        %add3A_834 = arith.constant 13 : i32
        %add3A_835 = vector.broadcast %add3A_834 : i32 to vector<16xi32>
        %add3A_836 = arith.addi %mul3A_678, %add3A_835 : vector<16xi32>
        %gather3A_837 = tpu.vector_load_idx %arg9[%add3A_667, %add3A_836] : memref<128x128xf32, #tpu.memory_space<vmem>>[vector<16xi32>, vector<16xi32>], vector<16xf32>,
        %mul3A_838 = arith.constant 16 : i32
        %mul3A_839 = arith.muli %add3A_663, %mul3A_838 : i32
        %add3A_840 = arith.constant 128 : i32
        %add3A_841 = arith.addi %add3A_840, %mul3A_839 : i32
        %swap3A_842 = arith.constant 13 : i32
        %swap3A_843 = arith.index_cast %swap3A_842 : i32 to index
        %swap3A_844 = arith.index_cast %add3A_841 : i32 to index
        %swap3A_845 = tpu.vector_load %arg10[%swap3A_843, %swap3A_844] {strides = array<i32>} : memref<16x512xf32, #tpu.memory_space<vmem>>, vector<16xf32>,
        tpu.vector_store %arg10[%swap3A_843, %swap3A_844], %gather3A_837 {strides = array<i32>} : memref<16x512xf32, #tpu.memory_space<vmem>>, vector<16xf32>,
        %add3A_846 = arith.constant 14 : i32
        %add3A_847 = vector.broadcast %add3A_846 : i32 to vector<16xi32>
        %add3A_848 = arith.addi %mul3A_678, %add3A_847 : vector<16xi32>
        %gather3A_849 = tpu.vector_load_idx %arg9[%add3A_667, %add3A_848] : memref<128x128xf32, #tpu.memory_space<vmem>>[vector<16xi32>, vector<16xi32>], vector<16xf32>,
        %mul3A_850 = arith.constant 16 : i32
        %mul3A_851 = arith.muli %add3A_663, %mul3A_850 : i32
        %add3A_852 = arith.constant 128 : i32
        %add3A_853 = arith.addi %add3A_852, %mul3A_851 : i32
        %swap3A_854 = arith.constant 14 : i32
        %swap3A_855 = arith.index_cast %swap3A_854 : i32 to index
        %swap3A_856 = arith.index_cast %add3A_853 : i32 to index
        %swap3A_857 = tpu.vector_load %arg10[%swap3A_855, %swap3A_856] {strides = array<i32>} : memref<16x512xf32, #tpu.memory_space<vmem>>, vector<16xf32>,
        tpu.vector_store %arg10[%swap3A_855, %swap3A_856], %gather3A_849 {strides = array<i32>} : memref<16x512xf32, #tpu.memory_space<vmem>>, vector<16xf32>,
        %add3A_858 = arith.constant 15 : i32
        %add3A_859 = vector.broadcast %add3A_858 : i32 to vector<16xi32>
        %add3A_860 = arith.addi %mul3A_678, %add3A_859 : vector<16xi32>
        %gather3A_861 = tpu.vector_load_idx %arg9[%add3A_667, %add3A_860] : memref<128x128xf32, #tpu.memory_space<vmem>>[vector<16xi32>, vector<16xi32>], vector<16xf32>,
        %mul3A_862 = arith.constant 16 : i32
        %mul3A_863 = arith.muli %add3A_663, %mul3A_862 : i32
        %add3A_864 = arith.constant 128 : i32
        %add3A_865 = arith.addi %add3A_864, %mul3A_863 : i32
        %swap3A_866 = arith.constant 15 : i32
        %swap3A_867 = arith.index_cast %swap3A_866 : i32 to index
        %swap3A_868 = arith.index_cast %add3A_865 : i32 to index
        %swap3A_869 = tpu.vector_load %arg10[%swap3A_867, %swap3A_868] {strides = array<i32>} : memref<16x512xf32, #tpu.memory_space<vmem>>, vector<16xf32>,
        tpu.vector_store %arg10[%swap3A_867, %swap3A_868], %gather3A_861 {strides = array<i32>} : memref<16x512xf32, #tpu.memory_space<vmem>>, vector<16xf32>,
      }
      %scan3A_483 = arith.constant 8 : i32
      %get3A_484 = arith.index_cast %add3A_11 : i32 to index
      %get3A_485 = arith.constant 384 : index
      %get3A_486 = tpu.vector_load %arg5[%get3A_484, %get3A_485] {strides = array<i32>} : memref<26x512xi32, #tpu.memory_space<vmem>>, vector<16xi32>,
      %mul3A_487 = arith.constant 38461 : i32
      %mul3A_488 = arith.muli %add3A_11, %mul3A_487 : i32
      %add3A_489 = vector.broadcast %mul3A_488 : i32 to vector<16xi32>
      %add3A_490 = arith.addi %get3A_486, %add3A_489 : vector<16xi32>
      %swap3A_491 = arith.constant 1 : i32
      %swap3A_492 = arith.index_cast %swap3A_491 : i32 to index
      %swap3A_493 = arith.constant 0 : index
      %swap3A_494 = tpu.vector_load %arg6[%swap3A_492, %swap3A_493] {strides = array<i32>} : memref<2x128xi32, #tpu.memory_space<vmem>>, vector<16xi32>,
      tpu.vector_store %arg6[%swap3A_492, %swap3A_493], %add3A_490 {strides = array<i32>} : memref<2x128xi32, #tpu.memory_space<vmem>>, vector<16xi32>,
      %shift_right_logical3A_495 = arith.constant 3 : i32
      %shift_right_logical3A_496 = vector.broadcast %shift_right_logical3A_495 : i32 to vector<16xi32>
      %shift_right_logical3A_497 = arith.shrui %add3A_490, %shift_right_logical3A_496 : vector<16xi32>
      %swap3A_498 = arith.constant 1 : i32
      %swap3A_499 = arith.index_cast %swap3A_498 : i32 to index
      %swap3A_500 = arith.constant 0 : index
      %swap3A_501 = tpu.vector_load %arg7[%swap3A_499, %swap3A_500] {strides = array<i32>} : memref<2x128xi32, #tpu.memory_space<vmem>>, vector<16xi32>,
      tpu.vector_store %arg7[%swap3A_499, %swap3A_500], %shift_right_logical3A_497 {strides = array<i32>} : memref<2x128xi32, #tpu.memory_space<vmem>>, vector<16xi32>,
      %get3A_502 = arith.index_cast %add3A_11 : i32 to index
      %get3A_503 = arith.constant 400 : index
      %get3A_504 = tpu.vector_load %arg5[%get3A_502, %get3A_503] {strides = array<i32>} : memref<26x512xi32, #tpu.memory_space<vmem>>, vector<16xi32>,
      %mul3A_505 = arith.constant 38461 : i32
      %mul3A_506 = arith.muli %add3A_11, %mul3A_505 : i32
      %add3A_507 = vector.broadcast %mul3A_506 : i32 to vector<16xi32>
      %add3A_508 = arith.addi %get3A_504, %add3A_507 : vector<16xi32>
      %swap3A_509 = arith.constant 1 : i32
      %swap3A_510 = arith.index_cast %swap3A_509 : i32 to index
      %swap3A_511 = arith.constant 16 : index
      %swap3A_512 = tpu.vector_load %arg6[%swap3A_510, %swap3A_511] {strides = array<i32>} : memref<2x128xi32, #tpu.memory_space<vmem>>, vector<16xi32>,
      tpu.vector_store %arg6[%swap3A_510, %swap3A_511], %add3A_508 {strides = array<i32>} : memref<2x128xi32, #tpu.memory_space<vmem>>, vector<16xi32>,
      %shift_right_logical3A_513 = arith.constant 3 : i32
      %shift_right_logical3A_514 = vector.broadcast %shift_right_logical3A_513 : i32 to vector<16xi32>
      %shift_right_logical3A_515 = arith.shrui %add3A_508, %shift_right_logical3A_514 : vector<16xi32>
      %swap3A_516 = arith.constant 1 : i32
      %swap3A_517 = arith.index_cast %swap3A_516 : i32 to index
      %swap3A_518 = arith.constant 16 : index
      %swap3A_519 = tpu.vector_load %arg7[%swap3A_517, %swap3A_518] {strides = array<i32>} : memref<2x128xi32, #tpu.memory_space<vmem>>, vector<16xi32>,
      tpu.vector_store %arg7[%swap3A_517, %swap3A_518], %shift_right_logical3A_515 {strides = array<i32>} : memref<2x128xi32, #tpu.memory_space<vmem>>, vector<16xi32>,
      %get3A_520 = arith.index_cast %add3A_11 : i32 to index
      %get3A_521 = arith.constant 416 : index
      %get3A_522 = tpu.vector_load %arg5[%get3A_520, %get3A_521] {strides = array<i32>} : memref<26x512xi32, #tpu.memory_space<vmem>>, vector<16xi32>,
      %mul3A_523 = arith.constant 38461 : i32
      %mul3A_524 = arith.muli %add3A_11, %mul3A_523 : i32
      %add3A_525 = vector.broadcast %mul3A_524 : i32 to vector<16xi32>
      %add3A_526 = arith.addi %get3A_522, %add3A_525 : vector<16xi32>
      %swap3A_527 = arith.constant 1 : i32
      %swap3A_528 = arith.index_cast %swap3A_527 : i32 to index
      %swap3A_529 = arith.constant 32 : index
      %swap3A_530 = tpu.vector_load %arg6[%swap3A_528, %swap3A_529] {strides = array<i32>} : memref<2x128xi32, #tpu.memory_space<vmem>>, vector<16xi32>,
      tpu.vector_store %arg6[%swap3A_528, %swap3A_529], %add3A_526 {strides = array<i32>} : memref<2x128xi32, #tpu.memory_space<vmem>>, vector<16xi32>,
      %shift_right_logical3A_531 = arith.constant 3 : i32
      %shift_right_logical3A_532 = vector.broadcast %shift_right_logical3A_531 : i32 to vector<16xi32>
      %shift_right_logical3A_533 = arith.shrui %add3A_526, %shift_right_logical3A_532 : vector<16xi32>
      %swap3A_534 = arith.constant 1 : i32
      %swap3A_535 = arith.index_cast %swap3A_534 : i32 to index
      %swap3A_536 = arith.constant 32 : index
      %swap3A_537 = tpu.vector_load %arg7[%swap3A_535, %swap3A_536] {strides = array<i32>} : memref<2x128xi32, #tpu.memory_space<vmem>>, vector<16xi32>,
      tpu.vector_store %arg7[%swap3A_535, %swap3A_536], %shift_right_logical3A_533 {strides = array<i32>} : memref<2x128xi32, #tpu.memory_space<vmem>>, vector<16xi32>,
      %get3A_538 = arith.index_cast %add3A_11 : i32 to index
      %get3A_539 = arith.constant 432 : index
      %get3A_540 = tpu.vector_load %arg5[%get3A_538, %get3A_539] {strides = array<i32>} : memref<26x512xi32, #tpu.memory_space<vmem>>, vector<16xi32>,
      %mul3A_541 = arith.constant 38461 : i32
      %mul3A_542 = arith.muli %add3A_11, %mul3A_541 : i32
      %add3A_543 = vector.broadcast %mul3A_542 : i32 to vector<16xi32>
      %add3A_544 = arith.addi %get3A_540, %add3A_543 : vector<16xi32>
      %swap3A_545 = arith.constant 1 : i32
      %swap3A_546 = arith.index_cast %swap3A_545 : i32 to index
      %swap3A_547 = arith.constant 48 : index
      %swap3A_548 = tpu.vector_load %arg6[%swap3A_546, %swap3A_547] {strides = array<i32>} : memref<2x128xi32, #tpu.memory_space<vmem>>, vector<16xi32>,
      tpu.vector_store %arg6[%swap3A_546, %swap3A_547], %add3A_544 {strides = array<i32>} : memref<2x128xi32, #tpu.memory_space<vmem>>, vector<16xi32>,
      %shift_right_logical3A_549 = arith.constant 3 : i32
      %shift_right_logical3A_550 = vector.broadcast %shift_right_logical3A_549 : i32 to vector<16xi32>
      %shift_right_logical3A_551 = arith.shrui %add3A_544, %shift_right_logical3A_550 : vector<16xi32>
      %swap3A_552 = arith.constant 1 : i32
      %swap3A_553 = arith.index_cast %swap3A_552 : i32 to index
      %swap3A_554 = arith.constant 48 : index
      %swap3A_555 = tpu.vector_load %arg7[%swap3A_553, %swap3A_554] {strides = array<i32>} : memref<2x128xi32, #tpu.memory_space<vmem>>, vector<16xi32>,
      tpu.vector_store %arg7[%swap3A_553, %swap3A_554], %shift_right_logical3A_551 {strides = array<i32>} : memref<2x128xi32, #tpu.memory_space<vmem>>, vector<16xi32>,
      %get3A_556 = arith.index_cast %add3A_11 : i32 to index
      %get3A_557 = arith.constant 448 : index
      %get3A_558 = tpu.vector_load %arg5[%get3A_556, %get3A_557] {strides = array<i32>} : memref<26x512xi32, #tpu.memory_space<vmem>>, vector<16xi32>,
      %mul3A_559 = arith.constant 38461 : i32
      %mul3A_560 = arith.muli %add3A_11, %mul3A_559 : i32
      %add3A_561 = vector.broadcast %mul3A_560 : i32 to vector<16xi32>
      %add3A_562 = arith.addi %get3A_558, %add3A_561 : vector<16xi32>
      %swap3A_563 = arith.constant 1 : i32
      %swap3A_564 = arith.index_cast %swap3A_563 : i32 to index
      %swap3A_565 = arith.constant 64 : index
      %swap3A_566 = tpu.vector_load %arg6[%swap3A_564, %swap3A_565] {strides = array<i32>} : memref<2x128xi32, #tpu.memory_space<vmem>>, vector<16xi32>,
      tpu.vector_store %arg6[%swap3A_564, %swap3A_565], %add3A_562 {strides = array<i32>} : memref<2x128xi32, #tpu.memory_space<vmem>>, vector<16xi32>,
      %shift_right_logical3A_567 = arith.constant 3 : i32
      %shift_right_logical3A_568 = vector.broadcast %shift_right_logical3A_567 : i32 to vector<16xi32>
      %shift_right_logical3A_569 = arith.shrui %add3A_562, %shift_right_logical3A_568 : vector<16xi32>
      %swap3A_570 = arith.constant 1 : i32
      %swap3A_571 = arith.index_cast %swap3A_570 : i32 to index
      %swap3A_572 = arith.constant 64 : index
      %swap3A_573 = tpu.vector_load %arg7[%swap3A_571, %swap3A_572] {strides = array<i32>} : memref<2x128xi32, #tpu.memory_space<vmem>>, vector<16xi32>,
      tpu.vector_store %arg7[%swap3A_571, %swap3A_572], %shift_right_logical3A_569 {strides = array<i32>} : memref<2x128xi32, #tpu.memory_space<vmem>>, vector<16xi32>,
      %get3A_574 = arith.index_cast %add3A_11 : i32 to index
      %get3A_575 = arith.constant 464 : index
      %get3A_576 = tpu.vector_load %arg5[%get3A_574, %get3A_575] {strides = array<i32>} : memref<26x512xi32, #tpu.memory_space<vmem>>, vector<16xi32>,
      %mul3A_577 = arith.constant 38461 : i32
      %mul3A_578 = arith.muli %add3A_11, %mul3A_577 : i32
      %add3A_579 = vector.broadcast %mul3A_578 : i32 to vector<16xi32>
      %add3A_580 = arith.addi %get3A_576, %add3A_579 : vector<16xi32>
      %swap3A_581 = arith.constant 1 : i32
      %swap3A_582 = arith.index_cast %swap3A_581 : i32 to index
      %swap3A_583 = arith.constant 80 : index
      %swap3A_584 = tpu.vector_load %arg6[%swap3A_582, %swap3A_583] {strides = array<i32>} : memref<2x128xi32, #tpu.memory_space<vmem>>, vector<16xi32>,
      tpu.vector_store %arg6[%swap3A_582, %swap3A_583], %add3A_580 {strides = array<i32>} : memref<2x128xi32, #tpu.memory_space<vmem>>, vector<16xi32>,
      %shift_right_logical3A_585 = arith.constant 3 : i32
      %shift_right_logical3A_586 = vector.broadcast %shift_right_logical3A_585 : i32 to vector<16xi32>
      %shift_right_logical3A_587 = arith.shrui %add3A_580, %shift_right_logical3A_586 : vector<16xi32>
      %swap3A_588 = arith.constant 1 : i32
      %swap3A_589 = arith.index_cast %swap3A_588 : i32 to index
      %swap3A_590 = arith.constant 80 : index
      %swap3A_591 = tpu.vector_load %arg7[%swap3A_589, %swap3A_590] {strides = array<i32>} : memref<2x128xi32, #tpu.memory_space<vmem>>, vector<16xi32>,
      tpu.vector_store %arg7[%swap3A_589, %swap3A_590], %shift_right_logical3A_587 {strides = array<i32>} : memref<2x128xi32, #tpu.memory_space<vmem>>, vector<16xi32>,
      %get3A_592 = arith.index_cast %add3A_11 : i32 to index
      %get3A_593 = arith.constant 480 : index
      %get3A_594 = tpu.vector_load %arg5[%get3A_592, %get3A_593] {strides = array<i32>} : memref<26x512xi32, #tpu.memory_space<vmem>>, vector<16xi32>,
      %mul3A_595 = arith.constant 38461 : i32
      %mul3A_596 = arith.muli %add3A_11, %mul3A_595 : i32
      %add3A_597 = vector.broadcast %mul3A_596 : i32 to vector<16xi32>
      %add3A_598 = arith.addi %get3A_594, %add3A_597 : vector<16xi32>
      %swap3A_599 = arith.constant 1 : i32
      %swap3A_600 = arith.index_cast %swap3A_599 : i32 to index
      %swap3A_601 = arith.constant 96 : index
      %swap3A_602 = tpu.vector_load %arg6[%swap3A_600, %swap3A_601] {strides = array<i32>} : memref<2x128xi32, #tpu.memory_space<vmem>>, vector<16xi32>,
      tpu.vector_store %arg6[%swap3A_600, %swap3A_601], %add3A_598 {strides = array<i32>} : memref<2x128xi32, #tpu.memory_space<vmem>>, vector<16xi32>,
      %shift_right_logical3A_603 = arith.constant 3 : i32
      %shift_right_logical3A_604 = vector.broadcast %shift_right_logical3A_603 : i32 to vector<16xi32>
      %shift_right_logical3A_605 = arith.shrui %add3A_598, %shift_right_logical3A_604 : vector<16xi32>
      %swap3A_606 = arith.constant 1 : i32
      %swap3A_607 = arith.index_cast %swap3A_606 : i32 to index
      %swap3A_608 = arith.constant 96 : index
      %swap3A_609 = tpu.vector_load %arg7[%swap3A_607, %swap3A_608] {strides = array<i32>} : memref<2x128xi32, #tpu.memory_space<vmem>>, vector<16xi32>,
      tpu.vector_store %arg7[%swap3A_607, %swap3A_608], %shift_right_logical3A_605 {strides = array<i32>} : memref<2x128xi32, #tpu.memory_space<vmem>>, vector<16xi32>,
      %get3A_610 = arith.index_cast %add3A_11 : i32 to index
      %get3A_611 = arith.constant 496 : index
      %get3A_612 = tpu.vector_load %arg5[%get3A_610, %get3A_611] {strides = array<i32>} : memref<26x512xi32, #tpu.memory_space<vmem>>, vector<16xi32>,
      %mul3A_613 = arith.constant 38461 : i32
      %mul3A_614 = arith.muli %add3A_11, %mul3A_613 : i32
      %add3A_615 = vector.broadcast %mul3A_614 : i32 to vector<16xi32>
      %add3A_616 = arith.addi %get3A_612, %add3A_615 : vector<16xi32>
      %swap3A_617 = arith.constant 1 : i32
      %swap3A_618 = arith.index_cast %swap3A_617 : i32 to index
      %swap3A_619 = arith.constant 112 : index
      %swap3A_620 = tpu.vector_load %arg6[%swap3A_618, %swap3A_619] {strides = array<i32>} : memref<2x128xi32, #tpu.memory_space<vmem>>, vector<16xi32>,
      tpu.vector_store %arg6[%swap3A_618, %swap3A_619], %add3A_616 {strides = array<i32>} : memref<2x128xi32, #tpu.memory_space<vmem>>, vector<16xi32>,
      %shift_right_logical3A_621 = arith.constant 3 : i32
      %shift_right_logical3A_622 = vector.broadcast %shift_right_logical3A_621 : i32 to vector<16xi32>
      %shift_right_logical3A_623 = arith.shrui %add3A_616, %shift_right_logical3A_622 : vector<16xi32>
      %swap3A_624 = arith.constant 1 : i32
      %swap3A_625 = arith.index_cast %swap3A_624 : i32 to index
      %swap3A_626 = arith.constant 112 : index
      %swap3A_627 = tpu.vector_load %arg7[%swap3A_625, %swap3A_626] {strides = array<i32>} : memref<2x128xi32, #tpu.memory_space<vmem>>, vector<16xi32>,
      tpu.vector_store %arg7[%swap3A_625, %swap3A_626], %shift_right_logical3A_623 {strides = array<i32>} : memref<2x128xi32, #tpu.memory_space<vmem>>, vector<16xi32>,
      %dma_start3A_628 = arith.constant 1 : i32
      %dma_start3A_629 = arith.constant 0 : i32
      %dma_start3A_630 = tpu.memref_slice %arg7[%dma_start3A_628, %dma_start3A_629] : memref<2x128xi32, #tpu.memory_space<vmem>> -> memref<1x128xi32, #tpu.memory_space<vmem>>
      %dma_start3A_631 = tpu.memref_squeeze %dma_start3A_630 : memref<1x128xi32, #tpu.memory_space<vmem>> -> memref<128xi32, #tpu.memory_space<vmem>>
      %dma_start3A_632 = arith.constant 0 : i32
      %dma_start3A_633 = arith.constant 0 : i32
      %dma_start3A_634 = tpu.memref_slice %arg3[%dma_start3A_632, %dma_start3A_633] : memref<125008x128xf32, #tpu.memory_space<hbm>> -> memref<125008x128xf32, #tpu.memory_space<hbm>>
      tpu.enqueue_indirect_dma source(%dma_start3A_634 : memref<125008x128xf32, #tpu.memory_space<hbm>>) target(%arg9 : memref<128x128xf32, #tpu.memory_space<vmem>>) offsets(%dma_start3A_631 : memref<128xi32, #tpu.memory_space<vmem>>) semaphore(%arg11 : memref<!tpu.dma_semaphore, #tpu.memory_space<semaphore_mem>>)
      %dma_wait3A_635 = arith.constant 0 : i32
      %dma_wait3A_636 = arith.constant 0 : i32
      %dma_wait3A_637 = tpu.memref_slice %arg7[%dma_wait3A_635, %dma_wait3A_636] : memref<2x128xi32, #tpu.memory_space<vmem>> -> memref<1x128xi32, #tpu.memory_space<vmem>>
      %dma_wait3A_638 = tpu.memref_squeeze %dma_wait3A_637 : memref<1x128xi32, #tpu.memory_space<vmem>> -> memref<128xi32, #tpu.memory_space<vmem>>
      %dma_wait3A_639 = arith.constant 0 : i32
      %dma_wait3A_640 = arith.constant 0 : i32
      %dma_wait3A_641 = tpu.memref_slice %arg3[%dma_wait3A_639, %dma_wait3A_640] : memref<125008x128xf32, #tpu.memory_space<hbm>> -> memref<125008x128xf32, #tpu.memory_space<hbm>>
      tpu.wait_indirect_dma semaphore(%arg11 : memref<!tpu.dma_semaphore, #tpu.memory_space<semaphore_mem>>) src(%dma_wait3A_641 : memref<125008x128xf32, #tpu.memory_space<hbm>>) dst(%arg8 : memref<128x128xf32, #tpu.memory_space<vmem>>)
      %scan3A_642 = arith.constant 0 : i32
      %scan3A_643 = arith.constant 8 : i32
      %scan3A_644 = arith.addi %scan3A_642, %scan3A_643 : i32
      %scan3A_645 = arith.constant 1 : i32
      scf.for %scan3A_659 = %scan3A_642 to %scan3A_644 step %scan3A_645  : i32 {
        %mul3A_660 = arith.constant 1 : i32
        %mul3A_661 = arith.muli %scan3A_659, %mul3A_660 : i32
        %add3A_662 = arith.constant 0 : i32
        %add3A_663 = arith.addi %add3A_662, %mul3A_661 : i32
        %mul3A_664 = arith.constant 16 : i32
        %mul3A_665 = arith.muli %add3A_663, %mul3A_664 : i32
        %iota3A = tpu.iota {dimensions = array<i32: 0>} : vector<16xi32>
        %add3A_666 = vector.broadcast %mul3A_665 : i32 to vector<16xi32>
        %add3A_667 = arith.addi %add3A_666, %iota3A : vector<16xi32>
        %mul3A_668 = arith.constant 16 : i32
        %mul3A_669 = arith.muli %add3A_663, %mul3A_668 : i32
        %get3A_670 = arith.constant 0 : i32
        %get3A_671 = arith.index_cast %get3A_670 : i32 to index
        %get3A_672 = arith.index_cast %mul3A_669 : i32 to index
        %get3A_673 = tpu.vector_load %arg6[%get3A_671, %get3A_672] {strides = array<i32>} : memref<2x128xi32, #tpu.memory_space<vmem>>, vector<16xi32>,
        %rem3A = arith.constant 8 : i32
        %rem3A_674 = vector.broadcast %rem3A : i32 to vector<16xi32>
        %rem3A_675 = arith.remsi %get3A_673, %rem3A_674 : vector<16xi32>
        %mul3A_676 = arith.constant 16 : i32
        %mul3A_677 = vector.broadcast %mul3A_676 : i32 to vector<16xi32>
        %mul3A_678 = arith.muli %rem3A_675, %mul3A_677 : vector<16xi32>
        %add3A_679 = arith.constant 0 : i32
        %add3A_680 = vector.broadcast %add3A_679 : i32 to vector<16xi32>
        %add3A_681 = arith.addi %mul3A_678, %add3A_680 : vector<16xi32>
        %gather3A = tpu.vector_load_idx %arg8[%add3A_667, %add3A_681] : memref<128x128xf32, #tpu.memory_space<vmem>>[vector<16xi32>, vector<16xi32>], vector<16xf32>,
        %mul3A_682 = arith.constant 16 : i32
        %mul3A_683 = arith.muli %add3A_663, %mul3A_682 : i32
        %add3A_684 = arith.constant 256 : i32
        %add3A_685 = arith.addi %add3A_684, %mul3A_683 : i32
        %swap3A_686 = arith.constant 0 : i32
        %swap3A_687 = arith.index_cast %swap3A_686 : i32 to index
        %swap3A_688 = arith.index_cast %add3A_685 : i32 to index
        %swap3A_689 = tpu.vector_load %arg10[%swap3A_687, %swap3A_688] {strides = array<i32>} : memref<16x512xf32, #tpu.memory_space<vmem>>, vector<16xf32>,
        tpu.vector_store %arg10[%swap3A_687, %swap3A_688], %gather3A {strides = array<i32>} : memref<16x512xf32, #tpu.memory_space<vmem>>, vector<16xf32>,
        %add3A_690 = arith.constant 1 : i32
        %add3A_691 = vector.broadcast %add3A_690 : i32 to vector<16xi32>
        %add3A_692 = arith.addi %mul3A_678, %add3A_691 : vector<16xi32>
        %gather3A_693 = tpu.vector_load_idx %arg8[%add3A_667, %add3A_692] : memref<128x128xf32, #tpu.memory_space<vmem>>[vector<16xi32>, vector<16xi32>], vector<16xf32>,
        %mul3A_694 = arith.constant 16 : i32
        %mul3A_695 = arith.muli %add3A_663, %mul3A_694 : i32
        %add3A_696 = arith.constant 256 : i32
        %add3A_697 = arith.addi %add3A_696, %mul3A_695 : i32
        %swap3A_698 = arith.constant 1 : i32
        %swap3A_699 = arith.index_cast %swap3A_698 : i32 to index
        %swap3A_700 = arith.index_cast %add3A_697 : i32 to index
        %swap3A_701 = tpu.vector_load %arg10[%swap3A_699, %swap3A_700] {strides = array<i32>} : memref<16x512xf32, #tpu.memory_space<vmem>>, vector<16xf32>,
        tpu.vector_store %arg10[%swap3A_699, %swap3A_700], %gather3A_693 {strides = array<i32>} : memref<16x512xf32, #tpu.memory_space<vmem>>, vector<16xf32>,
        %add3A_702 = arith.constant 2 : i32
        %add3A_703 = vector.broadcast %add3A_702 : i32 to vector<16xi32>
        %add3A_704 = arith.addi %mul3A_678, %add3A_703 : vector<16xi32>
        %gather3A_705 = tpu.vector_load_idx %arg8[%add3A_667, %add3A_704] : memref<128x128xf32, #tpu.memory_space<vmem>>[vector<16xi32>, vector<16xi32>], vector<16xf32>,
        %mul3A_706 = arith.constant 16 : i32
        %mul3A_707 = arith.muli %add3A_663, %mul3A_706 : i32
        %add3A_708 = arith.constant 256 : i32
        %add3A_709 = arith.addi %add3A_708, %mul3A_707 : i32
        %swap3A_710 = arith.constant 2 : i32
        %swap3A_711 = arith.index_cast %swap3A_710 : i32 to index
        %swap3A_712 = arith.index_cast %add3A_709 : i32 to index
        %swap3A_713 = tpu.vector_load %arg10[%swap3A_711, %swap3A_712] {strides = array<i32>} : memref<16x512xf32, #tpu.memory_space<vmem>>, vector<16xf32>,
        tpu.vector_store %arg10[%swap3A_711, %swap3A_712], %gather3A_705 {strides = array<i32>} : memref<16x512xf32, #tpu.memory_space<vmem>>, vector<16xf32>,
        %add3A_714 = arith.constant 3 : i32
        %add3A_715 = vector.broadcast %add3A_714 : i32 to vector<16xi32>
        %add3A_716 = arith.addi %mul3A_678, %add3A_715 : vector<16xi32>
        %gather3A_717 = tpu.vector_load_idx %arg8[%add3A_667, %add3A_716] : memref<128x128xf32, #tpu.memory_space<vmem>>[vector<16xi32>, vector<16xi32>], vector<16xf32>,
        %mul3A_718 = arith.constant 16 : i32
        %mul3A_719 = arith.muli %add3A_663, %mul3A_718 : i32
        %add3A_720 = arith.constant 256 : i32
        %add3A_721 = arith.addi %add3A_720, %mul3A_719 : i32
        %swap3A_722 = arith.constant 3 : i32
        %swap3A_723 = arith.index_cast %swap3A_722 : i32 to index
        %swap3A_724 = arith.index_cast %add3A_721 : i32 to index
        %swap3A_725 = tpu.vector_load %arg10[%swap3A_723, %swap3A_724] {strides = array<i32>} : memref<16x512xf32, #tpu.memory_space<vmem>>, vector<16xf32>,
        tpu.vector_store %arg10[%swap3A_723, %swap3A_724], %gather3A_717 {strides = array<i32>} : memref<16x512xf32, #tpu.memory_space<vmem>>, vector<16xf32>,
        %add3A_726 = arith.constant 4 : i32
        %add3A_727 = vector.broadcast %add3A_726 : i32 to vector<16xi32>
        %add3A_728 = arith.addi %mul3A_678, %add3A_727 : vector<16xi32>
        %gather3A_729 = tpu.vector_load_idx %arg8[%add3A_667, %add3A_728] : memref<128x128xf32, #tpu.memory_space<vmem>>[vector<16xi32>, vector<16xi32>], vector<16xf32>,
        %mul3A_730 = arith.constant 16 : i32
        %mul3A_731 = arith.muli %add3A_663, %mul3A_730 : i32
        %add3A_732 = arith.constant 256 : i32
        %add3A_733 = arith.addi %add3A_732, %mul3A_731 : i32
        %swap3A_734 = arith.constant 4 : i32
        %swap3A_735 = arith.index_cast %swap3A_734 : i32 to index
        %swap3A_736 = arith.index_cast %add3A_733 : i32 to index
        %swap3A_737 = tpu.vector_load %arg10[%swap3A_735, %swap3A_736] {strides = array<i32>} : memref<16x512xf32, #tpu.memory_space<vmem>>, vector<16xf32>,
        tpu.vector_store %arg10[%swap3A_735, %swap3A_736], %gather3A_729 {strides = array<i32>} : memref<16x512xf32, #tpu.memory_space<vmem>>, vector<16xf32>,
        %add3A_738 = arith.constant 5 : i32
        %add3A_739 = vector.broadcast %add3A_738 : i32 to vector<16xi32>
        %add3A_740 = arith.addi %mul3A_678, %add3A_739 : vector<16xi32>
        %gather3A_741 = tpu.vector_load_idx %arg8[%add3A_667, %add3A_740] : memref<128x128xf32, #tpu.memory_space<vmem>>[vector<16xi32>, vector<16xi32>], vector<16xf32>,
        %mul3A_742 = arith.constant 16 : i32
        %mul3A_743 = arith.muli %add3A_663, %mul3A_742 : i32
        %add3A_744 = arith.constant 256 : i32
        %add3A_745 = arith.addi %add3A_744, %mul3A_743 : i32
        %swap3A_746 = arith.constant 5 : i32
        %swap3A_747 = arith.index_cast %swap3A_746 : i32 to index
        %swap3A_748 = arith.index_cast %add3A_745 : i32 to index
        %swap3A_749 = tpu.vector_load %arg10[%swap3A_747, %swap3A_748] {strides = array<i32>} : memref<16x512xf32, #tpu.memory_space<vmem>>, vector<16xf32>,
        tpu.vector_store %arg10[%swap3A_747, %swap3A_748], %gather3A_741 {strides = array<i32>} : memref<16x512xf32, #tpu.memory_space<vmem>>, vector<16xf32>,
        %add3A_750 = arith.constant 6 : i32
        %add3A_751 = vector.broadcast %add3A_750 : i32 to vector<16xi32>
        %add3A_752 = arith.addi %mul3A_678, %add3A_751 : vector<16xi32>
        %gather3A_753 = tpu.vector_load_idx %arg8[%add3A_667, %add3A_752] : memref<128x128xf32, #tpu.memory_space<vmem>>[vector<16xi32>, vector<16xi32>], vector<16xf32>,
        %mul3A_754 = arith.constant 16 : i32
        %mul3A_755 = arith.muli %add3A_663, %mul3A_754 : i32
        %add3A_756 = arith.constant 256 : i32
        %add3A_757 = arith.addi %add3A_756, %mul3A_755 : i32
        %swap3A_758 = arith.constant 6 : i32
        %swap3A_759 = arith.index_cast %swap3A_758 : i32 to index
        %swap3A_760 = arith.index_cast %add3A_757 : i32 to index
        %swap3A_761 = tpu.vector_load %arg10[%swap3A_759, %swap3A_760] {strides = array<i32>} : memref<16x512xf32, #tpu.memory_space<vmem>>, vector<16xf32>,
        tpu.vector_store %arg10[%swap3A_759, %swap3A_760], %gather3A_753 {strides = array<i32>} : memref<16x512xf32, #tpu.memory_space<vmem>>, vector<16xf32>,
        %add3A_762 = arith.constant 7 : i32
        %add3A_763 = vector.broadcast %add3A_762 : i32 to vector<16xi32>
        %add3A_764 = arith.addi %mul3A_678, %add3A_763 : vector<16xi32>
        %gather3A_765 = tpu.vector_load_idx %arg8[%add3A_667, %add3A_764] : memref<128x128xf32, #tpu.memory_space<vmem>>[vector<16xi32>, vector<16xi32>], vector<16xf32>,
        %mul3A_766 = arith.constant 16 : i32
        %mul3A_767 = arith.muli %add3A_663, %mul3A_766 : i32
        %add3A_768 = arith.constant 256 : i32
        %add3A_769 = arith.addi %add3A_768, %mul3A_767 : i32
        %swap3A_770 = arith.constant 7 : i32
        %swap3A_771 = arith.index_cast %swap3A_770 : i32 to index
        %swap3A_772 = arith.index_cast %add3A_769 : i32 to index
        %swap3A_773 = tpu.vector_load %arg10[%swap3A_771, %swap3A_772] {strides = array<i32>} : memref<16x512xf32, #tpu.memory_space<vmem>>, vector<16xf32>,
        tpu.vector_store %arg10[%swap3A_771, %swap3A_772], %gather3A_765 {strides = array<i32>} : memref<16x512xf32, #tpu.memory_space<vmem>>, vector<16xf32>,
        %add3A_774 = arith.constant 8 : i32
        %add3A_775 = vector.broadcast %add3A_774 : i32 to vector<16xi32>
        %add3A_776 = arith.addi %mul3A_678, %add3A_775 : vector<16xi32>
        %gather3A_777 = tpu.vector_load_idx %arg8[%add3A_667, %add3A_776] : memref<128x128xf32, #tpu.memory_space<vmem>>[vector<16xi32>, vector<16xi32>], vector<16xf32>,
        %mul3A_778 = arith.constant 16 : i32
        %mul3A_779 = arith.muli %add3A_663, %mul3A_778 : i32
        %add3A_780 = arith.constant 256 : i32
        %add3A_781 = arith.addi %add3A_780, %mul3A_779 : i32
        %swap3A_782 = arith.constant 8 : i32
        %swap3A_783 = arith.index_cast %swap3A_782 : i32 to index
        %swap3A_784 = arith.index_cast %add3A_781 : i32 to index
        %swap3A_785 = tpu.vector_load %arg10[%swap3A_783, %swap3A_784] {strides = array<i32>} : memref<16x512xf32, #tpu.memory_space<vmem>>, vector<16xf32>,
        tpu.vector_store %arg10[%swap3A_783, %swap3A_784], %gather3A_777 {strides = array<i32>} : memref<16x512xf32, #tpu.memory_space<vmem>>, vector<16xf32>,
        %add3A_786 = arith.constant 9 : i32
        %add3A_787 = vector.broadcast %add3A_786 : i32 to vector<16xi32>
        %add3A_788 = arith.addi %mul3A_678, %add3A_787 : vector<16xi32>
        %gather3A_789 = tpu.vector_load_idx %arg8[%add3A_667, %add3A_788] : memref<128x128xf32, #tpu.memory_space<vmem>>[vector<16xi32>, vector<16xi32>], vector<16xf32>,
        %mul3A_790 = arith.constant 16 : i32
        %mul3A_791 = arith.muli %add3A_663, %mul3A_790 : i32
        %add3A_792 = arith.constant 256 : i32
        %add3A_793 = arith.addi %add3A_792, %mul3A_791 : i32
        %swap3A_794 = arith.constant 9 : i32
        %swap3A_795 = arith.index_cast %swap3A_794 : i32 to index
        %swap3A_796 = arith.index_cast %add3A_793 : i32 to index
        %swap3A_797 = tpu.vector_load %arg10[%swap3A_795, %swap3A_796] {strides = array<i32>} : memref<16x512xf32, #tpu.memory_space<vmem>>, vector<16xf32>,
        tpu.vector_store %arg10[%swap3A_795, %swap3A_796], %gather3A_789 {strides = array<i32>} : memref<16x512xf32, #tpu.memory_space<vmem>>, vector<16xf32>,
        %add3A_798 = arith.constant 10 : i32
        %add3A_799 = vector.broadcast %add3A_798 : i32 to vector<16xi32>
        %add3A_800 = arith.addi %mul3A_678, %add3A_799 : vector<16xi32>
        %gather3A_801 = tpu.vector_load_idx %arg8[%add3A_667, %add3A_800] : memref<128x128xf32, #tpu.memory_space<vmem>>[vector<16xi32>, vector<16xi32>], vector<16xf32>,
        %mul3A_802 = arith.constant 16 : i32
        %mul3A_803 = arith.muli %add3A_663, %mul3A_802 : i32
        %add3A_804 = arith.constant 256 : i32
        %add3A_805 = arith.addi %add3A_804, %mul3A_803 : i32
        %swap3A_806 = arith.constant 10 : i32
        %swap3A_807 = arith.index_cast %swap3A_806 : i32 to index
        %swap3A_808 = arith.index_cast %add3A_805 : i32 to index
        %swap3A_809 = tpu.vector_load %arg10[%swap3A_807, %swap3A_808] {strides = array<i32>} : memref<16x512xf32, #tpu.memory_space<vmem>>, vector<16xf32>,
        tpu.vector_store %arg10[%swap3A_807, %swap3A_808], %gather3A_801 {strides = array<i32>} : memref<16x512xf32, #tpu.memory_space<vmem>>, vector<16xf32>,
        %add3A_810 = arith.constant 11 : i32
        %add3A_811 = vector.broadcast %add3A_810 : i32 to vector<16xi32>
        %add3A_812 = arith.addi %mul3A_678, %add3A_811 : vector<16xi32>
        %gather3A_813 = tpu.vector_load_idx %arg8[%add3A_667, %add3A_812] : memref<128x128xf32, #tpu.memory_space<vmem>>[vector<16xi32>, vector<16xi32>], vector<16xf32>,
        %mul3A_814 = arith.constant 16 : i32
        %mul3A_815 = arith.muli %add3A_663, %mul3A_814 : i32
        %add3A_816 = arith.constant 256 : i32
        %add3A_817 = arith.addi %add3A_816, %mul3A_815 : i32
        %swap3A_818 = arith.constant 11 : i32
        %swap3A_819 = arith.index_cast %swap3A_818 : i32 to index
        %swap3A_820 = arith.index_cast %add3A_817 : i32 to index
        %swap3A_821 = tpu.vector_load %arg10[%swap3A_819, %swap3A_820] {strides = array<i32>} : memref<16x512xf32, #tpu.memory_space<vmem>>, vector<16xf32>,
        tpu.vector_store %arg10[%swap3A_819, %swap3A_820], %gather3A_813 {strides = array<i32>} : memref<16x512xf32, #tpu.memory_space<vmem>>, vector<16xf32>,
        %add3A_822 = arith.constant 12 : i32
        %add3A_823 = vector.broadcast %add3A_822 : i32 to vector<16xi32>
        %add3A_824 = arith.addi %mul3A_678, %add3A_823 : vector<16xi32>
        %gather3A_825 = tpu.vector_load_idx %arg8[%add3A_667, %add3A_824] : memref<128x128xf32, #tpu.memory_space<vmem>>[vector<16xi32>, vector<16xi32>], vector<16xf32>,
        %mul3A_826 = arith.constant 16 : i32
        %mul3A_827 = arith.muli %add3A_663, %mul3A_826 : i32
        %add3A_828 = arith.constant 256 : i32
        %add3A_829 = arith.addi %add3A_828, %mul3A_827 : i32
        %swap3A_830 = arith.constant 12 : i32
        %swap3A_831 = arith.index_cast %swap3A_830 : i32 to index
        %swap3A_832 = arith.index_cast %add3A_829 : i32 to index
        %swap3A_833 = tpu.vector_load %arg10[%swap3A_831, %swap3A_832] {strides = array<i32>} : memref<16x512xf32, #tpu.memory_space<vmem>>, vector<16xf32>,
        tpu.vector_store %arg10[%swap3A_831, %swap3A_832], %gather3A_825 {strides = array<i32>} : memref<16x512xf32, #tpu.memory_space<vmem>>, vector<16xf32>,
        %add3A_834 = arith.constant 13 : i32
        %add3A_835 = vector.broadcast %add3A_834 : i32 to vector<16xi32>
        %add3A_836 = arith.addi %mul3A_678, %add3A_835 : vector<16xi32>
        %gather3A_837 = tpu.vector_load_idx %arg8[%add3A_667, %add3A_836] : memref<128x128xf32, #tpu.memory_space<vmem>>[vector<16xi32>, vector<16xi32>], vector<16xf32>,
        %mul3A_838 = arith.constant 16 : i32
        %mul3A_839 = arith.muli %add3A_663, %mul3A_838 : i32
        %add3A_840 = arith.constant 256 : i32
        %add3A_841 = arith.addi %add3A_840, %mul3A_839 : i32
        %swap3A_842 = arith.constant 13 : i32
        %swap3A_843 = arith.index_cast %swap3A_842 : i32 to index
        %swap3A_844 = arith.index_cast %add3A_841 : i32 to index
        %swap3A_845 = tpu.vector_load %arg10[%swap3A_843, %swap3A_844] {strides = array<i32>} : memref<16x512xf32, #tpu.memory_space<vmem>>, vector<16xf32>,
        tpu.vector_store %arg10[%swap3A_843, %swap3A_844], %gather3A_837 {strides = array<i32>} : memref<16x512xf32, #tpu.memory_space<vmem>>, vector<16xf32>,
        %add3A_846 = arith.constant 14 : i32
        %add3A_847 = vector.broadcast %add3A_846 : i32 to vector<16xi32>
        %add3A_848 = arith.addi %mul3A_678, %add3A_847 : vector<16xi32>
        %gather3A_849 = tpu.vector_load_idx %arg8[%add3A_667, %add3A_848] : memref<128x128xf32, #tpu.memory_space<vmem>>[vector<16xi32>, vector<16xi32>], vector<16xf32>,
        %mul3A_850 = arith.constant 16 : i32
        %mul3A_851 = arith.muli %add3A_663, %mul3A_850 : i32
        %add3A_852 = arith.constant 256 : i32
        %add3A_853 = arith.addi %add3A_852, %mul3A_851 : i32
        %swap3A_854 = arith.constant 14 : i32
        %swap3A_855 = arith.index_cast %swap3A_854 : i32 to index
        %swap3A_856 = arith.index_cast %add3A_853 : i32 to index
        %swap3A_857 = tpu.vector_load %arg10[%swap3A_855, %swap3A_856] {strides = array<i32>} : memref<16x512xf32, #tpu.memory_space<vmem>>, vector<16xf32>,
        tpu.vector_store %arg10[%swap3A_855, %swap3A_856], %gather3A_849 {strides = array<i32>} : memref<16x512xf32, #tpu.memory_space<vmem>>, vector<16xf32>,
        %add3A_858 = arith.constant 15 : i32
        %add3A_859 = vector.broadcast %add3A_858 : i32 to vector<16xi32>
        %add3A_860 = arith.addi %mul3A_678, %add3A_859 : vector<16xi32>
        %gather3A_861 = tpu.vector_load_idx %arg8[%add3A_667, %add3A_860] : memref<128x128xf32, #tpu.memory_space<vmem>>[vector<16xi32>, vector<16xi32>], vector<16xf32>,
        %mul3A_862 = arith.constant 16 : i32
        %mul3A_863 = arith.muli %add3A_663, %mul3A_862 : i32
        %add3A_864 = arith.constant 256 : i32
        %add3A_865 = arith.addi %add3A_864, %mul3A_863 : i32
        %swap3A_866 = arith.constant 15 : i32
        %swap3A_867 = arith.index_cast %swap3A_866 : i32 to index
        %swap3A_868 = arith.index_cast %add3A_865 : i32 to index
        %swap3A_869 = tpu.vector_load %arg10[%swap3A_867, %swap3A_868] {strides = array<i32>} : memref<16x512xf32, #tpu.memory_space<vmem>>, vector<16xf32>,
        tpu.vector_store %arg10[%swap3A_867, %swap3A_868], %gather3A_861 {strides = array<i32>} : memref<16x512xf32, #tpu.memory_space<vmem>>, vector<16xf32>,
      }
      %scan3A_646 = arith.constant 8 : i32
      %dma_wait3A_647 = arith.constant 1 : i32
      %dma_wait3A_648 = arith.constant 0 : i32
      %dma_wait3A_649 = tpu.memref_slice %arg7[%dma_wait3A_647, %dma_wait3A_648] : memref<2x128xi32, #tpu.memory_space<vmem>> -> memref<1x128xi32, #tpu.memory_space<vmem>>
      %dma_wait3A_650 = tpu.memref_squeeze %dma_wait3A_649 : memref<1x128xi32, #tpu.memory_space<vmem>> -> memref<128xi32, #tpu.memory_space<vmem>>
      %dma_wait3A_651 = arith.constant 0 : i32
      %dma_wait3A_652 = arith.constant 0 : i32
      %dma_wait3A_653 = tpu.memref_slice %arg3[%dma_wait3A_651, %dma_wait3A_652] : memref<125008x128xf32, #tpu.memory_space<hbm>> -> memref<125008x128xf32, #tpu.memory_space<hbm>>
      tpu.wait_indirect_dma semaphore(%arg11 : memref<!tpu.dma_semaphore, #tpu.memory_space<semaphore_mem>>) src(%dma_wait3A_653 : memref<125008x128xf32, #tpu.memory_space<hbm>>) dst(%arg9 : memref<128x128xf32, #tpu.memory_space<vmem>>)
      %scan3A_654 = arith.constant 0 : i32
      %scan3A_655 = arith.constant 8 : i32
      %scan3A_656 = arith.addi %scan3A_654, %scan3A_655 : i32
      %scan3A_657 = arith.constant 1 : i32
      scf.for %scan3A_659 = %scan3A_654 to %scan3A_656 step %scan3A_657  : i32 {
        %mul3A_660 = arith.constant 1 : i32
        %mul3A_661 = arith.muli %scan3A_659, %mul3A_660 : i32
        %add3A_662 = arith.constant 0 : i32
        %add3A_663 = arith.addi %add3A_662, %mul3A_661 : i32
        %mul3A_664 = arith.constant 16 : i32
        %mul3A_665 = arith.muli %add3A_663, %mul3A_664 : i32
        %iota3A = tpu.iota {dimensions = array<i32: 0>} : vector<16xi32>
        %add3A_666 = vector.broadcast %mul3A_665 : i32 to vector<16xi32>
        %add3A_667 = arith.addi %add3A_666, %iota3A : vector<16xi32>
        %mul3A_668 = arith.constant 16 : i32
        %mul3A_669 = arith.muli %add3A_663, %mul3A_668 : i32
        %get3A_670 = arith.constant 1 : i32
        %get3A_671 = arith.index_cast %get3A_670 : i32 to index
        %get3A_672 = arith.index_cast %mul3A_669 : i32 to index
        %get3A_673 = tpu.vector_load %arg6[%get3A_671, %get3A_672] {strides = array<i32>} : memref<2x128xi32, #tpu.memory_space<vmem>>, vector<16xi32>,
        %rem3A = arith.constant 8 : i32
        %rem3A_674 = vector.broadcast %rem3A : i32 to vector<16xi32>
        %rem3A_675 = arith.remsi %get3A_673, %rem3A_674 : vector<16xi32>
        %mul3A_676 = arith.constant 16 : i32
        %mul3A_677 = vector.broadcast %mul3A_676 : i32 to vector<16xi32>
        %mul3A_678 = arith.muli %rem3A_675, %mul3A_677 : vector<16xi32>
        %add3A_679 = arith.constant 0 : i32
        %add3A_680 = vector.broadcast %add3A_679 : i32 to vector<16xi32>
        %add3A_681 = arith.addi %mul3A_678, %add3A_680 : vector<16xi32>
        %gather3A = tpu.vector_load_idx %arg9[%add3A_667, %add3A_681] : memref<128x128xf32, #tpu.memory_space<vmem>>[vector<16xi32>, vector<16xi32>], vector<16xf32>,
        %mul3A_682 = arith.constant 16 : i32
        %mul3A_683 = arith.muli %add3A_663, %mul3A_682 : i32
        %add3A_684 = arith.constant 384 : i32
        %add3A_685 = arith.addi %add3A_684, %mul3A_683 : i32
        %swap3A_686 = arith.constant 0 : i32
        %swap3A_687 = arith.index_cast %swap3A_686 : i32 to index
        %swap3A_688 = arith.index_cast %add3A_685 : i32 to index
        %swap3A_689 = tpu.vector_load %arg10[%swap3A_687, %swap3A_688] {strides = array<i32>} : memref<16x512xf32, #tpu.memory_space<vmem>>, vector<16xf32>,
        tpu.vector_store %arg10[%swap3A_687, %swap3A_688], %gather3A {strides = array<i32>} : memref<16x512xf32, #tpu.memory_space<vmem>>, vector<16xf32>,
        %add3A_690 = arith.constant 1 : i32
        %add3A_691 = vector.broadcast %add3A_690 : i32 to vector<16xi32>
        %add3A_692 = arith.addi %mul3A_678, %add3A_691 : vector<16xi32>
        %gather3A_693 = tpu.vector_load_idx %arg9[%add3A_667, %add3A_692] : memref<128x128xf32, #tpu.memory_space<vmem>>[vector<16xi32>, vector<16xi32>], vector<16xf32>,
        %mul3A_694 = arith.constant 16 : i32
        %mul3A_695 = arith.muli %add3A_663, %mul3A_694 : i32
        %add3A_696 = arith.constant 384 : i32
        %add3A_697 = arith.addi %add3A_696, %mul3A_695 : i32
        %swap3A_698 = arith.constant 1 : i32
        %swap3A_699 = arith.index_cast %swap3A_698 : i32 to index
        %swap3A_700 = arith.index_cast %add3A_697 : i32 to index
        %swap3A_701 = tpu.vector_load %arg10[%swap3A_699, %swap3A_700] {strides = array<i32>} : memref<16x512xf32, #tpu.memory_space<vmem>>, vector<16xf32>,
        tpu.vector_store %arg10[%swap3A_699, %swap3A_700], %gather3A_693 {strides = array<i32>} : memref<16x512xf32, #tpu.memory_space<vmem>>, vector<16xf32>,
        %add3A_702 = arith.constant 2 : i32
        %add3A_703 = vector.broadcast %add3A_702 : i32 to vector<16xi32>
        %add3A_704 = arith.addi %mul3A_678, %add3A_703 : vector<16xi32>
        %gather3A_705 = tpu.vector_load_idx %arg9[%add3A_667, %add3A_704] : memref<128x128xf32, #tpu.memory_space<vmem>>[vector<16xi32>, vector<16xi32>], vector<16xf32>,
        %mul3A_706 = arith.constant 16 : i32
        %mul3A_707 = arith.muli %add3A_663, %mul3A_706 : i32
        %add3A_708 = arith.constant 384 : i32
        %add3A_709 = arith.addi %add3A_708, %mul3A_707 : i32
        %swap3A_710 = arith.constant 2 : i32
        %swap3A_711 = arith.index_cast %swap3A_710 : i32 to index
        %swap3A_712 = arith.index_cast %add3A_709 : i32 to index
        %swap3A_713 = tpu.vector_load %arg10[%swap3A_711, %swap3A_712] {strides = array<i32>} : memref<16x512xf32, #tpu.memory_space<vmem>>, vector<16xf32>,
        tpu.vector_store %arg10[%swap3A_711, %swap3A_712], %gather3A_705 {strides = array<i32>} : memref<16x512xf32, #tpu.memory_space<vmem>>, vector<16xf32>,
        %add3A_714 = arith.constant 3 : i32
        %add3A_715 = vector.broadcast %add3A_714 : i32 to vector<16xi32>
        %add3A_716 = arith.addi %mul3A_678, %add3A_715 : vector<16xi32>
        %gather3A_717 = tpu.vector_load_idx %arg9[%add3A_667, %add3A_716] : memref<128x128xf32, #tpu.memory_space<vmem>>[vector<16xi32>, vector<16xi32>], vector<16xf32>,
        %mul3A_718 = arith.constant 16 : i32
        %mul3A_719 = arith.muli %add3A_663, %mul3A_718 : i32
        %add3A_720 = arith.constant 384 : i32
        %add3A_721 = arith.addi %add3A_720, %mul3A_719 : i32
        %swap3A_722 = arith.constant 3 : i32
        %swap3A_723 = arith.index_cast %swap3A_722 : i32 to index
        %swap3A_724 = arith.index_cast %add3A_721 : i32 to index
        %swap3A_725 = tpu.vector_load %arg10[%swap3A_723, %swap3A_724] {strides = array<i32>} : memref<16x512xf32, #tpu.memory_space<vmem>>, vector<16xf32>,
        tpu.vector_store %arg10[%swap3A_723, %swap3A_724], %gather3A_717 {strides = array<i32>} : memref<16x512xf32, #tpu.memory_space<vmem>>, vector<16xf32>,
        %add3A_726 = arith.constant 4 : i32
        %add3A_727 = vector.broadcast %add3A_726 : i32 to vector<16xi32>
        %add3A_728 = arith.addi %mul3A_678, %add3A_727 : vector<16xi32>
        %gather3A_729 = tpu.vector_load_idx %arg9[%add3A_667, %add3A_728] : memref<128x128xf32, #tpu.memory_space<vmem>>[vector<16xi32>, vector<16xi32>], vector<16xf32>,
        %mul3A_730 = arith.constant 16 : i32
        %mul3A_731 = arith.muli %add3A_663, %mul3A_730 : i32
        %add3A_732 = arith.constant 384 : i32
        %add3A_733 = arith.addi %add3A_732, %mul3A_731 : i32
        %swap3A_734 = arith.constant 4 : i32
        %swap3A_735 = arith.index_cast %swap3A_734 : i32 to index
        %swap3A_736 = arith.index_cast %add3A_733 : i32 to index
        %swap3A_737 = tpu.vector_load %arg10[%swap3A_735, %swap3A_736] {strides = array<i32>} : memref<16x512xf32, #tpu.memory_space<vmem>>, vector<16xf32>,
        tpu.vector_store %arg10[%swap3A_735, %swap3A_736], %gather3A_729 {strides = array<i32>} : memref<16x512xf32, #tpu.memory_space<vmem>>, vector<16xf32>,
        %add3A_738 = arith.constant 5 : i32
        %add3A_739 = vector.broadcast %add3A_738 : i32 to vector<16xi32>
        %add3A_740 = arith.addi %mul3A_678, %add3A_739 : vector<16xi32>
        %gather3A_741 = tpu.vector_load_idx %arg9[%add3A_667, %add3A_740] : memref<128x128xf32, #tpu.memory_space<vmem>>[vector<16xi32>, vector<16xi32>], vector<16xf32>,
        %mul3A_742 = arith.constant 16 : i32
        %mul3A_743 = arith.muli %add3A_663, %mul3A_742 : i32
        %add3A_744 = arith.constant 384 : i32
        %add3A_745 = arith.addi %add3A_744, %mul3A_743 : i32
        %swap3A_746 = arith.constant 5 : i32
        %swap3A_747 = arith.index_cast %swap3A_746 : i32 to index
        %swap3A_748 = arith.index_cast %add3A_745 : i32 to index
        %swap3A_749 = tpu.vector_load %arg10[%swap3A_747, %swap3A_748] {strides = array<i32>} : memref<16x512xf32, #tpu.memory_space<vmem>>, vector<16xf32>,
        tpu.vector_store %arg10[%swap3A_747, %swap3A_748], %gather3A_741 {strides = array<i32>} : memref<16x512xf32, #tpu.memory_space<vmem>>, vector<16xf32>,
        %add3A_750 = arith.constant 6 : i32
        %add3A_751 = vector.broadcast %add3A_750 : i32 to vector<16xi32>
        %add3A_752 = arith.addi %mul3A_678, %add3A_751 : vector<16xi32>
        %gather3A_753 = tpu.vector_load_idx %arg9[%add3A_667, %add3A_752] : memref<128x128xf32, #tpu.memory_space<vmem>>[vector<16xi32>, vector<16xi32>], vector<16xf32>,
        %mul3A_754 = arith.constant 16 : i32
        %mul3A_755 = arith.muli %add3A_663, %mul3A_754 : i32
        %add3A_756 = arith.constant 384 : i32
        %add3A_757 = arith.addi %add3A_756, %mul3A_755 : i32
        %swap3A_758 = arith.constant 6 : i32
        %swap3A_759 = arith.index_cast %swap3A_758 : i32 to index
        %swap3A_760 = arith.index_cast %add3A_757 : i32 to index
        %swap3A_761 = tpu.vector_load %arg10[%swap3A_759, %swap3A_760] {strides = array<i32>} : memref<16x512xf32, #tpu.memory_space<vmem>>, vector<16xf32>,
        tpu.vector_store %arg10[%swap3A_759, %swap3A_760], %gather3A_753 {strides = array<i32>} : memref<16x512xf32, #tpu.memory_space<vmem>>, vector<16xf32>,
        %add3A_762 = arith.constant 7 : i32
        %add3A_763 = vector.broadcast %add3A_762 : i32 to vector<16xi32>
        %add3A_764 = arith.addi %mul3A_678, %add3A_763 : vector<16xi32>
        %gather3A_765 = tpu.vector_load_idx %arg9[%add3A_667, %add3A_764] : memref<128x128xf32, #tpu.memory_space<vmem>>[vector<16xi32>, vector<16xi32>], vector<16xf32>,
        %mul3A_766 = arith.constant 16 : i32
        %mul3A_767 = arith.muli %add3A_663, %mul3A_766 : i32
        %add3A_768 = arith.constant 384 : i32
        %add3A_769 = arith.addi %add3A_768, %mul3A_767 : i32
        %swap3A_770 = arith.constant 7 : i32
        %swap3A_771 = arith.index_cast %swap3A_770 : i32 to index
        %swap3A_772 = arith.index_cast %add3A_769 : i32 to index
        %swap3A_773 = tpu.vector_load %arg10[%swap3A_771, %swap3A_772] {strides = array<i32>} : memref<16x512xf32, #tpu.memory_space<vmem>>, vector<16xf32>,
        tpu.vector_store %arg10[%swap3A_771, %swap3A_772], %gather3A_765 {strides = array<i32>} : memref<16x512xf32, #tpu.memory_space<vmem>>, vector<16xf32>,
        %add3A_774 = arith.constant 8 : i32
        %add3A_775 = vector.broadcast %add3A_774 : i32 to vector<16xi32>
        %add3A_776 = arith.addi %mul3A_678, %add3A_775 : vector<16xi32>
        %gather3A_777 = tpu.vector_load_idx %arg9[%add3A_667, %add3A_776] : memref<128x128xf32, #tpu.memory_space<vmem>>[vector<16xi32>, vector<16xi32>], vector<16xf32>,
        %mul3A_778 = arith.constant 16 : i32
        %mul3A_779 = arith.muli %add3A_663, %mul3A_778 : i32
        %add3A_780 = arith.constant 384 : i32
        %add3A_781 = arith.addi %add3A_780, %mul3A_779 : i32
        %swap3A_782 = arith.constant 8 : i32
        %swap3A_783 = arith.index_cast %swap3A_782 : i32 to index
        %swap3A_784 = arith.index_cast %add3A_781 : i32 to index
        %swap3A_785 = tpu.vector_load %arg10[%swap3A_783, %swap3A_784] {strides = array<i32>} : memref<16x512xf32, #tpu.memory_space<vmem>>, vector<16xf32>,
        tpu.vector_store %arg10[%swap3A_783, %swap3A_784], %gather3A_777 {strides = array<i32>} : memref<16x512xf32, #tpu.memory_space<vmem>>, vector<16xf32>,
        %add3A_786 = arith.constant 9 : i32
        %add3A_787 = vector.broadcast %add3A_786 : i32 to vector<16xi32>
        %add3A_788 = arith.addi %mul3A_678, %add3A_787 : vector<16xi32>
        %gather3A_789 = tpu.vector_load_idx %arg9[%add3A_667, %add3A_788] : memref<128x128xf32, #tpu.memory_space<vmem>>[vector<16xi32>, vector<16xi32>], vector<16xf32>,
        %mul3A_790 = arith.constant 16 : i32
        %mul3A_791 = arith.muli %add3A_663, %mul3A_790 : i32
        %add3A_792 = arith.constant 384 : i32
        %add3A_793 = arith.addi %add3A_792, %mul3A_791 : i32
        %swap3A_794 = arith.constant 9 : i32
        %swap3A_795 = arith.index_cast %swap3A_794 : i32 to index
        %swap3A_796 = arith.index_cast %add3A_793 : i32 to index
        %swap3A_797 = tpu.vector_load %arg10[%swap3A_795, %swap3A_796] {strides = array<i32>} : memref<16x512xf32, #tpu.memory_space<vmem>>, vector<16xf32>,
        tpu.vector_store %arg10[%swap3A_795, %swap3A_796], %gather3A_789 {strides = array<i32>} : memref<16x512xf32, #tpu.memory_space<vmem>>, vector<16xf32>,
        %add3A_798 = arith.constant 10 : i32
        %add3A_799 = vector.broadcast %add3A_798 : i32 to vector<16xi32>
        %add3A_800 = arith.addi %mul3A_678, %add3A_799 : vector<16xi32>
        %gather3A_801 = tpu.vector_load_idx %arg9[%add3A_667, %add3A_800] : memref<128x128xf32, #tpu.memory_space<vmem>>[vector<16xi32>, vector<16xi32>], vector<16xf32>,
        %mul3A_802 = arith.constant 16 : i32
        %mul3A_803 = arith.muli %add3A_663, %mul3A_802 : i32
        %add3A_804 = arith.constant 384 : i32
        %add3A_805 = arith.addi %add3A_804, %mul3A_803 : i32
        %swap3A_806 = arith.constant 10 : i32
        %swap3A_807 = arith.index_cast %swap3A_806 : i32 to index
        %swap3A_808 = arith.index_cast %add3A_805 : i32 to index
        %swap3A_809 = tpu.vector_load %arg10[%swap3A_807, %swap3A_808] {strides = array<i32>} : memref<16x512xf32, #tpu.memory_space<vmem>>, vector<16xf32>,
        tpu.vector_store %arg10[%swap3A_807, %swap3A_808], %gather3A_801 {strides = array<i32>} : memref<16x512xf32, #tpu.memory_space<vmem>>, vector<16xf32>,
        %add3A_810 = arith.constant 11 : i32
        %add3A_811 = vector.broadcast %add3A_810 : i32 to vector<16xi32>
        %add3A_812 = arith.addi %mul3A_678, %add3A_811 : vector<16xi32>
        %gather3A_813 = tpu.vector_load_idx %arg9[%add3A_667, %add3A_812] : memref<128x128xf32, #tpu.memory_space<vmem>>[vector<16xi32>, vector<16xi32>], vector<16xf32>,
        %mul3A_814 = arith.constant 16 : i32
        %mul3A_815 = arith.muli %add3A_663, %mul3A_814 : i32
        %add3A_816 = arith.constant 384 : i32
        %add3A_817 = arith.addi %add3A_816, %mul3A_815 : i32
        %swap3A_818 = arith.constant 11 : i32
        %swap3A_819 = arith.index_cast %swap3A_818 : i32 to index
        %swap3A_820 = arith.index_cast %add3A_817 : i32 to index
        %swap3A_821 = tpu.vector_load %arg10[%swap3A_819, %swap3A_820] {strides = array<i32>} : memref<16x512xf32, #tpu.memory_space<vmem>>, vector<16xf32>,
        tpu.vector_store %arg10[%swap3A_819, %swap3A_820], %gather3A_813 {strides = array<i32>} : memref<16x512xf32, #tpu.memory_space<vmem>>, vector<16xf32>,
        %add3A_822 = arith.constant 12 : i32
        %add3A_823 = vector.broadcast %add3A_822 : i32 to vector<16xi32>
        %add3A_824 = arith.addi %mul3A_678, %add3A_823 : vector<16xi32>
        %gather3A_825 = tpu.vector_load_idx %arg9[%add3A_667, %add3A_824] : memref<128x128xf32, #tpu.memory_space<vmem>>[vector<16xi32>, vector<16xi32>], vector<16xf32>,
        %mul3A_826 = arith.constant 16 : i32
        %mul3A_827 = arith.muli %add3A_663, %mul3A_826 : i32
        %add3A_828 = arith.constant 384 : i32
        %add3A_829 = arith.addi %add3A_828, %mul3A_827 : i32
        %swap3A_830 = arith.constant 12 : i32
        %swap3A_831 = arith.index_cast %swap3A_830 : i32 to index
        %swap3A_832 = arith.index_cast %add3A_829 : i32 to index
        %swap3A_833 = tpu.vector_load %arg10[%swap3A_831, %swap3A_832] {strides = array<i32>} : memref<16x512xf32, #tpu.memory_space<vmem>>, vector<16xf32>,
        tpu.vector_store %arg10[%swap3A_831, %swap3A_832], %gather3A_825 {strides = array<i32>} : memref<16x512xf32, #tpu.memory_space<vmem>>, vector<16xf32>,
        %add3A_834 = arith.constant 13 : i32
        %add3A_835 = vector.broadcast %add3A_834 : i32 to vector<16xi32>
        %add3A_836 = arith.addi %mul3A_678, %add3A_835 : vector<16xi32>
        %gather3A_837 = tpu.vector_load_idx %arg9[%add3A_667, %add3A_836] : memref<128x128xf32, #tpu.memory_space<vmem>>[vector<16xi32>, vector<16xi32>], vector<16xf32>,
        %mul3A_838 = arith.constant 16 : i32
        %mul3A_839 = arith.muli %add3A_663, %mul3A_838 : i32
        %add3A_840 = arith.constant 384 : i32
        %add3A_841 = arith.addi %add3A_840, %mul3A_839 : i32
        %swap3A_842 = arith.constant 13 : i32
        %swap3A_843 = arith.index_cast %swap3A_842 : i32 to index
        %swap3A_844 = arith.index_cast %add3A_841 : i32 to index
        %swap3A_845 = tpu.vector_load %arg10[%swap3A_843, %swap3A_844] {strides = array<i32>} : memref<16x512xf32, #tpu.memory_space<vmem>>, vector<16xf32>,
        tpu.vector_store %arg10[%swap3A_843, %swap3A_844], %gather3A_837 {strides = array<i32>} : memref<16x512xf32, #tpu.memory_space<vmem>>, vector<16xf32>,
        %add3A_846 = arith.constant 14 : i32
        %add3A_847 = vector.broadcast %add3A_846 : i32 to vector<16xi32>
        %add3A_848 = arith.addi %mul3A_678, %add3A_847 : vector<16xi32>
        %gather3A_849 = tpu.vector_load_idx %arg9[%add3A_667, %add3A_848] : memref<128x128xf32, #tpu.memory_space<vmem>>[vector<16xi32>, vector<16xi32>], vector<16xf32>,
        %mul3A_850 = arith.constant 16 : i32
        %mul3A_851 = arith.muli %add3A_663, %mul3A_850 : i32
        %add3A_852 = arith.constant 384 : i32
        %add3A_853 = arith.addi %add3A_852, %mul3A_851 : i32
        %swap3A_854 = arith.constant 14 : i32
        %swap3A_855 = arith.index_cast %swap3A_854 : i32 to index
        %swap3A_856 = arith.index_cast %add3A_853 : i32 to index
        %swap3A_857 = tpu.vector_load %arg10[%swap3A_855, %swap3A_856] {strides = array<i32>} : memref<16x512xf32, #tpu.memory_space<vmem>>, vector<16xf32>,
        tpu.vector_store %arg10[%swap3A_855, %swap3A_856], %gather3A_849 {strides = array<i32>} : memref<16x512xf32, #tpu.memory_space<vmem>>, vector<16xf32>,
        %add3A_858 = arith.constant 15 : i32
        %add3A_859 = vector.broadcast %add3A_858 : i32 to vector<16xi32>
        %add3A_860 = arith.addi %mul3A_678, %add3A_859 : vector<16xi32>
        %gather3A_861 = tpu.vector_load_idx %arg9[%add3A_667, %add3A_860] : memref<128x128xf32, #tpu.memory_space<vmem>>[vector<16xi32>, vector<16xi32>], vector<16xf32>,
        %mul3A_862 = arith.constant 16 : i32
        %mul3A_863 = arith.muli %add3A_663, %mul3A_862 : i32
        %add3A_864 = arith.constant 384 : i32
        %add3A_865 = arith.addi %add3A_864, %mul3A_863 : i32
        %swap3A_866 = arith.constant 15 : i32
        %swap3A_867 = arith.index_cast %swap3A_866 : i32 to index
        %swap3A_868 = arith.index_cast %add3A_865 : i32 to index
        %swap3A_869 = tpu.vector_load %arg10[%swap3A_867, %swap3A_868] {strides = array<i32>} : memref<16x512xf32, #tpu.memory_space<vmem>>, vector<16xf32>,
        tpu.vector_store %arg10[%swap3A_867, %swap3A_868], %gather3A_861 {strides = array<i32>} : memref<16x512xf32, #tpu.memory_space<vmem>>, vector<16xf32>,
      }
      %scan3A_658 = arith.constant 8 : i32
      "tpu.region"() ({
        %run_scoped3A = tpu.sem_alloc : memref<!tpu.dma_semaphore, #tpu.memory_space<semaphore_mem>>
        %dma_start3A_659 = arith.constant 0 : i32
        %dma_start3A_660 = tpu.memref_slice %arg4[%add3A_11, %dma_start3A_659, %mul3A_2] : memref<26x16x16384xf32, #tpu.memory_space<hbm>> -> memref<1x16x512xf32, #tpu.memory_space<hbm>>
        %dma_start3A_661 = tpu.memref_squeeze %dma_start3A_660 : memref<1x16x512xf32, #tpu.memory_space<hbm>> -> memref<16x512xf32, #tpu.memory_space<hbm>>
        %dma_start3A_662 = arith.constant 0 : i32
        %dma_start3A_663 = tpu.memref_slice %arg4[%add3A_11, %dma_start3A_662, %mul3A_2] : memref<26x16x16384xf32, #tpu.memory_space<hbm>> -> memref<1x16x512xf32, #tpu.memory_space<hbm>>
        %dma_start3A_664 = tpu.memref_squeeze %dma_start3A_663 : memref<1x16x512xf32, #tpu.memory_space<hbm>> -> memref<16x512xf32, #tpu.memory_space<hbm>>
        tpu.enqueue_dma source(%arg10 : memref<16x512xf32, #tpu.memory_space<vmem>>) target(%dma_start3A_664 : memref<16x512xf32, #tpu.memory_space<hbm>>) target_semaphore(%run_scoped3A : memref<!tpu.dma_semaphore, #tpu.memory_space<semaphore_mem>>)
        %dma_wait3A_665 = arith.constant 0 : i32
        %dma_wait3A_666 = tpu.memref_slice %arg4[%add3A_11, %dma_wait3A_665, %mul3A_2] : memref<26x16x16384xf32, #tpu.memory_space<hbm>> -> memref<1x16x512xf32, #tpu.memory_space<hbm>>
        %dma_wait3A_667 = tpu.memref_squeeze %dma_wait3A_666 : memref<1x16x512xf32, #tpu.memory_space<hbm>> -> memref<16x512xf32, #tpu.memory_space<hbm>>
        %dma_wait3A_668 = arith.constant 0 : i32
        %dma_wait3A_669 = tpu.memref_slice %arg4[%add3A_11, %dma_wait3A_668, %mul3A_2] : memref<26x16x16384xf32, #tpu.memory_space<hbm>> -> memref<1x16x512xf32, #tpu.memory_space<hbm>>
        %dma_wait3A_670 = tpu.memref_squeeze %dma_wait3A_669 : memref<1x16x512xf32, #tpu.memory_space<hbm>> -> memref<16x512xf32, #tpu.memory_space<hbm>>
        tpu.wait_dma2 semaphore(%run_scoped3A : memref<!tpu.dma_semaphore, #tpu.memory_space<semaphore_mem>>) src(%arg10 : memref<16x512xf32, #tpu.memory_space<vmem>>) dst(%dma_wait3A_670 : memref<16x512xf32, #tpu.memory_space<hbm>>)
        tpu.yield
      }) : () -> ()
    }
    %scan3A_6 = arith.constant 26 : i32
    return
  }
}

</mosaic_0001>

<sc_bundles>
// kernel: kernel.4.cloned.1.call-start
scs
__scs_entry_jumppad:
0x0: {  	(pc) =	sbr.rel $0x88, $3  }
0x1: {  	(tag) =	ssettag $0x0;
	lr =	simm.s32 $0x1  }
0x2: {  	[smem:$0x3F9F] =	sst lr;
	_ =	strace $0xD0000000  }
0x3: {  	_ = 	snop  }
0x4: {  	_ = 	snop  }
0x5: {  	_ = 	snop  }
0x6: {  	_ = 	snop  }
0x7: {  	_ = 	snop  }
__scs_overlays_trampoline_lowered:
0x8: {  	[smem:$0x3FAE] =	sst s0  }
0x9: {  	[smem:$0x3FAF] =	sst s1  }
0xa: {  	[smem:$0x3FB0] =	sst s2  }
0xb: {  	[smem:$0x3FB1] =	sst s3  }
0xc: {  	[smem:$0x3FB2] =	sst s4  }
0xd: {  	[smem:$0x3FB3] =	sst s5  }
0xe: {  	[smem:$0x3FB4] =	sst s6  }
0xf: {  	[smem:$0x3FB5] =	sst s7  }
0x10: {  	[smem:$0x3FB6] =	sst s8  }
0x11: {  	[smem:$0x3FB7] =	sst s9;
	s0 =	simm.s32 @!p0 $0x0  }
0x12: {  	s1 =	sld [smem:$0x3F9D];
	s0 =	simm.s32 @p0 $0x1  }
0x13: {  	[smem:$0x3FB8] =	sst s0;
	s0 =	simm.s32 @!p1 $0x0  }
0x14: {  	s2 =	sld [smem:$0x3F9C];
	s0 =	simm.s32 @p1 $0x1  }
0x15: {  	[smem:$0x3FB9] =	sst s0;
	s0 =	simm.s32 @!p2 $0x0  }
0x16: {  	s3 =	sld [smem:$0x3FDB];
	s0 =	simm.s32 @p2 $0x1  }
0x17: {  	s4 =	simm.s32 $0x1BF5;
	[smem:$0x3FBB] =	sst s0  }
0x18: {  	s0 =	sld [smem:$0x3F9E];
	_ =	swait.ge [sflag:s4], $0x0  }
0x19: {  	s7 =	sld [smem:$0x3F9F]  }
0x1a: {  	s8 =	sadd.s32 $0xFFFFE003, lr  }
0x1b: {  	s9 =	sadd.s32 $0xFFFFFEF7, lr;
	s5 =	simm.s32 $0xFFFFFFFF;
	p2 =	slt.u32 s8, $0xFFFFF086  }
0x1c: {  	p1 =	slt.u32 s9, $0xF7A;
	s5 =	simm.s32 @!p2 $0x0  }
0x1d: {  	s5 =	simm.s32 @p1 $0x1;
	p0 =	seq.s32 s7, s2  }
0x1e: {  	s7 =	smul.u32 @!p0 $0xF7A, s2;
	p2 =	seq.s32 @!p0 s5, $0x0  }
0x1f: {  	s9 =	smul.u32 $0xF7A, s1;
	s8 =	simm.s32 @!p0 $0x1BF5;
	p2 =	por !p2, p0  }
0x20: {  	[sflag:s8] =	ssyncset.s32 @!p0 $0xFFFFF086;
	s6 =	sadd.s32 @!p0 s3, s7;
	s7 =	simm.s32 @!p0 $0x108  }
0x21: {  	s3 =	sadd.s32 s3, s9;
	s6 =	sadd.s32 @!p0 $0x88, s6;
	s7 =	simm.s32 @p2 $0x1082  }
0x22: {  	[simem:s7], [sflag:s8] =	dma.local @!p0 [hbm:s6], $0xF7A  }
0x23: {  	s9 =	sor.u32 $0xD0000000, s2;
	s6 =	simm.s32 $0x108;
	_ =	swait.ge @!p0 [sflag:s8], $0x0  }
0x24: {  	s3 =	sadd.s32 $0x88, s3;
	s6 =	simm.s32 @!p1 $0x1082;
	[sflag:s4] =	ssyncset.s32 $0xFFFFF086  }
0x25: {  	[simem:s6], [sflag:s4] =	dma.local [hbm:s3], $0xF7A  }
0x26: {  	[smem:$0x3F9F] =	sst s1;
	(tag) =	ssettag s2;
	_ =	strace s9  }
0x27: {  	s1 =	sld [smem:$0x3FAF]  }
0x28: {  	s2 =	sld [smem:$0x3FB0]  }
0x29: {  	s4 =	sld [smem:$0x3FB2]  }
0x2a: {  	p0 =	seq.s32 s5, $0x0;
	s5 =	sld [smem:$0x3FB3]  }
0x2b: {  	s6 =	sld [smem:$0x3FB4]  }
0x2c: {  	s7 =	sld [smem:$0x3FB5]  }
0x2d: {  	s3 =	simm.s32 $0x108;
	s8 =	sld [smem:$0x3FB6]  }
0x2e: {  	s3 =	simm.s32 @!p0 $0x1082;
	s9 =	sld [smem:$0x3FB7]  }
0x2f: {  	lr =	sadd.s32 s0, s3;
	s0 =	sld [smem:$0x3FAE]  }
0x30: {  	s3 =	sld [smem:$0x3FB1]  }
0x31: {  	[smem:$0x3FBA] =	sst s10  }
0x32: {  	s10 =	sld [smem:$0x3FB8];
	_ =	sdelay $0x3  }
0x33: {  	p0 =	seq.s32 s10, $0x1;
	s10 =	sld [smem:$0x3FBA];
	_ =	sdelay $0x3  }
0x34: {  	[smem:$0x3FBA] =	sst s10  }
0x35: {  	s10 =	sld [smem:$0x3FB9];
	_ =	sdelay $0x3  }
0x36: {  	p1 =	seq.s32 s10, $0x1;
	s10 =	sld [smem:$0x3FBA];
	_ =	sdelay $0x3  }
0x37: {  	[smem:$0x3FBA] =	sst s10  }
0x38: {  	s10 =	sld [smem:$0x3FBB]  }
0x39: {  	_ = 	snop;
	(pc) =	sbr.ind lr, $3  }
0x3a: {  	_ = 	snop  }
0x3b: {  	_ = 	snop  }
0x3c: {  	p2 =	seq.s32 s10, $0x1;
	s10 =	sld [smem:$0x3FBA]  }
0x3d: {  	_ =	shalt  }
0x3e: {  	_ =	shalt  }
0x3f: {  	_ =	shalt  }
0x40: {  	_ =	shalt  }
0x41: {  	_ =	shalt  }
0x42: {  	_ =	shalt  }
0x43: {  	_ =	shalt  }
0x44: {  	_ =	shalt  }
0x45: {  	_ =	shalt  }
0x46: {  	_ =	shalt  }
0x47: {  	_ =	shalt  }
0x48: {  	_ =	shalt  }
0x49: {  	_ =	shalt  }
0x4a: {  	_ =	shalt  }
0x4b: {  	_ =	shalt  }
0x4c: {  	_ =	shalt  }
0x4d: {  	_ =	shalt  }
0x4e: {  	_ =	shalt  }
0x4f: {  	_ =	shalt  }
0x50: {  	_ =	shalt  }
0x51: {  	_ =	shalt  }
0x52: {  	_ =	shalt  }
0x53: {  	_ =	shalt  }
0x54: {  	_ =	shalt  }
0x55: {  	_ =	shalt  }
0x56: {  	_ =	shalt  }
0x57: {  	_ =	shalt  }
0x58: {  	_ =	shalt  }
0x59: {  	_ =	shalt  }
0x5a: {  	_ =	shalt  }
0x5b: {  	_ =	shalt  }
0x5c: {  	_ =	shalt  }
0x5d: {  	_ =	shalt  }
0x5e: {  	_ =	shalt  }
0x5f: {  	_ =	shalt  }
0x60: {  	_ =	shalt  }
0x61: {  	_ =	shalt  }
0x62: {  	_ =	shalt  }
0x63: {  	_ =	shalt  }
0x64: {  	_ =	shalt  }
0x65: {  	_ =	shalt  }
0x66: {  	_ =	shalt  }
0x67: {  	_ =	shalt  }
0x68: {  	_ =	shalt  }
0x69: {  	_ =	shalt  }
0x6a: {  	_ =	shalt  }
0x6b: {  	_ =	shalt  }
0x6c: {  	_ =	shalt  }
0x6d: {  	_ =	shalt  }
0x6e: {  	_ =	shalt  }
0x6f: {  	_ =	shalt  }
0x70: {  	_ =	shalt  }
0x71: {  	_ =	shalt  }
0x72: {  	_ =	shalt  }
0x73: {  	_ =	shalt  }
0x74: {  	_ =	shalt  }
0x75: {  	_ =	shalt  }
0x76: {  	_ =	shalt  }
0x77: {  	_ =	shalt  }
0x78: {  	_ =	shalt  }
0x79: {  	_ =	shalt  }
0x7a: {  	_ =	shalt  }
0x7b: {  	_ =	shalt  }
0x7c: {  	_ =	shalt  }
0x7d: {  	_ =	shalt  }
0x7e: {  	_ =	shalt  }
0x7f: {  	_ =	shalt  }
0x80: {  	_ =	shalt  }
0x81: {  	_ =	shalt  }
0x82: {  	_ =	shalt  }
0x83: {  	_ =	shalt  }
0x84: {  	_ =	shalt  }
0x85: {  	_ =	shalt  }
0x86: {  	_ =	shalt  }
0x87: {  	_ =	shalt  }
.Lfunc_end0:
.L_simem_size_0:
called_computation_lowered:
.L_overlay_start_0:
0x88: {  	s2 =	sld [smem:$0x3FD9]  }
0x89: {  	s3 =	sld [smem:$0x3FFE];
	_ =	sdelay $0x1  }
0x8a: {  	s1 =	srdreg.scid  }
0x8b: {  	s0 =	sand.u32 $0x1, s1  }
0x8c: {  	s17 =	sshll.u32 s0, $0xA;
	s2 =	sadd.s32 s3, s2  }
0x8d: {  	s2 =	sadd.s32 s2, s17  }
0x8e: {  	[smem:$0x3FC6] =	sst s2  }
0x8f: {  	_ = 	snop  }
0x90: {  	s2 =	sld [smem:$0x3FC8]  }
0x91: {  	s18 =	sld [smem:$0x3FD0];
	(tm) =	ssettm $0x1  }
0x92: {  	s4 =	sld [smem:$0x3FFB];
	_ =	sdelay $0x3  }
0x93: {  	_ =	strace s4  }
0x94: {  	s4 =	sld [smem:$0x3FFC];
	_ =	sdelay $0x3  }
0x95: {  	_ =	strace s4  }
0x96: {  	s4 =	sld [smem:$0x3FFD];
	_ =	sdelay $0x3  }
0x97: {  	_ =	strace s4  }
0x98: {  	_ =	strace $0x8FFFFFFF  }
0x99: {  	s19 =	sld [smem:$0x3FDB];
	_ =	sdelay $0x1  }
0x9a: {  	s5 =	simm.s32 $_scs_section_size  }
0x9b: {  	s6 =	simm.s32 $_size__tile_overlayer_lowered;
	s7 =	simm.s32 $_tile_overlayer_lowered  }
0x9c: {  	s22 =	simm.s32 $0x1BFF;
	s21 =	sshll.u32 s7, $0x1;
	s4 =	sadd.s32 s5, s19  }
0x9d: {  	s8 =	simm.s32 $0x0;
	s20 =	sshll.u32 s6, $0x1;
	s6 =	sadd.s32 s21, s4  }
0x9e: {  	[timem:s8], [sflag:s22] =	dma.local [hbm:s6], s20  }
0x9f: {  	_ =	swait.ge [sflag:s22], s20  }
0xa0: {  	s5 =	ssub.s32 $0x0, s20;
	[sflag:s22] =	ssyncset.done $0x0  }
0xa1: {  	[sflag:s22] =	ssyncadd.s32 s5;
	_ =	sdelay $0x1  }
0xa2: {  	s23 =	simm.s32 $0x1B8B  }
0xa3: {  	_ =	swait.ge [sflag:s23], $0x1  }
0xa4: {  	[sflag:s23] =	ssyncset.done $0x0  }
0xa5: {  	s25 =	simm.s32 $0x1B8E;
	s24 =	sld [smem:$0x3FFE];
	[sflag:s23] =	ssyncadd.s32 $0xFFFFFFFF  }
0xa6: {  	s26 =	simm.s32 $execute0_lowered;
	[smem:$0x3FD2] =	sst s25  }
0xa7: {  	s6 =	sshll.u32 s26, $0x1;
	_ =	strace $0x80000046;
	[dreg:$0x1] =	wrdreg $0xFFFFFFFF  }
0xa8: {  	s28 =	simm.s32 $_size_execute0_lowered;
	s4 =	sadd.s32 s4, s6;
	[dreg:$0x0] =	wrdreg $0x0  }
0xa9: {  	s6 =	sshll.u32 s28, $0x1;
	[dreg:$0x2] =	wrdreg s4  }
0xaa: {  	[dreg:$0x3] =	wrdreg s6  }
0xab: {  	[dreg:$0x4] =	wrdreg $0xC0  }
0xac: {  	_ =	task [dreg:s8], $0x5FFFF  }
0xad: {  	[dreg:$0x1] =	wrdreg $0xFFFFFFFF  }
0xae: {  	[dreg:$0x0] =	wrdreg $0x60  }
0xaf: {  	[dreg:$0x2] =	wrdreg s2  }
0xb0: {  	[dreg:$0x3] =	wrdreg s18  }
0xb1: {  	[dreg:$0x4] =	wrdreg s24  }
0xb2: {  	[dreg:$0x5] =	wrdreg $0x9  }
0xb3: {  	_ =	task.clear_ibuf [dreg:s8], $0x6FFFF;
	_ =	strace $0x90000046  }
0xb4: {  	s29 =	simm.s32 $0x9;
	_ =	strace $0x80000048  }
0xb5: {  	_ =	swait.ge [sflag:s29], $0x1  }
0xb6: {  	[sflag:s29] =	ssyncadd.s32 $0xFFFFFFFF  }
0xb7: {  	_ =	strace $0x90000048  }
0xb8: {  	_ =	sfence  }
0xb9: {  	s30 =	sld [smem:$0x0];
	_ =	sdelay $0x2  }
0xba: {  	s31 =	sshll.u32 s1, $0xD;
	s1 =	sshrl.u32 s1, $0x2  }
0xbb: {  	s3 =	sand.u32 $0x4000, s31;
	s1 =	sadd.s32 s1, s30  }
0xbc: {  	s0 =	sor.u32 s3, s0;
	s1 =	sshll.u32 s1, $0x11  }
0xbd: {  	s0 =	sor.u32 s1, s0  }
0xbe: {  	s0 =	sadd.s32 $0x8F2B, s0  }
0xbf: {  	[sflag:s0] =	ssyncadd.remote.s32 $0x1  }
0xc0: {  	_ =	sfence.sel $0xFFFF  }
0xc1: {  	[dreg:$0x0] =	wrdreg $0xFFFFFFFF;
	(pc) =	sbr.abs _section_cstart, $3  }
0xc2: {  	[dreg:$0x1] =	wrdreg $0xFFFFFFFF  }
0xc3: {  	_ =	task.clear_ibuf [dreg:s8], $0x2FFFF;
	_ =	strace $0x9FFFFFFF  }
0xc4: {  	(tm) =	ssettm $0x7FFFFFFF  }
0xc5: {  	_ =	shalt  }
tec
execute0_lowered:
.L_overlay_start_1:
0x0: {  	(tag) =	ssettag $0x1  }
0x1: {  	s1 =	rddreg [dreg:$0x0]  }
0x2: {  	s2 =	srdreg.scid;
	s3 =	rddreg [dreg:$0x1]  }
0x3: {  	s0 =	stileid.u32;
	s14 =	rddreg [dreg:$0x2];
	s16 =	simm.s32 $0x1000  }
0x4: {  	s17 =	simm.s32 $0x2000;
	s18 =	simm.s32 $0x3000;
	s19 =	simm.s32 $0x1  }
0x5: {  	s20 =	simm.s32 $0x4000;
	s21 =	simm.s32 $0x6000;
	s22 =	simm.s32 $0x2  }
0x6: {  	v0 =	vlaneseq.u32;
	s24 =	simm.s32 $0x0;
	s2 =	sand.u32 $0x1, s2;
	s6 =	sadd.s32 $0x800, s14  }
0x7: {  	s4 =	sshll.u32 s0, $0x1;
	v1 =	vand.u32 $0x7, v0;
	s12 =	sadd.s32 $0x1E8280, s1;
	s13 =	sadd.s32 $0x1E8800, s14  }
0x8: {  	v2 =	vshrl.u32 v0, $0x3;
	s14 =	sadd.s32 $0x1E8C00, s14;
	s23 =	sor.u32 s2, s4;
	s4 =	simm.s32 $0x0;
	v0 =	vmul.u32 $0x10, v1  }
0x9: {  	s2 =	ssub.s32 $0x2, s2;
	v1 =	vmul.u32 $0x80, v2;
	s5 =	smul.u32 $0x3D, s23;
	[smem:$0x7FF] =	sst s4  }
.Ltmp0:
0xa: {  	s7 =	sshrl.u32 s2, $0x1;
	p0 =	sne.s32 s23, $0x1F;
	v2 =	vor.u32 $0x1, v0;
	v3 =	vor.u32 $0x2, v0;
	v4 =	vor.u32 $0x3, v0;
	(pc) =	sbr.rel .LBB2_1-.Ltmp0, $4  }
0xb: {  	s23 =	simm.s32 $0x3;
	_ =	strace $0x80000047;
	s2 =	ssub.s32 s2, s7;
	v5 =	vor.u32 $0x4, v0;
	v6 =	vor.u32 $0x5, v0;
	v7 =	vor.u32 $0x6, v0  }
0xc: {  	s7 =	sadd.s32 $0xF4280, s1;
	v8 =	vor.u32 $0x7, v0;
	v9 =	vor.u32 $0x8, v0;
	v10 =	vor.u32 $0x9, v0;
	s10 =	sadd.s32 $0x3C, s5;
	s15 =	smax.u32 s2, $0x1  }
0xd: {  	v11 =	vor.u32 $0xA, v0;
	v12 =	vor.u32 $0xB, v0;
	v13 =	vor.u32 $0xC, v0;
	s9 =	sshll.u32 s10, $0x9;
	s11 =	sshll.u32 s10, $0xA;
	s10 =	sadd.s32 $0xF4000, s1  }
0xe: {  	v14 =	vor.u32 $0xD, v0;
	v15 =	vor.u32 $0xE, v0;
	v16 =	vor.u32 $0xF, v0;
	s8 =	sadd.s32 s1, s9;
	s9 =	sadd.s32 s9, s7;
	s11 =	sadd.s32 s6, s11  }
.LBB2_13:
0xf: {  	s24 =	sadd.s32 $0x1, s24  }
0x10: {  	p1 =	sne.s32 s24, s15  }
.Ltmp1:
0x11: {  	_ = 	snop;
	(pc) =	sbr.rel @!p1 .LBB2_14-.Ltmp1, $1  }
0x12: {  	_ =	sdelay $0x3  }
.LBB2_1:
0x13: {  	s25 =	simm.s32 $0x0  }
.LBB2_2:
0x14: {  	s2 =	sshll.u32 s25, $0x1  }
0x15: {  	s28 =	sadd.s32 s5, s2  }
0x16: {  	s2 =	sshll.u32 s28, $0x9  }
0x17: {  	s29 =	simm.s32 $0x0;
	s26 =	sadd.s32 s1, s2  }
0x18: {  	[tilespmem:s29], [sflag:$0x1] =	stream.linear.gather [hbm4b:s26+s29], $0x1000, $0x38;
	[tilespmem:$0x8000] =	vst v63  }
0x19: {  	s26 =	sadd.s32 $0x1, s28  }
0x1a: {  	s2 =	sadd.s32 s2, s7;
	s0 =	sshll.u32 s26, $0x9  }
0x1b: {  	[tilespmem:s16], [sflag:$0x1] =	stream.linear.gather [hbm4b:s2+s29], $0x1000, $0x38;
	[tilespmem:$0x8000] =	vst v63  }
0x1c: {  	s30 =	sadd.s32 s1, s0  }
0x1d: {  	[tilespmem:s17], [sflag:$0x1] =	stream.linear.gather [hbm4b:s30+s29], $0x1000, $0x38;
	[tilespmem:$0x8000] =	vst v63  }
0x1e: {  	s2 =	sadd.s32 s0, s7  }
0x1f: {  	[tilespmem:s18], [sflag:$0x1] =	stream.linear.gather [hbm4b:s2+s29], $0x1000, $0x38;
	[tilespmem:$0x8000] =	vst v63  }
0x20: {  	_ =	swait.ge [sflag:s19], $0x1000  }
0x21: {  	[sflag:s19] =	ssyncset.done $0x0  }
0x22: {  	[sflag:s19] =	ssyncadd.s32 $0xFFFFF000  }
0x23: {  	v17 =	vmov s29;
	_ =	swait.ge [sflag:s19], $0x1000  }
0x24: {  	v17 =	vshll.u32 v17, $0x7;
	s0 =	sand.u32 $0x70, s29;
	s30 =	sand.u32 $0xC00, s29;
	[sflag:s19] =	ssyncset.done $0x0  }
0x25: {  	v17 =	vor.u32 v1, v17;
	s2 =	sor.u32 s0, s30;
	[sflag:s19] =	ssyncadd.s32 $0xFFFFF000  }
0x26: {  	v19 =	vor.u32 v0, v17;
	v18 =	vld [tilespmem:s2+$0x0];
	_ =	sdelay $0x4  }
0x27: {  	[tilespmem:v19+s20+$0x0] =	vst.idx.msk $0xffff, v18  }
0x28: {  	v19 =	vor.u32 v2, v17;
	v18 =	vld [tilespmem:s2+$0x80];
	_ =	sdelay $0x4  }
0x29: {  	[tilespmem:v19+s20+$0x0] =	vst.idx.msk $0xffff, v18  }
0x2a: {  	v19 =	vor.u32 v3, v17;
	v18 =	vld [tilespmem:s2+$0x100];
	_ =	sdelay $0x4  }
0x2b: {  	[tilespmem:v19+s20+$0x0] =	vst.idx.msk $0xffff, v18  }
0x2c: {  	v19 =	vor.u32 v4, v17;
	v18 =	vld [tilespmem:s2+$0x180];
	_ =	sdelay $0x4  }
0x2d: {  	[tilespmem:v19+s20+$0x0] =	vst.idx.msk $0xffff, v18  }
0x2e: {  	v19 =	vor.u32 v5, v17;
	v18 =	vld [tilespmem:s2+$0x200];
	_ =	sdelay $0x4  }
0x2f: {  	[tilespmem:v19+s20+$0x0] =	vst.idx.msk $0xffff, v18  }
0x30: {  	v19 =	vor.u32 v6, v17;
	v18 =	vld [tilespmem:s2+$0x280];
	_ =	sdelay $0x4  }
0x31: {  	[tilespmem:v19+s20+$0x0] =	vst.idx.msk $0xffff, v18  }
0x32: {  	v19 =	vor.u32 v7, v17;
	v18 =	vld [tilespmem:s2+$0x300];
	_ =	sdelay $0x3  }
0x33: {  	s29 =	sor.u32 s29, s29  }
0x34: {  	s29 =	sor.u32 $0x380, s29;
	[tilespmem:v19+s20+$0x0] =	vst.idx.msk $0xffff, v18  }
0x35: {  	v19 =	vor.u32 v8, v17;
	v18 =	vld [tilespmem:s29+$0x0];
	_ =	sdelay $0x4  }
0x36: {  	[tilespmem:v19+s20+$0x0] =	vst.idx.msk $0xffff, v18  }
0x37: {  	v19 =	vor.u32 v9, v17;
	v18 =	vld [tilespmem:s2+$0x1000];
	_ =	sdelay $0x4  }
0x38: {  	[tilespmem:v19+s20+$0x0] =	vst.idx.msk $0xffff, v18  }
0x39: {  	v19 =	vor.u32 v10, v17;
	v18 =	vld [tilespmem:s2+$0x1080];
	_ =	sdelay $0x4  }
0x3a: {  	[tilespmem:v19+s20+$0x0] =	vst.idx.msk $0xffff, v18  }
0x3b: {  	v19 =	vor.u32 v11, v17;
	v18 =	vld [tilespmem:s2+$0x1100];
	_ =	sdelay $0x4  }
0x3c: {  	[tilespmem:v19+s20+$0x0] =	vst.idx.msk $0xffff, v18  }
0x3d: {  	v19 =	vor.u32 v12, v17;
	v18 =	vld [tilespmem:s2+$0x1180];
	_ =	sdelay $0x4  }
0x3e: {  	[tilespmem:v19+s20+$0x0] =	vst.idx.msk $0xffff, v18  }
0x3f: {  	v19 =	vor.u32 v13, v17;
	v18 =	vld [tilespmem:s2+$0x1200];
	_ =	sdelay $0x4  }
0x40: {  	[tilespmem:v19+s20+$0x0] =	vst.idx.msk $0xffff, v18  }
0x41: {  	v19 =	vor.u32 v14, v17;
	v18 =	vld [tilespmem:s2+$0x1280];
	_ =	sdelay $0x4  }
0x42: {  	[tilespmem:v19+s20+$0x0] =	vst.idx.msk $0xffff, v18  }
0x43: {  	v19 =	vor.u32 v15, v17;
	v18 =	vld [tilespmem:s2+$0x1300];
	_ =	sdelay $0x4  }
0x44: {  	[tilespmem:v19+s20+$0x0] =	vst.idx.msk $0xffff, v18  }
0x45: {  	v19 =	vor.u32 v16, v17;
	v18 =	vld [tilespmem:s2+$0x1380];
	_ =	sdelay $0x1  }
0x46: {  	s29 =	simm.s32 $0x2  }
0x47: {  	s31 =	simm.s32 $0x4;
	s30 =	simm.s32 $0x10;
	v17 =	vmov s29;
	s29 =	simm.s32 $0x80  }
.LBB2_3:
0x48: {  	p1 =	sne.s32 s31, $0x3E;
	v17 =	vshll.u32 v17, $0x7;
	s2 =	sand.u32 $0x70, s30;
	s0 =	sand.u32 $0xC00, s29  }
0x49: {  	s2 =	sor.u32 s2, s0;
	v17 =	vor.u32 v1, v17;
	[tilespmem:v19+s20+$0x0] =	vst.idx.msk $0xffff, v18  }
0x4a: {  	v18 =	vld [tilespmem:s2+$0x0];
	v19 =	vor.u32 v0, v17;
	_ =	sdelay $0x4  }
0x4b: {  	[tilespmem:v19+s20+$0x0] =	vst.idx.msk $0xffff, v18  }
0x4c: {  	v19 =	vor.u32 v2, v17;
	v18 =	vld [tilespmem:s2+$0x80];
	_ =	sdelay $0x4  }
0x4d: {  	[tilespmem:v19+s20+$0x0] =	vst.idx.msk $0xffff, v18  }
0x4e: {  	v19 =	vor.u32 v3, v17;
	v18 =	vld [tilespmem:s2+$0x100];
	_ =	sdelay $0x4  }
0x4f: {  	[tilespmem:v19+s20+$0x0] =	vst.idx.msk $0xffff, v18  }
0x50: {  	v19 =	vor.u32 v4, v17;
	v18 =	vld [tilespmem:s2+$0x180];
	_ =	sdelay $0x4  }
0x51: {  	[tilespmem:v19+s20+$0x0] =	vst.idx.msk $0xffff, v18  }
0x52: {  	v19 =	vor.u32 v5, v17;
	v18 =	vld [tilespmem:s2+$0x200];
	_ =	sdelay $0x4  }
0x53: {  	[tilespmem:v19+s20+$0x0] =	vst.idx.msk $0xffff, v18  }
0x54: {  	v19 =	vor.u32 v6, v17;
	v18 =	vld [tilespmem:s2+$0x280];
	_ =	sdelay $0x4  }
0x55: {  	[tilespmem:v19+s20+$0x0] =	vst.idx.msk $0xffff, v18  }
0x56: {  	v19 =	vor.u32 v7, v17;
	v18 =	vld [tilespmem:s2+$0x300];
	_ =	sdelay $0x3  }
0x57: {  	s0 =	sor.u32 s29, s30  }
0x58: {  	s0 =	sor.u32 $0x380, s0;
	[tilespmem:v19+s20+$0x0] =	vst.idx.msk $0xffff, v18  }
0x59: {  	v19 =	vor.u32 v8, v17;
	v18 =	vld [tilespmem:s0+$0x0];
	_ =	sdelay $0x4  }
0x5a: {  	[tilespmem:v19+s20+$0x0] =	vst.idx.msk $0xffff, v18  }
0x5b: {  	v19 =	vor.u32 v9, v17;
	v18 =	vld [tilespmem:s2+$0x1000];
	_ =	sdelay $0x4  }
0x5c: {  	[tilespmem:v19+s20+$0x0] =	vst.idx.msk $0xffff, v18  }
0x5d: {  	v19 =	vor.u32 v10, v17;
	v18 =	vld [tilespmem:s2+$0x1080];
	_ =	sdelay $0x4  }
0x5e: {  	[tilespmem:v19+s20+$0x0] =	vst.idx.msk $0xffff, v18  }
0x5f: {  	v19 =	vor.u32 v11, v17;
	v18 =	vld [tilespmem:s2+$0x1100];
	_ =	sdelay $0x4  }
0x60: {  	[tilespmem:v19+s20+$0x0] =	vst.idx.msk $0xffff, v18  }
0x61: {  	v19 =	vor.u32 v12, v17;
	v18 =	vld [tilespmem:s2+$0x1180];
	_ =	sdelay $0x4  }
0x62: {  	[tilespmem:v19+s20+$0x0] =	vst.idx.msk $0xffff, v18  }
0x63: {  	v19 =	vor.u32 v13, v17;
	v18 =	vld [tilespmem:s2+$0x1200];
	_ =	sdelay $0x4  }
0x64: {  	[tilespmem:v19+s20+$0x0] =	vst.idx.msk $0xffff, v18  }
0x65: {  	v19 =	vor.u32 v14, v17;
	v18 =	vld [tilespmem:s2+$0x1280];
	_ =	sdelay $0x4  }
0x66: {  	[tilespmem:v19+s20+$0x0] =	vst.idx.msk $0xffff, v18  }
0x67: {  	v19 =	vor.u32 v15, v17;
	v18 =	vld [tilespmem:s2+$0x1300];
	_ =	sdelay $0x4  }
.Ltmp2:
0x68: {  	[tilespmem:v19+s20+$0x0] =	vst.idx.msk $0xffff, v18;
	(pc) =	sbr.rel @p1 .LBB2_3-.Ltmp2, $2  }
0x69: {  	v19 =	vor.u32 v16, v17;
	v18 =	vld [tilespmem:s2+$0x1380];
	_ =	sdelay $0x2  }
0x6a: {  	s29 =	sadd.s32 $0x80, s29;
	s30 =	sadd.s32 $0x10, s30;
	v17 =	vmov s31;
	s31 =	sadd.s32 $0x2, s31  }
0x6b: {  	_ =	sdelay $0x2  }
0x6c: {  	v17 =	vshll.u32 v17, $0x7;
	s0 =	sand.u32 $0x70, s30;
	s2 =	sand.u32 $0xC00, s29  }
0x6d: {  	s0 =	sor.u32 s0, s2;
	v17 =	vor.u32 v1, v17;
	[tilespmem:v19+s20+$0x0] =	vst.idx.msk $0xffff, v18  }
0x6e: {  	v18 =	vld [tilespmem:s0+$0x0];
	v19 =	vor.u32 v0, v17;
	_ =	sdelay $0x4  }
0x6f: {  	[tilespmem:v19+s20+$0x0] =	vst.idx.msk $0xffff, v18  }
0x70: {  	v19 =	vor.u32 v2, v17;
	v18 =	vld [tilespmem:s0+$0x80];
	_ =	sdelay $0x4  }
0x71: {  	[tilespmem:v19+s20+$0x0] =	vst.idx.msk $0xffff, v18  }
0x72: {  	v19 =	vor.u32 v3, v17;
	v18 =	vld [tilespmem:s0+$0x100];
	_ =	sdelay $0x4  }
0x73: {  	[tilespmem:v19+s20+$0x0] =	vst.idx.msk $0xffff, v18  }
0x74: {  	v19 =	vor.u32 v4, v17;
	v18 =	vld [tilespmem:s0+$0x180];
	_ =	sdelay $0x4  }
0x75: {  	[tilespmem:v19+s20+$0x0] =	vst.idx.msk $0xffff, v18  }
0x76: {  	v19 =	vor.u32 v5, v17;
	v18 =	vld [tilespmem:s0+$0x200];
	_ =	sdelay $0x4  }
0x77: {  	[tilespmem:v19+s20+$0x0] =	vst.idx.msk $0xffff, v18  }
0x78: {  	v19 =	vor.u32 v6, v17;
	v18 =	vld [tilespmem:s0+$0x280];
	_ =	sdelay $0x4  }
0x79: {  	[tilespmem:v19+s20+$0x0] =	vst.idx.msk $0xffff, v18  }
0x7a: {  	v19 =	vor.u32 v7, v17;
	v18 =	vld [tilespmem:s0+$0x300];
	_ =	sdelay $0x3  }
0x7b: {  	s31 =	sor.u32 s29, s30  }
0x7c: {  	s2 =	sor.u32 $0x380, s31;
	[tilespmem:v19+s20+$0x0] =	vst.idx.msk $0xffff, v18  }
0x7d: {  	v19 =	vor.u32 v8, v17;
	v18 =	vld [tilespmem:s2+$0x0];
	_ =	sdelay $0x4  }
0x7e: {  	[tilespmem:v19+s20+$0x0] =	vst.idx.msk $0xffff, v18  }
0x7f: {  	v19 =	vor.u32 v9, v17;
	v18 =	vld [tilespmem:s0+$0x1000];
	_ =	sdelay $0x4  }
0x80: {  	[tilespmem:v19+s20+$0x0] =	vst.idx.msk $0xffff, v18  }
0x81: {  	v19 =	vor.u32 v10, v17;
	v18 =	vld [tilespmem:s0+$0x1080];
	_ =	sdelay $0x4  }
0x82: {  	[tilespmem:v19+s20+$0x0] =	vst.idx.msk $0xffff, v18  }
0x83: {  	v19 =	vor.u32 v11, v17;
	v18 =	vld [tilespmem:s0+$0x1100];
	_ =	sdelay $0x4  }
0x84: {  	[tilespmem:v19+s20+$0x0] =	vst.idx.msk $0xffff, v18  }
0x85: {  	v19 =	vor.u32 v12, v17;
	v18 =	vld [tilespmem:s0+$0x1180];
	_ =	sdelay $0x4  }
0x86: {  	[tilespmem:v19+s20+$0x0] =	vst.idx.msk $0xffff, v18  }
0x87: {  	v19 =	vor.u32 v13, v17;
	v18 =	vld [tilespmem:s0+$0x1200];
	_ =	sdelay $0x4  }
0x88: {  	[tilespmem:v19+s20+$0x0] =	vst.idx.msk $0xffff, v18  }
0x89: {  	v19 =	vor.u32 v14, v17;
	v18 =	vld [tilespmem:s0+$0x1280];
	_ =	sdelay $0x4  }
0x8a: {  	[tilespmem:v19+s20+$0x0] =	vst.idx.msk $0xffff, v18  }
0x8b: {  	v19 =	vor.u32 v15, v17;
	v18 =	vld [tilespmem:s0+$0x1300];
	_ =	sdelay $0x4  }
0x8c: {  	[tilespmem:v19+s20+$0x0] =	vst.idx.msk $0xffff, v18  }
0x8d: {  	v17 =	vor.u32 v16, v17;
	v18 =	vld [tilespmem:s0+$0x1380];
	_ =	sdelay $0x3  }
0x8e: {  	s2 =	sshll.u32 s28, $0xA  }
0x8f: {  	s0 =	sadd.s32 s6, s2;
	s2 =	simm.s32 $0x0;
	[tilespmem:v17+s20+$0x0] =	vst.idx.msk $0xffff, v18  }
0x90: {  	[hbm4b:s0+s2] =	stream.linear.scatter [tilespmem:s20], [sflag:$0x2], $0x2000, $0x38;
	[tilespmem:$0x8000] =	vst v63  }
0x91: {  	_ =	swait.ge [sflag:s19], $0x1000  }
0x92: {  	[sflag:s19] =	ssyncset.done $0x0  }
0x93: {  	[sflag:s19] =	ssyncadd.s32 $0xFFFFF000  }
0x94: {  	v17 =	vmov s2;
	_ =	swait.ge [sflag:s19], $0x1000  }
0x95: {  	s31 =	sand.u32 $0x70, s2;
	v17 =	vshll.u32 v17, $0x7;
	s2 =	sand.u32 $0xC00, s2;
	[sflag:s19] =	ssyncset.done $0x0  }
0x96: {  	s0 =	sor.u32 s31, s2;
	v17 =	vor.u32 v1, v17;
	[sflag:s19] =	ssyncadd.s32 $0xFFFFF000  }
0x97: {  	v19 =	vor.u32 v0, v17;
	v18 =	vld [tilespmem:s0+$0x2000];
	_ =	sdelay $0x4  }
0x98: {  	[tilespmem:v19+s21+$0x0] =	vst.idx.msk $0xffff, v18  }
0x99: {  	v19 =	vor.u32 v2, v17;
	v18 =	vld [tilespmem:s0+$0x2080];
	_ =	sdelay $0x4  }
0x9a: {  	[tilespmem:v19+s21+$0x0] =	vst.idx.msk $0xffff, v18  }
0x9b: {  	v19 =	vor.u32 v3, v17;
	v18 =	vld [tilespmem:s0+$0x2100];
	_ =	sdelay $0x4  }
0x9c: {  	[tilespmem:v19+s21+$0x0] =	vst.idx.msk $0xffff, v18  }
0x9d: {  	v19 =	vor.u32 v4, v17;
	v18 =	vld [tilespmem:s0+$0x2180];
	_ =	sdelay $0x4  }
0x9e: {  	[tilespmem:v19+s21+$0x0] =	vst.idx.msk $0xffff, v18  }
0x9f: {  	v19 =	vor.u32 v5, v17;
	v18 =	vld [tilespmem:s0+$0x2200];
	_ =	sdelay $0x4  }
0xa0: {  	[tilespmem:v19+s21+$0x0] =	vst.idx.msk $0xffff, v18  }
0xa1: {  	v19 =	vor.u32 v6, v17;
	v18 =	vld [tilespmem:s0+$0x2280];
	_ =	sdelay $0x4  }
0xa2: {  	[tilespmem:v19+s21+$0x0] =	vst.idx.msk $0xffff, v18  }
0xa3: {  	v19 =	vor.u32 v7, v17;
	v18 =	vld [tilespmem:s0+$0x2300];
	_ =	sdelay $0x4  }
0xa4: {  	[tilespmem:v19+s21+$0x0] =	vst.idx.msk $0xffff, v18  }
0xa5: {  	v19 =	vor.u32 v8, v17;
	v18 =	vld [tilespmem:s0+$0x2380];
	_ =	sdelay $0x4  }
0xa6: {  	[tilespmem:v19+s21+$0x0] =	vst.idx.msk $0xffff, v18  }
0xa7: {  	v19 =	vor.u32 v9, v17;
	v18 =	vld [tilespmem:s0+$0x3000];
	_ =	sdelay $0x4  }
0xa8: {  	[tilespmem:v19+s21+$0x0] =	vst.idx.msk $0xffff, v18  }
0xa9: {  	v19 =	vor.u32 v10, v17;
	v18 =	vld [tilespmem:s0+$0x3080];
	_ =	sdelay $0x4  }
0xaa: {  	[tilespmem:v19+s21+$0x0] =	vst.idx.msk $0xffff, v18  }
0xab: {  	v19 =	vor.u32 v11, v17;
	v18 =	vld [tilespmem:s0+$0x3100];
	_ =	sdelay $0x4  }
0xac: {  	[tilespmem:v19+s21+$0x0] =	vst.idx.msk $0xffff, v18  }
0xad: {  	v19 =	vor.u32 v12, v17;
	v18 =	vld [tilespmem:s0+$0x3180];
	_ =	sdelay $0x4  }
0xae: {  	[tilespmem:v19+s21+$0x0] =	vst.idx.msk $0xffff, v18  }
0xaf: {  	v19 =	vor.u32 v13, v17;
	v18 =	vld [tilespmem:s0+$0x3200];
	_ =	sdelay $0x4  }
0xb0: {  	[tilespmem:v19+s21+$0x0] =	vst.idx.msk $0xffff, v18  }
0xb1: {  	v19 =	vor.u32 v14, v17;
	v18 =	vld [tilespmem:s0+$0x3280];
	_ =	sdelay $0x4  }
0xb2: {  	[tilespmem:v19+s21+$0x0] =	vst.idx.msk $0xffff, v18  }
0xb3: {  	v19 =	vor.u32 v15, v17;
	v18 =	vld [tilespmem:s0+$0x3300];
	_ =	sdelay $0x4  }
0xb4: {  	[tilespmem:v19+s21+$0x0] =	vst.idx.msk $0xffff, v18  }
0xb5: {  	v19 =	vor.u32 v16, v17;
	v18 =	vld [tilespmem:s0+$0x3380];
	_ =	sdelay $0x1  }
0xb6: {  	s31 =	simm.s32 $0x2  }
0xb7: {  	s30 =	simm.s32 $0x4;
	s29 =	simm.s32 $0x10;
	s28 =	simm.s32 $0x80;
	v17 =	vmov s31  }
.LBB2_5:
0xb8: {  	p1 =	sne.s32 s30, $0x3E;
	v17 =	vshll.u32 v17, $0x7;
	s0 =	sand.u32 $0x70, s29;
	s2 =	sand.u32 $0xC00, s28  }
0xb9: {  	s2 =	sor.u32 s0, s2;
	v17 =	vor.u32 v1, v17;
	[tilespmem:v19+s21+$0x0] =	vst.idx.msk $0xffff, v18  }
0xba: {  	v18 =	vld [tilespmem:s2+$0x2000];
	v19 =	vor.u32 v0, v17;
	_ =	sdelay $0x4  }
0xbb: {  	[tilespmem:v19+s21+$0x0] =	vst.idx.msk $0xffff, v18  }
0xbc: {  	v19 =	vor.u32 v2, v17;
	v18 =	vld [tilespmem:s2+$0x2080];
	_ =	sdelay $0x4  }
0xbd: {  	[tilespmem:v19+s21+$0x0] =	vst.idx.msk $0xffff, v18  }
0xbe: {  	v19 =	vor.u32 v3, v17;
	v18 =	vld [tilespmem:s2+$0x2100];
	_ =	sdelay $0x4  }
0xbf: {  	[tilespmem:v19+s21+$0x0] =	vst.idx.msk $0xffff, v18  }
0xc0: {  	v19 =	vor.u32 v4, v17;
	v18 =	vld [tilespmem:s2+$0x2180];
	_ =	sdelay $0x4  }
0xc1: {  	[tilespmem:v19+s21+$0x0] =	vst.idx.msk $0xffff, v18  }
0xc2: {  	v19 =	vor.u32 v5, v17;
	v18 =	vld [tilespmem:s2+$0x2200];
	_ =	sdelay $0x4  }
0xc3: {  	[tilespmem:v19+s21+$0x0] =	vst.idx.msk $0xffff, v18  }
0xc4: {  	v19 =	vor.u32 v6, v17;
	v18 =	vld [tilespmem:s2+$0x2280];
	_ =	sdelay $0x4  }
0xc5: {  	[tilespmem:v19+s21+$0x0] =	vst.idx.msk $0xffff, v18  }
0xc6: {  	v19 =	vor.u32 v7, v17;
	v18 =	vld [tilespmem:s2+$0x2300];
	_ =	sdelay $0x4  }
0xc7: {  	[tilespmem:v19+s21+$0x0] =	vst.idx.msk $0xffff, v18  }
0xc8: {  	v19 =	vor.u32 v8, v17;
	v18 =	vld [tilespmem:s2+$0x2380];
	_ =	sdelay $0x4  }
0xc9: {  	[tilespmem:v19+s21+$0x0] =	vst.idx.msk $0xffff, v18  }
0xca: {  	v19 =	vor.u32 v9, v17;
	v18 =	vld [tilespmem:s2+$0x3000];
	_ =	sdelay $0x4  }
0xcb: {  	[tilespmem:v19+s21+$0x0] =	vst.idx.msk $0xffff, v18  }
0xcc: {  	v19 =	vor.u32 v10, v17;
	v18 =	vld [tilespmem:s2+$0x3080];
	_ =	sdelay $0x4  }
0xcd: {  	[tilespmem:v19+s21+$0x0] =	vst.idx.msk $0xffff, v18  }
0xce: {  	v19 =	vor.u32 v11, v17;
	v18 =	vld [tilespmem:s2+$0x3100];
	_ =	sdelay $0x4  }
0xcf: {  	[tilespmem:v19+s21+$0x0] =	vst.idx.msk $0xffff, v18  }
0xd0: {  	v19 =	vor.u32 v12, v17;
	v18 =	vld [tilespmem:s2+$0x3180];
	_ =	sdelay $0x4  }
0xd1: {  	[tilespmem:v19+s21+$0x0] =	vst.idx.msk $0xffff, v18  }
0xd2: {  	v19 =	vor.u32 v13, v17;
	v18 =	vld [tilespmem:s2+$0x3200];
	_ =	sdelay $0x4  }
0xd3: {  	[tilespmem:v19+s21+$0x0] =	vst.idx.msk $0xffff, v18  }
0xd4: {  	v19 =	vor.u32 v14, v17;
	v18 =	vld [tilespmem:s2+$0x3280];
	_ =	sdelay $0x4  }
0xd5: {  	[tilespmem:v19+s21+$0x0] =	vst.idx.msk $0xffff, v18  }
0xd6: {  	v19 =	vor.u32 v15, v17;
	v18 =	vld [tilespmem:s2+$0x3300];
	_ =	sdelay $0x4  }
.Ltmp3:
0xd7: {  	[tilespmem:v19+s21+$0x0] =	vst.idx.msk $0xffff, v18;
	(pc) =	sbr.rel @p1 .LBB2_5-.Ltmp3, $2  }
0xd8: {  	v19 =	vor.u32 v16, v17;
	v18 =	vld [tilespmem:s2+$0x3380];
	_ =	sdelay $0x2  }
0xd9: {  	s28 =	sadd.s32 $0x80, s28;
	s29 =	sadd.s32 $0x10, s29;
	v17 =	vmov s30;
	s30 =	sadd.s32 $0x2, s30  }
0xda: {  	_ =	sdelay $0x2  }
0xdb: {  	v17 =	vshll.u32 v17, $0x7;
	s0 =	sand.u32 $0x70, s29;
	s2 =	sand.u32 $0xC00, s28  }
0xdc: {  	s0 =	sor.u32 s0, s2;
	v17 =	vor.u32 v1, v17;
	[tilespmem:v19+s21+$0x0] =	vst.idx.msk $0xffff, v18  }
0xdd: {  	v18 =	vld [tilespmem:s0+$0x2000];
	v19 =	vor.u32 v0, v17;
	_ =	sdelay $0x4  }
0xde: {  	[tilespmem:v19+s21+$0x0] =	vst.idx.msk $0xffff, v18  }
0xdf: {  	v19 =	vor.u32 v2, v17;
	v18 =	vld [tilespmem:s0+$0x2080];
	_ =	sdelay $0x4  }
0xe0: {  	[tilespmem:v19+s21+$0x0] =	vst.idx.msk $0xffff, v18  }
0xe1: {  	v19 =	vor.u32 v3, v17;
	v18 =	vld [tilespmem:s0+$0x2100];
	_ =	sdelay $0x4  }
0xe2: {  	[tilespmem:v19+s21+$0x0] =	vst.idx.msk $0xffff, v18  }
0xe3: {  	v19 =	vor.u32 v4, v17;
	v18 =	vld [tilespmem:s0+$0x2180];
	_ =	sdelay $0x4  }
0xe4: {  	[tilespmem:v19+s21+$0x0] =	vst.idx.msk $0xffff, v18  }
0xe5: {  	v19 =	vor.u32 v5, v17;
	v18 =	vld [tilespmem:s0+$0x2200];
	_ =	sdelay $0x4  }
0xe6: {  	[tilespmem:v19+s21+$0x0] =	vst.idx.msk $0xffff, v18  }
0xe7: {  	v19 =	vor.u32 v6, v17;
	v18 =	vld [tilespmem:s0+$0x2280];
	_ =	sdelay $0x4  }
0xe8: {  	[tilespmem:v19+s21+$0x0] =	vst.idx.msk $0xffff, v18  }
0xe9: {  	v19 =	vor.u32 v7, v17;
	v18 =	vld [tilespmem:s0+$0x2300];
	_ =	sdelay $0x4  }
0xea: {  	[tilespmem:v19+s21+$0x0] =	vst.idx.msk $0xffff, v18  }
0xeb: {  	v19 =	vor.u32 v8, v17;
	v18 =	vld [tilespmem:s0+$0x2380];
	_ =	sdelay $0x4  }
0xec: {  	[tilespmem:v19+s21+$0x0] =	vst.idx.msk $0xffff, v18  }
0xed: {  	v19 =	vor.u32 v9, v17;
	v18 =	vld [tilespmem:s0+$0x3000];
	_ =	sdelay $0x4  }
0xee: {  	[tilespmem:v19+s21+$0x0] =	vst.idx.msk $0xffff, v18  }
0xef: {  	v19 =	vor.u32 v10, v17;
	v18 =	vld [tilespmem:s0+$0x3080];
	_ =	sdelay $0x4  }
0xf0: {  	[tilespmem:v19+s21+$0x0] =	vst.idx.msk $0xffff, v18  }
0xf1: {  	v19 =	vor.u32 v11, v17;
	v18 =	vld [tilespmem:s0+$0x3100];
	_ =	sdelay $0x4  }
0xf2: {  	[tilespmem:v19+s21+$0x0] =	vst.idx.msk $0xffff, v18  }
0xf3: {  	v19 =	vor.u32 v12, v17;
	v18 =	vld [tilespmem:s0+$0x3180];
	_ =	sdelay $0x4  }
0xf4: {  	[tilespmem:v19+s21+$0x0] =	vst.idx.msk $0xffff, v18  }
0xf5: {  	v19 =	vor.u32 v13, v17;
	v18 =	vld [tilespmem:s0+$0x3200];
	_ =	sdelay $0x4  }
0xf6: {  	[tilespmem:v19+s21+$0x0] =	vst.idx.msk $0xffff, v18  }
0xf7: {  	v19 =	vor.u32 v14, v17;
	v18 =	vld [tilespmem:s0+$0x3280];
	_ =	sdelay $0x4  }
0xf8: {  	[tilespmem:v19+s21+$0x0] =	vst.idx.msk $0xffff, v18  }
0xf9: {  	v19 =	vor.u32 v15, v17;
	v18 =	vld [tilespmem:s0+$0x3300];
	_ =	sdelay $0x4  }
0xfa: {  	[tilespmem:v19+s21+$0x0] =	vst.idx.msk $0xffff, v18  }
0xfb: {  	v17 =	vor.u32 v16, v17;
	v18 =	vld [tilespmem:s0+$0x3380];
	_ =	sdelay $0x2  }
0xfc: {  	s31 =	sshll.u32 s26, $0xA  }
0xfd: {  	s0 =	sand.u32 $0x1FFFFC00, s31  }
0xfe: {  	s25 =	sadd.s32 $0x1, s25;
	s0 =	sadd.s32 s6, s0;
	[tilespmem:v17+s21+$0x0] =	vst.idx.msk $0xffff, v18  }
0xff: {  	[hbm4b:s0+s4] =	stream.linear.scatter [tilespmem:s21], [sflag:$0x2], $0x2000, $0x38;
	[tilespmem:$0x8000] =	vst v63  }
0x100: {  	p1 =	sne.s32 s25, $0x1E;
	_ =	swait.ge [sflag:s22], $0x2000  }
.Ltmp4:
0x101: {  	[sflag:s22] =	ssyncset.done $0x0;
	(pc) =	sbr.rel @p1 .LBB2_2-.Ltmp4, $4  }
0x102: {  	[sflag:s22] =	ssyncadd.s32 $0xFFFFE000  }
0x103: {  	_ =	swait.ge [sflag:s22], $0x2000  }
0x104: {  	[sflag:s22] =	ssyncset.done $0x0  }
0x105: {  	[sflag:s22] =	ssyncadd.s32 $0xFFFFE000  }
0x106: {  	s0 =	simm.s32 $0x0  }
0x107: {  	[tilespmem:s0], [sflag:$0x1] =	stream.linear.gather [hbm4b:s8+s0], $0x1000, $0x38;
	[tilespmem:$0x8000] =	vst v63  }
0x108: {  	_ = 	snop  }
0x109: {  	[tilespmem:s16], [sflag:$0x1] =	stream.linear.gather [hbm4b:s9+s0], $0x1000, $0x38;
	[tilespmem:$0x8000] =	vst v63  }
0x10a: {  	_ =	swait.ge [sflag:s19], $0x1000  }
0x10b: {  	[sflag:s19] =	ssyncset.done $0x0  }
0x10c: {  	[sflag:s19] =	ssyncadd.s32 $0xFFFFF000  }
0x10d: {  	v17 =	vmov s0;
	_ =	swait.ge [sflag:s19], $0x1000  }
0x10e: {  	s2 =	sand.u32 $0x70, s0;
	s25 =	sand.u32 $0xC00, s0;
	v17 =	vshll.u32 v17, $0x7;
	[sflag:s19] =	ssyncset.done $0x0  }
0x10f: {  	s2 =	sor.u32 s2, s25;
	v17 =	vor.u32 v1, v17;
	[sflag:s19] =	ssyncadd.s32 $0xFFFFF000  }
0x110: {  	v19 =	vor.u32 v0, v17;
	v18 =	vld [tilespmem:s2+$0x0];
	_ =	sdelay $0x4  }
0x111: {  	[tilespmem:v19+s20+$0x0] =	vst.idx.msk $0xffff, v18  }
0x112: {  	v19 =	vor.u32 v2, v17;
	v18 =	vld [tilespmem:s2+$0x80];
	_ =	sdelay $0x4  }
0x113: {  	[tilespmem:v19+s20+$0x0] =	vst.idx.msk $0xffff, v18  }
0x114: {  	v19 =	vor.u32 v3, v17;
	v18 =	vld [tilespmem:s2+$0x100];
	_ =	sdelay $0x4  }
0x115: {  	[tilespmem:v19+s20+$0x0] =	vst.idx.msk $0xffff, v18  }
0x116: {  	v19 =	vor.u32 v4, v17;
	v18 =	vld [tilespmem:s2+$0x180];
	_ =	sdelay $0x4  }
0x117: {  	[tilespmem:v19+s20+$0x0] =	vst.idx.msk $0xffff, v18  }
0x118: {  	v19 =	vor.u32 v5, v17;
	v18 =	vld [tilespmem:s2+$0x200];
	_ =	sdelay $0x4  }
0x119: {  	[tilespmem:v19+s20+$0x0] =	vst.idx.msk $0xffff, v18  }
0x11a: {  	v19 =	vor.u32 v6, v17;
	v18 =	vld [tilespmem:s2+$0x280];
	_ =	sdelay $0x4  }
0x11b: {  	[tilespmem:v19+s20+$0x0] =	vst.idx.msk $0xffff, v18  }
0x11c: {  	v19 =	vor.u32 v7, v17;
	v18 =	vld [tilespmem:s2+$0x300];
	_ =	sdelay $0x3  }
0x11d: {  	s0 =	sor.u32 s0, s0  }
0x11e: {  	s0 =	sor.u32 $0x380, s0;
	[tilespmem:v19+s20+$0x0] =	vst.idx.msk $0xffff, v18  }
0x11f: {  	v19 =	vor.u32 v8, v17;
	v18 =	vld [tilespmem:s0+$0x0];
	_ =	sdelay $0x4  }
0x120: {  	[tilespmem:v19+s20+$0x0] =	vst.idx.msk $0xffff, v18  }
0x121: {  	v19 =	vor.u32 v9, v17;
	v18 =	vld [tilespmem:s2+$0x1000];
	_ =	sdelay $0x4  }
0x122: {  	[tilespmem:v19+s20+$0x0] =	vst.idx.msk $0xffff, v18  }
0x123: {  	v19 =	vor.u32 v10, v17;
	v18 =	vld [tilespmem:s2+$0x1080];
	_ =	sdelay $0x4  }
0x124: {  	[tilespmem:v19+s20+$0x0] =	vst.idx.msk $0xffff, v18  }
0x125: {  	v19 =	vor.u32 v11, v17;
	v18 =	vld [tilespmem:s2+$0x1100];
	_ =	sdelay $0x4  }
0x126: {  	[tilespmem:v19+s20+$0x0] =	vst.idx.msk $0xffff, v18  }
0x127: {  	v19 =	vor.u32 v12, v17;
	v18 =	vld [tilespmem:s2+$0x1180];
	_ =	sdelay $0x4  }
0x128: {  	[tilespmem:v19+s20+$0x0] =	vst.idx.msk $0xffff, v18  }
0x129: {  	v19 =	vor.u32 v13, v17;
	v18 =	vld [tilespmem:s2+$0x1200];
	_ =	sdelay $0x4  }
0x12a: {  	[tilespmem:v19+s20+$0x0] =	vst.idx.msk $0xffff, v18  }
0x12b: {  	v19 =	vor.u32 v14, v17;
	v18 =	vld [tilespmem:s2+$0x1280];
	_ =	sdelay $0x4  }
0x12c: {  	[tilespmem:v19+s20+$0x0] =	vst.idx.msk $0xffff, v18  }
0x12d: {  	v19 =	vor.u32 v15, v17;
	v18 =	vld [tilespmem:s2+$0x1300];
	_ =	sdelay $0x4  }
0x12e: {  	[tilespmem:v19+s20+$0x0] =	vst.idx.msk $0xffff, v18  }
0x12f: {  	v19 =	vor.u32 v16, v17;
	v18 =	vld [tilespmem:s2+$0x1380];
	_ =	sdelay $0x1  }
0x130: {  	s31 =	simm.s32 $0x2  }
0x131: {  	s28 =	simm.s32 $0x4;
	s26 =	simm.s32 $0x10;
	s25 =	simm.s32 $0x80;
	v17 =	vmov s31  }
.LBB2_8:
0x132: {  	p1 =	sne.s32 s28, $0x3E;
	v17 =	vshll.u32 v17, $0x7;
	s0 =	sand.u32 $0x70, s26;
	s2 =	sand.u32 $0xC00, s25  }
0x133: {  	s2 =	sor.u32 s0, s2;
	v17 =	vor.u32 v1, v17;
	[tilespmem:v19+s20+$0x0] =	vst.idx.msk $0xffff, v18  }
0x134: {  	v18 =	vld [tilespmem:s2+$0x0];
	v19 =	vor.u32 v0, v17;
	_ =	sdelay $0x4  }
0x135: {  	[tilespmem:v19+s20+$0x0] =	vst.idx.msk $0xffff, v18  }
0x136: {  	v19 =	vor.u32 v2, v17;
	v18 =	vld [tilespmem:s2+$0x80];
	_ =	sdelay $0x4  }
0x137: {  	[tilespmem:v19+s20+$0x0] =	vst.idx.msk $0xffff, v18  }
0x138: {  	v19 =	vor.u32 v3, v17;
	v18 =	vld [tilespmem:s2+$0x100];
	_ =	sdelay $0x4  }
0x139: {  	[tilespmem:v19+s20+$0x0] =	vst.idx.msk $0xffff, v18  }
0x13a: {  	v19 =	vor.u32 v4, v17;
	v18 =	vld [tilespmem:s2+$0x180];
	_ =	sdelay $0x4  }
0x13b: {  	[tilespmem:v19+s20+$0x0] =	vst.idx.msk $0xffff, v18  }
0x13c: {  	v19 =	vor.u32 v5, v17;
	v18 =	vld [tilespmem:s2+$0x200];
	_ =	sdelay $0x4  }
0x13d: {  	[tilespmem:v19+s20+$0x0] =	vst.idx.msk $0xffff, v18  }
0x13e: {  	v19 =	vor.u32 v6, v17;
	v18 =	vld [tilespmem:s2+$0x280];
	_ =	sdelay $0x4  }
0x13f: {  	[tilespmem:v19+s20+$0x0] =	vst.idx.msk $0xffff, v18  }
0x140: {  	v19 =	vor.u32 v7, v17;
	v18 =	vld [tilespmem:s2+$0x300];
	_ =	sdelay $0x3  }
0x141: {  	s0 =	sor.u32 s25, s26  }
0x142: {  	s0 =	sor.u32 $0x380, s0;
	[tilespmem:v19+s20+$0x0] =	vst.idx.msk $0xffff, v18  }
0x143: {  	v19 =	vor.u32 v8, v17;
	v18 =	vld [tilespmem:s0+$0x0];
	_ =	sdelay $0x4  }
0x144: {  	[tilespmem:v19+s20+$0x0] =	vst.idx.msk $0xffff, v18  }
0x145: {  	v19 =	vor.u32 v9, v17;
	v18 =	vld [tilespmem:s2+$0x1000];
	_ =	sdelay $0x4  }
0x146: {  	[tilespmem:v19+s20+$0x0] =	vst.idx.msk $0xffff, v18  }
0x147: {  	v19 =	vor.u32 v10, v17;
	v18 =	vld [tilespmem:s2+$0x1080];
	_ =	sdelay $0x4  }
0x148: {  	[tilespmem:v19+s20+$0x0] =	vst.idx.msk $0xffff, v18  }
0x149: {  	v19 =	vor.u32 v11, v17;
	v18 =	vld [tilespmem:s2+$0x1100];
	_ =	sdelay $0x4  }
0x14a: {  	[tilespmem:v19+s20+$0x0] =	vst.idx.msk $0xffff, v18  }
0x14b: {  	v19 =	vor.u32 v12, v17;
	v18 =	vld [tilespmem:s2+$0x1180];
	_ =	sdelay $0x4  }
0x14c: {  	[tilespmem:v19+s20+$0x0] =	vst.idx.msk $0xffff, v18  }
0x14d: {  	v19 =	vor.u32 v13, v17;
	v18 =	vld [tilespmem:s2+$0x1200];
	_ =	sdelay $0x4  }
0x14e: {  	[tilespmem:v19+s20+$0x0] =	vst.idx.msk $0xffff, v18  }
0x14f: {  	v19 =	vor.u32 v14, v17;
	v18 =	vld [tilespmem:s2+$0x1280];
	_ =	sdelay $0x4  }
0x150: {  	[tilespmem:v19+s20+$0x0] =	vst.idx.msk $0xffff, v18  }
0x151: {  	v19 =	vor.u32 v15, v17;
	v18 =	vld [tilespmem:s2+$0x1300];
	_ =	sdelay $0x4  }
.Ltmp5:
0x152: {  	[tilespmem:v19+s20+$0x0] =	vst.idx.msk $0xffff, v18;
	(pc) =	sbr.rel @p1 .LBB2_8-.Ltmp5, $2  }
0x153: {  	v19 =	vor.u32 v16, v17;
	v18 =	vld [tilespmem:s2+$0x1380];
	_ =	sdelay $0x2  }
0x154: {  	s25 =	sadd.s32 $0x80, s25;
	s26 =	sadd.s32 $0x10, s26;
	v17 =	vmov s28;
	s28 =	sadd.s32 $0x2, s28  }
0x155: {  	_ =	sdelay $0x2  }
0x156: {  	v17 =	vshll.u32 v17, $0x7;
	s0 =	sand.u32 $0x70, s26;
	s2 =	sand.u32 $0xC00, s25  }
0x157: {  	s0 =	sor.u32 s0, s2;
	v17 =	vor.u32 v1, v17;
	[tilespmem:v19+s20+$0x0] =	vst.idx.msk $0xffff, v18  }
0x158: {  	v18 =	vld [tilespmem:s0+$0x0];
	v19 =	vor.u32 v0, v17;
	_ =	sdelay $0x4  }
0x159: {  	[tilespmem:v19+s20+$0x0] =	vst.idx.msk $0xffff, v18  }
0x15a: {  	v19 =	vor.u32 v2, v17;
	v18 =	vld [tilespmem:s0+$0x80];
	_ =	sdelay $0x4  }
0x15b: {  	[tilespmem:v19+s20+$0x0] =	vst.idx.msk $0xffff, v18  }
0x15c: {  	v19 =	vor.u32 v3, v17;
	v18 =	vld [tilespmem:s0+$0x100];
	_ =	sdelay $0x4  }
0x15d: {  	[tilespmem:v19+s20+$0x0] =	vst.idx.msk $0xffff, v18  }
0x15e: {  	v19 =	vor.u32 v4, v17;
	v18 =	vld [tilespmem:s0+$0x180];
	_ =	sdelay $0x4  }
0x15f: {  	[tilespmem:v19+s20+$0x0] =	vst.idx.msk $0xffff, v18  }
0x160: {  	v19 =	vor.u32 v5, v17;
	v18 =	vld [tilespmem:s0+$0x200];
	_ =	sdelay $0x4  }
0x161: {  	[tilespmem:v19+s20+$0x0] =	vst.idx.msk $0xffff, v18  }
0x162: {  	v19 =	vor.u32 v6, v17;
	v18 =	vld [tilespmem:s0+$0x280];
	_ =	sdelay $0x4  }
0x163: {  	[tilespmem:v19+s20+$0x0] =	vst.idx.msk $0xffff, v18  }
0x164: {  	v19 =	vor.u32 v7, v17;
	v18 =	vld [tilespmem:s0+$0x300];
	_ =	sdelay $0x3  }
0x165: {  	s31 =	sor.u32 s25, s26  }
0x166: {  	s2 =	sor.u32 $0x380, s31;
	[tilespmem:v19+s20+$0x0] =	vst.idx.msk $0xffff, v18  }
0x167: {  	v19 =	vor.u32 v8, v17;
	v18 =	vld [tilespmem:s2+$0x0];
	_ =	sdelay $0x4  }
0x168: {  	[tilespmem:v19+s20+$0x0] =	vst.idx.msk $0xffff, v18  }
0x169: {  	v19 =	vor.u32 v9, v17;
	v18 =	vld [tilespmem:s0+$0x1000];
	_ =	sdelay $0x4  }
0x16a: {  	[tilespmem:v19+s20+$0x0] =	vst.idx.msk $0xffff, v18  }
0x16b: {  	v19 =	vor.u32 v10, v17;
	v18 =	vld [tilespmem:s0+$0x1080];
	_ =	sdelay $0x4  }
0x16c: {  	[tilespmem:v19+s20+$0x0] =	vst.idx.msk $0xffff, v18  }
0x16d: {  	v19 =	vor.u32 v11, v17;
	v18 =	vld [tilespmem:s0+$0x1100];
	_ =	sdelay $0x4  }
0x16e: {  	[tilespmem:v19+s20+$0x0] =	vst.idx.msk $0xffff, v18  }
0x16f: {  	v19 =	vor.u32 v12, v17;
	v18 =	vld [tilespmem:s0+$0x1180];
	_ =	sdelay $0x4  }
0x170: {  	[tilespmem:v19+s20+$0x0] =	vst.idx.msk $0xffff, v18  }
0x171: {  	v19 =	vor.u32 v13, v17;
	v18 =	vld [tilespmem:s0+$0x1200];
	_ =	sdelay $0x4  }
0x172: {  	[tilespmem:v19+s20+$0x0] =	vst.idx.msk $0xffff, v18  }
0x173: {  	v19 =	vor.u32 v14, v17;
	v18 =	vld [tilespmem:s0+$0x1280];
	_ =	sdelay $0x4  }
0x174: {  	[tilespmem:v19+s20+$0x0] =	vst.idx.msk $0xffff, v18  }
0x175: {  	v19 =	vor.u32 v15, v17;
	v18 =	vld [tilespmem:s0+$0x1300];
	_ =	sdelay $0x4  }
0x176: {  	[tilespmem:v19+s20+$0x0] =	vst.idx.msk $0xffff, v18  }
0x177: {  	v17 =	vor.u32 v16, v17;
	v18 =	vld [tilespmem:s0+$0x1380];
	_ =	sdelay $0x4  }
.Ltmp6:
0x178: {  	[tilespmem:v17+s20+$0x0] =	vst.idx.msk $0xffff, v18;
	(pc) =	sbr.rel @p0 .LBB2_13-.Ltmp6, $4  }
0x179: {  	[hbm4b:s11+s4] =	stream.linear.scatter [tilespmem:s20], [sflag:$0x3], $0x2000, $0x38;
	[tilespmem:$0x8000] =	vst v63  }
0x17a: {  	_ =	swait.ge [sflag:s23], $0x2000  }
0x17b: {  	[sflag:s23] =	ssyncset.done $0x0  }
0x17c: {  	[sflag:s23] =	ssyncadd.s32 $0xFFFFE000  }
0x17d: {  	s0 =	simm.s32 $0x0  }
0x17e: {  	[tilespmem:s0], [sflag:$0x3] =	stream.linear.gather [hbm4b:s10+s0], $0x1000, $0x38;
	[tilespmem:$0x8000] =	vst v63  }
0x17f: {  	_ =	swait.ge [sflag:s23], $0x1000  }
0x180: {  	[sflag:s23] =	ssyncset.done $0x0  }
0x181: {  	[sflag:s23] =	ssyncadd.s32 $0xFFFFF000  }
0x182: {  	[tilespmem:s16], [sflag:$0x3] =	stream.linear.gather [hbm4b:s12+s0], $0x1000, $0x38;
	[tilespmem:$0x8000] =	vst v63  }
0x183: {  	v17 =	vmov s0;
	_ =	swait.ge [sflag:s23], $0x1000  }
0x184: {  	s2 =	sand.u32 $0x70, s0;
	s25 =	sand.u32 $0xC00, s0;
	v17 =	vshll.u32 v17, $0x7;
	[sflag:s23] =	ssyncset.done $0x0  }
0x185: {  	s2 =	sor.u32 s2, s25;
	v17 =	vor.u32 v1, v17;
	[sflag:s23] =	ssyncadd.s32 $0xFFFFF000  }
0x186: {  	v19 =	vor.u32 v0, v17;
	v18 =	vld [tilespmem:s2+$0x0];
	_ =	sdelay $0x4  }
0x187: {  	[tilespmem:v19+s20+$0x0] =	vst.idx.msk $0xffff, v18  }
0x188: {  	v19 =	vor.u32 v2, v17;
	v18 =	vld [tilespmem:s2+$0x80];
	_ =	sdelay $0x4  }
0x189: {  	[tilespmem:v19+s20+$0x0] =	vst.idx.msk $0xffff, v18  }
0x18a: {  	v19 =	vor.u32 v3, v17;
	v18 =	vld [tilespmem:s2+$0x100];
	_ =	sdelay $0x4  }
0x18b: {  	[tilespmem:v19+s20+$0x0] =	vst.idx.msk $0xffff, v18  }
0x18c: {  	v19 =	vor.u32 v4, v17;
	v18 =	vld [tilespmem:s2+$0x180];
	_ =	sdelay $0x4  }
0x18d: {  	[tilespmem:v19+s20+$0x0] =	vst.idx.msk $0xffff, v18  }
0x18e: {  	v19 =	vor.u32 v5, v17;
	v18 =	vld [tilespmem:s2+$0x200];
	_ =	sdelay $0x4  }
0x18f: {  	[tilespmem:v19+s20+$0x0] =	vst.idx.msk $0xffff, v18  }
0x190: {  	v19 =	vor.u32 v6, v17;
	v18 =	vld [tilespmem:s2+$0x280];
	_ =	sdelay $0x4  }
0x191: {  	[tilespmem:v19+s20+$0x0] =	vst.idx.msk $0xffff, v18  }
0x192: {  	v19 =	vor.u32 v7, v17;
	v18 =	vld [tilespmem:s2+$0x300];
	_ =	sdelay $0x3  }
0x193: {  	s0 =	sor.u32 s0, s0  }
0x194: {  	s0 =	sor.u32 $0x380, s0;
	[tilespmem:v19+s20+$0x0] =	vst.idx.msk $0xffff, v18  }
0x195: {  	v19 =	vor.u32 v8, v17;
	v18 =	vld [tilespmem:s0+$0x0];
	_ =	sdelay $0x4  }
0x196: {  	[tilespmem:v19+s20+$0x0] =	vst.idx.msk $0xffff, v18  }
0x197: {  	v19 =	vor.u32 v9, v17;
	v18 =	vld [tilespmem:s2+$0x1000];
	_ =	sdelay $0x4  }
0x198: {  	[tilespmem:v19+s20+$0x0] =	vst.idx.msk $0xffff, v18  }
0x199: {  	v19 =	vor.u32 v10, v17;
	v18 =	vld [tilespmem:s2+$0x1080];
	_ =	sdelay $0x4  }
0x19a: {  	[tilespmem:v19+s20+$0x0] =	vst.idx.msk $0xffff, v18  }
0x19b: {  	v19 =	vor.u32 v11, v17;
	v18 =	vld [tilespmem:s2+$0x1100];
	_ =	sdelay $0x4  }
0x19c: {  	[tilespmem:v19+s20+$0x0] =	vst.idx.msk $0xffff, v18  }
0x19d: {  	v19 =	vor.u32 v12, v17;
	v18 =	vld [tilespmem:s2+$0x1180];
	_ =	sdelay $0x4  }
0x19e: {  	[tilespmem:v19+s20+$0x0] =	vst.idx.msk $0xffff, v18  }
0x19f: {  	v19 =	vor.u32 v13, v17;
	v18 =	vld [tilespmem:s2+$0x1200];
	_ =	sdelay $0x4  }
0x1a0: {  	[tilespmem:v19+s20+$0x0] =	vst.idx.msk $0xffff, v18  }
0x1a1: {  	v19 =	vor.u32 v14, v17;
	v18 =	vld [tilespmem:s2+$0x1280];
	_ =	sdelay $0x4  }
0x1a2: {  	[tilespmem:v19+s20+$0x0] =	vst.idx.msk $0xffff, v18  }
0x1a3: {  	v19 =	vor.u32 v15, v17;
	v18 =	vld [tilespmem:s2+$0x1300];
	_ =	sdelay $0x4  }
0x1a4: {  	[tilespmem:v19+s20+$0x0] =	vst.idx.msk $0xffff, v18  }
0x1a5: {  	v19 =	vor.u32 v16, v17;
	v18 =	vld [tilespmem:s2+$0x1380];
	_ =	sdelay $0x1  }
0x1a6: {  	s31 =	simm.s32 $0x2  }
0x1a7: {  	s28 =	simm.s32 $0x4;
	s26 =	simm.s32 $0x10;
	s25 =	simm.s32 $0x80;
	v17 =	vmov s31  }
.LBB2_11:
0x1a8: {  	p1 =	sne.s32 s28, $0x3E;
	v17 =	vshll.u32 v17, $0x7;
	s0 =	sand.u32 $0x70, s26;
	s2 =	sand.u32 $0xC00, s25  }
0x1a9: {  	s2 =	sor.u32 s0, s2;
	v17 =	vor.u32 v1, v17;
	[tilespmem:v19+s20+$0x0] =	vst.idx.msk $0xffff, v18  }
0x1aa: {  	v18 =	vld [tilespmem:s2+$0x0];
	v19 =	vor.u32 v0, v17;
	_ =	sdelay $0x4  }
0x1ab: {  	[tilespmem:v19+s20+$0x0] =	vst.idx.msk $0xffff, v18  }
0x1ac: {  	v19 =	vor.u32 v2, v17;
	v18 =	vld [tilespmem:s2+$0x80];
	_ =	sdelay $0x4  }
0x1ad: {  	[tilespmem:v19+s20+$0x0] =	vst.idx.msk $0xffff, v18  }
0x1ae: {  	v19 =	vor.u32 v3, v17;
	v18 =	vld [tilespmem:s2+$0x100];
	_ =	sdelay $0x4  }
0x1af: {  	[tilespmem:v19+s20+$0x0] =	vst.idx.msk $0xffff, v18  }
0x1b0: {  	v19 =	vor.u32 v4, v17;
	v18 =	vld [tilespmem:s2+$0x180];
	_ =	sdelay $0x4  }
0x1b1: {  	[tilespmem:v19+s20+$0x0] =	vst.idx.msk $0xffff, v18  }
0x1b2: {  	v19 =	vor.u32 v5, v17;
	v18 =	vld [tilespmem:s2+$0x200];
	_ =	sdelay $0x4  }
0x1b3: {  	[tilespmem:v19+s20+$0x0] =	vst.idx.msk $0xffff, v18  }
0x1b4: {  	v19 =	vor.u32 v6, v17;
	v18 =	vld [tilespmem:s2+$0x280];
	_ =	sdelay $0x4  }
0x1b5: {  	[tilespmem:v19+s20+$0x0] =	vst.idx.msk $0xffff, v18  }
0x1b6: {  	v19 =	vor.u32 v7, v17;
	v18 =	vld [tilespmem:s2+$0x300];
	_ =	sdelay $0x3  }
0x1b7: {  	s0 =	sor.u32 s25, s26  }
0x1b8: {  	s0 =	sor.u32 $0x380, s0;
	[tilespmem:v19+s20+$0x0] =	vst.idx.msk $0xffff, v18  }
0x1b9: {  	v19 =	vor.u32 v8, v17;
	v18 =	vld [tilespmem:s0+$0x0];
	_ =	sdelay $0x4  }
0x1ba: {  	[tilespmem:v19+s20+$0x0] =	vst.idx.msk $0xffff, v18  }
0x1bb: {  	v19 =	vor.u32 v9, v17;
	v18 =	vld [tilespmem:s2+$0x1000];
	_ =	sdelay $0x4  }
0x1bc: {  	[tilespmem:v19+s20+$0x0] =	vst.idx.msk $0xffff, v18  }
0x1bd: {  	v19 =	vor.u32 v10, v17;
	v18 =	vld [tilespmem:s2+$0x1080];
	_ =	sdelay $0x4  }
0x1be: {  	[tilespmem:v19+s20+$0x0] =	vst.idx.msk $0xffff, v18  }
0x1bf: {  	v19 =	vor.u32 v11, v17;
	v18 =	vld [tilespmem:s2+$0x1100];
	_ =	sdelay $0x4  }
0x1c0: {  	[tilespmem:v19+s20+$0x0] =	vst.idx.msk $0xffff, v18  }
0x1c1: {  	v19 =	vor.u32 v12, v17;
	v18 =	vld [tilespmem:s2+$0x1180];
	_ =	sdelay $0x4  }
0x1c2: {  	[tilespmem:v19+s20+$0x0] =	vst.idx.msk $0xffff, v18  }
0x1c3: {  	v19 =	vor.u32 v13, v17;
	v18 =	vld [tilespmem:s2+$0x1200];
	_ =	sdelay $0x4  }
0x1c4: {  	[tilespmem:v19+s20+$0x0] =	vst.idx.msk $0xffff, v18  }
0x1c5: {  	v19 =	vor.u32 v14, v17;
	v18 =	vld [tilespmem:s2+$0x1280];
	_ =	sdelay $0x4  }
0x1c6: {  	[tilespmem:v19+s20+$0x0] =	vst.idx.msk $0xffff, v18  }
0x1c7: {  	v19 =	vor.u32 v15, v17;
	v18 =	vld [tilespmem:s2+$0x1300];
	_ =	sdelay $0x4  }
.Ltmp7:
0x1c8: {  	[tilespmem:v19+s20+$0x0] =	vst.idx.msk $0xffff, v18;
	(pc) =	sbr.rel @p1 .LBB2_11-.Ltmp7, $2  }
0x1c9: {  	v19 =	vor.u32 v16, v17;
	v18 =	vld [tilespmem:s2+$0x1380];
	_ =	sdelay $0x2  }
0x1ca: {  	s25 =	sadd.s32 $0x80, s25;
	s26 =	sadd.s32 $0x10, s26;
	v17 =	vmov s28;
	s28 =	sadd.s32 $0x2, s28  }
0x1cb: {  	_ =	sdelay $0x2  }
0x1cc: {  	v17 =	vshll.u32 v17, $0x7;
	s0 =	sand.u32 $0x70, s26;
	s2 =	sand.u32 $0xC00, s25  }
0x1cd: {  	s0 =	sor.u32 s0, s2;
	v17 =	vor.u32 v1, v17;
	[tilespmem:v19+s20+$0x0] =	vst.idx.msk $0xffff, v18  }
0x1ce: {  	v18 =	vld [tilespmem:s0+$0x0];
	v19 =	vor.u32 v0, v17;
	_ =	sdelay $0x4  }
0x1cf: {  	[tilespmem:v19+s20+$0x0] =	vst.idx.msk $0xffff, v18  }
0x1d0: {  	v19 =	vor.u32 v2, v17;
	v18 =	vld [tilespmem:s0+$0x80];
	_ =	sdelay $0x4  }
0x1d1: {  	[tilespmem:v19+s20+$0x0] =	vst.idx.msk $0xffff, v18  }
0x1d2: {  	v19 =	vor.u32 v3, v17;
	v18 =	vld [tilespmem:s0+$0x100];
	_ =	sdelay $0x4  }
0x1d3: {  	[tilespmem:v19+s20+$0x0] =	vst.idx.msk $0xffff, v18  }
0x1d4: {  	v19 =	vor.u32 v4, v17;
	v18 =	vld [tilespmem:s0+$0x180];
	_ =	sdelay $0x4  }
0x1d5: {  	[tilespmem:v19+s20+$0x0] =	vst.idx.msk $0xffff, v18  }
0x1d6: {  	v19 =	vor.u32 v5, v17;
	v18 =	vld [tilespmem:s0+$0x200];
	_ =	sdelay $0x4  }
0x1d7: {  	[tilespmem:v19+s20+$0x0] =	vst.idx.msk $0xffff, v18  }
0x1d8: {  	v19 =	vor.u32 v6, v17;
	v18 =	vld [tilespmem:s0+$0x280];
	_ =	sdelay $0x4  }
0x1d9: {  	[tilespmem:v19+s20+$0x0] =	vst.idx.msk $0xffff, v18  }
0x1da: {  	v19 =	vor.u32 v7, v17;
	v18 =	vld [tilespmem:s0+$0x300];
	_ =	sdelay $0x3  }
0x1db: {  	s31 =	sor.u32 s25, s26  }
0x1dc: {  	s2 =	sor.u32 $0x380, s31;
	[tilespmem:v19+s20+$0x0] =	vst.idx.msk $0xffff, v18  }
0x1dd: {  	v19 =	vor.u32 v8, v17;
	v18 =	vld [tilespmem:s2+$0x0];
	_ =	sdelay $0x4  }
0x1de: {  	[tilespmem:v19+s20+$0x0] =	vst.idx.msk $0xffff, v18  }
0x1df: {  	v19 =	vor.u32 v9, v17;
	v18 =	vld [tilespmem:s0+$0x1000];
	_ =	sdelay $0x4  }
0x1e0: {  	[tilespmem:v19+s20+$0x0] =	vst.idx.msk $0xffff, v18  }
0x1e1: {  	v19 =	vor.u32 v10, v17;
	v18 =	vld [tilespmem:s0+$0x1080];
	_ =	sdelay $0x4  }
0x1e2: {  	[tilespmem:v19+s20+$0x0] =	vst.idx.msk $0xffff, v18  }
0x1e3: {  	v19 =	vor.u32 v11, v17;
	v18 =	vld [tilespmem:s0+$0x1100];
	_ =	sdelay $0x4  }
0x1e4: {  	[tilespmem:v19+s20+$0x0] =	vst.idx.msk $0xffff, v18  }
0x1e5: {  	v19 =	vor.u32 v12, v17;
	v18 =	vld [tilespmem:s0+$0x1180];
	_ =	sdelay $0x4  }
0x1e6: {  	[tilespmem:v19+s20+$0x0] =	vst.idx.msk $0xffff, v18  }
0x1e7: {  	v19 =	vor.u32 v13, v17;
	v18 =	vld [tilespmem:s0+$0x1200];
	_ =	sdelay $0x4  }
0x1e8: {  	[tilespmem:v19+s20+$0x0] =	vst.idx.msk $0xffff, v18  }
0x1e9: {  	v19 =	vor.u32 v14, v17;
	v18 =	vld [tilespmem:s0+$0x1280];
	_ =	sdelay $0x4  }
0x1ea: {  	[tilespmem:v19+s20+$0x0] =	vst.idx.msk $0xffff, v18  }
0x1eb: {  	v19 =	vor.u32 v15, v17;
	v18 =	vld [tilespmem:s0+$0x1300];
	_ =	sdelay $0x4  }
0x1ec: {  	[tilespmem:v19+s20+$0x0] =	vst.idx.msk $0xffff, v18  }
0x1ed: {  	v17 =	vor.u32 v16, v17;
	v18 =	vld [tilespmem:s0+$0x1380];
	_ =	sdelay $0x4  }
0x1ee: {  	[tilespmem:v17+s20+$0x0] =	vst.idx.msk $0xffff, v18  }
0x1ef: {  	[hbm4b:s13+s4] =	stream.linear.scatter [tilespmem:s20], [sflag:$0x3], $0x2000, $0x38;
	[tilespmem:$0x8000] =	vst v63  }
0x1f0: {  	_ =	swait.ge [sflag:s23], $0x2000  }
0x1f1: {  	[sflag:s23] =	ssyncset.done $0x0  }
0x1f2: {  	[sflag:s23] =	ssyncadd.s32 $0xFFFFE000  }
0x1f3: {  	[tilespmem:s20], [sflag:$0x3] =	stream.linear.gather [hbm4b:s3+s4], $0x800, $0x38;
	[tilespmem:$0x8000] =	vst v63  }
0x1f4: {  	_ =	swait.ge [sflag:s23], $0x800  }
0x1f5: {  	[sflag:s23] =	ssyncset.done $0x0  }
.Ltmp8:
0x1f6: {  	[sflag:s23] =	ssyncadd.s32 $0xFFFFF800;
	(pc) =	sbr.rel .LBB2_13-.Ltmp8, $4  }
0x1f7: {  	[hbm4b:s14+s4] =	stream.linear.scatter [tilespmem:s20], [sflag:$0x3], $0x800, $0x38;
	[tilespmem:$0x8000] =	vst v63  }
0x1f8: {  	_ =	swait.ge [sflag:s23], $0x800  }
0x1f9: {  	[sflag:s23] =	ssyncset.done $0x0  }
0x1fa: {  	[sflag:s23] =	ssyncadd.s32 $0xFFFFF800  }
.LBB2_14:
0x1fb: {  	_ =	sfence.sel $0x180000  }
0x1fc: {  	[bflag:$0x0] =	sbarrier.arrive $0xFFFF  }
0x1fd: {  	_ =	strace $0x90000047  }
0x1fe: {  	s0 =	stileid.u32;
	[bflag:$0x2] =	sbarrier.arrive $0xFFFF  }
0x1ff: {  	p0 =	sne.s32 s0, $0x0;
	s0 =	rddreg [dreg:$0x3]  }
0x200: {  	s0 =	sadd.s32 @!p0 $0x100000, s0  }
0x201: {  	[sflag:s0] =	ssyncadd.tile.s32 @!p0 $0x1;
	_ =	shalt  }
.Lfunc_end2:
_tile_overlayer_lowered:
.L_overlay_start_2:
0x202: {  	(tag) =	ssettag $0x2  }
0x203: {  	s0 =	rddreg [dreg:$0x0];
	s2 =	stileid.u32  }
0x204: {  	s1 =	rddreg [dreg:$0x1];
	p0 =	sne.s32 s2, $0x0  }
0x205: {  	s3 =	rddreg [dreg:$0x2];
	[bflag:$0x3] =	sbarrier.arrive $0xFFFF;
	s2 =	simm.s32 @!p0 $0x1C03  }
0x206: {  	[timem:s3], [sflag:s2] =	dma.local @!p0 [hbm:s0], s1  }
0x207: {  	s0 =	simm.s32 @!p0 $0x3  }
0x208: {  	_ =	swait.ge @!p0 [sflag:s0], s1  }
0x209: {  	s1 =	ssub.s32 @!p0 $0x0, s1;
	[sflag:s0] =	ssyncset.done @!p0 $0x0  }
0x20a: {  	[sflag:s0] =	ssyncadd.s32 @!p0 s1  }
0x20b: {  	[bflag:$0x3] =	sbarrier.arrive $0xFFFF  }
0x20c: {  	_ =	shalt  }

// kernel: kernel.7.cloned.1.call-start
scs
__scs_entry_jumppad:
0x0: {  	(pc) =	sbr.rel $0x88, $3  }
0x1: {  	(tag) =	ssettag $0x0;
	lr =	simm.s32 $0x1  }
0x2: {  	[smem:$0x3F9F] =	sst lr;
	_ =	strace $0xD0000000  }
0x3: {  	_ = 	snop  }
0x4: {  	_ = 	snop  }
0x5: {  	_ = 	snop  }
0x6: {  	_ = 	snop  }
0x7: {  	_ = 	snop  }
__scs_overlays_trampoline_lowered:
0x8: {  	[smem:$0x3FAE] =	sst s0  }
0x9: {  	[smem:$0x3FAF] =	sst s1  }
0xa: {  	[smem:$0x3FB0] =	sst s2  }
0xb: {  	[smem:$0x3FB1] =	sst s3  }
0xc: {  	[smem:$0x3FB2] =	sst s4  }
0xd: {  	[smem:$0x3FB3] =	sst s5  }
0xe: {  	[smem:$0x3FB4] =	sst s6  }
0xf: {  	[smem:$0x3FB5] =	sst s7  }
0x10: {  	[smem:$0x3FB6] =	sst s8  }
0x11: {  	[smem:$0x3FB7] =	sst s9;
	s0 =	simm.s32 @!p0 $0x0  }
0x12: {  	s1 =	sld [smem:$0x3F9D];
	s0 =	simm.s32 @p0 $0x1  }
0x13: {  	[smem:$0x3FB8] =	sst s0;
	s0 =	simm.s32 @!p1 $0x0  }
0x14: {  	s2 =	sld [smem:$0x3F9C];
	s0 =	simm.s32 @p1 $0x1  }
0x15: {  	[smem:$0x3FB9] =	sst s0;
	s0 =	simm.s32 @!p2 $0x0  }
0x16: {  	s3 =	sld [smem:$0x3FDB];
	s0 =	simm.s32 @p2 $0x1  }
0x17: {  	s4 =	simm.s32 $0x1BF5;
	[smem:$0x3FBB] =	sst s0  }
0x18: {  	s0 =	sld [smem:$0x3F9E];
	_ =	swait.ge [sflag:s4], $0x0  }
0x19: {  	s7 =	sld [smem:$0x3F9F]  }
0x1a: {  	s8 =	sadd.s32 $0xFFFFE003, lr  }
0x1b: {  	s9 =	sadd.s32 $0xFFFFFEF7, lr;
	s5 =	simm.s32 $0xFFFFFFFF;
	p2 =	slt.u32 s8, $0xFFFFF086  }
0x1c: {  	p1 =	slt.u32 s9, $0xF7A;
	s5 =	simm.s32 @!p2 $0x0  }
0x1d: {  	s5 =	simm.s32 @p1 $0x1;
	p0 =	seq.s32 s7, s2  }
0x1e: {  	s7 =	smul.u32 @!p0 $0xF7A, s2;
	p2 =	seq.s32 @!p0 s5, $0x0  }
0x1f: {  	s9 =	smul.u32 $0xF7A, s1;
	s8 =	simm.s32 @!p0 $0x1BF5;
	p2 =	por !p2, p0  }
0x20: {  	[sflag:s8] =	ssyncset.s32 @!p0 $0xFFFFF086;
	s6 =	sadd.s32 @!p0 s3, s7;
	s7 =	simm.s32 @!p0 $0x108  }
0x21: {  	s3 =	sadd.s32 s3, s9;
	s6 =	sadd.s32 @!p0 $0x88, s6;
	s7 =	simm.s32 @p2 $0x1082  }
0x22: {  	[simem:s7], [sflag:s8] =	dma.local @!p0 [hbm:s6], $0xF7A  }
0x23: {  	s9 =	sor.u32 $0xD0000000, s2;
	s6 =	simm.s32 $0x108;
	_ =	swait.ge @!p0 [sflag:s8], $0x0  }
0x24: {  	s3 =	sadd.s32 $0x88, s3;
	s6 =	simm.s32 @!p1 $0x1082;
	[sflag:s4] =	ssyncset.s32 $0xFFFFF086  }
0x25: {  	[simem:s6], [sflag:s4] =	dma.local [hbm:s3], $0xF7A  }
0x26: {  	[smem:$0x3F9F] =	sst s1;
	(tag) =	ssettag s2;
	_ =	strace s9  }
0x27: {  	s1 =	sld [smem:$0x3FAF]  }
0x28: {  	s2 =	sld [smem:$0x3FB0]  }
0x29: {  	s4 =	sld [smem:$0x3FB2]  }
0x2a: {  	p0 =	seq.s32 s5, $0x0;
	s5 =	sld [smem:$0x3FB3]  }
0x2b: {  	s6 =	sld [smem:$0x3FB4]  }
0x2c: {  	s7 =	sld [smem:$0x3FB5]  }
0x2d: {  	s3 =	simm.s32 $0x108;
	s8 =	sld [smem:$0x3FB6]  }
0x2e: {  	s3 =	simm.s32 @!p0 $0x1082;
	s9 =	sld [smem:$0x3FB7]  }
0x2f: {  	lr =	sadd.s32 s0, s3;
	s0 =	sld [smem:$0x3FAE]  }
0x30: {  	s3 =	sld [smem:$0x3FB1]  }
0x31: {  	[smem:$0x3FBA] =	sst s10  }
0x32: {  	s10 =	sld [smem:$0x3FB8];
	_ =	sdelay $0x3  }
0x33: {  	p0 =	seq.s32 s10, $0x1;
	s10 =	sld [smem:$0x3FBA];
	_ =	sdelay $0x3  }
0x34: {  	[smem:$0x3FBA] =	sst s10  }
0x35: {  	s10 =	sld [smem:$0x3FB9];
	_ =	sdelay $0x3  }
0x36: {  	p1 =	seq.s32 s10, $0x1;
	s10 =	sld [smem:$0x3FBA];
	_ =	sdelay $0x3  }
0x37: {  	[smem:$0x3FBA] =	sst s10  }
0x38: {  	s10 =	sld [smem:$0x3FBB]  }
0x39: {  	_ = 	snop;
	(pc) =	sbr.ind lr, $3  }
0x3a: {  	_ = 	snop  }
0x3b: {  	_ = 	snop  }
0x3c: {  	p2 =	seq.s32 s10, $0x1;
	s10 =	sld [smem:$0x3FBA]  }
0x3d: {  	_ =	shalt  }
0x3e: {  	_ =	shalt  }
0x3f: {  	_ =	shalt  }
0x40: {  	_ =	shalt  }
0x41: {  	_ =	shalt  }
0x42: {  	_ =	shalt  }
0x43: {  	_ =	shalt  }
0x44: {  	_ =	shalt  }
0x45: {  	_ =	shalt  }
0x46: {  	_ =	shalt  }
0x47: {  	_ =	shalt  }
0x48: {  	_ =	shalt  }
0x49: {  	_ =	shalt  }
0x4a: {  	_ =	shalt  }
0x4b: {  	_ =	shalt  }
0x4c: {  	_ =	shalt  }
0x4d: {  	_ =	shalt  }
0x4e: {  	_ =	shalt  }
0x4f: {  	_ =	shalt  }
0x50: {  	_ =	shalt  }
0x51: {  	_ =	shalt  }
0x52: {  	_ =	shalt  }
0x53: {  	_ =	shalt  }
0x54: {  	_ =	shalt  }
0x55: {  	_ =	shalt  }
0x56: {  	_ =	shalt  }
0x57: {  	_ =	shalt  }
0x58: {  	_ =	shalt  }
0x59: {  	_ =	shalt  }
0x5a: {  	_ =	shalt  }
0x5b: {  	_ =	shalt  }
0x5c: {  	_ =	shalt  }
0x5d: {  	_ =	shalt  }
0x5e: {  	_ =	shalt  }
0x5f: {  	_ =	shalt  }
0x60: {  	_ =	shalt  }
0x61: {  	_ =	shalt  }
0x62: {  	_ =	shalt  }
0x63: {  	_ =	shalt  }
0x64: {  	_ =	shalt  }
0x65: {  	_ =	shalt  }
0x66: {  	_ =	shalt  }
0x67: {  	_ =	shalt  }
0x68: {  	_ =	shalt  }
0x69: {  	_ =	shalt  }
0x6a: {  	_ =	shalt  }
0x6b: {  	_ =	shalt  }
0x6c: {  	_ =	shalt  }
0x6d: {  	_ =	shalt  }
0x6e: {  	_ =	shalt  }
0x6f: {  	_ =	shalt  }
0x70: {  	_ =	shalt  }
0x71: {  	_ =	shalt  }
0x72: {  	_ =	shalt  }
0x73: {  	_ =	shalt  }
0x74: {  	_ =	shalt  }
0x75: {  	_ =	shalt  }
0x76: {  	_ =	shalt  }
0x77: {  	_ =	shalt  }
0x78: {  	_ =	shalt  }
0x79: {  	_ =	shalt  }
0x7a: {  	_ =	shalt  }
0x7b: {  	_ =	shalt  }
0x7c: {  	_ =	shalt  }
0x7d: {  	_ =	shalt  }
0x7e: {  	_ =	shalt  }
0x7f: {  	_ =	shalt  }
0x80: {  	_ =	shalt  }
0x81: {  	_ =	shalt  }
0x82: {  	_ =	shalt  }
0x83: {  	_ =	shalt  }
0x84: {  	_ =	shalt  }
0x85: {  	_ =	shalt  }
0x86: {  	_ =	shalt  }
0x87: {  	_ =	shalt  }
.Lfunc_end0:
.L_simem_size_0:
called_computation.1_lowered:
.L_overlay_start_0:
0x88: {  	s2 =	sld [smem:$0x3FD9]  }
0x89: {  	s3 =	sld [smem:$0x3FFE];
	_ =	sdelay $0x1  }
0x8a: {  	s1 =	srdreg.scid  }
0x8b: {  	s0 =	sand.u32 $0x1, s1  }
0x8c: {  	s17 =	sshll.u32 s0, $0xA;
	s2 =	sadd.s32 s3, s2  }
0x8d: {  	s2 =	sadd.s32 s2, s17  }
0x8e: {  	[smem:$0x3FC6] =	sst s2  }
0x8f: {  	_ = 	snop  }
0x90: {  	s2 =	sld [smem:$0x3FC9]  }
0x91: {  	s18 =	sld [smem:$0x3FD0];
	(tm) =	ssettm $0x1  }
0x92: {  	s4 =	sld [smem:$0x3FFB];
	_ =	sdelay $0x3  }
0x93: {  	_ =	strace s4  }
0x94: {  	s4 =	sld [smem:$0x3FFC];
	_ =	sdelay $0x3  }
0x95: {  	_ =	strace s4  }
0x96: {  	s4 =	sld [smem:$0x3FFD];
	_ =	sdelay $0x3  }
0x97: {  	_ =	strace s4  }
0x98: {  	_ =	strace $0x8FFFFFFF  }
0x99: {  	s19 =	sld [smem:$0x3FDB];
	_ =	sdelay $0x1  }
0x9a: {  	s5 =	simm.s32 $_scs_section_size  }
0x9b: {  	s6 =	simm.s32 $_size__tile_overlayer_lowered;
	s7 =	simm.s32 $_tile_overlayer_lowered  }
0x9c: {  	s22 =	simm.s32 $0x1BFF;
	s21 =	sshll.u32 s7, $0x1;
	s4 =	sadd.s32 s5, s19  }
0x9d: {  	s8 =	simm.s32 $0x0;
	s20 =	sshll.u32 s6, $0x1;
	s6 =	sadd.s32 s21, s4  }
0x9e: {  	[timem:s8], [sflag:s22] =	dma.local [hbm:s6], s20  }
0x9f: {  	_ =	swait.ge [sflag:s22], s20  }
0xa0: {  	s5 =	ssub.s32 $0x0, s20;
	[sflag:s22] =	ssyncset.done $0x0  }
0xa1: {  	[sflag:s22] =	ssyncadd.s32 s5;
	_ =	sdelay $0x1  }
0xa2: {  	s23 =	simm.s32 $0x1B8B  }
0xa3: {  	_ =	swait.ge [sflag:s23], $0x1  }
0xa4: {  	[sflag:s23] =	ssyncset.done $0x0  }
0xa5: {  	s25 =	simm.s32 $0x1B8E;
	s24 =	sld [smem:$0x3FFE];
	[sflag:s23] =	ssyncadd.s32 $0xFFFFFFFF  }
0xa6: {  	s26 =	simm.s32 $execute0_lowered;
	[smem:$0x3FD2] =	sst s25  }
0xa7: {  	s6 =	sshll.u32 s26, $0x1;
	_ =	strace $0x80000049;
	[dreg:$0x1] =	wrdreg $0xFFFFFFFF  }
0xa8: {  	s28 =	simm.s32 $_size_execute0_lowered;
	s4 =	sadd.s32 s4, s6;
	[dreg:$0x0] =	wrdreg $0x0  }
0xa9: {  	s6 =	sshll.u32 s28, $0x1;
	[dreg:$0x2] =	wrdreg s4  }
0xaa: {  	[dreg:$0x3] =	wrdreg s6  }
0xab: {  	[dreg:$0x4] =	wrdreg $0xC0  }
0xac: {  	_ =	task [dreg:s8], $0x5FFFF  }
0xad: {  	[dreg:$0x1] =	wrdreg $0xFFFFFFFF  }
0xae: {  	[dreg:$0x0] =	wrdreg $0x60  }
0xaf: {  	[dreg:$0x2] =	wrdreg s2  }
0xb0: {  	[dreg:$0x3] =	wrdreg s24  }
0xb1: {  	[dreg:$0x4] =	wrdreg s18  }
0xb2: {  	[dreg:$0x5] =	wrdreg $0x9  }
0xb3: {  	_ =	task.clear_ibuf [dreg:s8], $0x6FFFF;
	_ =	strace $0x90000049  }
0xb4: {  	s29 =	simm.s32 $0x9;
	_ =	strace $0x8000004B  }
0xb5: {  	_ =	swait.ge [sflag:s29], $0x1  }
0xb6: {  	[sflag:s29] =	ssyncadd.s32 $0xFFFFFFFF  }
0xb7: {  	_ =	strace $0x9000004B  }
0xb8: {  	_ =	sfence  }
0xb9: {  	s30 =	sld [smem:$0x0];
	_ =	sdelay $0x2  }
0xba: {  	s31 =	sshll.u32 s1, $0xD;
	s1 =	sshrl.u32 s1, $0x2  }
0xbb: {  	s3 =	sand.u32 $0x4000, s31;
	s1 =	sadd.s32 s1, s30  }
0xbc: {  	s0 =	sor.u32 s3, s0;
	s1 =	sshll.u32 s1, $0x11  }
0xbd: {  	s0 =	sor.u32 s1, s0  }
0xbe: {  	s0 =	sadd.s32 $0x8F2B, s0  }
0xbf: {  	[sflag:s0] =	ssyncadd.remote.s32 $0x1  }
0xc0: {  	_ =	sfence.sel $0xFFFF  }
0xc1: {  	[dreg:$0x0] =	wrdreg $0xFFFFFFFF;
	(pc) =	sbr.abs _section_cstart, $3  }
0xc2: {  	[dreg:$0x1] =	wrdreg $0xFFFFFFFF  }
0xc3: {  	_ =	task.clear_ibuf [dreg:s8], $0x2FFFF;
	_ =	strace $0x9FFFFFFF  }
0xc4: {  	(tm) =	ssettm $0x7FFFFFFF  }
0xc5: {  	_ =	shalt  }
tec
execute0_lowered:
.L_overlay_start_1:
0x0: {  	(tag) =	ssettag $0x1  }
0x1: {  	s6 =	rddreg [dreg:$0x0]  }
0x2: {  	s5 =	rddreg [dreg:$0x1]  }
0x3: {  	s2 =	rddreg [dreg:$0x2];
	s3 =	srdreg.scid  }
0x4: {  	s0 =	rddreg [dreg:$0x3];
	s1 =	stileid.u32  }
0x5: {  	s11 =	simm.s32 $0x2;
	s12 =	simm.s32 $0x1000;
	s13 =	simm.s32 $0x2000  }
0x6: {  	s14 =	simm.s32 $0x3000;
	s15 =	simm.s32 $0x80;
	s16 =	simm.s32 $0x4100  }
0x7: {  	s17 =	simm.s32 $0x4200;
	s18 =	simm.s32 $0x4180;
	s19 =	simm.s32 $0x8200  }
0x8: {  	s20 =	simm.s32 $0x1;
	s21 =	simm.s32 $0x20000;
	s22 =	simm.s32 $0xC200  }
0x9: {  	s23 =	simm.s32 $0x0;
	s7 =	sand.u32 $0x1, s3;
	s3 =	simm.s32 $0x0  }
0xa: {  	s4 =	sshll.u32 s1, $0xD;
	s8 =	sshll.u32 s7, $0xC;
	s7 =	ssub.s32 $0x2, s7  }
0xb: {  	s5 =	sadd.s32 $0x800, s5;
	s4 =	sor.u32 s8, s4;
	s9 =	sshrl.u32 s7, $0x1  }
0xc: {  	[smem:$0x7FF] =	sst s3;
	s8 =	sshrl.u32 s4, $0x3;
	s10 =	ssub.s32 s7, s9  }
0xd: {  	v0 =	vlaneseq.u32;
	_ =	strace $0x8000004A;
	s6 =	sadd.s32 s6, s8;
	s10 =	smax.u32 s10, $0x1  }
0xe: {  	v0 =	vmul.u32 $0x80, v0;
	s7 =	sadd.s32 $0x4000, s6;
	s8 =	sadd.s32 $0x8000, s6;
	s9 =	sadd.s32 $0xC000, s6  }
.LBB2_1:
0xf: {  	[tilespmem:s3], [sflag:$0x2] =	stream.linear.gather [hbm4b:s6+s3], $0x1000, $0x38;
	[tilespmem:$0xE200] =	vst v63  }
0x10: {  	_ =	swait.ge [sflag:s11], $0x1000  }
0x11: {  	[sflag:s11] =	ssyncset.done $0x0  }
0x12: {  	[sflag:s11] =	ssyncadd.s32 $0xFFFFF000  }
0x13: {  	[tilespmem:s12], [sflag:$0x2] =	stream.linear.gather [hbm4b:s7+s3], $0x1000, $0x38;
	[tilespmem:$0xE200] =	vst v63  }
0x14: {  	_ =	swait.ge [sflag:s11], $0x1000  }
0x15: {  	[sflag:s11] =	ssyncset.done $0x0  }
0x16: {  	[sflag:s11] =	ssyncadd.s32 $0xFFFFF000  }
0x17: {  	[tilespmem:s13], [sflag:$0x2] =	stream.linear.gather [hbm4b:s8+s3], $0x1000, $0x38;
	[tilespmem:$0xE200] =	vst v63  }
0x18: {  	_ =	swait.ge [sflag:s11], $0x1000  }
0x19: {  	[sflag:s11] =	ssyncset.done $0x0  }
0x1a: {  	[sflag:s11] =	ssyncadd.s32 $0xFFFFF000  }
0x1b: {  	[tilespmem:s14], [sflag:$0x2] =	stream.linear.gather [hbm4b:s9+s3], $0x1000, $0x38;
	[tilespmem:$0xE200] =	vst v63  }
0x1c: {  	_ =	swait.ge [sflag:s11], $0x1000  }
0x1d: {  	[sflag:s11] =	ssyncset.done $0x0  }
0x1e: {  	s24 =	simm.s32 $0x0;
	[sflag:s11] =	ssyncadd.s32 $0xFFFFF000  }
.LBB2_2:
0x1f: {  	s25 =	sshll.u32 s24, $0x9;
	s26 =	sshll.u32 s24, $0x7  }
0x20: {  	s25 =	sand.u32 $0x3000, s25;
	s26 =	sand.u32 $0x380, s26  }
0x21: {  	s25 =	sor.u32 s26, s25  }
0x22: {  	v1 =	vld [tilespmem:s25+$0x0];
	_ =	sdelay $0x2  }
0x23: {  	s29 =	smul.u32 $0x963D, s24;
	_ =	sdelay $0x1  }
0x24: {  	v1 =	vadd.s32 s29, v1  }
0x25: {  	[tilespmem:$0x4000] =	vst v1;
	v1 =	vshrl.u32 v1, $0x3  }
0x26: {  	[tilespmem:$0x4100] =	vst v1  }
0x27: {  	v1 =	vld [tilespmem:s25+$0x10];
	_ =	sdelay $0x4  }
0x28: {  	v1 =	vadd.s32 s29, v1  }
0x29: {  	[tilespmem:$0x4010] =	vst v1;
	v1 =	vshrl.u32 v1, $0x3  }
0x2a: {  	[tilespmem:$0x4110] =	vst v1  }
0x2b: {  	v1 =	vld [tilespmem:s25+$0x20];
	_ =	sdelay $0x4  }
0x2c: {  	v1 =	vadd.s32 s29, v1  }
0x2d: {  	[tilespmem:$0x4020] =	vst v1;
	v1 =	vshrl.u32 v1, $0x3  }
0x2e: {  	[tilespmem:$0x4120] =	vst v1  }
0x2f: {  	v1 =	vld [tilespmem:s25+$0x30];
	_ =	sdelay $0x4  }
0x30: {  	v1 =	vadd.s32 s29, v1  }
0x31: {  	[tilespmem:$0x4030] =	vst v1;
	v1 =	vshrl.u32 v1, $0x3  }
0x32: {  	[tilespmem:$0x4130] =	vst v1  }
0x33: {  	v1 =	vld [tilespmem:s25+$0x40];
	_ =	sdelay $0x4  }
0x34: {  	v1 =	vadd.s32 s29, v1  }
0x35: {  	[tilespmem:$0x4040] =	vst v1;
	v1 =	vshrl.u32 v1, $0x3  }
0x36: {  	[tilespmem:$0x4140] =	vst v1  }
0x37: {  	v1 =	vld [tilespmem:s25+$0x50];
	_ =	sdelay $0x4  }
0x38: {  	v1 =	vadd.s32 s29, v1  }
0x39: {  	[tilespmem:$0x4050] =	vst v1;
	v1 =	vshrl.u32 v1, $0x3  }
0x3a: {  	[tilespmem:$0x4150] =	vst v1  }
0x3b: {  	v1 =	vld [tilespmem:s25+$0x60];
	_ =	sdelay $0x4  }
0x3c: {  	v1 =	vadd.s32 s29, v1  }
0x3d: {  	[tilespmem:$0x4060] =	vst v1;
	v1 =	vshrl.u32 v1, $0x3  }
0x3e: {  	[tilespmem:$0x4160] =	vst v1  }
0x3f: {  	v1 =	vld [tilespmem:s25+$0x70];
	_ =	sdelay $0x4  }
0x40: {  	v1 =	vadd.s32 s29, v1  }
0x41: {  	[tilespmem:$0x4070] =	vst v1;
	v1 =	vshrl.u32 v1, $0x3  }
0x42: {  	[tilespmem:$0x4170] =	vst v1  }
0x43: {  	[tilespmem:s17], [sflag:$0x1] =	stream.indirect.gather [hbm4b:s5+s15], $0x80, s16, s15, $0xb8;
	[tilespmem:$0xE200] =	vst v63  }
0x44: {  	v1 =	vld [tilespmem:s25+$0x400];
	_ =	sdelay $0x4  }
0x45: {  	v1 =	vadd.s32 s29, v1  }
0x46: {  	[tilespmem:$0x4080] =	vst v1;
	v1 =	vshrl.u32 v1, $0x3  }
0x47: {  	[tilespmem:$0x4180] =	vst v1  }
0x48: {  	v1 =	vld [tilespmem:s25+$0x410];
	_ =	sdelay $0x4  }
0x49: {  	v1 =	vadd.s32 s29, v1  }
0x4a: {  	[tilespmem:$0x4090] =	vst v1;
	v1 =	vshrl.u32 v1, $0x3  }
0x4b: {  	[tilespmem:$0x4190] =	vst v1  }
0x4c: {  	v1 =	vld [tilespmem:s25+$0x420];
	_ =	sdelay $0x4  }
0x4d: {  	v1 =	vadd.s32 s29, v1  }
0x4e: {  	[tilespmem:$0x40A0] =	vst v1;
	v1 =	vshrl.u32 v1, $0x3  }
0x4f: {  	[tilespmem:$0x41A0] =	vst v1  }
0x50: {  	v1 =	vld [tilespmem:s25+$0x430];
	_ =	sdelay $0x4  }
0x51: {  	v1 =	vadd.s32 s29, v1  }
0x52: {  	[tilespmem:$0x40B0] =	vst v1;
	v1 =	vshrl.u32 v1, $0x3  }
0x53: {  	[tilespmem:$0x41B0] =	vst v1  }
0x54: {  	v1 =	vld [tilespmem:s25+$0x440];
	_ =	sdelay $0x4  }
0x55: {  	v1 =	vadd.s32 s29, v1  }
0x56: {  	[tilespmem:$0x40C0] =	vst v1;
	v1 =	vshrl.u32 v1, $0x3  }
0x57: {  	[tilespmem:$0x41C0] =	vst v1  }
0x58: {  	v1 =	vld [tilespmem:s25+$0x450];
	_ =	sdelay $0x4  }
0x59: {  	v1 =	vadd.s32 s29, v1  }
0x5a: {  	[tilespmem:$0x40D0] =	vst v1;
	v1 =	vshrl.u32 v1, $0x3  }
0x5b: {  	[tilespmem:$0x41D0] =	vst v1  }
0x5c: {  	v1 =	vld [tilespmem:s25+$0x460];
	_ =	sdelay $0x4  }
0x5d: {  	v1 =	vadd.s32 s29, v1  }
0x5e: {  	[tilespmem:$0x40E0] =	vst v1;
	v1 =	vshrl.u32 v1, $0x3  }
0x5f: {  	[tilespmem:$0x41E0] =	vst v1  }
0x60: {  	v1 =	vld [tilespmem:s25+$0x470];
	_ =	sdelay $0x4  }
0x61: {  	v1 =	vadd.s32 s29, v1  }
0x62: {  	[tilespmem:$0x40F0] =	vst v1;
	v1 =	vshrl.u32 v1, $0x3  }
0x63: {  	[tilespmem:$0x41F0] =	vst v1  }
0x64: {  	[tilespmem:s19], [sflag:$0x1] =	stream.indirect.gather [hbm4b:s5+s15], $0x80, s18, s15, $0xb8;
	[tilespmem:$0xE200] =	vst v63  }
0x65: {  	_ =	swait.ge [sflag:s20], $0x4000  }
0x66: {  	[sflag:s20] =	ssyncset.done $0x0  }
0x67: {  	s26 =	simm.s32 $0x4000;
	[sflag:s20] =	ssyncadd.s32 $0xFFFFC000  }
0x68: {  	v1 =	vld [tilespmem:s26+$0x0];
	_ =	sdelay $0x4  }
0x69: {  	v2 =	vshra.s32 v1, $0x1F  }
0x6a: {  	v2 =	vshrl.u32 v2, $0x1D  }
0x6b: {  	v2 =	vadd.s32 v2, v1  }
0x6c: {  	v2 =	vshrl.u32 v2, $0x3  }
0x6d: {  	s28 =	simm.s32 $0x0;
	v2 =	vshll.u32 v2, $0x3  }
0x6e: {  	v3 =	vmov s28;
	v1 =	vsub.s32 v1, v2  }
0x6f: {  	v2 =	vshll.u32 v3, $0x7;
	v1 =	vshll.u32 v1, $0x4  }
0x70: {  	v2 =	vor.u32 v0, v2;
	v3 =	vand.u32 $0xFFFFFF80, v1  }
0x71: {  	v1 =	vand.u32 $0x70, v1;
	v2 =	vadd.s32 v2, v3  }
0x72: {  	v1 =	vor.u32 v1, v2;
	_ =	sdelay $0x4  }
0x73: {  	v2 =	vld.idx.msk [tilespmem:v1+s17+$0x0], $0xffff  }
0x74: {  	v3 =	vor.u32 $0x1, v1;
	_ =	sdelay $0x2  }
0x75: {  	s28 =	simm.s32 $0xD200  }
0x76: {  	[tilespmem:s28+$0xFFFFF000] =	vst v2  }
0x77: {  	v2 =	vld.idx.msk [tilespmem:v3+s17+$0x0], $0xffff  }
0x78: {  	v3 =	vor.u32 $0x2, v1;
	_ =	sdelay $0x3  }
0x79: {  	[tilespmem:s28+$0xFFFFF080] =	vst v2  }
0x7a: {  	v2 =	vld.idx.msk [tilespmem:v3+s17+$0x0], $0xffff  }
0x7b: {  	v3 =	vor.u32 $0x3, v1;
	_ =	sdelay $0x3  }
0x7c: {  	[tilespmem:s28+$0xFFFFF100] =	vst v2  }
0x7d: {  	v2 =	vld.idx.msk [tilespmem:v3+s17+$0x0], $0xffff  }
0x7e: {  	v3 =	vor.u32 $0x4, v1;
	_ =	sdelay $0x3  }
0x7f: {  	[tilespmem:s28+$0xFFFFF180] =	vst v2  }
0x80: {  	v2 =	vld.idx.msk [tilespmem:v3+s17+$0x0], $0xffff  }
0x81: {  	v3 =	vor.u32 $0x5, v1;
	_ =	sdelay $0x3  }
0x82: {  	[tilespmem:s28+$0xFFFFF200] =	vst v2  }
0x83: {  	v2 =	vld.idx.msk [tilespmem:v3+s17+$0x0], $0xffff  }
0x84: {  	v3 =	vor.u32 $0x6, v1;
	_ =	sdelay $0x3  }
0x85: {  	[tilespmem:s28+$0xFFFFF280] =	vst v2  }
0x86: {  	v2 =	vld.idx.msk [tilespmem:v3+s17+$0x0], $0xffff  }
0x87: {  	v3 =	vor.u32 $0x7, v1;
	_ =	sdelay $0x3  }
0x88: {  	[tilespmem:s28+$0xFFFFF300] =	vst v2  }
0x89: {  	v2 =	vld.idx.msk [tilespmem:v3+s17+$0x0], $0xffff  }
0x8a: {  	v3 =	vor.u32 $0x8, v1;
	_ =	sdelay $0x3  }
0x8b: {  	[tilespmem:s28+$0xFFFFF380] =	vst v2  }
0x8c: {  	v2 =	vld.idx.msk [tilespmem:v3+s17+$0x0], $0xffff  }
0x8d: {  	v3 =	vor.u32 $0x9, v1;
	_ =	sdelay $0x3  }
0x8e: {  	[tilespmem:s28+$0x0] =	vst v2  }
0x8f: {  	v2 =	vld.idx.msk [tilespmem:v3+s17+$0x0], $0xffff  }
0x90: {  	v3 =	vor.u32 $0xA, v1;
	_ =	sdelay $0x3  }
0x91: {  	[tilespmem:s28+$0x80] =	vst v2  }
0x92: {  	v2 =	vld.idx.msk [tilespmem:v3+s17+$0x0], $0xffff  }
0x93: {  	v3 =	vor.u32 $0xB, v1;
	_ =	sdelay $0x3  }
0x94: {  	[tilespmem:s28+$0x100] =	vst v2  }
0x95: {  	v2 =	vld.idx.msk [tilespmem:v3+s17+$0x0], $0xffff  }
0x96: {  	v3 =	vor.u32 $0xC, v1;
	_ =	sdelay $0x3  }
0x97: {  	[tilespmem:s28+$0x180] =	vst v2  }
0x98: {  	v2 =	vld.idx.msk [tilespmem:v3+s17+$0x0], $0xffff  }
0x99: {  	v3 =	vor.u32 $0xD, v1;
	_ =	sdelay $0x3  }
0x9a: {  	[tilespmem:s28+$0x200] =	vst v2  }
0x9b: {  	v2 =	vld.idx.msk [tilespmem:v3+s17+$0x0], $0xffff  }
0x9c: {  	v3 =	vor.u32 $0xE, v1;
	_ =	sdelay $0x3  }
0x9d: {  	[tilespmem:s28+$0x280] =	vst v2  }
0x9e: {  	v2 =	vld.idx.msk [tilespmem:v3+s17+$0x0], $0xffff  }
0x9f: {  	v3 =	vor.u32 $0xF, v1;
	_ =	sdelay $0x3  }
0xa0: {  	[tilespmem:s28+$0x300] =	vst v2  }
0xa1: {  	v1 =	vmov s29;
	s29 =	simm.s32 $0x10;
	v2 =	vld.idx.msk [tilespmem:v3+s17+$0x0], $0xffff  }
.LBB2_3:
0xa2: {  	_ =	sdelay $0x3  }
0xa3: {  	p0 =	sne.s32 s29, $0x70;
	s26 =	sadd.s32 $0x10, s26;
	[tilespmem:s28+$0x380] =	vst v2;
	s28 =	sadd.s32 $0x10, s28  }
0xa4: {  	s30 =	smov.u32 s29;
	s29 =	sadd.s32 $0x10, s29;
	v2 =	vld [tilespmem:s26+$0x0];
	_ =	sdelay $0x4  }
0xa5: {  	v3 =	vshra.s32 v2, $0x1F  }
0xa6: {  	v3 =	vshrl.u32 v3, $0x1D  }
0xa7: {  	v3 =	vadd.s32 v3, v2  }
0xa8: {  	v3 =	vshrl.u32 v3, $0x3  }
0xa9: {  	v3 =	vshll.u32 v3, $0x3  }
0xaa: {  	v4 =	vmov s30;
	v2 =	vsub.s32 v2, v3  }
0xab: {  	v3 =	vshll.u32 v4, $0x7;
	v2 =	vshll.u32 v2, $0x4  }
0xac: {  	v3 =	vor.u32 v0, v3;
	v4 =	vand.u32 $0xFFFFFF80, v2  }
0xad: {  	v2 =	vand.u32 $0x70, v2;
	v3 =	vadd.s32 v3, v4  }
0xae: {  	v2 =	vor.u32 v2, v3;
	_ =	sdelay $0x4  }
0xaf: {  	v3 =	vld.idx.msk [tilespmem:v2+s17+$0x0], $0xffff;
	_ =	sdelay $0x1  }
0xb0: {  	v4 =	vor.u32 $0x1, v2;
	_ =	sdelay $0x3  }
0xb1: {  	[tilespmem:s28+$0xFFFFF000] =	vst v3  }
0xb2: {  	v3 =	vld.idx.msk [tilespmem:v4+s17+$0x0], $0xffff;
	_ =	sdelay $0x1  }
0xb3: {  	v4 =	vor.u32 $0x2, v2;
	_ =	sdelay $0x3  }
0xb4: {  	[tilespmem:s28+$0xFFFFF080] =	vst v3  }
0xb5: {  	v3 =	vld.idx.msk [tilespmem:v4+s17+$0x0], $0xffff;
	_ =	sdelay $0x1  }
0xb6: {  	v4 =	vor.u32 $0x3, v2;
	_ =	sdelay $0x3  }
0xb7: {  	[tilespmem:s28+$0xFFFFF100] =	vst v3  }
0xb8: {  	v3 =	vld.idx.msk [tilespmem:v4+s17+$0x0], $0xffff;
	_ =	sdelay $0x1  }
0xb9: {  	v4 =	vor.u32 $0x4, v2;
	_ =	sdelay $0x3  }
0xba: {  	[tilespmem:s28+$0xFFFFF180] =	vst v3  }
0xbb: {  	v3 =	vld.idx.msk [tilespmem:v4+s17+$0x0], $0xffff;
	_ =	sdelay $0x1  }
0xbc: {  	v4 =	vor.u32 $0x5, v2;
	_ =	sdelay $0x3  }
0xbd: {  	[tilespmem:s28+$0xFFFFF200] =	vst v3  }
0xbe: {  	v3 =	vld.idx.msk [tilespmem:v4+s17+$0x0], $0xffff;
	_ =	sdelay $0x1  }
0xbf: {  	v4 =	vor.u32 $0x6, v2;
	_ =	sdelay $0x3  }
0xc0: {  	[tilespmem:s28+$0xFFFFF280] =	vst v3  }
0xc1: {  	v3 =	vld.idx.msk [tilespmem:v4+s17+$0x0], $0xffff;
	_ =	sdelay $0x1  }
0xc2: {  	v4 =	vor.u32 $0x7, v2;
	_ =	sdelay $0x3  }
0xc3: {  	[tilespmem:s28+$0xFFFFF300] =	vst v3  }
0xc4: {  	v3 =	vld.idx.msk [tilespmem:v4+s17+$0x0], $0xffff;
	_ =	sdelay $0x1  }
0xc5: {  	v4 =	vor.u32 $0x8, v2;
	_ =	sdelay $0x3  }
0xc6: {  	[tilespmem:s28+$0xFFFFF380] =	vst v3  }
0xc7: {  	v3 =	vld.idx.msk [tilespmem:v4+s17+$0x0], $0xffff;
	_ =	sdelay $0x1  }
0xc8: {  	v4 =	vor.u32 $0x9, v2;
	_ =	sdelay $0x3  }
0xc9: {  	[tilespmem:s28+$0x0] =	vst v3  }
0xca: {  	v3 =	vld.idx.msk [tilespmem:v4+s17+$0x0], $0xffff;
	_ =	sdelay $0x1  }
0xcb: {  	v4 =	vor.u32 $0xA, v2;
	_ =	sdelay $0x3  }
0xcc: {  	[tilespmem:s28+$0x80] =	vst v3  }
0xcd: {  	v3 =	vld.idx.msk [tilespmem:v4+s17+$0x0], $0xffff;
	_ =	sdelay $0x1  }
0xce: {  	v4 =	vor.u32 $0xB, v2;
	_ =	sdelay $0x3  }
0xcf: {  	[tilespmem:s28+$0x100] =	vst v3  }
0xd0: {  	v3 =	vld.idx.msk [tilespmem:v4+s17+$0x0], $0xffff;
	_ =	sdelay $0x1  }
0xd1: {  	v4 =	vor.u32 $0xC, v2;
	_ =	sdelay $0x3  }
0xd2: {  	[tilespmem:s28+$0x180] =	vst v3  }
0xd3: {  	v3 =	vld.idx.msk [tilespmem:v4+s17+$0x0], $0xffff;
	_ =	sdelay $0x1  }
0xd4: {  	v4 =	vor.u32 $0xD, v2;
	_ =	sdelay $0x3  }
0xd5: {  	[tilespmem:s28+$0x200] =	vst v3  }
0xd6: {  	v3 =	vld.idx.msk [tilespmem:v4+s17+$0x0], $0xffff;
	_ =	sdelay $0x1  }
0xd7: {  	v4 =	vor.u32 $0xE, v2;
	_ =	sdelay $0x3  }
0xd8: {  	[tilespmem:s28+$0x280] =	vst v3  }
0xd9: {  	v3 =	vld.idx.msk [tilespmem:v4+s17+$0x0], $0xffff;
	_ =	sdelay $0x1  }
0xda: {  	v2 =	vor.u32 $0xF, v2  }
.Ltmp0:
0xdb: {  	(pc) =	sbr.rel @p0 .LBB2_3-.Ltmp0, $3  }
0xdc: {  	_ =	sdelay $0x1  }
0xdd: {  	[tilespmem:s28+$0x300] =	vst v3  }
0xde: {  	v2 =	vld.idx.msk [tilespmem:v2+s17+$0x0], $0xffff  }
0xdf: {  	_ =	sdelay $0x3  }
0xe0: {  	[tilespmem:s28+$0x380] =	vst v2  }
0xe1: {  	v2 =	vld [tilespmem:s25+$0x800];
	_ =	sdelay $0x4  }
0xe2: {  	v2 =	vadd.s32 v1, v2  }
0xe3: {  	[tilespmem:$0x4000] =	vst v2;
	v2 =	vshrl.u32 v2, $0x3  }
0xe4: {  	[tilespmem:$0x4100] =	vst v2  }
0xe5: {  	v2 =	vld [tilespmem:s25+$0x810];
	_ =	sdelay $0x4  }
0xe6: {  	v2 =	vadd.s32 v1, v2  }
0xe7: {  	[tilespmem:$0x4010] =	vst v2;
	v2 =	vshrl.u32 v2, $0x3  }
0xe8: {  	[tilespmem:$0x4110] =	vst v2  }
0xe9: {  	v2 =	vld [tilespmem:s25+$0x820];
	_ =	sdelay $0x4  }
0xea: {  	v2 =	vadd.s32 v1, v2  }
0xeb: {  	[tilespmem:$0x4020] =	vst v2;
	v2 =	vshrl.u32 v2, $0x3  }
0xec: {  	[tilespmem:$0x4120] =	vst v2  }
0xed: {  	v2 =	vld [tilespmem:s25+$0x830];
	_ =	sdelay $0x4  }
0xee: {  	v2 =	vadd.s32 v1, v2  }
0xef: {  	[tilespmem:$0x4030] =	vst v2;
	v2 =	vshrl.u32 v2, $0x3  }
0xf0: {  	[tilespmem:$0x4130] =	vst v2  }
0xf1: {  	v2 =	vld [tilespmem:s25+$0x840];
	_ =	sdelay $0x4  }
0xf2: {  	v2 =	vadd.s32 v1, v2  }
0xf3: {  	[tilespmem:$0x4040] =	vst v2;
	v2 =	vshrl.u32 v2, $0x3  }
0xf4: {  	[tilespmem:$0x4140] =	vst v2  }
0xf5: {  	v2 =	vld [tilespmem:s25+$0x850];
	_ =	sdelay $0x4  }
0xf6: {  	v2 =	vadd.s32 v1, v2  }
0xf7: {  	[tilespmem:$0x4050] =	vst v2;
	v2 =	vshrl.u32 v2, $0x3  }
0xf8: {  	[tilespmem:$0x4150] =	vst v2  }
0xf9: {  	v2 =	vld [tilespmem:s25+$0x860];
	_ =	sdelay $0x4  }
0xfa: {  	v2 =	vadd.s32 v1, v2  }
0xfb: {  	[tilespmem:$0x4060] =	vst v2;
	v2 =	vshrl.u32 v2, $0x3  }
0xfc: {  	[tilespmem:$0x4160] =	vst v2  }
0xfd: {  	v2 =	vld [tilespmem:s25+$0x870];
	_ =	sdelay $0x4  }
0xfe: {  	v2 =	vadd.s32 v1, v2  }
0xff: {  	[tilespmem:$0x4070] =	vst v2;
	v2 =	vshrl.u32 v2, $0x3  }
0x100: {  	[tilespmem:$0x4170] =	vst v2  }
0x101: {  	[tilespmem:s17], [sflag:$0x1] =	stream.indirect.gather [hbm4b:s5+s15], $0x80, s16, s15, $0xb8;
	[tilespmem:$0xE200] =	vst v63  }
0x102: {  	_ =	swait.ge [sflag:s20], $0x4000  }
0x103: {  	[sflag:s20] =	ssyncset.done $0x0  }
0x104: {  	s26 =	simm.s32 $0x4080;
	[sflag:s20] =	ssyncadd.s32 $0xFFFFC000  }
0x105: {  	v2 =	vld [tilespmem:s26+$0x0];
	_ =	sdelay $0x4  }
0x106: {  	v3 =	vshra.s32 v2, $0x1F  }
0x107: {  	v3 =	vshrl.u32 v3, $0x1D  }
0x108: {  	v3 =	vadd.s32 v3, v2  }
0x109: {  	v3 =	vshrl.u32 v3, $0x3  }
0x10a: {  	s28 =	simm.s32 $0x0;
	v3 =	vshll.u32 v3, $0x3  }
0x10b: {  	v4 =	vmov s28;
	v2 =	vsub.s32 v2, v3  }
0x10c: {  	v3 =	vshll.u32 v4, $0x7;
	v2 =	vshll.u32 v2, $0x4  }
0x10d: {  	v3 =	vor.u32 v0, v3;
	v49 =	vand.u32 $0xFFFFFF80, v2  }
0x10e: {  	v2 =	vand.u32 $0x70, v2;
	v3 =	vadd.s32 v3, v49  }
0x10f: {  	v2 =	vor.u32 v2, v3;
	_ =	sdelay $0x4  }
0x110: {  	v3 =	vld.idx.msk [tilespmem:v2+s19+$0x0], $0xffff  }
0x111: {  	v50 =	vor.u32 $0x1, v2;
	_ =	sdelay $0x2  }
0x112: {  	s28 =	simm.s32 $0xD600  }
0x113: {  	[tilespmem:s28+$0xFFFFF000] =	vst v3  }
0x114: {  	v3 =	vld.idx.msk [tilespmem:v50+s19+$0x0], $0xffff  }
0x115: {  	v51 =	vor.u32 $0x2, v2;
	_ =	sdelay $0x3  }
0x116: {  	[tilespmem:s28+$0xFFFFF080] =	vst v3  }
0x117: {  	v3 =	vld.idx.msk [tilespmem:v51+s19+$0x0], $0xffff  }
0x118: {  	v52 =	vor.u32 $0x3, v2;
	_ =	sdelay $0x3  }
0x119: {  	[tilespmem:s28+$0xFFFFF100] =	vst v3  }
0x11a: {  	v3 =	vld.idx.msk [tilespmem:v52+s19+$0x0], $0xffff  }
0x11b: {  	v53 =	vor.u32 $0x4, v2;
	_ =	sdelay $0x3  }
0x11c: {  	[tilespmem:s28+$0xFFFFF180] =	vst v3  }
0x11d: {  	v3 =	vld.idx.msk [tilespmem:v53+s19+$0x0], $0xffff  }
0x11e: {  	v54 =	vor.u32 $0x5, v2;
	_ =	sdelay $0x3  }
0x11f: {  	[tilespmem:s28+$0xFFFFF200] =	vst v3  }
0x120: {  	v3 =	vld.idx.msk [tilespmem:v54+s19+$0x0], $0xffff  }
0x121: {  	v55 =	vor.u32 $0x6, v2;
	_ =	sdelay $0x3  }
0x122: {  	[tilespmem:s28+$0xFFFFF280] =	vst v3  }
0x123: {  	v3 =	vld.idx.msk [tilespmem:v55+s19+$0x0], $0xffff  }
0x124: {  	v56 =	vor.u32 $0x7, v2;
	_ =	sdelay $0x3  }
0x125: {  	[tilespmem:s28+$0xFFFFF300] =	vst v3  }
0x126: {  	v3 =	vld.idx.msk [tilespmem:v56+s19+$0x0], $0xffff  }
0x127: {  	v57 =	vor.u32 $0x8, v2;
	_ =	sdelay $0x3  }
0x128: {  	[tilespmem:s28+$0xFFFFF380] =	vst v3  }
0x129: {  	v3 =	vld.idx.msk [tilespmem:v57+s19+$0x0], $0xffff  }
0x12a: {  	v58 =	vor.u32 $0x9, v2;
	_ =	sdelay $0x3  }
0x12b: {  	[tilespmem:s28+$0x0] =	vst v3  }
0x12c: {  	v3 =	vld.idx.msk [tilespmem:v58+s19+$0x0], $0xffff  }
0x12d: {  	v59 =	vor.u32 $0xA, v2;
	_ =	sdelay $0x3  }
0x12e: {  	[tilespmem:s28+$0x80] =	vst v3  }
0x12f: {  	v3 =	vld.idx.msk [tilespmem:v59+s19+$0x0], $0xffff  }
0x130: {  	v60 =	vor.u32 $0xB, v2;
	_ =	sdelay $0x3  }
0x131: {  	[tilespmem:s28+$0x100] =	vst v3  }
0x132: {  	v3 =	vld.idx.msk [tilespmem:v60+s19+$0x0], $0xffff  }
0x133: {  	v61 =	vor.u32 $0xC, v2;
	_ =	sdelay $0x3  }
0x134: {  	[tilespmem:s28+$0x180] =	vst v3  }
0x135: {  	v3 =	vld.idx.msk [tilespmem:v61+s19+$0x0], $0xffff  }
0x136: {  	v62 =	vor.u32 $0xD, v2;
	_ =	sdelay $0x3  }
0x137: {  	[tilespmem:s28+$0x200] =	vst v3  }
0x138: {  	v3 =	vld.idx.msk [tilespmem:v62+s19+$0x0], $0xffff  }
0x139: {  	v63 =	vor.u32 $0xE, v2;
	_ =	sdelay $0x3  }
0x13a: {  	[tilespmem:s28+$0x280] =	vst v3  }
0x13b: {  	v3 =	vld.idx.msk [tilespmem:v63+s19+$0x0], $0xffff  }
0x13c: {  	v2 =	vor.u32 $0xF, v2;
	_ =	sdelay $0x3  }
0x13d: {  	[tilespmem:s28+$0x300] =	vst v3  }
0x13e: {  	s29 =	simm.s32 $0x10;
	v2 =	vld.idx.msk [tilespmem:v2+s19+$0x0], $0xffff  }
.LBB2_5:
0x13f: {  	_ =	sdelay $0x3  }
0x140: {  	p0 =	sne.s32 s29, $0x70;
	s26 =	sadd.s32 $0x10, s26;
	[tilespmem:s28+$0x380] =	vst v2;
	s28 =	sadd.s32 $0x10, s28  }
0x141: {  	s30 =	smov.u32 s29;
	s29 =	sadd.s32 $0x10, s29;
	v2 =	vld [tilespmem:s26+$0x0];
	_ =	sdelay $0x4  }
0x142: {  	v3 =	vshra.s32 v2, $0x1F  }
0x143: {  	v3 =	vshrl.u32 v3, $0x1D  }
0x144: {  	v3 =	vadd.s32 v3, v2  }
0x145: {  	v3 =	vshrl.u32 v3, $0x3  }
0x146: {  	v3 =	vshll.u32 v3, $0x3  }
0x147: {  	v4 =	vmov s30;
	v2 =	vsub.s32 v2, v3  }
0x148: {  	v3 =	vshll.u32 v4, $0x7;
	v2 =	vshll.u32 v2, $0x4  }
0x149: {  	v3 =	vor.u32 v0, v3;
	v4 =	vand.u32 $0xFFFFFF80, v2  }
0x14a: {  	v2 =	vand.u32 $0x70, v2;
	v3 =	vadd.s32 v3, v4  }
0x14b: {  	v2 =	vor.u32 v2, v3;
	_ =	sdelay $0x4  }
0x14c: {  	v3 =	vld.idx.msk [tilespmem:v2+s19+$0x0], $0xffff;
	_ =	sdelay $0x1  }
0x14d: {  	v4 =	vor.u32 $0x1, v2;
	_ =	sdelay $0x3  }
0x14e: {  	[tilespmem:s28+$0xFFFFF000] =	vst v3  }
0x14f: {  	v3 =	vld.idx.msk [tilespmem:v4+s19+$0x0], $0xffff;
	_ =	sdelay $0x1  }
0x150: {  	v4 =	vor.u32 $0x2, v2;
	_ =	sdelay $0x3  }
0x151: {  	[tilespmem:s28+$0xFFFFF080] =	vst v3  }
0x152: {  	v3 =	vld.idx.msk [tilespmem:v4+s19+$0x0], $0xffff;
	_ =	sdelay $0x1  }
0x153: {  	v4 =	vor.u32 $0x3, v2;
	_ =	sdelay $0x3  }
0x154: {  	[tilespmem:s28+$0xFFFFF100] =	vst v3  }
0x155: {  	v3 =	vld.idx.msk [tilespmem:v4+s19+$0x0], $0xffff;
	_ =	sdelay $0x1  }
0x156: {  	v4 =	vor.u32 $0x4, v2;
	_ =	sdelay $0x3  }
0x157: {  	[tilespmem:s28+$0xFFFFF180] =	vst v3  }
0x158: {  	v3 =	vld.idx.msk [tilespmem:v4+s19+$0x0], $0xffff;
	_ =	sdelay $0x1  }
0x159: {  	v4 =	vor.u32 $0x5, v2;
	_ =	sdelay $0x3  }
0x15a: {  	[tilespmem:s28+$0xFFFFF200] =	vst v3  }
0x15b: {  	v3 =	vld.idx.msk [tilespmem:v4+s19+$0x0], $0xffff;
	_ =	sdelay $0x1  }
0x15c: {  	v4 =	vor.u32 $0x6, v2;
	_ =	sdelay $0x3  }
0x15d: {  	[tilespmem:s28+$0xFFFFF280] =	vst v3  }
0x15e: {  	v3 =	vld.idx.msk [tilespmem:v4+s19+$0x0], $0xffff;
	_ =	sdelay $0x1  }
0x15f: {  	v4 =	vor.u32 $0x7, v2;
	_ =	sdelay $0x3  }
0x160: {  	[tilespmem:s28+$0xFFFFF300] =	vst v3  }
0x161: {  	v3 =	vld.idx.msk [tilespmem:v4+s19+$0x0], $0xffff;
	_ =	sdelay $0x1  }
0x162: {  	v4 =	vor.u32 $0x8, v2;
	_ =	sdelay $0x3  }
0x163: {  	[tilespmem:s28+$0xFFFFF380] =	vst v3  }
0x164: {  	v3 =	vld.idx.msk [tilespmem:v4+s19+$0x0], $0xffff;
	_ =	sdelay $0x1  }
0x165: {  	v4 =	vor.u32 $0x9, v2;
	_ =	sdelay $0x3  }
0x166: {  	[tilespmem:s28+$0x0] =	vst v3  }
0x167: {  	v3 =	vld.idx.msk [tilespmem:v4+s19+$0x0], $0xffff;
	_ =	sdelay $0x1  }
0x168: {  	v4 =	vor.u32 $0xA, v2;
	_ =	sdelay $0x3  }
0x169: {  	[tilespmem:s28+$0x80] =	vst v3  }
0x16a: {  	v3 =	vld.idx.msk [tilespmem:v4+s19+$0x0], $0xffff;
	_ =	sdelay $0x1  }
0x16b: {  	v4 =	vor.u32 $0xB, v2;
	_ =	sdelay $0x3  }
0x16c: {  	[tilespmem:s28+$0x100] =	vst v3  }
0x16d: {  	v3 =	vld.idx.msk [tilespmem:v4+s19+$0x0], $0xffff;
	_ =	sdelay $0x1  }
0x16e: {  	v4 =	vor.u32 $0xC, v2;
	_ =	sdelay $0x3  }
0x16f: {  	[tilespmem:s28+$0x180] =	vst v3  }
0x170: {  	v3 =	vld.idx.msk [tilespmem:v4+s19+$0x0], $0xffff;
	_ =	sdelay $0x1  }
0x171: {  	v4 =	vor.u32 $0xD, v2;
	_ =	sdelay $0x3  }
0x172: {  	[tilespmem:s28+$0x200] =	vst v3  }
0x173: {  	v3 =	vld.idx.msk [tilespmem:v4+s19+$0x0], $0xffff;
	_ =	sdelay $0x1  }
0x174: {  	v4 =	vor.u32 $0xE, v2;
	_ =	sdelay $0x3  }
0x175: {  	[tilespmem:s28+$0x280] =	vst v3  }
0x176: {  	v3 =	vld.idx.msk [tilespmem:v4+s19+$0x0], $0xffff;
	_ =	sdelay $0x1  }
0x177: {  	v2 =	vor.u32 $0xF, v2  }
.Ltmp1:
0x178: {  	(pc) =	sbr.rel @p0 .LBB2_5-.Ltmp1, $3  }
0x179: {  	_ =	sdelay $0x1  }
0x17a: {  	[tilespmem:s28+$0x300] =	vst v3  }
0x17b: {  	v2 =	vld.idx.msk [tilespmem:v2+s19+$0x0], $0xffff  }
0x17c: {  	_ =	sdelay $0x3  }
0x17d: {  	[tilespmem:s28+$0x380] =	vst v2  }
0x17e: {  	v2 =	vld [tilespmem:s25+$0xC00];
	_ =	sdelay $0x4  }
0x17f: {  	v2 =	vadd.s32 v1, v2  }
0x180: {  	[tilespmem:$0x4080] =	vst v2;
	v2 =	vshrl.u32 v2, $0x3  }
0x181: {  	[tilespmem:$0x4180] =	vst v2  }
0x182: {  	v2 =	vld [tilespmem:s25+$0xC10];
	_ =	sdelay $0x4  }
0x183: {  	v2 =	vadd.s32 v1, v2  }
0x184: {  	[tilespmem:$0x4090] =	vst v2;
	v2 =	vshrl.u32 v2, $0x3  }
0x185: {  	[tilespmem:$0x4190] =	vst v2  }
0x186: {  	v2 =	vld [tilespmem:s25+$0xC20];
	_ =	sdelay $0x4  }
0x187: {  	v2 =	vadd.s32 v1, v2  }
0x188: {  	[tilespmem:$0x40A0] =	vst v2;
	v2 =	vshrl.u32 v2, $0x3  }
0x189: {  	[tilespmem:$0x41A0] =	vst v2  }
0x18a: {  	v2 =	vld [tilespmem:s25+$0xC30];
	_ =	sdelay $0x4  }
0x18b: {  	v2 =	vadd.s32 v1, v2  }
0x18c: {  	[tilespmem:$0x40B0] =	vst v2;
	v2 =	vshrl.u32 v2, $0x3  }
0x18d: {  	[tilespmem:$0x41B0] =	vst v2  }
0x18e: {  	v2 =	vld [tilespmem:s25+$0xC40];
	_ =	sdelay $0x4  }
0x18f: {  	v2 =	vadd.s32 v1, v2  }
0x190: {  	[tilespmem:$0x40C0] =	vst v2;
	v2 =	vshrl.u32 v2, $0x3  }
0x191: {  	[tilespmem:$0x41C0] =	vst v2  }
0x192: {  	v2 =	vld [tilespmem:s25+$0xC50];
	_ =	sdelay $0x4  }
0x193: {  	v2 =	vadd.s32 v1, v2  }
0x194: {  	[tilespmem:$0x40D0] =	vst v2;
	v2 =	vshrl.u32 v2, $0x3  }
0x195: {  	[tilespmem:$0x41D0] =	vst v2  }
0x196: {  	v2 =	vld [tilespmem:s25+$0xC60];
	_ =	sdelay $0x4  }
0x197: {  	v2 =	vadd.s32 v1, v2  }
0x198: {  	[tilespmem:$0x40E0] =	vst v2;
	v2 =	vshrl.u32 v2, $0x3  }
0x199: {  	[tilespmem:$0x41E0] =	vst v2  }
0x19a: {  	v2 =	vld [tilespmem:s25+$0xC70];
	_ =	sdelay $0x4  }
0x19b: {  	v1 =	vadd.s32 v1, v2  }
0x19c: {  	[tilespmem:$0x40F0] =	vst v1;
	v1 =	vshrl.u32 v1, $0x3  }
0x19d: {  	[tilespmem:$0x41F0] =	vst v1  }
0x19e: {  	[tilespmem:s19], [sflag:$0x1] =	stream.indirect.gather [hbm4b:s5+s15], $0x80, s18, s15, $0xb8;
	[tilespmem:$0xE200] =	vst v63  }
0x19f: {  	_ =	swait.ge [sflag:s20], $0x4000  }
0x1a0: {  	[sflag:s20] =	ssyncset.done $0x0  }
0x1a1: {  	s25 =	simm.s32 $0x4000;
	[sflag:s20] =	ssyncadd.s32 $0xFFFFC000  }
0x1a2: {  	v1 =	vld [tilespmem:s25+$0x0];
	_ =	sdelay $0x4  }
0x1a3: {  	v2 =	vshra.s32 v1, $0x1F  }
0x1a4: {  	v2 =	vshrl.u32 v2, $0x1D  }
0x1a5: {  	v2 =	vadd.s32 v2, v1  }
0x1a6: {  	v2 =	vshrl.u32 v2, $0x3  }
0x1a7: {  	s26 =	simm.s32 $0x0;
	v2 =	vshll.u32 v2, $0x3  }
0x1a8: {  	v3 =	vmov s26;
	v1 =	vsub.s32 v1, v2  }
0x1a9: {  	v2 =	vshll.u32 v3, $0x7;
	v1 =	vshll.u32 v1, $0x4  }
0x1aa: {  	v2 =	vor.u32 v0, v2;
	v3 =	vand.u32 $0xFFFFFF80, v1  }
0x1ab: {  	v1 =	vand.u32 $0x70, v1;
	v2 =	vadd.s32 v2, v3  }
0x1ac: {  	v1 =	vor.u32 v1, v2;
	_ =	sdelay $0x4  }
0x1ad: {  	v2 =	vld.idx.msk [tilespmem:v1+s17+$0x0], $0xffff  }
0x1ae: {  	v3 =	vor.u32 $0x1, v1;
	_ =	sdelay $0x2  }
0x1af: {  	s26 =	simm.s32 $0xDA00  }
0x1b0: {  	[tilespmem:s26+$0xFFFFF000] =	vst v2  }
0x1b1: {  	v2 =	vld.idx.msk [tilespmem:v3+s17+$0x0], $0xffff  }
0x1b2: {  	v3 =	vor.u32 $0x2, v1;
	_ =	sdelay $0x3  }
0x1b3: {  	[tilespmem:s26+$0xFFFFF080] =	vst v2  }
0x1b4: {  	v2 =	vld.idx.msk [tilespmem:v3+s17+$0x0], $0xffff  }
0x1b5: {  	v3 =	vor.u32 $0x3, v1;
	_ =	sdelay $0x3  }
0x1b6: {  	[tilespmem:s26+$0xFFFFF100] =	vst v2  }
0x1b7: {  	v2 =	vld.idx.msk [tilespmem:v3+s17+$0x0], $0xffff  }
0x1b8: {  	v3 =	vor.u32 $0x4, v1;
	_ =	sdelay $0x3  }
0x1b9: {  	[tilespmem:s26+$0xFFFFF180] =	vst v2  }
0x1ba: {  	v2 =	vld.idx.msk [tilespmem:v3+s17+$0x0], $0xffff  }
0x1bb: {  	v3 =	vor.u32 $0x5, v1;
	_ =	sdelay $0x3  }
0x1bc: {  	[tilespmem:s26+$0xFFFFF200] =	vst v2  }
0x1bd: {  	v2 =	vld.idx.msk [tilespmem:v3+s17+$0x0], $0xffff  }
0x1be: {  	v3 =	vor.u32 $0x6, v1;
	_ =	sdelay $0x3  }
0x1bf: {  	[tilespmem:s26+$0xFFFFF280] =	vst v2  }
0x1c0: {  	v2 =	vld.idx.msk [tilespmem:v3+s17+$0x0], $0xffff  }
0x1c1: {  	v3 =	vor.u32 $0x7, v1;
	_ =	sdelay $0x3  }
0x1c2: {  	[tilespmem:s26+$0xFFFFF300] =	vst v2  }
0x1c3: {  	v2 =	vld.idx.msk [tilespmem:v3+s17+$0x0], $0xffff  }
0x1c4: {  	v3 =	vor.u32 $0x8, v1;
	_ =	sdelay $0x3  }
0x1c5: {  	[tilespmem:s26+$0xFFFFF380] =	vst v2  }
0x1c6: {  	v2 =	vld.idx.msk [tilespmem:v3+s17+$0x0], $0xffff  }
0x1c7: {  	v3 =	vor.u32 $0x9, v1;
	_ =	sdelay $0x3  }
0x1c8: {  	[tilespmem:s26+$0x0] =	vst v2  }
0x1c9: {  	v2 =	vld.idx.msk [tilespmem:v3+s17+$0x0], $0xffff  }
0x1ca: {  	v3 =	vor.u32 $0xA, v1;
	_ =	sdelay $0x3  }
0x1cb: {  	[tilespmem:s26+$0x80] =	vst v2  }
0x1cc: {  	v2 =	vld.idx.msk [tilespmem:v3+s17+$0x0], $0xffff  }
0x1cd: {  	v3 =	vor.u32 $0xB, v1;
	_ =	sdelay $0x3  }
0x1ce: {  	[tilespmem:s26+$0x100] =	vst v2  }
0x1cf: {  	v2 =	vld.idx.msk [tilespmem:v3+s17+$0x0], $0xffff  }
0x1d0: {  	v3 =	vor.u32 $0xC, v1;
	_ =	sdelay $0x3  }
0x1d1: {  	[tilespmem:s26+$0x180] =	vst v2  }
0x1d2: {  	v2 =	vld.idx.msk [tilespmem:v3+s17+$0x0], $0xffff  }
0x1d3: {  	v3 =	vor.u32 $0xD, v1;
	_ =	sdelay $0x3  }
0x1d4: {  	[tilespmem:s26+$0x200] =	vst v2  }
0x1d5: {  	v2 =	vld.idx.msk [tilespmem:v3+s17+$0x0], $0xffff  }
0x1d6: {  	v3 =	vor.u32 $0xE, v1;
	_ =	sdelay $0x3  }
0x1d7: {  	[tilespmem:s26+$0x280] =	vst v2  }
0x1d8: {  	v2 =	vld.idx.msk [tilespmem:v3+s17+$0x0], $0xffff  }
0x1d9: {  	v1 =	vor.u32 $0xF, v1;
	_ =	sdelay $0x3  }
0x1da: {  	[tilespmem:s26+$0x300] =	vst v2  }
0x1db: {  	s28 =	simm.s32 $0x10;
	v1 =	vld.idx.msk [tilespmem:v1+s17+$0x0], $0xffff  }
.LBB2_7:
0x1dc: {  	_ =	sdelay $0x3  }
0x1dd: {  	p0 =	sne.s32 s28, $0x70;
	s25 =	sadd.s32 $0x10, s25;
	[tilespmem:s26+$0x380] =	vst v1;
	s26 =	sadd.s32 $0x10, s26  }
0x1de: {  	s29 =	smov.u32 s28;
	s28 =	sadd.s32 $0x10, s28;
	v1 =	vld [tilespmem:s25+$0x0];
	_ =	sdelay $0x4  }
0x1df: {  	v2 =	vshra.s32 v1, $0x1F  }
0x1e0: {  	v2 =	vshrl.u32 v2, $0x1D  }
0x1e1: {  	v2 =	vadd.s32 v2, v1  }
0x1e2: {  	v2 =	vshrl.u32 v2, $0x3  }
0x1e3: {  	v2 =	vshll.u32 v2, $0x3  }
0x1e4: {  	v3 =	vmov s29;
	v1 =	vsub.s32 v1, v2  }
0x1e5: {  	v2 =	vshll.u32 v3, $0x7;
	v1 =	vshll.u32 v1, $0x4  }
0x1e6: {  	v2 =	vor.u32 v0, v2;
	v3 =	vand.u32 $0xFFFFFF80, v1  }
0x1e7: {  	v1 =	vand.u32 $0x70, v1;
	v2 =	vadd.s32 v2, v3  }
0x1e8: {  	v1 =	vor.u32 v1, v2;
	_ =	sdelay $0x4  }
0x1e9: {  	v2 =	vld.idx.msk [tilespmem:v1+s17+$0x0], $0xffff;
	_ =	sdelay $0x1  }
0x1ea: {  	v3 =	vor.u32 $0x1, v1;
	_ =	sdelay $0x3  }
0x1eb: {  	[tilespmem:s26+$0xFFFFF000] =	vst v2  }
0x1ec: {  	v2 =	vld.idx.msk [tilespmem:v3+s17+$0x0], $0xffff;
	_ =	sdelay $0x1  }
0x1ed: {  	v3 =	vor.u32 $0x2, v1;
	_ =	sdelay $0x3  }
0x1ee: {  	[tilespmem:s26+$0xFFFFF080] =	vst v2  }
0x1ef: {  	v2 =	vld.idx.msk [tilespmem:v3+s17+$0x0], $0xffff;
	_ =	sdelay $0x1  }
0x1f0: {  	v3 =	vor.u32 $0x3, v1;
	_ =	sdelay $0x3  }
0x1f1: {  	[tilespmem:s26+$0xFFFFF100] =	vst v2  }
0x1f2: {  	v2 =	vld.idx.msk [tilespmem:v3+s17+$0x0], $0xffff;
	_ =	sdelay $0x1  }
0x1f3: {  	v3 =	vor.u32 $0x4, v1;
	_ =	sdelay $0x3  }
0x1f4: {  	[tilespmem:s26+$0xFFFFF180] =	vst v2  }
0x1f5: {  	v2 =	vld.idx.msk [tilespmem:v3+s17+$0x0], $0xffff;
	_ =	sdelay $0x1  }
0x1f6: {  	v3 =	vor.u32 $0x5, v1;
	_ =	sdelay $0x3  }
0x1f7: {  	[tilespmem:s26+$0xFFFFF200] =	vst v2  }
0x1f8: {  	v2 =	vld.idx.msk [tilespmem:v3+s17+$0x0], $0xffff;
	_ =	sdelay $0x1  }
0x1f9: {  	v3 =	vor.u32 $0x6, v1;
	_ =	sdelay $0x3  }
0x1fa: {  	[tilespmem:s26+$0xFFFFF280] =	vst v2  }
0x1fb: {  	v2 =	vld.idx.msk [tilespmem:v3+s17+$0x0], $0xffff;
	_ =	sdelay $0x1  }
0x1fc: {  	v3 =	vor.u32 $0x7, v1;
	_ =	sdelay $0x3  }
0x1fd: {  	[tilespmem:s26+$0xFFFFF300] =	vst v2  }
0x1fe: {  	v2 =	vld.idx.msk [tilespmem:v3+s17+$0x0], $0xffff;
	_ =	sdelay $0x1  }
0x1ff: {  	v3 =	vor.u32 $0x8, v1;
	_ =	sdelay $0x3  }
0x200: {  	[tilespmem:s26+$0xFFFFF380] =	vst v2  }
0x201: {  	v2 =	vld.idx.msk [tilespmem:v3+s17+$0x0], $0xffff;
	_ =	sdelay $0x1  }
0x202: {  	v3 =	vor.u32 $0x9, v1;
	_ =	sdelay $0x3  }
0x203: {  	[tilespmem:s26+$0x0] =	vst v2  }
0x204: {  	v2 =	vld.idx.msk [tilespmem:v3+s17+$0x0], $0xffff;
	_ =	sdelay $0x1  }
0x205: {  	v3 =	vor.u32 $0xA, v1;
	_ =	sdelay $0x3  }
0x206: {  	[tilespmem:s26+$0x80] =	vst v2  }
0x207: {  	v2 =	vld.idx.msk [tilespmem:v3+s17+$0x0], $0xffff;
	_ =	sdelay $0x1  }
0x208: {  	v3 =	vor.u32 $0xB, v1;
	_ =	sdelay $0x3  }
0x209: {  	[tilespmem:s26+$0x100] =	vst v2  }
0x20a: {  	v2 =	vld.idx.msk [tilespmem:v3+s17+$0x0], $0xffff;
	_ =	sdelay $0x1  }
0x20b: {  	v3 =	vor.u32 $0xC, v1;
	_ =	sdelay $0x3  }
0x20c: {  	[tilespmem:s26+$0x180] =	vst v2  }
0x20d: {  	v2 =	vld.idx.msk [tilespmem:v3+s17+$0x0], $0xffff;
	_ =	sdelay $0x1  }
0x20e: {  	v3 =	vor.u32 $0xD, v1;
	_ =	sdelay $0x3  }
0x20f: {  	[tilespmem:s26+$0x200] =	vst v2  }
0x210: {  	v2 =	vld.idx.msk [tilespmem:v3+s17+$0x0], $0xffff;
	_ =	sdelay $0x1  }
0x211: {  	v3 =	vor.u32 $0xE, v1;
	_ =	sdelay $0x3  }
0x212: {  	[tilespmem:s26+$0x280] =	vst v2  }
0x213: {  	v2 =	vld.idx.msk [tilespmem:v3+s17+$0x0], $0xffff;
	_ =	sdelay $0x1  }
0x214: {  	v1 =	vor.u32 $0xF, v1  }
.Ltmp2:
0x215: {  	(pc) =	sbr.rel @p0 .LBB2_7-.Ltmp2, $3  }
0x216: {  	_ =	sdelay $0x1  }
0x217: {  	[tilespmem:s26+$0x300] =	vst v2  }
0x218: {  	v1 =	vld.idx.msk [tilespmem:v1+s17+$0x0], $0xffff  }
0x219: {  	_ =	sdelay $0x3  }
0x21a: {  	[tilespmem:s26+$0x380] =	vst v1  }
0x21b: {  	_ =	swait.ge [sflag:s20], $0x4000  }
0x21c: {  	[sflag:s20] =	ssyncset.done $0x0  }
0x21d: {  	s25 =	simm.s32 $0x4080;
	[sflag:s20] =	ssyncadd.s32 $0xFFFFC000  }
0x21e: {  	v1 =	vld [tilespmem:s25+$0x0];
	_ =	sdelay $0x4  }
0x21f: {  	v2 =	vshra.s32 v1, $0x1F  }
0x220: {  	v2 =	vshrl.u32 v2, $0x1D  }
0x221: {  	v2 =	vadd.s32 v2, v1  }
0x222: {  	v2 =	vshrl.u32 v2, $0x3  }
0x223: {  	s31 =	simm.s32 $0x0;
	v2 =	vshll.u32 v2, $0x3  }
0x224: {  	v3 =	vmov s31;
	v1 =	vsub.s32 v1, v2  }
0x225: {  	v2 =	vshll.u32 v3, $0x7;
	v1 =	vshll.u32 v1, $0x4  }
0x226: {  	v2 =	vor.u32 v0, v2;
	v3 =	vand.u32 $0xFFFFFF80, v1  }
0x227: {  	v1 =	vand.u32 $0x70, v1;
	v2 =	vadd.s32 v2, v3  }
0x228: {  	v1 =	vor.u32 v1, v2;
	_ =	sdelay $0x4  }
0x229: {  	v2 =	vld.idx.msk [tilespmem:v1+s19+$0x0], $0xffff  }
0x22a: {  	v3 =	vor.u32 $0x1, v1;
	_ =	sdelay $0x2  }
0x22b: {  	s26 =	simm.s32 $0xDE00  }
0x22c: {  	[tilespmem:s26+$0xFFFFF000] =	vst v2  }
0x22d: {  	v2 =	vld.idx.msk [tilespmem:v3+s19+$0x0], $0xffff  }
0x22e: {  	v3 =	vor.u32 $0x2, v1;
	_ =	sdelay $0x3  }
0x22f: {  	[tilespmem:s26+$0xFFFFF080] =	vst v2  }
0x230: {  	v2 =	vld.idx.msk [tilespmem:v3+s19+$0x0], $0xffff  }
0x231: {  	v3 =	vor.u32 $0x3, v1;
	_ =	sdelay $0x3  }
0x232: {  	[tilespmem:s26+$0xFFFFF100] =	vst v2  }
0x233: {  	v2 =	vld.idx.msk [tilespmem:v3+s19+$0x0], $0xffff  }
0x234: {  	v3 =	vor.u32 $0x4, v1;
	_ =	sdelay $0x3  }
0x235: {  	[tilespmem:s26+$0xFFFFF180] =	vst v2  }
0x236: {  	v2 =	vld.idx.msk [tilespmem:v3+s19+$0x0], $0xffff  }
0x237: {  	v3 =	vor.u32 $0x5, v1;
	_ =	sdelay $0x3  }
0x238: {  	[tilespmem:s26+$0xFFFFF200] =	vst v2  }
0x239: {  	v2 =	vld.idx.msk [tilespmem:v3+s19+$0x0], $0xffff  }
0x23a: {  	v3 =	vor.u32 $0x6, v1;
	_ =	sdelay $0x3  }
0x23b: {  	[tilespmem:s26+$0xFFFFF280] =	vst v2  }
0x23c: {  	v2 =	vld.idx.msk [tilespmem:v3+s19+$0x0], $0xffff  }
0x23d: {  	v3 =	vor.u32 $0x7, v1;
	_ =	sdelay $0x3  }
0x23e: {  	[tilespmem:s26+$0xFFFFF300] =	vst v2  }
0x23f: {  	v2 =	vld.idx.msk [tilespmem:v3+s19+$0x0], $0xffff  }
0x240: {  	v3 =	vor.u32 $0x8, v1;
	_ =	sdelay $0x3  }
0x241: {  	[tilespmem:s26+$0xFFFFF380] =	vst v2  }
0x242: {  	v2 =	vld.idx.msk [tilespmem:v3+s19+$0x0], $0xffff  }
0x243: {  	v3 =	vor.u32 $0x9, v1;
	_ =	sdelay $0x3  }
0x244: {  	[tilespmem:s26+$0x0] =	vst v2  }
0x245: {  	v2 =	vld.idx.msk [tilespmem:v3+s19+$0x0], $0xffff  }
0x246: {  	v3 =	vor.u32 $0xA, v1;
	_ =	sdelay $0x3  }
0x247: {  	[tilespmem:s26+$0x80] =	vst v2  }
0x248: {  	v2 =	vld.idx.msk [tilespmem:v3+s19+$0x0], $0xffff  }
0x249: {  	v3 =	vor.u32 $0xB, v1;
	_ =	sdelay $0x3  }
0x24a: {  	[tilespmem:s26+$0x100] =	vst v2  }
0x24b: {  	v2 =	vld.idx.msk [tilespmem:v3+s19+$0x0], $0xffff  }
0x24c: {  	v3 =	vor.u32 $0xC, v1;
	_ =	sdelay $0x3  }
0x24d: {  	[tilespmem:s26+$0x180] =	vst v2  }
0x24e: {  	v2 =	vld.idx.msk [tilespmem:v3+s19+$0x0], $0xffff  }
0x24f: {  	v3 =	vor.u32 $0xD, v1;
	_ =	sdelay $0x3  }
0x250: {  	[tilespmem:s26+$0x200] =	vst v2  }
0x251: {  	v2 =	vld.idx.msk [tilespmem:v3+s19+$0x0], $0xffff  }
0x252: {  	v3 =	vor.u32 $0xE, v1;
	_ =	sdelay $0x3  }
0x253: {  	[tilespmem:s26+$0x280] =	vst v2  }
0x254: {  	v2 =	vld.idx.msk [tilespmem:v3+s19+$0x0], $0xffff  }
0x255: {  	v1 =	vor.u32 $0xF, v1;
	_ =	sdelay $0x3  }
0x256: {  	[tilespmem:s26+$0x300] =	vst v2  }
0x257: {  	s28 =	simm.s32 $0x10;
	v1 =	vld.idx.msk [tilespmem:v1+s19+$0x0], $0xffff  }
.LBB2_9:
0x258: {  	_ =	sdelay $0x3  }
0x259: {  	p0 =	sne.s32 s28, $0x70;
	s25 =	sadd.s32 $0x10, s25;
	[tilespmem:s26+$0x380] =	vst v1;
	s26 =	sadd.s32 $0x10, s26  }
0x25a: {  	s29 =	smov.u32 s28;
	s28 =	sadd.s32 $0x10, s28;
	v1 =	vld [tilespmem:s25+$0x0];
	_ =	sdelay $0x4  }
0x25b: {  	v2 =	vshra.s32 v1, $0x1F  }
0x25c: {  	v2 =	vshrl.u32 v2, $0x1D  }
0x25d: {  	v2 =	vadd.s32 v2, v1  }
0x25e: {  	v2 =	vshrl.u32 v2, $0x3  }
0x25f: {  	v2 =	vshll.u32 v2, $0x3  }
0x260: {  	v3 =	vmov s29;
	v1 =	vsub.s32 v1, v2  }
0x261: {  	v2 =	vshll.u32 v3, $0x7;
	v1 =	vshll.u32 v1, $0x4  }
0x262: {  	v2 =	vor.u32 v0, v2;
	v3 =	vand.u32 $0xFFFFFF80, v1  }
0x263: {  	v1 =	vand.u32 $0x70, v1;
	v2 =	vadd.s32 v2, v3  }
0x264: {  	v1 =	vor.u32 v1, v2;
	_ =	sdelay $0x4  }
0x265: {  	v2 =	vld.idx.msk [tilespmem:v1+s19+$0x0], $0xffff;
	_ =	sdelay $0x1  }
0x266: {  	v3 =	vor.u32 $0x1, v1;
	_ =	sdelay $0x3  }
0x267: {  	[tilespmem:s26+$0xFFFFF000] =	vst v2  }
0x268: {  	v2 =	vld.idx.msk [tilespmem:v3+s19+$0x0], $0xffff;
	_ =	sdelay $0x1  }
0x269: {  	v3 =	vor.u32 $0x2, v1;
	_ =	sdelay $0x3  }
0x26a: {  	[tilespmem:s26+$0xFFFFF080] =	vst v2  }
0x26b: {  	v2 =	vld.idx.msk [tilespmem:v3+s19+$0x0], $0xffff;
	_ =	sdelay $0x1  }
0x26c: {  	v3 =	vor.u32 $0x3, v1;
	_ =	sdelay $0x3  }
0x26d: {  	[tilespmem:s26+$0xFFFFF100] =	vst v2  }
0x26e: {  	v2 =	vld.idx.msk [tilespmem:v3+s19+$0x0], $0xffff;
	_ =	sdelay $0x1  }
0x26f: {  	v3 =	vor.u32 $0x4, v1;
	_ =	sdelay $0x3  }
0x270: {  	[tilespmem:s26+$0xFFFFF180] =	vst v2  }
0x271: {  	v2 =	vld.idx.msk [tilespmem:v3+s19+$0x0], $0xffff;
	_ =	sdelay $0x1  }
0x272: {  	v3 =	vor.u32 $0x5, v1;
	_ =	sdelay $0x3  }
0x273: {  	[tilespmem:s26+$0xFFFFF200] =	vst v2  }
0x274: {  	v2 =	vld.idx.msk [tilespmem:v3+s19+$0x0], $0xffff;
	_ =	sdelay $0x1  }
0x275: {  	v3 =	vor.u32 $0x6, v1;
	_ =	sdelay $0x3  }
0x276: {  	[tilespmem:s26+$0xFFFFF280] =	vst v2  }
0x277: {  	v2 =	vld.idx.msk [tilespmem:v3+s19+$0x0], $0xffff;
	_ =	sdelay $0x1  }
0x278: {  	v3 =	vor.u32 $0x7, v1;
	_ =	sdelay $0x3  }
0x279: {  	[tilespmem:s26+$0xFFFFF300] =	vst v2  }
0x27a: {  	v2 =	vld.idx.msk [tilespmem:v3+s19+$0x0], $0xffff;
	_ =	sdelay $0x1  }
0x27b: {  	v3 =	vor.u32 $0x8, v1;
	_ =	sdelay $0x3  }
0x27c: {  	[tilespmem:s26+$0xFFFFF380] =	vst v2  }
0x27d: {  	v2 =	vld.idx.msk [tilespmem:v3+s19+$0x0], $0xffff;
	_ =	sdelay $0x1  }
0x27e: {  	v3 =	vor.u32 $0x9, v1;
	_ =	sdelay $0x3  }
0x27f: {  	[tilespmem:s26+$0x0] =	vst v2  }
0x280: {  	v2 =	vld.idx.msk [tilespmem:v3+s19+$0x0], $0xffff;
	_ =	sdelay $0x1  }
0x281: {  	v3 =	vor.u32 $0xA, v1;
	_ =	sdelay $0x3  }
0x282: {  	[tilespmem:s26+$0x80] =	vst v2  }
0x283: {  	v2 =	vld.idx.msk [tilespmem:v3+s19+$0x0], $0xffff;
	_ =	sdelay $0x1  }
0x284: {  	v3 =	vor.u32 $0xB, v1;
	_ =	sdelay $0x3  }
0x285: {  	[tilespmem:s26+$0x100] =	vst v2  }
0x286: {  	v2 =	vld.idx.msk [tilespmem:v3+s19+$0x0], $0xffff;
	_ =	sdelay $0x1  }
0x287: {  	v3 =	vor.u32 $0xC, v1;
	_ =	sdelay $0x3  }
0x288: {  	[tilespmem:s26+$0x180] =	vst v2  }
0x289: {  	v2 =	vld.idx.msk [tilespmem:v3+s19+$0x0], $0xffff;
	_ =	sdelay $0x1  }
0x28a: {  	v3 =	vor.u32 $0xD, v1;
	_ =	sdelay $0x3  }
0x28b: {  	[tilespmem:s26+$0x200] =	vst v2  }
0x28c: {  	v2 =	vld.idx.msk [tilespmem:v3+s19+$0x0], $0xffff;
	_ =	sdelay $0x1  }
0x28d: {  	v3 =	vor.u32 $0xE, v1;
	_ =	sdelay $0x3  }
0x28e: {  	[tilespmem:s26+$0x280] =	vst v2  }
0x28f: {  	v2 =	vld.idx.msk [tilespmem:v3+s19+$0x0], $0xffff;
	_ =	sdelay $0x1  }
0x290: {  	v1 =	vor.u32 $0xF, v1  }
.Ltmp3:
0x291: {  	(pc) =	sbr.rel @p0 .LBB2_9-.Ltmp3, $3  }
0x292: {  	_ =	sdelay $0x1  }
0x293: {  	[tilespmem:s26+$0x300] =	vst v2  }
0x294: {  	v1 =	vld.idx.msk [tilespmem:v1+s19+$0x0], $0xffff  }
0x295: {  	_ = 	snop  }
0x296: {  	s25 =	sshll.u32 s24, $0x12  }
0x297: {  	s24 =	sadd.s32 $0x1, s24;
	s25 =	sor.u32 s4, s25  }
0x298: {  	p0 =	sne.s32 s24, $0x1A;
	s25 =	sshrl.u32 s25, $0x3  }
.Ltmp4:
0x299: {  	s25 =	sadd.s32 s2, s25;
	[tilespmem:s26+$0x380] =	vst v1;
	(pc) =	sbr.rel @p0 .LBB2_2-.Ltmp4, $4  }
0x29a: {  	[hbm4b:s25+s12] =	stream.strided.scatter [tilespmem:s22], [sflag:$0x2], $0x2000, s21, s12, $0x38;
	[tilespmem:$0xE200] =	vst v63  }
0x29b: {  	_ =	swait.ge [sflag:s11], $0x2000  }
0x29c: {  	[sflag:s11] =	ssyncset.done $0x0  }
0x29d: {  	[sflag:s11] =	ssyncadd.s32 $0xFFFFE000  }
0x29e: {  	s23 =	sadd.s32 $0x1, s23  }
0x29f: {  	p0 =	sne.s32 s23, s10  }
.Ltmp5:
0x2a0: {  	_ = 	snop;
	(pc) =	sbr.rel @p0 .LBB2_1-.Ltmp5, $1  }
0x2a1: {  	_ =	sdelay $0x3  }
0x2a2: {  	_ =	sfence.sel $0x180000  }
0x2a3: {  	[bflag:$0x0] =	sbarrier.arrive $0xFFFF  }
0x2a4: {  	p0 =	sne.s32 s1, $0x0;
	_ =	strace $0x9000004A  }
0x2a5: {  	s0 =	sadd.s32 @!p0 $0x100000, s0;
	[bflag:$0x2] =	sbarrier.arrive $0xFFFF  }
0x2a6: {  	[sflag:s0] =	ssyncadd.tile.s32 @!p0 $0x1;
	_ =	shalt  }
.Lfunc_end2:
_tile_overlayer_lowered:
.L_overlay_start_2:
0x2a7: {  	(tag) =	ssettag $0x2  }
0x2a8: {  	s0 =	rddreg [dreg:$0x0];
	s2 =	stileid.u32  }
0x2a9: {  	s1 =	rddreg [dreg:$0x1];
	p0 =	sne.s32 s2, $0x0  }
0x2aa: {  	s3 =	rddreg [dreg:$0x2];
	[bflag:$0x3] =	sbarrier.arrive $0xFFFF;
	s2 =	simm.s32 @!p0 $0x1C02  }
0x2ab: {  	[timem:s3], [sflag:s2] =	dma.local @!p0 [hbm:s0], s1  }
0x2ac: {  	s0 =	simm.s32 @!p0 $0x2  }
0x2ad: {  	_ =	swait.ge @!p0 [sflag:s0], s1  }
0x2ae: {  	s1 =	ssub.s32 @!p0 $0x0, s1;
	[sflag:s0] =	ssyncset.done @!p0 $0x0  }
0x2af: {  	[sflag:s0] =	ssyncadd.s32 @!p0 s1  }
0x2b0: {  	[bflag:$0x3] =	sbarrier.arrive $0xFFFF  }
0x2b1: {  	_ =	shalt  }

</sc_bundles>
